<compile_context>
chip_gen: v7x
topology: tpu7x:2x2x1
jax: 0.10.2.dev20260603
libtpu: 0.0.44.dev20260713+nightly
codegen_flags: <defaults>
</compile_context>

<pallas_src>
import functools

import jax
import jax.numpy as jnp
from jax import lax
from jax.experimental import pallas as pl
from jax.experimental.pallas import tpu as pltpu
from jax.experimental.pallas import tpu_sc as plsc

K = 10
N_ENT = 100000
N_REL = 1000
DIM = 64
B = 1024

BS_T = 256
LANES = 128
CELL = 16
ENT_T = CELL * LANES
ENT_PAD = 100352
NJ = ENT_PAD // ENT_T
N_CELLS = NJ * LANES
K_OUT = 16
NEG = -3.0e38
BIG = 1 << 30


_NW = 32
_BPW = B // _NW


@functools.lru_cache(maxsize=None)
def _hr_gather_kernel():
    return functools.partial(
        pl.kernel,
        mesh=plsc.VectorSubcoreMesh(core_axis_name="c", subcore_axis_name="s"),
        out_type=jax.ShapeDtypeStruct((B, DIM), jnp.float32),
        scratch_types=[
            pltpu.VMEM((_BPW,), jnp.int32),
            pltpu.VMEM((_BPW,), jnp.int32),
            pltpu.VMEM((_BPW, DIM), jnp.float32),
            pltpu.VMEM((_BPW, DIM), jnp.float32),
            pltpu.SemaphoreType.DMA,
        ],
        compiler_params=pltpu.CompilerParams(use_tc_tiling_on_sc=False),
    )(_hr_gather)


def _hr_gather(head_hbm, rel_hbm, ent_hbm, relemb_hbm, hr_hbm,
               hidx_v, ridx_v, hrows_v, rrows_v, sem):
    wid = lax.axis_index("s") * 2 + lax.axis_index("c")
    base = wid * _BPW
    pltpu.sync_copy(head_hbm.at[pl.ds(base, _BPW)], hidx_v)
    pltpu.sync_copy(rel_hbm.at[pl.ds(base, _BPW)], ridx_v)
    pltpu.async_copy(ent_hbm.at[hidx_v], hrows_v, sem).wait()
    pltpu.async_copy(relemb_hbm.at[ridx_v], rrows_v, sem).wait()
    for r in range(_BPW):
        for c in range(DIM // 16):
            sl = pl.ds(c * 16, 16)
            hrows_v[r, sl] = hrows_v[r, sl] * rrows_v[r, sl]
    pltpu.sync_copy(hrows_v, hr_hbm.at[pl.ds(base, _BPW)])



def _cell_topk_body(hr_ref, e_ref, out_i_ref, best_v, best_i, cand_v, cand_i):
    j = pl.program_id(1)

    @pl.when(j == 0)
    def _init():
        for t in range(K):
            best_v[t] = jnp.full((BS_T, LANES), NEG, jnp.float32)
            best_i[t] = jnp.zeros((BS_T, LANES), jnp.int32)

    hr = hr_ref[...]
    e = e_ref[...]
    scores = lax.dot_general(
        hr, e, (((1,), (1,)), ((), ())),
        preferred_element_type=jnp.float32,
    )

    lane_iota = lax.broadcasted_iota(jnp.int32, (BS_T, LANES), 1)
    cm = None
    for c in range(CELL):
        sl = scores[:, c * LANES:(c + 1) * LANES]
        ent = lane_iota + (j * ENT_T + c * LANES)
        sl = jnp.where(ent < N_ENT, sl, NEG)
        cm = sl if cm is None else jnp.maximum(cm, sl)

    v = cm
    vi = lane_iota + j * LANES
    for t in range(K):
        bv = best_v[t]
        bi = best_i[t]
        gt = v > bv
        best_v[t] = jnp.where(gt, v, bv)
        best_i[t] = jnp.where(gt, vi, bi)
        v = jnp.where(gt, bv, v)
        vi = jnp.where(gt, bi, vi)

    @pl.when(j == NJ - 1)
    def _extract():
        for t in range(K):
            cand_v[:, t * LANES:(t + 1) * LANES] = best_v[t]
            cand_i[:, t * LANES:(t + 1) * LANES] = best_i[t]
        iota = lax.broadcasted_iota(jnp.int32, (BS_T, K * LANES), 1)
        for t in range(K_OUT):
            cv = cand_v[...]
            m = jnp.max(cv, axis=1, keepdims=True)
            hit = cv == m
            pos = jnp.min(jnp.where(hit, iota, BIG), axis=1, keepdims=True)
            sel = iota == pos
            win_i = jnp.sum(jnp.where(sel, cand_i[...], 0), axis=1, keepdims=True)
            out_i_ref[:, pl.ds(t, 1)] = win_i
            cand_v[...] = jnp.where(sel, NEG, cv)



EXPN = K_OUT * CELL


@functools.lru_cache(maxsize=None)
def _expand_gather_kernel():
    return functools.partial(
        pl.kernel,
        mesh=plsc.VectorSubcoreMesh(core_axis_name="c", subcore_axis_name="s"),
        out_type=[
            jax.ShapeDtypeStruct((B * EXPN,), jnp.int32),
            jax.ShapeDtypeStruct((B * EXPN, DIM), jnp.float32),
        ],
        scratch_types=[
            pltpu.VMEM((_BPW * LANES,), jnp.int32),
            pltpu.VMEM((LANES,), jnp.int32),
            pltpu.VMEM((_BPW * EXPN,), jnp.int32),
            pltpu.VMEM((EXPN, DIM), jnp.float32),
            pltpu.SemaphoreType.DMA,
        ],
        compiler_params=pltpu.CompilerParams(use_tc_tiling_on_sc=False),
    )(_expand_gather)


def _expand_gather(cells_hbm, ent_hbm, ids_hbm, g_hbm,
                   cells_v, idx_v, ids_v, erows_v, sem):
    wid = lax.axis_index("s") * 2 + lax.axis_index("c")
    base = wid * _BPW
    pltpu.sync_copy(cells_hbm.at[pl.ds(base * LANES, _BPW * LANES)], cells_v)

    def _row(r, carry):
        c16 = cells_v[pl.ds(r * LANES, 16)]
        g = c16 >> 7
        l = c16 & 127
        for half in range(EXPN // LANES):
            for sub in range(LANES // 16):
                grp = half * (LANES // 16) + sub
                e = g * (CELL * LANES) + grp * LANES + l
                ids_v[pl.ds(r * EXPN + grp * 16, 16)] = e
                idx_v[pl.ds(sub * 16, 16)] = jnp.minimum(e, N_ENT - 1)
            pltpu.async_copy(
                ent_hbm.at[idx_v], erows_v.at[pl.ds(half * LANES, LANES)],
                sem).wait()
        pltpu.sync_copy(erows_v, g_hbm.at[pl.ds((base + r) * EXPN, EXPN)])
        return carry

    lax.fori_loop(0, _BPW, _row, 0)
    pltpu.sync_copy(ids_v, ids_hbm.at[pl.ds(base * EXPN, _BPW * EXPN)])



ROWS_T = 16


def _rescore_body(hr_ref, g_ref, ids_ref, out_v_ref, out_i_ref):
    hrb = hr_ref[...]
    gb = g_ref[...]
    s = lax.dot_general(
        hrb, gb, (((1,), (1,)), ((), ())),
        preferred_element_type=jnp.float32,
    )
    cand = jnp.concatenate(
        [s[i:i + 1, i * EXPN:(i + 1) * EXPN] for i in range(ROWS_T)], axis=0)
    ids_b = ids_ref[...]
    cand = jnp.where(ids_b < N_ENT, cand, NEG)
    iota = lax.broadcasted_iota(jnp.int32, (ROWS_T, EXPN), 1)
    for t in range(K):
        m = jnp.max(cand, axis=1, keepdims=True)
        hit = cand == m
        pos = jnp.min(jnp.where(hit, iota, BIG), axis=1, keepdims=True)
        sel = iota == pos
        win_i = jnp.sum(jnp.where(sel, ids_b, 0), axis=1, keepdims=True)
        out_v_ref[:, pl.ds(t, 1)] = m
        out_i_ref[:, pl.ds(t, 1)] = win_i
        cand = jnp.where(sel, NEG, cand)


def kernel(relation, head, entity_embedding, relation_embedding):
    rel = relation.reshape(-1)
    hd = head.reshape(-1)
    hr = _hr_gather_kernel()(hd, rel, entity_embedding, relation_embedding)

    e_pad = jnp.pad(entity_embedding, ((0, ENT_PAD - N_ENT), (0, 0)))

    cells = pl.pallas_call(
        _cell_topk_body,
        grid=(B // BS_T, NJ),
        in_specs=[
            pl.BlockSpec((BS_T, DIM), lambda i, j: (i, 0)),
            pl.BlockSpec((ENT_T, DIM), lambda i, j: (j, 0)),
        ],
        out_specs=pl.BlockSpec((BS_T, LANES), lambda i, j: (i, 0)),
        out_shape=jax.ShapeDtypeStruct((B, LANES), jnp.int32),
        scratch_shapes=[
            pltpu.VMEM((K, BS_T, LANES), jnp.float32),
            pltpu.VMEM((K, BS_T, LANES), jnp.int32),
            pltpu.VMEM((BS_T, K * LANES), jnp.float32),
            pltpu.VMEM((BS_T, K * LANES), jnp.int32),
        ],
    )(hr, e_pad)

    ids_flat, g_flat = _expand_gather_kernel()(cells.reshape(-1), entity_embedding)

    out_v, out_i = pl.pallas_call(
        _rescore_body,
        grid=(B // ROWS_T,),
        in_specs=[
            pl.BlockSpec((ROWS_T, DIM), lambda i: (i, 0)),
            pl.BlockSpec((ROWS_T * EXPN, DIM), lambda i: (i, 0)),
            pl.BlockSpec((ROWS_T, EXPN), lambda i: (i, 0)),
        ],
        out_specs=[
            pl.BlockSpec((ROWS_T, LANES), lambda i: (i, 0)),
            pl.BlockSpec((ROWS_T, LANES), lambda i: (i, 0)),
        ],
        out_shape=[
            jax.ShapeDtypeStruct((B, LANES), jnp.float32),
            jax.ShapeDtypeStruct((B, LANES), jnp.int32),
        ],
    )(hr, g_flat, ids_flat.reshape(B, EXPN))

    return out_v[:, :K], out_i[:, :K]

# --- scband reference (transcript-rebuilt; emitter-appended) ---
"""Pipeline reference for scband-top-kquery-bess-kge-24197845745915 (READ-ONLY COPY).

The authoritative reference and input builder live on the scoring server;
editing this copy changes nothing except your own understanding.
"""

import jax, jax.numpy as jnp
import numpy as np

BAD_NEGATIVE_SCORE = -50000.0
K = 10
WINDOW = 4096
N_ENT = 100000
N_REL = 1000
DIM = 64
B = 1024


def setup_inputs(seed: int = 0) -> dict:
    key = jax.random.key(seed)
    k1, k2, k3, k4 = jax.random.split(key, 4)
    relation = jax.random.randint(k1, (1, B), 0, N_REL, dtype=jnp.int32)
    head = jax.random.randint(k2, (1, B), 0, N_ENT, dtype=jnp.int32)
    entity_embedding = jax.random.normal(k3, (N_ENT, DIM), dtype=jnp.float32)
    relation_embedding = jax.random.normal(k4, (N_REL, DIM), dtype=jnp.float32)
    return {
        "relation": relation,
        "head": head,
        "entity_embedding": entity_embedding,
        "relation_embedding": relation_embedding,
    }


def reference(relation, head, entity_embedding, relation_embedding):
    # TopKQueryBessKGE forward, single-shard (n_shard=1), corruption_scheme='t',
    # negative=None -> score each (h, r, ?) query against ALL entities using a
    # sliding window of size WINDOW, keeping the running top-(k+1) completions.
    rel = relation.squeeze(0)  # (B,)
    hd = head.squeeze(0)       # (B,)
    # gather query embeddings (head known, predicting tails)
    head_emb = jnp.take(entity_embedding, hd, axis=0)       # (B, D)
    rel_emb = jnp.take(relation_embedding, rel, axis=0)     # (B, D)
    hr = head_emb * rel_emb                                  # DistMult broadcasted h*r, (B, D)

    n_best = K + 1
    bs = hr.shape[0]
    best_scores = jnp.full((bs, n_best), BAD_NEGATIVE_SCORE, dtype=jnp.float32)
    best_idx = jnp.zeros((bs, n_best), dtype=jnp.int32)

    n_windows = int(np.ceil(N_ENT / WINDOW))
    for w in range(n_windows):
        slide_idx = w * WINDOW + jnp.arange(WINDOW, dtype=jnp.int32)
        mask = slide_idx < N_ENT
        slide_idx_c = jnp.where(mask, slide_idx, jnp.int32(N_ENT - 1))
        # gather candidate entity embeddings for this window
        neg_emb = jnp.take(entity_embedding, slide_idx_c, axis=0)   # (W, D)
        # score_tails (DistMult): sum_d h*r*t -> matmul against window
        neg_score = hr @ neg_emb.T                                   # (B, W)
        neg_score = neg_score + BAD_NEGATIVE_SCORE * jnp.logical_not(mask).astype(jnp.float32)[None, :]
        # merge with running best, keep top-(k+1)
        cat_scores = jnp.concatenate([neg_score, best_scores], axis=1)
        cat_idx = jnp.concatenate(
            [jnp.broadcast_to(slide_idx_c[None, :], (bs, WINDOW)), best_idx], axis=1
        )
        best_scores, pos = jax.lax.top_k(cat_scores, n_best)
        best_idx = jnp.take_along_axis(cat_idx, pos, axis=1)

    topk_scores = best_scores[:, :K]
    topk_indices = best_idx[:, :K]
    return topk_scores, topk_indices

if __name__ == "__main__":
    import jax
    _d = setup_inputs()
    print(jax.jit(kernel)(*tuple(_d.values())))

</pallas_src>

<mosaic_0001>
#map = affine_map<(d0, d1) -> (0)>
#map1 = affine_map<(d0, d1) -> (0, 0)>
module attributes {stable_mosaic.version = 14 : i64} {
  func.func @_hr_gather(%arg0: i32, %arg1: i32, %arg2: memref<1024xi32, #tpu.memory_space<hbm>>, %arg3: memref<1024xi32, #tpu.memory_space<hbm>>, %arg4: memref<100000x64xf32, #tpu.memory_space<hbm>>, %arg5: memref<1000x64xf32, #tpu.memory_space<hbm>>, %arg6: memref<1024x64xf32, #tpu.memory_space<hbm>>, %arg7: memref<32xi32, #tpu.memory_space<vmem>>, %arg8: memref<32xi32, #tpu.memory_space<vmem>>, %arg9: memref<32x64xf32, #tpu.memory_space<vmem>>, %arg10: memref<32x64xf32, #tpu.memory_space<vmem>>, %arg11: memref<!tpu.dma_semaphore, #tpu.memory_space<semaphore_mem>>) attributes {dimension_semantics = [#tpu.dimension_semantics<core_parallel>, #tpu.dimension_semantics<subcore_parallel>], iteration_bounds = array<i64: 2, 16>, scalar_prefetch = 0 : i64, scratch_operands = 5 : i64, tpu.core_type = #tpu.core_type<sc_vector_subcore>, window_params = [{transform_indices = #map}, {transform_indices = #map}, {transform_indices = #map1}, {transform_indices = #map1}, {transform_indices = #map1}]} {
    %mul3A = arith.constant 2 : i32
    %mul3A_0 = arith.muli %arg1, %mul3A : i32
    %add3A = arith.addi %mul3A_0, %arg0 : i32
    %mul3A_1 = arith.constant 32 : i32
    %mul3A_2 = arith.muli %add3A, %mul3A_1 : i32
    "tpu.region"() ({
      %run_scoped3A = tpu.sem_alloc : memref<!tpu.dma_semaphore, #tpu.memory_space<semaphore_mem>>
      %dma_start3A_2187 = tpu.memref_slice %arg2[%mul3A_2] : memref<1024xi32, #tpu.memory_space<hbm>> -> memref<32xi32, #tpu.memory_space<hbm>>
      %dma_start3A_2188 = tpu.memref_slice %arg2[%mul3A_2] : memref<1024xi32, #tpu.memory_space<hbm>> -> memref<32xi32, #tpu.memory_space<hbm>>
      tpu.enqueue_dma source(%dma_start3A_2188 : memref<32xi32, #tpu.memory_space<hbm>>) target(%arg7 : memref<32xi32, #tpu.memory_space<vmem>>) target_semaphore(%run_scoped3A : memref<!tpu.dma_semaphore, #tpu.memory_space<semaphore_mem>>)
      %dma_wait3A_2189 = tpu.memref_slice %arg2[%mul3A_2] : memref<1024xi32, #tpu.memory_space<hbm>> -> memref<32xi32, #tpu.memory_space<hbm>>
      %dma_wait3A_2190 = tpu.memref_slice %arg2[%mul3A_2] : memref<1024xi32, #tpu.memory_space<hbm>> -> memref<32xi32, #tpu.memory_space<hbm>>
      tpu.wait_dma2 semaphore(%run_scoped3A : memref<!tpu.dma_semaphore, #tpu.memory_space<semaphore_mem>>) src(%dma_wait3A_2190 : memref<32xi32, #tpu.memory_space<hbm>>) dst(%arg7 : memref<32xi32, #tpu.memory_space<vmem>>)
      tpu.yield
    }) : () -> ()
    "tpu.region"() ({
      %run_scoped3A = tpu.sem_alloc : memref<!tpu.dma_semaphore, #tpu.memory_space<semaphore_mem>>
      %dma_start3A_2187 = tpu.memref_slice %arg3[%mul3A_2] : memref<1024xi32, #tpu.memory_space<hbm>> -> memref<32xi32, #tpu.memory_space<hbm>>
      %dma_start3A_2188 = tpu.memref_slice %arg3[%mul3A_2] : memref<1024xi32, #tpu.memory_space<hbm>> -> memref<32xi32, #tpu.memory_space<hbm>>
      tpu.enqueue_dma source(%dma_start3A_2188 : memref<32xi32, #tpu.memory_space<hbm>>) target(%arg8 : memref<32xi32, #tpu.memory_space<vmem>>) target_semaphore(%run_scoped3A : memref<!tpu.dma_semaphore, #tpu.memory_space<semaphore_mem>>)
      %dma_wait3A_2189 = tpu.memref_slice %arg3[%mul3A_2] : memref<1024xi32, #tpu.memory_space<hbm>> -> memref<32xi32, #tpu.memory_space<hbm>>
      %dma_wait3A_2190 = tpu.memref_slice %arg3[%mul3A_2] : memref<1024xi32, #tpu.memory_space<hbm>> -> memref<32xi32, #tpu.memory_space<hbm>>
      tpu.wait_dma2 semaphore(%run_scoped3A : memref<!tpu.dma_semaphore, #tpu.memory_space<semaphore_mem>>) src(%dma_wait3A_2190 : memref<32xi32, #tpu.memory_space<hbm>>) dst(%arg8 : memref<32xi32, #tpu.memory_space<vmem>>)
      tpu.yield
    }) : () -> ()
    %dma_start3A = arith.constant 0 : i32
    %dma_start3A_3 = arith.constant 0 : i32
    %dma_start3A_4 = tpu.memref_slice %arg4[%dma_start3A, %dma_start3A_3] : memref<100000x64xf32, #tpu.memory_space<hbm>> -> memref<100000x64xf32, #tpu.memory_space<hbm>>
    tpu.enqueue_indirect_dma source(%dma_start3A_4 : memref<100000x64xf32, #tpu.memory_space<hbm>>) target(%arg9 : memref<32x64xf32, #tpu.memory_space<vmem>>) offsets(%arg7 : memref<32xi32, #tpu.memory_space<vmem>>) semaphore(%arg11 : memref<!tpu.dma_semaphore, #tpu.memory_space<semaphore_mem>>)
    %dma_wait3A = arith.constant 0 : i32
    %dma_wait3A_5 = arith.constant 0 : i32
    %dma_wait3A_6 = tpu.memref_slice %arg4[%dma_wait3A, %dma_wait3A_5] : memref<100000x64xf32, #tpu.memory_space<hbm>> -> memref<100000x64xf32, #tpu.memory_space<hbm>>
    tpu.wait_indirect_dma semaphore(%arg11 : memref<!tpu.dma_semaphore, #tpu.memory_space<semaphore_mem>>) src(%dma_wait3A_6 : memref<100000x64xf32, #tpu.memory_space<hbm>>) dst(%arg9 : memref<32x64xf32, #tpu.memory_space<vmem>>)
    %dma_start3A_7 = arith.constant 0 : i32
    %dma_start3A_8 = arith.constant 0 : i32
    %dma_start3A_9 = tpu.memref_slice %arg5[%dma_start3A_7, %dma_start3A_8] : memref<1000x64xf32, #tpu.memory_space<hbm>> -> memref<1000x64xf32, #tpu.memory_space<hbm>>
    tpu.enqueue_indirect_dma source(%dma_start3A_9 : memref<1000x64xf32, #tpu.memory_space<hbm>>) target(%arg10 : memref<32x64xf32, #tpu.memory_space<vmem>>) offsets(%arg8 : memref<32xi32, #tpu.memory_space<vmem>>) semaphore(%arg11 : memref<!tpu.dma_semaphore, #tpu.memory_space<semaphore_mem>>)
    %dma_wait3A_10 = arith.constant 0 : i32
    %dma_wait3A_11 = arith.constant 0 : i32
    %dma_wait3A_12 = tpu.memref_slice %arg5[%dma_wait3A_10, %dma_wait3A_11] : memref<1000x64xf32, #tpu.memory_space<hbm>> -> memref<1000x64xf32, #tpu.memory_space<hbm>>
    tpu.wait_indirect_dma semaphore(%arg11 : memref<!tpu.dma_semaphore, #tpu.memory_space<semaphore_mem>>) src(%dma_wait3A_12 : memref<1000x64xf32, #tpu.memory_space<hbm>>) dst(%arg10 : memref<32x64xf32, #tpu.memory_space<vmem>>)
    %get3A = arith.constant 0 : i32
    %get3A_13 = arith.index_cast %get3A : i32 to index
    %get3A_14 = arith.constant 0 : index
    %get3A_15 = tpu.vector_load %arg9[%get3A_13, %get3A_14] {strides = array<i32>} : memref<32x64xf32, #tpu.memory_space<vmem>>, vector<1x16xf32>,
    %get3A_16 = vector.shape_cast %get3A_15 : vector<1x16xf32> to vector<16xf32>
    %get3A_17 = arith.constant 0 : i32
    %get3A_18 = arith.index_cast %get3A_17 : i32 to index
    %get3A_19 = arith.constant 0 : index
    %get3A_20 = tpu.vector_load %arg10[%get3A_18, %get3A_19] {strides = array<i32>} : memref<32x64xf32, #tpu.memory_space<vmem>>, vector<1x16xf32>,
    %get3A_21 = vector.shape_cast %get3A_20 : vector<1x16xf32> to vector<16xf32>
    %mul3A_22 = arith.mulf %get3A_16, %get3A_21 : vector<16xf32>
    %swap3A = arith.constant 0 : i32
    %swap3A_23 = arith.index_cast %swap3A : i32 to index
    %swap3A_24 = arith.constant 0 : index
    %swap3A_25 = tpu.vector_load %arg9[%swap3A_23, %swap3A_24] {strides = array<i32>} : memref<32x64xf32, #tpu.memory_space<vmem>>, vector<1x16xf32>,
    %swap3A_26 = vector.shape_cast %swap3A_25 : vector<1x16xf32> to vector<16xf32>
    %swap3A_27 = vector.shape_cast %mul3A_22 : vector<16xf32> to vector<1x16xf32>
    tpu.vector_store %arg9[%swap3A_23, %swap3A_24], %swap3A_27 {strides = array<i32>} : memref<32x64xf32, #tpu.memory_space<vmem>>, vector<1x16xf32>,
    %get3A_28 = arith.constant 0 : i32
    %get3A_29 = arith.index_cast %get3A_28 : i32 to index
    %get3A_30 = arith.constant 16 : index
    %get3A_31 = tpu.vector_load %arg9[%get3A_29, %get3A_30] {strides = array<i32>} : memref<32x64xf32, #tpu.memory_space<vmem>>, vector<1x16xf32>,
    %get3A_32 = vector.shape_cast %get3A_31 : vector<1x16xf32> to vector<16xf32>
    %get3A_33 = arith.constant 0 : i32
    %get3A_34 = arith.index_cast %get3A_33 : i32 to index
    %get3A_35 = arith.constant 16 : index
    %get3A_36 = tpu.vector_load %arg10[%get3A_34, %get3A_35] {strides = array<i32>} : memref<32x64xf32, #tpu.memory_space<vmem>>, vector<1x16xf32>,
    %get3A_37 = vector.shape_cast %get3A_36 : vector<1x16xf32> to vector<16xf32>
    %mul3A_38 = arith.mulf %get3A_32, %get3A_37 : vector<16xf32>
    %swap3A_39 = arith.constant 0 : i32
    %swap3A_40 = arith.index_cast %swap3A_39 : i32 to index
    %swap3A_41 = arith.constant 16 : index
    %swap3A_42 = tpu.vector_load %arg9[%swap3A_40, %swap3A_41] {strides = array<i32>} : memref<32x64xf32, #tpu.memory_space<vmem>>, vector<1x16xf32>,
    %swap3A_43 = vector.shape_cast %swap3A_42 : vector<1x16xf32> to vector<16xf32>
    %swap3A_44 = vector.shape_cast %mul3A_38 : vector<16xf32> to vector<1x16xf32>
    tpu.vector_store %arg9[%swap3A_40, %swap3A_41], %swap3A_44 {strides = array<i32>} : memref<32x64xf32, #tpu.memory_space<vmem>>, vector<1x16xf32>,
    %get3A_45 = arith.constant 0 : i32
    %get3A_46 = arith.index_cast %get3A_45 : i32 to index
    %get3A_47 = arith.constant 32 : index
    %get3A_48 = tpu.vector_load %arg9[%get3A_46, %get3A_47] {strides = array<i32>} : memref<32x64xf32, #tpu.memory_space<vmem>>, vector<1x16xf32>,
    %get3A_49 = vector.shape_cast %get3A_48 : vector<1x16xf32> to vector<16xf32>
    %get3A_50 = arith.constant 0 : i32
    %get3A_51 = arith.index_cast %get3A_50 : i32 to index
    %get3A_52 = arith.constant 32 : index
    %get3A_53 = tpu.vector_load %arg10[%get3A_51, %get3A_52] {strides = array<i32>} : memref<32x64xf32, #tpu.memory_space<vmem>>, vector<1x16xf32>,
    %get3A_54 = vector.shape_cast %get3A_53 : vector<1x16xf32> to vector<16xf32>
    %mul3A_55 = arith.mulf %get3A_49, %get3A_54 : vector<16xf32>
    %swap3A_56 = arith.constant 0 : i32
    %swap3A_57 = arith.index_cast %swap3A_56 : i32 to index
    %swap3A_58 = arith.constant 32 : index
    %swap3A_59 = tpu.vector_load %arg9[%swap3A_57, %swap3A_58] {strides = array<i32>} : memref<32x64xf32, #tpu.memory_space<vmem>>, vector<1x16xf32>,
    %swap3A_60 = vector.shape_cast %swap3A_59 : vector<1x16xf32> to vector<16xf32>
    %swap3A_61 = vector.shape_cast %mul3A_55 : vector<16xf32> to vector<1x16xf32>
    tpu.vector_store %arg9[%swap3A_57, %swap3A_58], %swap3A_61 {strides = array<i32>} : memref<32x64xf32, #tpu.memory_space<vmem>>, vector<1x16xf32>,
    %get3A_62 = arith.constant 0 : i32
    %get3A_63 = arith.index_cast %get3A_62 : i32 to index
    %get3A_64 = arith.constant 48 : index
    %get3A_65 = tpu.vector_load %arg9[%get3A_63, %get3A_64] {strides = array<i32>} : memref<32x64xf32, #tpu.memory_space<vmem>>, vector<1x16xf32>,
    %get3A_66 = vector.shape_cast %get3A_65 : vector<1x16xf32> to vector<16xf32>
    %get3A_67 = arith.constant 0 : i32
    %get3A_68 = arith.index_cast %get3A_67 : i32 to index
    %get3A_69 = arith.constant 48 : index
    %get3A_70 = tpu.vector_load %arg10[%get3A_68, %get3A_69] {strides = array<i32>} : memref<32x64xf32, #tpu.memory_space<vmem>>, vector<1x16xf32>,
    %get3A_71 = vector.shape_cast %get3A_70 : vector<1x16xf32> to vector<16xf32>
    %mul3A_72 = arith.mulf %get3A_66, %get3A_71 : vector<16xf32>
    %swap3A_73 = arith.constant 0 : i32
    %swap3A_74 = arith.index_cast %swap3A_73 : i32 to index
    %swap3A_75 = arith.constant 48 : index
    %swap3A_76 = tpu.vector_load %arg9[%swap3A_74, %swap3A_75] {strides = array<i32>} : memref<32x64xf32, #tpu.memory_space<vmem>>, vector<1x16xf32>,
    %swap3A_77 = vector.shape_cast %swap3A_76 : vector<1x16xf32> to vector<16xf32>
    %swap3A_78 = vector.shape_cast %mul3A_72 : vector<16xf32> to vector<1x16xf32>
    tpu.vector_store %arg9[%swap3A_74, %swap3A_75], %swap3A_78 {strides = array<i32>} : memref<32x64xf32, #tpu.memory_space<vmem>>, vector<1x16xf32>,
    %get3A_79 = arith.constant 1 : i32
    %get3A_80 = arith.index_cast %get3A_79 : i32 to index
    %get3A_81 = arith.constant 0 : index
    %get3A_82 = tpu.vector_load %arg9[%get3A_80, %get3A_81] {strides = array<i32>} : memref<32x64xf32, #tpu.memory_space<vmem>>, vector<1x16xf32>,
    %get3A_83 = vector.shape_cast %get3A_82 : vector<1x16xf32> to vector<16xf32>
    %get3A_84 = arith.constant 1 : i32
    %get3A_85 = arith.index_cast %get3A_84 : i32 to index
    %get3A_86 = arith.constant 0 : index
    %get3A_87 = tpu.vector_load %arg10[%get3A_85, %get3A_86] {strides = array<i32>} : memref<32x64xf32, #tpu.memory_space<vmem>>, vector<1x16xf32>,
    %get3A_88 = vector.shape_cast %get3A_87 : vector<1x16xf32> to vector<16xf32>
    %mul3A_89 = arith.mulf %get3A_83, %get3A_88 : vector<16xf32>
    %swap3A_90 = arith.constant 1 : i32
    %swap3A_91 = arith.index_cast %swap3A_90 : i32 to index
    %swap3A_92 = arith.constant 0 : index
    %swap3A_93 = tpu.vector_load %arg9[%swap3A_91, %swap3A_92] {strides = array<i32>} : memref<32x64xf32, #tpu.memory_space<vmem>>, vector<1x16xf32>,
    %swap3A_94 = vector.shape_cast %swap3A_93 : vector<1x16xf32> to vector<16xf32>
    %swap3A_95 = vector.shape_cast %mul3A_89 : vector<16xf32> to vector<1x16xf32>
    tpu.vector_store %arg9[%swap3A_91, %swap3A_92], %swap3A_95 {strides = array<i32>} : memref<32x64xf32, #tpu.memory_space<vmem>>, vector<1x16xf32>,
    %get3A_96 = arith.constant 1 : i32
    %get3A_97 = arith.index_cast %get3A_96 : i32 to index
    %get3A_98 = arith.constant 16 : index
    %get3A_99 = tpu.vector_load %arg9[%get3A_97, %get3A_98] {strides = array<i32>} : memref<32x64xf32, #tpu.memory_space<vmem>>, vector<1x16xf32>,
    %get3A_100 = vector.shape_cast %get3A_99 : vector<1x16xf32> to vector<16xf32>
    %get3A_101 = arith.constant 1 : i32
    %get3A_102 = arith.index_cast %get3A_101 : i32 to index
    %get3A_103 = arith.constant 16 : index
    %get3A_104 = tpu.vector_load %arg10[%get3A_102, %get3A_103] {strides = array<i32>} : memref<32x64xf32, #tpu.memory_space<vmem>>, vector<1x16xf32>,
    %get3A_105 = vector.shape_cast %get3A_104 : vector<1x16xf32> to vector<16xf32>
    %mul3A_106 = arith.mulf %get3A_100, %get3A_105 : vector<16xf32>
    %swap3A_107 = arith.constant 1 : i32
    %swap3A_108 = arith.index_cast %swap3A_107 : i32 to index
    %swap3A_109 = arith.constant 16 : index
    %swap3A_110 = tpu.vector_load %arg9[%swap3A_108, %swap3A_109] {strides = array<i32>} : memref<32x64xf32, #tpu.memory_space<vmem>>, vector<1x16xf32>,
    %swap3A_111 = vector.shape_cast %swap3A_110 : vector<1x16xf32> to vector<16xf32>
    %swap3A_112 = vector.shape_cast %mul3A_106 : vector<16xf32> to vector<1x16xf32>
    tpu.vector_store %arg9[%swap3A_108, %swap3A_109], %swap3A_112 {strides = array<i32>} : memref<32x64xf32, #tpu.memory_space<vmem>>, vector<1x16xf32>,
    %get3A_113 = arith.constant 1 : i32
    %get3A_114 = arith.index_cast %get3A_113 : i32 to index
    %get3A_115 = arith.constant 32 : index
    %get3A_116 = tpu.vector_load %arg9[%get3A_114, %get3A_115] {strides = array<i32>} : memref<32x64xf32, #tpu.memory_space<vmem>>, vector<1x16xf32>,
    %get3A_117 = vector.shape_cast %get3A_116 : vector<1x16xf32> to vector<16xf32>
    %get3A_118 = arith.constant 1 : i32
    %get3A_119 = arith.index_cast %get3A_118 : i32 to index
    %get3A_120 = arith.constant 32 : index
    %get3A_121 = tpu.vector_load %arg10[%get3A_119, %get3A_120] {strides = array<i32>} : memref<32x64xf32, #tpu.memory_space<vmem>>, vector<1x16xf32>,
    %get3A_122 = vector.shape_cast %get3A_121 : vector<1x16xf32> to vector<16xf32>
    %mul3A_123 = arith.mulf %get3A_117, %get3A_122 : vector<16xf32>
    %swap3A_124 = arith.constant 1 : i32
    %swap3A_125 = arith.index_cast %swap3A_124 : i32 to index
    %swap3A_126 = arith.constant 32 : index
    %swap3A_127 = tpu.vector_load %arg9[%swap3A_125, %swap3A_126] {strides = array<i32>} : memref<32x64xf32, #tpu.memory_space<vmem>>, vector<1x16xf32>,
    %swap3A_128 = vector.shape_cast %swap3A_127 : vector<1x16xf32> to vector<16xf32>
    %swap3A_129 = vector.shape_cast %mul3A_123 : vector<16xf32> to vector<1x16xf32>
    tpu.vector_store %arg9[%swap3A_125, %swap3A_126], %swap3A_129 {strides = array<i32>} : memref<32x64xf32, #tpu.memory_space<vmem>>, vector<1x16xf32>,
    %get3A_130 = arith.constant 1 : i32
    %get3A_131 = arith.index_cast %get3A_130 : i32 to index
    %get3A_132 = arith.constant 48 : index
    %get3A_133 = tpu.vector_load %arg9[%get3A_131, %get3A_132] {strides = array<i32>} : memref<32x64xf32, #tpu.memory_space<vmem>>, vector<1x16xf32>,
    %get3A_134 = vector.shape_cast %get3A_133 : vector<1x16xf32> to vector<16xf32>
    %get3A_135 = arith.constant 1 : i32
    %get3A_136 = arith.index_cast %get3A_135 : i32 to index
    %get3A_137 = arith.constant 48 : index
    %get3A_138 = tpu.vector_load %arg10[%get3A_136, %get3A_137] {strides = array<i32>} : memref<32x64xf32, #tpu.memory_space<vmem>>, vector<1x16xf32>,
    %get3A_139 = vector.shape_cast %get3A_138 : vector<1x16xf32> to vector<16xf32>
    %mul3A_140 = arith.mulf %get3A_134, %get3A_139 : vector<16xf32>
    %swap3A_141 = arith.constant 1 : i32
    %swap3A_142 = arith.index_cast %swap3A_141 : i32 to index
    %swap3A_143 = arith.constant 48 : index
    %swap3A_144 = tpu.vector_load %arg9[%swap3A_142, %swap3A_143] {strides = array<i32>} : memref<32x64xf32, #tpu.memory_space<vmem>>, vector<1x16xf32>,
    %swap3A_145 = vector.shape_cast %swap3A_144 : vector<1x16xf32> to vector<16xf32>
    %swap3A_146 = vector.shape_cast %mul3A_140 : vector<16xf32> to vector<1x16xf32>
    tpu.vector_store %arg9[%swap3A_142, %swap3A_143], %swap3A_146 {strides = array<i32>} : memref<32x64xf32, #tpu.memory_space<vmem>>, vector<1x16xf32>,
    %get3A_147 = arith.constant 2 : i32
    %get3A_148 = arith.index_cast %get3A_147 : i32 to index
    %get3A_149 = arith.constant 0 : index
    %get3A_150 = tpu.vector_load %arg9[%get3A_148, %get3A_149] {strides = array<i32>} : memref<32x64xf32, #tpu.memory_space<vmem>>, vector<1x16xf32>,
    %get3A_151 = vector.shape_cast %get3A_150 : vector<1x16xf32> to vector<16xf32>
    %get3A_152 = arith.constant 2 : i32
    %get3A_153 = arith.index_cast %get3A_152 : i32 to index
    %get3A_154 = arith.constant 0 : index
    %get3A_155 = tpu.vector_load %arg10[%get3A_153, %get3A_154] {strides = array<i32>} : memref<32x64xf32, #tpu.memory_space<vmem>>, vector<1x16xf32>,
    %get3A_156 = vector.shape_cast %get3A_155 : vector<1x16xf32> to vector<16xf32>
    %mul3A_157 = arith.mulf %get3A_151, %get3A_156 : vector<16xf32>
    %swap3A_158 = arith.constant 2 : i32
    %swap3A_159 = arith.index_cast %swap3A_158 : i32 to index
    %swap3A_160 = arith.constant 0 : index
    %swap3A_161 = tpu.vector_load %arg9[%swap3A_159, %swap3A_160] {strides = array<i32>} : memref<32x64xf32, #tpu.memory_space<vmem>>, vector<1x16xf32>,
    %swap3A_162 = vector.shape_cast %swap3A_161 : vector<1x16xf32> to vector<16xf32>
    %swap3A_163 = vector.shape_cast %mul3A_157 : vector<16xf32> to vector<1x16xf32>
    tpu.vector_store %arg9[%swap3A_159, %swap3A_160], %swap3A_163 {strides = array<i32>} : memref<32x64xf32, #tpu.memory_space<vmem>>, vector<1x16xf32>,
    %get3A_164 = arith.constant 2 : i32
    %get3A_165 = arith.index_cast %get3A_164 : i32 to index
    %get3A_166 = arith.constant 16 : index
    %get3A_167 = tpu.vector_load %arg9[%get3A_165, %get3A_166] {strides = array<i32>} : memref<32x64xf32, #tpu.memory_space<vmem>>, vector<1x16xf32>,
    %get3A_168 = vector.shape_cast %get3A_167 : vector<1x16xf32> to vector<16xf32>
    %get3A_169 = arith.constant 2 : i32
    %get3A_170 = arith.index_cast %get3A_169 : i32 to index
    %get3A_171 = arith.constant 16 : index
    %get3A_172 = tpu.vector_load %arg10[%get3A_170, %get3A_171] {strides = array<i32>} : memref<32x64xf32, #tpu.memory_space<vmem>>, vector<1x16xf32>,
    %get3A_173 = vector.shape_cast %get3A_172 : vector<1x16xf32> to vector<16xf32>
    %mul3A_174 = arith.mulf %get3A_168, %get3A_173 : vector<16xf32>
    %swap3A_175 = arith.constant 2 : i32
    %swap3A_176 = arith.index_cast %swap3A_175 : i32 to index
    %swap3A_177 = arith.constant 16 : index
    %swap3A_178 = tpu.vector_load %arg9[%swap3A_176, %swap3A_177] {strides = array<i32>} : memref<32x64xf32, #tpu.memory_space<vmem>>, vector<1x16xf32>,
    %swap3A_179 = vector.shape_cast %swap3A_178 : vector<1x16xf32> to vector<16xf32>
    %swap3A_180 = vector.shape_cast %mul3A_174 : vector<16xf32> to vector<1x16xf32>
    tpu.vector_store %arg9[%swap3A_176, %swap3A_177], %swap3A_180 {strides = array<i32>} : memref<32x64xf32, #tpu.memory_space<vmem>>, vector<1x16xf32>,
    %get3A_181 = arith.constant 2 : i32
    %get3A_182 = arith.index_cast %get3A_181 : i32 to index
    %get3A_183 = arith.constant 32 : index
    %get3A_184 = tpu.vector_load %arg9[%get3A_182, %get3A_183] {strides = array<i32>} : memref<32x64xf32, #tpu.memory_space<vmem>>, vector<1x16xf32>,
    %get3A_185 = vector.shape_cast %get3A_184 : vector<1x16xf32> to vector<16xf32>
    %get3A_186 = arith.constant 2 : i32
    %get3A_187 = arith.index_cast %get3A_186 : i32 to index
    %get3A_188 = arith.constant 32 : index
    %get3A_189 = tpu.vector_load %arg10[%get3A_187, %get3A_188] {strides = array<i32>} : memref<32x64xf32, #tpu.memory_space<vmem>>, vector<1x16xf32>,
    %get3A_190 = vector.shape_cast %get3A_189 : vector<1x16xf32> to vector<16xf32>
    %mul3A_191 = arith.mulf %get3A_185, %get3A_190 : vector<16xf32>
    %swap3A_192 = arith.constant 2 : i32
    %swap3A_193 = arith.index_cast %swap3A_192 : i32 to index
    %swap3A_194 = arith.constant 32 : index
    %swap3A_195 = tpu.vector_load %arg9[%swap3A_193, %swap3A_194] {strides = array<i32>} : memref<32x64xf32, #tpu.memory_space<vmem>>, vector<1x16xf32>,
    %swap3A_196 = vector.shape_cast %swap3A_195 : vector<1x16xf32> to vector<16xf32>
    %swap3A_197 = vector.shape_cast %mul3A_191 : vector<16xf32> to vector<1x16xf32>
    tpu.vector_store %arg9[%swap3A_193, %swap3A_194], %swap3A_197 {strides = array<i32>} : memref<32x64xf32, #tpu.memory_space<vmem>>, vector<1x16xf32>,
    %get3A_198 = arith.constant 2 : i32
    %get3A_199 = arith.index_cast %get3A_198 : i32 to index
    %get3A_200 = arith.constant 48 : index
    %get3A_201 = tpu.vector_load %arg9[%get3A_199, %get3A_200] {strides = array<i32>} : memref<32x64xf32, #tpu.memory_space<vmem>>, vector<1x16xf32>,
    %get3A_202 = vector.shape_cast %get3A_201 : vector<1x16xf32> to vector<16xf32>
    %get3A_203 = arith.constant 2 : i32
    %get3A_204 = arith.index_cast %get3A_203 : i32 to index
    %get3A_205 = arith.constant 48 : index
    %get3A_206 = tpu.vector_load %arg10[%get3A_204, %get3A_205] {strides = array<i32>} : memref<32x64xf32, #tpu.memory_space<vmem>>, vector<1x16xf32>,
    %get3A_207 = vector.shape_cast %get3A_206 : vector<1x16xf32> to vector<16xf32>
    %mul3A_208 = arith.mulf %get3A_202, %get3A_207 : vector<16xf32>
    %swap3A_209 = arith.constant 2 : i32
    %swap3A_210 = arith.index_cast %swap3A_209 : i32 to index
    %swap3A_211 = arith.constant 48 : index
    %swap3A_212 = tpu.vector_load %arg9[%swap3A_210, %swap3A_211] {strides = array<i32>} : memref<32x64xf32, #tpu.memory_space<vmem>>, vector<1x16xf32>,
    %swap3A_213 = vector.shape_cast %swap3A_212 : vector<1x16xf32> to vector<16xf32>
    %swap3A_214 = vector.shape_cast %mul3A_208 : vector<16xf32> to vector<1x16xf32>
    tpu.vector_store %arg9[%swap3A_210, %swap3A_211], %swap3A_214 {strides = array<i32>} : memref<32x64xf32, #tpu.memory_space<vmem>>, vector<1x16xf32>,
    %get3A_215 = arith.constant 3 : i32
    %get3A_216 = arith.index_cast %get3A_215 : i32 to index
    %get3A_217 = arith.constant 0 : index
    %get3A_218 = tpu.vector_load %arg9[%get3A_216, %get3A_217] {strides = array<i32>} : memref<32x64xf32, #tpu.memory_space<vmem>>, vector<1x16xf32>,
    %get3A_219 = vector.shape_cast %get3A_218 : vector<1x16xf32> to vector<16xf32>
    %get3A_220 = arith.constant 3 : i32
    %get3A_221 = arith.index_cast %get3A_220 : i32 to index
    %get3A_222 = arith.constant 0 : index
    %get3A_223 = tpu.vector_load %arg10[%get3A_221, %get3A_222] {strides = array<i32>} : memref<32x64xf32, #tpu.memory_space<vmem>>, vector<1x16xf32>,
    %get3A_224 = vector.shape_cast %get3A_223 : vector<1x16xf32> to vector<16xf32>
    %mul3A_225 = arith.mulf %get3A_219, %get3A_224 : vector<16xf32>
    %swap3A_226 = arith.constant 3 : i32
    %swap3A_227 = arith.index_cast %swap3A_226 : i32 to index
    %swap3A_228 = arith.constant 0 : index
    %swap3A_229 = tpu.vector_load %arg9[%swap3A_227, %swap3A_228] {strides = array<i32>} : memref<32x64xf32, #tpu.memory_space<vmem>>, vector<1x16xf32>,
    %swap3A_230 = vector.shape_cast %swap3A_229 : vector<1x16xf32> to vector<16xf32>
    %swap3A_231 = vector.shape_cast %mul3A_225 : vector<16xf32> to vector<1x16xf32>
    tpu.vector_store %arg9[%swap3A_227, %swap3A_228], %swap3A_231 {strides = array<i32>} : memref<32x64xf32, #tpu.memory_space<vmem>>, vector<1x16xf32>,
    %get3A_232 = arith.constant 3 : i32
    %get3A_233 = arith.index_cast %get3A_232 : i32 to index
    %get3A_234 = arith.constant 16 : index
    %get3A_235 = tpu.vector_load %arg9[%get3A_233, %get3A_234] {strides = array<i32>} : memref<32x64xf32, #tpu.memory_space<vmem>>, vector<1x16xf32>,
    %get3A_236 = vector.shape_cast %get3A_235 : vector<1x16xf32> to vector<16xf32>
    %get3A_237 = arith.constant 3 : i32
    %get3A_238 = arith.index_cast %get3A_237 : i32 to index
    %get3A_239 = arith.constant 16 : index
    %get3A_240 = tpu.vector_load %arg10[%get3A_238, %get3A_239] {strides = array<i32>} : memref<32x64xf32, #tpu.memory_space<vmem>>, vector<1x16xf32>,
    %get3A_241 = vector.shape_cast %get3A_240 : vector<1x16xf32> to vector<16xf32>
    %mul3A_242 = arith.mulf %get3A_236, %get3A_241 : vector<16xf32>
    %swap3A_243 = arith.constant 3 : i32
    %swap3A_244 = arith.index_cast %swap3A_243 : i32 to index
    %swap3A_245 = arith.constant 16 : index
    %swap3A_246 = tpu.vector_load %arg9[%swap3A_244, %swap3A_245] {strides = array<i32>} : memref<32x64xf32, #tpu.memory_space<vmem>>, vector<1x16xf32>,
    %swap3A_247 = vector.shape_cast %swap3A_246 : vector<1x16xf32> to vector<16xf32>
    %swap3A_248 = vector.shape_cast %mul3A_242 : vector<16xf32> to vector<1x16xf32>
    tpu.vector_store %arg9[%swap3A_244, %swap3A_245], %swap3A_248 {strides = array<i32>} : memref<32x64xf32, #tpu.memory_space<vmem>>, vector<1x16xf32>,
    %get3A_249 = arith.constant 3 : i32
    %get3A_250 = arith.index_cast %get3A_249 : i32 to index
    %get3A_251 = arith.constant 32 : index
    %get3A_252 = tpu.vector_load %arg9[%get3A_250, %get3A_251] {strides = array<i32>} : memref<32x64xf32, #tpu.memory_space<vmem>>, vector<1x16xf32>,
    %get3A_253 = vector.shape_cast %get3A_252 : vector<1x16xf32> to vector<16xf32>
    %get3A_254 = arith.constant 3 : i32
    %get3A_255 = arith.index_cast %get3A_254 : i32 to index
    %get3A_256 = arith.constant 32 : index
    %get3A_257 = tpu.vector_load %arg10[%get3A_255, %get3A_256] {strides = array<i32>} : memref<32x64xf32, #tpu.memory_space<vmem>>, vector<1x16xf32>,
    %get3A_258 = vector.shape_cast %get3A_257 : vector<1x16xf32> to vector<16xf32>
    %mul3A_259 = arith.mulf %get3A_253, %get3A_258 : vector<16xf32>
    %swap3A_260 = arith.constant 3 : i32
    %swap3A_261 = arith.index_cast %swap3A_260 : i32 to index
    %swap3A_262 = arith.constant 32 : index
    %swap3A_263 = tpu.vector_load %arg9[%swap3A_261, %swap3A_262] {strides = array<i32>} : memref<32x64xf32, #tpu.memory_space<vmem>>, vector<1x16xf32>,
    %swap3A_264 = vector.shape_cast %swap3A_263 : vector<1x16xf32> to vector<16xf32>
    %swap3A_265 = vector.shape_cast %mul3A_259 : vector<16xf32> to vector<1x16xf32>
    tpu.vector_store %arg9[%swap3A_261, %swap3A_262], %swap3A_265 {strides = array<i32>} : memref<32x64xf32, #tpu.memory_space<vmem>>, vector<1x16xf32>,
    %get3A_266 = arith.constant 3 : i32
    %get3A_267 = arith.index_cast %get3A_266 : i32 to index
    %get3A_268 = arith.constant 48 : index
    %get3A_269 = tpu.vector_load %arg9[%get3A_267, %get3A_268] {strides = array<i32>} : memref<32x64xf32, #tpu.memory_space<vmem>>, vector<1x16xf32>,
    %get3A_270 = vector.shape_cast %get3A_269 : vector<1x16xf32> to vector<16xf32>
    %get3A_271 = arith.constant 3 : i32
    %get3A_272 = arith.index_cast %get3A_271 : i32 to index
    %get3A_273 = arith.constant 48 : index
    %get3A_274 = tpu.vector_load %arg10[%get3A_272, %get3A_273] {strides = array<i32>} : memref<32x64xf32, #tpu.memory_space<vmem>>, vector<1x16xf32>,
    %get3A_275 = vector.shape_cast %get3A_274 : vector<1x16xf32> to vector<16xf32>
    %mul3A_276 = arith.mulf %get3A_270, %get3A_275 : vector<16xf32>
    %swap3A_277 = arith.constant 3 : i32
    %swap3A_278 = arith.index_cast %swap3A_277 : i32 to index
    %swap3A_279 = arith.constant 48 : index
    %swap3A_280 = tpu.vector_load %arg9[%swap3A_278, %swap3A_279] {strides = array<i32>} : memref<32x64xf32, #tpu.memory_space<vmem>>, vector<1x16xf32>,
    %swap3A_281 = vector.shape_cast %swap3A_280 : vector<1x16xf32> to vector<16xf32>
    %swap3A_282 = vector.shape_cast %mul3A_276 : vector<16xf32> to vector<1x16xf32>
    tpu.vector_store %arg9[%swap3A_278, %swap3A_279], %swap3A_282 {strides = array<i32>} : memref<32x64xf32, #tpu.memory_space<vmem>>, vector<1x16xf32>,
    %get3A_283 = arith.constant 4 : i32
    %get3A_284 = arith.index_cast %get3A_283 : i32 to index
    %get3A_285 = arith.constant 0 : index
    %get3A_286 = tpu.vector_load %arg9[%get3A_284, %get3A_285] {strides = array<i32>} : memref<32x64xf32, #tpu.memory_space<vmem>>, vector<1x16xf32>,
    %get3A_287 = vector.shape_cast %get3A_286 : vector<1x16xf32> to vector<16xf32>
    %get3A_288 = arith.constant 4 : i32
    %get3A_289 = arith.index_cast %get3A_288 : i32 to index
    %get3A_290 = arith.constant 0 : index
    %get3A_291 = tpu.vector_load %arg10[%get3A_289, %get3A_290] {strides = array<i32>} : memref<32x64xf32, #tpu.memory_space<vmem>>, vector<1x16xf32>,
    %get3A_292 = vector.shape_cast %get3A_291 : vector<1x16xf32> to vector<16xf32>
    %mul3A_293 = arith.mulf %get3A_287, %get3A_292 : vector<16xf32>
    %swap3A_294 = arith.constant 4 : i32
    %swap3A_295 = arith.index_cast %swap3A_294 : i32 to index
    %swap3A_296 = arith.constant 0 : index
    %swap3A_297 = tpu.vector_load %arg9[%swap3A_295, %swap3A_296] {strides = array<i32>} : memref<32x64xf32, #tpu.memory_space<vmem>>, vector<1x16xf32>,
    %swap3A_298 = vector.shape_cast %swap3A_297 : vector<1x16xf32> to vector<16xf32>
    %swap3A_299 = vector.shape_cast %mul3A_293 : vector<16xf32> to vector<1x16xf32>
    tpu.vector_store %arg9[%swap3A_295, %swap3A_296], %swap3A_299 {strides = array<i32>} : memref<32x64xf32, #tpu.memory_space<vmem>>, vector<1x16xf32>,
    %get3A_300 = arith.constant 4 : i32
    %get3A_301 = arith.index_cast %get3A_300 : i32 to index
    %get3A_302 = arith.constant 16 : index
    %get3A_303 = tpu.vector_load %arg9[%get3A_301, %get3A_302] {strides = array<i32>} : memref<32x64xf32, #tpu.memory_space<vmem>>, vector<1x16xf32>,
    %get3A_304 = vector.shape_cast %get3A_303 : vector<1x16xf32> to vector<16xf32>
    %get3A_305 = arith.constant 4 : i32
    %get3A_306 = arith.index_cast %get3A_305 : i32 to index
    %get3A_307 = arith.constant 16 : index
    %get3A_308 = tpu.vector_load %arg10[%get3A_306, %get3A_307] {strides = array<i32>} : memref<32x64xf32, #tpu.memory_space<vmem>>, vector<1x16xf32>,
    %get3A_309 = vector.shape_cast %get3A_308 : vector<1x16xf32> to vector<16xf32>
    %mul3A_310 = arith.mulf %get3A_304, %get3A_309 : vector<16xf32>
    %swap3A_311 = arith.constant 4 : i32
    %swap3A_312 = arith.index_cast %swap3A_311 : i32 to index
    %swap3A_313 = arith.constant 16 : index
    %swap3A_314 = tpu.vector_load %arg9[%swap3A_312, %swap3A_313] {strides = array<i32>} : memref<32x64xf32, #tpu.memory_space<vmem>>, vector<1x16xf32>,
    %swap3A_315 = vector.shape_cast %swap3A_314 : vector<1x16xf32> to vector<16xf32>
    %swap3A_316 = vector.shape_cast %mul3A_310 : vector<16xf32> to vector<1x16xf32>
    tpu.vector_store %arg9[%swap3A_312, %swap3A_313], %swap3A_316 {strides = array<i32>} : memref<32x64xf32, #tpu.memory_space<vmem>>, vector<1x16xf32>,
    %get3A_317 = arith.constant 4 : i32
    %get3A_318 = arith.index_cast %get3A_317 : i32 to index
    %get3A_319 = arith.constant 32 : index
    %get3A_320 = tpu.vector_load %arg9[%get3A_318, %get3A_319] {strides = array<i32>} : memref<32x64xf32, #tpu.memory_space<vmem>>, vector<1x16xf32>,
    %get3A_321 = vector.shape_cast %get3A_320 : vector<1x16xf32> to vector<16xf32>
    %get3A_322 = arith.constant 4 : i32
    %get3A_323 = arith.index_cast %get3A_322 : i32 to index
    %get3A_324 = arith.constant 32 : index
    %get3A_325 = tpu.vector_load %arg10[%get3A_323, %get3A_324] {strides = array<i32>} : memref<32x64xf32, #tpu.memory_space<vmem>>, vector<1x16xf32>,
    %get3A_326 = vector.shape_cast %get3A_325 : vector<1x16xf32> to vector<16xf32>
    %mul3A_327 = arith.mulf %get3A_321, %get3A_326 : vector<16xf32>
    %swap3A_328 = arith.constant 4 : i32
    %swap3A_329 = arith.index_cast %swap3A_328 : i32 to index
    %swap3A_330 = arith.constant 32 : index
    %swap3A_331 = tpu.vector_load %arg9[%swap3A_329, %swap3A_330] {strides = array<i32>} : memref<32x64xf32, #tpu.memory_space<vmem>>, vector<1x16xf32>,
    %swap3A_332 = vector.shape_cast %swap3A_331 : vector<1x16xf32> to vector<16xf32>
    %swap3A_333 = vector.shape_cast %mul3A_327 : vector<16xf32> to vector<1x16xf32>
    tpu.vector_store %arg9[%swap3A_329, %swap3A_330], %swap3A_333 {strides = array<i32>} : memref<32x64xf32, #tpu.memory_space<vmem>>, vector<1x16xf32>,
    %get3A_334 = arith.constant 4 : i32
    %get3A_335 = arith.index_cast %get3A_334 : i32 to index
    %get3A_336 = arith.constant 48 : index
    %get3A_337 = tpu.vector_load %arg9[%get3A_335, %get3A_336] {strides = array<i32>} : memref<32x64xf32, #tpu.memory_space<vmem>>, vector<1x16xf32>,
    %get3A_338 = vector.shape_cast %get3A_337 : vector<1x16xf32> to vector<16xf32>
    %get3A_339 = arith.constant 4 : i32
    %get3A_340 = arith.index_cast %get3A_339 : i32 to index
    %get3A_341 = arith.constant 48 : index
    %get3A_342 = tpu.vector_load %arg10[%get3A_340, %get3A_341] {strides = array<i32>} : memref<32x64xf32, #tpu.memory_space<vmem>>, vector<1x16xf32>,
    %get3A_343 = vector.shape_cast %get3A_342 : vector<1x16xf32> to vector<16xf32>
    %mul3A_344 = arith.mulf %get3A_338, %get3A_343 : vector<16xf32>
    %swap3A_345 = arith.constant 4 : i32
    %swap3A_346 = arith.index_cast %swap3A_345 : i32 to index
    %swap3A_347 = arith.constant 48 : index
    %swap3A_348 = tpu.vector_load %arg9[%swap3A_346, %swap3A_347] {strides = array<i32>} : memref<32x64xf32, #tpu.memory_space<vmem>>, vector<1x16xf32>,
    %swap3A_349 = vector.shape_cast %swap3A_348 : vector<1x16xf32> to vector<16xf32>
    %swap3A_350 = vector.shape_cast %mul3A_344 : vector<16xf32> to vector<1x16xf32>
    tpu.vector_store %arg9[%swap3A_346, %swap3A_347], %swap3A_350 {strides = array<i32>} : memref<32x64xf32, #tpu.memory_space<vmem>>, vector<1x16xf32>,
    %get3A_351 = arith.constant 5 : i32
    %get3A_352 = arith.index_cast %get3A_351 : i32 to index
    %get3A_353 = arith.constant 0 : index
    %get3A_354 = tpu.vector_load %arg9[%get3A_352, %get3A_353] {strides = array<i32>} : memref<32x64xf32, #tpu.memory_space<vmem>>, vector<1x16xf32>,
    %get3A_355 = vector.shape_cast %get3A_354 : vector<1x16xf32> to vector<16xf32>
    %get3A_356 = arith.constant 5 : i32
    %get3A_357 = arith.index_cast %get3A_356 : i32 to index
    %get3A_358 = arith.constant 0 : index
    %get3A_359 = tpu.vector_load %arg10[%get3A_357, %get3A_358] {strides = array<i32>} : memref<32x64xf32, #tpu.memory_space<vmem>>, vector<1x16xf32>,
    %get3A_360 = vector.shape_cast %get3A_359 : vector<1x16xf32> to vector<16xf32>
    %mul3A_361 = arith.mulf %get3A_355, %get3A_360 : vector<16xf32>
    %swap3A_362 = arith.constant 5 : i32
    %swap3A_363 = arith.index_cast %swap3A_362 : i32 to index
    %swap3A_364 = arith.constant 0 : index
    %swap3A_365 = tpu.vector_load %arg9[%swap3A_363, %swap3A_364] {strides = array<i32>} : memref<32x64xf32, #tpu.memory_space<vmem>>, vector<1x16xf32>,
    %swap3A_366 = vector.shape_cast %swap3A_365 : vector<1x16xf32> to vector<16xf32>
    %swap3A_367 = vector.shape_cast %mul3A_361 : vector<16xf32> to vector<1x16xf32>
    tpu.vector_store %arg9[%swap3A_363, %swap3A_364], %swap3A_367 {strides = array<i32>} : memref<32x64xf32, #tpu.memory_space<vmem>>, vector<1x16xf32>,
    %get3A_368 = arith.constant 5 : i32
    %get3A_369 = arith.index_cast %get3A_368 : i32 to index
    %get3A_370 = arith.constant 16 : index
    %get3A_371 = tpu.vector_load %arg9[%get3A_369, %get3A_370] {strides = array<i32>} : memref<32x64xf32, #tpu.memory_space<vmem>>, vector<1x16xf32>,
    %get3A_372 = vector.shape_cast %get3A_371 : vector<1x16xf32> to vector<16xf32>
    %get3A_373 = arith.constant 5 : i32
    %get3A_374 = arith.index_cast %get3A_373 : i32 to index
    %get3A_375 = arith.constant 16 : index
    %get3A_376 = tpu.vector_load %arg10[%get3A_374, %get3A_375] {strides = array<i32>} : memref<32x64xf32, #tpu.memory_space<vmem>>, vector<1x16xf32>,
    %get3A_377 = vector.shape_cast %get3A_376 : vector<1x16xf32> to vector<16xf32>
    %mul3A_378 = arith.mulf %get3A_372, %get3A_377 : vector<16xf32>
    %swap3A_379 = arith.constant 5 : i32
    %swap3A_380 = arith.index_cast %swap3A_379 : i32 to index
    %swap3A_381 = arith.constant 16 : index
    %swap3A_382 = tpu.vector_load %arg9[%swap3A_380, %swap3A_381] {strides = array<i32>} : memref<32x64xf32, #tpu.memory_space<vmem>>, vector<1x16xf32>,
    %swap3A_383 = vector.shape_cast %swap3A_382 : vector<1x16xf32> to vector<16xf32>
    %swap3A_384 = vector.shape_cast %mul3A_378 : vector<16xf32> to vector<1x16xf32>
    tpu.vector_store %arg9[%swap3A_380, %swap3A_381], %swap3A_384 {strides = array<i32>} : memref<32x64xf32, #tpu.memory_space<vmem>>, vector<1x16xf32>,
    %get3A_385 = arith.constant 5 : i32
    %get3A_386 = arith.index_cast %get3A_385 : i32 to index
    %get3A_387 = arith.constant 32 : index
    %get3A_388 = tpu.vector_load %arg9[%get3A_386, %get3A_387] {strides = array<i32>} : memref<32x64xf32, #tpu.memory_space<vmem>>, vector<1x16xf32>,
    %get3A_389 = vector.shape_cast %get3A_388 : vector<1x16xf32> to vector<16xf32>
    %get3A_390 = arith.constant 5 : i32
    %get3A_391 = arith.index_cast %get3A_390 : i32 to index
    %get3A_392 = arith.constant 32 : index
    %get3A_393 = tpu.vector_load %arg10[%get3A_391, %get3A_392] {strides = array<i32>} : memref<32x64xf32, #tpu.memory_space<vmem>>, vector<1x16xf32>,
    %get3A_394 = vector.shape_cast %get3A_393 : vector<1x16xf32> to vector<16xf32>
    %mul3A_395 = arith.mulf %get3A_389, %get3A_394 : vector<16xf32>
    %swap3A_396 = arith.constant 5 : i32
    %swap3A_397 = arith.index_cast %swap3A_396 : i32 to index
    %swap3A_398 = arith.constant 32 : index
    %swap3A_399 = tpu.vector_load %arg9[%swap3A_397, %swap3A_398] {strides = array<i32>} : memref<32x64xf32, #tpu.memory_space<vmem>>, vector<1x16xf32>,
    %swap3A_400 = vector.shape_cast %swap3A_399 : vector<1x16xf32> to vector<16xf32>
    %swap3A_401 = vector.shape_cast %mul3A_395 : vector<16xf32> to vector<1x16xf32>
    tpu.vector_store %arg9[%swap3A_397, %swap3A_398], %swap3A_401 {strides = array<i32>} : memref<32x64xf32, #tpu.memory_space<vmem>>, vector<1x16xf32>,
    %get3A_402 = arith.constant 5 : i32
    %get3A_403 = arith.index_cast %get3A_402 : i32 to index
    %get3A_404 = arith.constant 48 : index
    %get3A_405 = tpu.vector_load %arg9[%get3A_403, %get3A_404] {strides = array<i32>} : memref<32x64xf32, #tpu.memory_space<vmem>>, vector<1x16xf32>,
    %get3A_406 = vector.shape_cast %get3A_405 : vector<1x16xf32> to vector<16xf32>
    %get3A_407 = arith.constant 5 : i32
    %get3A_408 = arith.index_cast %get3A_407 : i32 to index
    %get3A_409 = arith.constant 48 : index
    %get3A_410 = tpu.vector_load %arg10[%get3A_408, %get3A_409] {strides = array<i32>} : memref<32x64xf32, #tpu.memory_space<vmem>>, vector<1x16xf32>,
    %get3A_411 = vector.shape_cast %get3A_410 : vector<1x16xf32> to vector<16xf32>
    %mul3A_412 = arith.mulf %get3A_406, %get3A_411 : vector<16xf32>
    %swap3A_413 = arith.constant 5 : i32
    %swap3A_414 = arith.index_cast %swap3A_413 : i32 to index
    %swap3A_415 = arith.constant 48 : index
    %swap3A_416 = tpu.vector_load %arg9[%swap3A_414, %swap3A_415] {strides = array<i32>} : memref<32x64xf32, #tpu.memory_space<vmem>>, vector<1x16xf32>,
    %swap3A_417 = vector.shape_cast %swap3A_416 : vector<1x16xf32> to vector<16xf32>
    %swap3A_418 = vector.shape_cast %mul3A_412 : vector<16xf32> to vector<1x16xf32>
    tpu.vector_store %arg9[%swap3A_414, %swap3A_415], %swap3A_418 {strides = array<i32>} : memref<32x64xf32, #tpu.memory_space<vmem>>, vector<1x16xf32>,
    %get3A_419 = arith.constant 6 : i32
    %get3A_420 = arith.index_cast %get3A_419 : i32 to index
    %get3A_421 = arith.constant 0 : index
    %get3A_422 = tpu.vector_load %arg9[%get3A_420, %get3A_421] {strides = array<i32>} : memref<32x64xf32, #tpu.memory_space<vmem>>, vector<1x16xf32>,
    %get3A_423 = vector.shape_cast %get3A_422 : vector<1x16xf32> to vector<16xf32>
    %get3A_424 = arith.constant 6 : i32
    %get3A_425 = arith.index_cast %get3A_424 : i32 to index
    %get3A_426 = arith.constant 0 : index
    %get3A_427 = tpu.vector_load %arg10[%get3A_425, %get3A_426] {strides = array<i32>} : memref<32x64xf32, #tpu.memory_space<vmem>>, vector<1x16xf32>,
    %get3A_428 = vector.shape_cast %get3A_427 : vector<1x16xf32> to vector<16xf32>
    %mul3A_429 = arith.mulf %get3A_423, %get3A_428 : vector<16xf32>
    %swap3A_430 = arith.constant 6 : i32
    %swap3A_431 = arith.index_cast %swap3A_430 : i32 to index
    %swap3A_432 = arith.constant 0 : index
    %swap3A_433 = tpu.vector_load %arg9[%swap3A_431, %swap3A_432] {strides = array<i32>} : memref<32x64xf32, #tpu.memory_space<vmem>>, vector<1x16xf32>,
    %swap3A_434 = vector.shape_cast %swap3A_433 : vector<1x16xf32> to vector<16xf32>
    %swap3A_435 = vector.shape_cast %mul3A_429 : vector<16xf32> to vector<1x16xf32>
    tpu.vector_store %arg9[%swap3A_431, %swap3A_432], %swap3A_435 {strides = array<i32>} : memref<32x64xf32, #tpu.memory_space<vmem>>, vector<1x16xf32>,
    %get3A_436 = arith.constant 6 : i32
    %get3A_437 = arith.index_cast %get3A_436 : i32 to index
    %get3A_438 = arith.constant 16 : index
    %get3A_439 = tpu.vector_load %arg9[%get3A_437, %get3A_438] {strides = array<i32>} : memref<32x64xf32, #tpu.memory_space<vmem>>, vector<1x16xf32>,
    %get3A_440 = vector.shape_cast %get3A_439 : vector<1x16xf32> to vector<16xf32>
    %get3A_441 = arith.constant 6 : i32
    %get3A_442 = arith.index_cast %get3A_441 : i32 to index
    %get3A_443 = arith.constant 16 : index
    %get3A_444 = tpu.vector_load %arg10[%get3A_442, %get3A_443] {strides = array<i32>} : memref<32x64xf32, #tpu.memory_space<vmem>>, vector<1x16xf32>,
    %get3A_445 = vector.shape_cast %get3A_444 : vector<1x16xf32> to vector<16xf32>
    %mul3A_446 = arith.mulf %get3A_440, %get3A_445 : vector<16xf32>
    %swap3A_447 = arith.constant 6 : i32
    %swap3A_448 = arith.index_cast %swap3A_447 : i32 to index
    %swap3A_449 = arith.constant 16 : index
    %swap3A_450 = tpu.vector_load %arg9[%swap3A_448, %swap3A_449] {strides = array<i32>} : memref<32x64xf32, #tpu.memory_space<vmem>>, vector<1x16xf32>,
    %swap3A_451 = vector.shape_cast %swap3A_450 : vector<1x16xf32> to vector<16xf32>
    %swap3A_452 = vector.shape_cast %mul3A_446 : vector<16xf32> to vector<1x16xf32>
    tpu.vector_store %arg9[%swap3A_448, %swap3A_449], %swap3A_452 {strides = array<i32>} : memref<32x64xf32, #tpu.memory_space<vmem>>, vector<1x16xf32>,
    %get3A_453 = arith.constant 6 : i32
    %get3A_454 = arith.index_cast %get3A_453 : i32 to index
    %get3A_455 = arith.constant 32 : index
    %get3A_456 = tpu.vector_load %arg9[%get3A_454, %get3A_455] {strides = array<i32>} : memref<32x64xf32, #tpu.memory_space<vmem>>, vector<1x16xf32>,
    %get3A_457 = vector.shape_cast %get3A_456 : vector<1x16xf32> to vector<16xf32>
    %get3A_458 = arith.constant 6 : i32
    %get3A_459 = arith.index_cast %get3A_458 : i32 to index
    %get3A_460 = arith.constant 32 : index
    %get3A_461 = tpu.vector_load %arg10[%get3A_459, %get3A_460] {strides = array<i32>} : memref<32x64xf32, #tpu.memory_space<vmem>>, vector<1x16xf32>,
    %get3A_462 = vector.shape_cast %get3A_461 : vector<1x16xf32> to vector<16xf32>
    %mul3A_463 = arith.mulf %get3A_457, %get3A_462 : vector<16xf32>
    %swap3A_464 = arith.constant 6 : i32
    %swap3A_465 = arith.index_cast %swap3A_464 : i32 to index
    %swap3A_466 = arith.constant 32 : index
    %swap3A_467 = tpu.vector_load %arg9[%swap3A_465, %swap3A_466] {strides = array<i32>} : memref<32x64xf32, #tpu.memory_space<vmem>>, vector<1x16xf32>,
    %swap3A_468 = vector.shape_cast %swap3A_467 : vector<1x16xf32> to vector<16xf32>
    %swap3A_469 = vector.shape_cast %mul3A_463 : vector<16xf32> to vector<1x16xf32>
    tpu.vector_store %arg9[%swap3A_465, %swap3A_466], %swap3A_469 {strides = array<i32>} : memref<32x64xf32, #tpu.memory_space<vmem>>, vector<1x16xf32>,
    %get3A_470 = arith.constant 6 : i32
    %get3A_471 = arith.index_cast %get3A_470 : i32 to index
    %get3A_472 = arith.constant 48 : index
    %get3A_473 = tpu.vector_load %arg9[%get3A_471, %get3A_472] {strides = array<i32>} : memref<32x64xf32, #tpu.memory_space<vmem>>, vector<1x16xf32>,
    %get3A_474 = vector.shape_cast %get3A_473 : vector<1x16xf32> to vector<16xf32>
    %get3A_475 = arith.constant 6 : i32
    %get3A_476 = arith.index_cast %get3A_475 : i32 to index
    %get3A_477 = arith.constant 48 : index
    %get3A_478 = tpu.vector_load %arg10[%get3A_476, %get3A_477] {strides = array<i32>} : memref<32x64xf32, #tpu.memory_space<vmem>>, vector<1x16xf32>,
    %get3A_479 = vector.shape_cast %get3A_478 : vector<1x16xf32> to vector<16xf32>
    %mul3A_480 = arith.mulf %get3A_474, %get3A_479 : vector<16xf32>
    %swap3A_481 = arith.constant 6 : i32
    %swap3A_482 = arith.index_cast %swap3A_481 : i32 to index
    %swap3A_483 = arith.constant 48 : index
    %swap3A_484 = tpu.vector_load %arg9[%swap3A_482, %swap3A_483] {strides = array<i32>} : memref<32x64xf32, #tpu.memory_space<vmem>>, vector<1x16xf32>,
    %swap3A_485 = vector.shape_cast %swap3A_484 : vector<1x16xf32> to vector<16xf32>
    %swap3A_486 = vector.shape_cast %mul3A_480 : vector<16xf32> to vector<1x16xf32>
    tpu.vector_store %arg9[%swap3A_482, %swap3A_483], %swap3A_486 {strides = array<i32>} : memref<32x64xf32, #tpu.memory_space<vmem>>, vector<1x16xf32>,
    %get3A_487 = arith.constant 7 : i32
    %get3A_488 = arith.index_cast %get3A_487 : i32 to index
    %get3A_489 = arith.constant 0 : index
    %get3A_490 = tpu.vector_load %arg9[%get3A_488, %get3A_489] {strides = array<i32>} : memref<32x64xf32, #tpu.memory_space<vmem>>, vector<1x16xf32>,
    %get3A_491 = vector.shape_cast %get3A_490 : vector<1x16xf32> to vector<16xf32>
    %get3A_492 = arith.constant 7 : i32
    %get3A_493 = arith.index_cast %get3A_492 : i32 to index
    %get3A_494 = arith.constant 0 : index
    %get3A_495 = tpu.vector_load %arg10[%get3A_493, %get3A_494] {strides = array<i32>} : memref<32x64xf32, #tpu.memory_space<vmem>>, vector<1x16xf32>,
    %get3A_496 = vector.shape_cast %get3A_495 : vector<1x16xf32> to vector<16xf32>
    %mul3A_497 = arith.mulf %get3A_491, %get3A_496 : vector<16xf32>
    %swap3A_498 = arith.constant 7 : i32
    %swap3A_499 = arith.index_cast %swap3A_498 : i32 to index
    %swap3A_500 = arith.constant 0 : index
    %swap3A_501 = tpu.vector_load %arg9[%swap3A_499, %swap3A_500] {strides = array<i32>} : memref<32x64xf32, #tpu.memory_space<vmem>>, vector<1x16xf32>,
    %swap3A_502 = vector.shape_cast %swap3A_501 : vector<1x16xf32> to vector<16xf32>
    %swap3A_503 = vector.shape_cast %mul3A_497 : vector<16xf32> to vector<1x16xf32>
    tpu.vector_store %arg9[%swap3A_499, %swap3A_500], %swap3A_503 {strides = array<i32>} : memref<32x64xf32, #tpu.memory_space<vmem>>, vector<1x16xf32>,
    %get3A_504 = arith.constant 7 : i32
    %get3A_505 = arith.index_cast %get3A_504 : i32 to index
    %get3A_506 = arith.constant 16 : index
    %get3A_507 = tpu.vector_load %arg9[%get3A_505, %get3A_506] {strides = array<i32>} : memref<32x64xf32, #tpu.memory_space<vmem>>, vector<1x16xf32>,
    %get3A_508 = vector.shape_cast %get3A_507 : vector<1x16xf32> to vector<16xf32>
    %get3A_509 = arith.constant 7 : i32
    %get3A_510 = arith.index_cast %get3A_509 : i32 to index
    %get3A_511 = arith.constant 16 : index
    %get3A_512 = tpu.vector_load %arg10[%get3A_510, %get3A_511] {strides = array<i32>} : memref<32x64xf32, #tpu.memory_space<vmem>>, vector<1x16xf32>,
    %get3A_513 = vector.shape_cast %get3A_512 : vector<1x16xf32> to vector<16xf32>
    %mul3A_514 = arith.mulf %get3A_508, %get3A_513 : vector<16xf32>
    %swap3A_515 = arith.constant 7 : i32
    %swap3A_516 = arith.index_cast %swap3A_515 : i32 to index
    %swap3A_517 = arith.constant 16 : index
    %swap3A_518 = tpu.vector_load %arg9[%swap3A_516, %swap3A_517] {strides = array<i32>} : memref<32x64xf32, #tpu.memory_space<vmem>>, vector<1x16xf32>,
    %swap3A_519 = vector.shape_cast %swap3A_518 : vector<1x16xf32> to vector<16xf32>
    %swap3A_520 = vector.shape_cast %mul3A_514 : vector<16xf32> to vector<1x16xf32>
    tpu.vector_store %arg9[%swap3A_516, %swap3A_517], %swap3A_520 {strides = array<i32>} : memref<32x64xf32, #tpu.memory_space<vmem>>, vector<1x16xf32>,
    %get3A_521 = arith.constant 7 : i32
    %get3A_522 = arith.index_cast %get3A_521 : i32 to index
    %get3A_523 = arith.constant 32 : index
    %get3A_524 = tpu.vector_load %arg9[%get3A_522, %get3A_523] {strides = array<i32>} : memref<32x64xf32, #tpu.memory_space<vmem>>, vector<1x16xf32>,
    %get3A_525 = vector.shape_cast %get3A_524 : vector<1x16xf32> to vector<16xf32>
    %get3A_526 = arith.constant 7 : i32
    %get3A_527 = arith.index_cast %get3A_526 : i32 to index
    %get3A_528 = arith.constant 32 : index
    %get3A_529 = tpu.vector_load %arg10[%get3A_527, %get3A_528] {strides = array<i32>} : memref<32x64xf32, #tpu.memory_space<vmem>>, vector<1x16xf32>,
    %get3A_530 = vector.shape_cast %get3A_529 : vector<1x16xf32> to vector<16xf32>
    %mul3A_531 = arith.mulf %get3A_525, %get3A_530 : vector<16xf32>
    %swap3A_532 = arith.constant 7 : i32
    %swap3A_533 = arith.index_cast %swap3A_532 : i32 to index
    %swap3A_534 = arith.constant 32 : index
    %swap3A_535 = tpu.vector_load %arg9[%swap3A_533, %swap3A_534] {strides = array<i32>} : memref<32x64xf32, #tpu.memory_space<vmem>>, vector<1x16xf32>,
    %swap3A_536 = vector.shape_cast %swap3A_535 : vector<1x16xf32> to vector<16xf32>
    %swap3A_537 = vector.shape_cast %mul3A_531 : vector<16xf32> to vector<1x16xf32>
    tpu.vector_store %arg9[%swap3A_533, %swap3A_534], %swap3A_537 {strides = array<i32>} : memref<32x64xf32, #tpu.memory_space<vmem>>, vector<1x16xf32>,
    %get3A_538 = arith.constant 7 : i32
    %get3A_539 = arith.index_cast %get3A_538 : i32 to index
    %get3A_540 = arith.constant 48 : index
    %get3A_541 = tpu.vector_load %arg9[%get3A_539, %get3A_540] {strides = array<i32>} : memref<32x64xf32, #tpu.memory_space<vmem>>, vector<1x16xf32>,
    %get3A_542 = vector.shape_cast %get3A_541 : vector<1x16xf32> to vector<16xf32>
    %get3A_543 = arith.constant 7 : i32
    %get3A_544 = arith.index_cast %get3A_543 : i32 to index
    %get3A_545 = arith.constant 48 : index
    %get3A_546 = tpu.vector_load %arg10[%get3A_544, %get3A_545] {strides = array<i32>} : memref<32x64xf32, #tpu.memory_space<vmem>>, vector<1x16xf32>,
    %get3A_547 = vector.shape_cast %get3A_546 : vector<1x16xf32> to vector<16xf32>
    %mul3A_548 = arith.mulf %get3A_542, %get3A_547 : vector<16xf32>
    %swap3A_549 = arith.constant 7 : i32
    %swap3A_550 = arith.index_cast %swap3A_549 : i32 to index
    %swap3A_551 = arith.constant 48 : index
    %swap3A_552 = tpu.vector_load %arg9[%swap3A_550, %swap3A_551] {strides = array<i32>} : memref<32x64xf32, #tpu.memory_space<vmem>>, vector<1x16xf32>,
    %swap3A_553 = vector.shape_cast %swap3A_552 : vector<1x16xf32> to vector<16xf32>
    %swap3A_554 = vector.shape_cast %mul3A_548 : vector<16xf32> to vector<1x16xf32>
    tpu.vector_store %arg9[%swap3A_550, %swap3A_551], %swap3A_554 {strides = array<i32>} : memref<32x64xf32, #tpu.memory_space<vmem>>, vector<1x16xf32>,
    %get3A_555 = arith.constant 8 : i32
    %get3A_556 = arith.index_cast %get3A_555 : i32 to index
    %get3A_557 = arith.constant 0 : index
    %get3A_558 = tpu.vector_load %arg9[%get3A_556, %get3A_557] {strides = array<i32>} : memref<32x64xf32, #tpu.memory_space<vmem>>, vector<1x16xf32>,
    %get3A_559 = vector.shape_cast %get3A_558 : vector<1x16xf32> to vector<16xf32>
    %get3A_560 = arith.constant 8 : i32
    %get3A_561 = arith.index_cast %get3A_560 : i32 to index
    %get3A_562 = arith.constant 0 : index
    %get3A_563 = tpu.vector_load %arg10[%get3A_561, %get3A_562] {strides = array<i32>} : memref<32x64xf32, #tpu.memory_space<vmem>>, vector<1x16xf32>,
    %get3A_564 = vector.shape_cast %get3A_563 : vector<1x16xf32> to vector<16xf32>
    %mul3A_565 = arith.mulf %get3A_559, %get3A_564 : vector<16xf32>
    %swap3A_566 = arith.constant 8 : i32
    %swap3A_567 = arith.index_cast %swap3A_566 : i32 to index
    %swap3A_568 = arith.constant 0 : index
    %swap3A_569 = tpu.vector_load %arg9[%swap3A_567, %swap3A_568] {strides = array<i32>} : memref<32x64xf32, #tpu.memory_space<vmem>>, vector<1x16xf32>,
    %swap3A_570 = vector.shape_cast %swap3A_569 : vector<1x16xf32> to vector<16xf32>
    %swap3A_571 = vector.shape_cast %mul3A_565 : vector<16xf32> to vector<1x16xf32>
    tpu.vector_store %arg9[%swap3A_567, %swap3A_568], %swap3A_571 {strides = array<i32>} : memref<32x64xf32, #tpu.memory_space<vmem>>, vector<1x16xf32>,
    %get3A_572 = arith.constant 8 : i32
    %get3A_573 = arith.index_cast %get3A_572 : i32 to index
    %get3A_574 = arith.constant 16 : index
    %get3A_575 = tpu.vector_load %arg9[%get3A_573, %get3A_574] {strides = array<i32>} : memref<32x64xf32, #tpu.memory_space<vmem>>, vector<1x16xf32>,
    %get3A_576 = vector.shape_cast %get3A_575 : vector<1x16xf32> to vector<16xf32>
    %get3A_577 = arith.constant 8 : i32
    %get3A_578 = arith.index_cast %get3A_577 : i32 to index
    %get3A_579 = arith.constant 16 : index
    %get3A_580 = tpu.vector_load %arg10[%get3A_578, %get3A_579] {strides = array<i32>} : memref<32x64xf32, #tpu.memory_space<vmem>>, vector<1x16xf32>,
    %get3A_581 = vector.shape_cast %get3A_580 : vector<1x16xf32> to vector<16xf32>
    %mul3A_582 = arith.mulf %get3A_576, %get3A_581 : vector<16xf32>
    %swap3A_583 = arith.constant 8 : i32
    %swap3A_584 = arith.index_cast %swap3A_583 : i32 to index
    %swap3A_585 = arith.constant 16 : index
    %swap3A_586 = tpu.vector_load %arg9[%swap3A_584, %swap3A_585] {strides = array<i32>} : memref<32x64xf32, #tpu.memory_space<vmem>>, vector<1x16xf32>,
    %swap3A_587 = vector.shape_cast %swap3A_586 : vector<1x16xf32> to vector<16xf32>
    %swap3A_588 = vector.shape_cast %mul3A_582 : vector<16xf32> to vector<1x16xf32>
    tpu.vector_store %arg9[%swap3A_584, %swap3A_585], %swap3A_588 {strides = array<i32>} : memref<32x64xf32, #tpu.memory_space<vmem>>, vector<1x16xf32>,
    %get3A_589 = arith.constant 8 : i32
    %get3A_590 = arith.index_cast %get3A_589 : i32 to index
    %get3A_591 = arith.constant 32 : index
    %get3A_592 = tpu.vector_load %arg9[%get3A_590, %get3A_591] {strides = array<i32>} : memref<32x64xf32, #tpu.memory_space<vmem>>, vector<1x16xf32>,
    %get3A_593 = vector.shape_cast %get3A_592 : vector<1x16xf32> to vector<16xf32>
    %get3A_594 = arith.constant 8 : i32
    %get3A_595 = arith.index_cast %get3A_594 : i32 to index
    %get3A_596 = arith.constant 32 : index
    %get3A_597 = tpu.vector_load %arg10[%get3A_595, %get3A_596] {strides = array<i32>} : memref<32x64xf32, #tpu.memory_space<vmem>>, vector<1x16xf32>,
    %get3A_598 = vector.shape_cast %get3A_597 : vector<1x16xf32> to vector<16xf32>
    %mul3A_599 = arith.mulf %get3A_593, %get3A_598 : vector<16xf32>
    %swap3A_600 = arith.constant 8 : i32
    %swap3A_601 = arith.index_cast %swap3A_600 : i32 to index
    %swap3A_602 = arith.constant 32 : index
    %swap3A_603 = tpu.vector_load %arg9[%swap3A_601, %swap3A_602] {strides = array<i32>} : memref<32x64xf32, #tpu.memory_space<vmem>>, vector<1x16xf32>,
    %swap3A_604 = vector.shape_cast %swap3A_603 : vector<1x16xf32> to vector<16xf32>
    %swap3A_605 = vector.shape_cast %mul3A_599 : vector<16xf32> to vector<1x16xf32>
    tpu.vector_store %arg9[%swap3A_601, %swap3A_602], %swap3A_605 {strides = array<i32>} : memref<32x64xf32, #tpu.memory_space<vmem>>, vector<1x16xf32>,
    %get3A_606 = arith.constant 8 : i32
    %get3A_607 = arith.index_cast %get3A_606 : i32 to index
    %get3A_608 = arith.constant 48 : index
    %get3A_609 = tpu.vector_load %arg9[%get3A_607, %get3A_608] {strides = array<i32>} : memref<32x64xf32, #tpu.memory_space<vmem>>, vector<1x16xf32>,
    %get3A_610 = vector.shape_cast %get3A_609 : vector<1x16xf32> to vector<16xf32>
    %get3A_611 = arith.constant 8 : i32
    %get3A_612 = arith.index_cast %get3A_611 : i32 to index
    %get3A_613 = arith.constant 48 : index
    %get3A_614 = tpu.vector_load %arg10[%get3A_612, %get3A_613] {strides = array<i32>} : memref<32x64xf32, #tpu.memory_space<vmem>>, vector<1x16xf32>,
    %get3A_615 = vector.shape_cast %get3A_614 : vector<1x16xf32> to vector<16xf32>
    %mul3A_616 = arith.mulf %get3A_610, %get3A_615 : vector<16xf32>
    %swap3A_617 = arith.constant 8 : i32
    %swap3A_618 = arith.index_cast %swap3A_617 : i32 to index
    %swap3A_619 = arith.constant 48 : index
    %swap3A_620 = tpu.vector_load %arg9[%swap3A_618, %swap3A_619] {strides = array<i32>} : memref<32x64xf32, #tpu.memory_space<vmem>>, vector<1x16xf32>,
    %swap3A_621 = vector.shape_cast %swap3A_620 : vector<1x16xf32> to vector<16xf32>
    %swap3A_622 = vector.shape_cast %mul3A_616 : vector<16xf32> to vector<1x16xf32>
    tpu.vector_store %arg9[%swap3A_618, %swap3A_619], %swap3A_622 {strides = array<i32>} : memref<32x64xf32, #tpu.memory_space<vmem>>, vector<1x16xf32>,
    %get3A_623 = arith.constant 9 : i32
    %get3A_624 = arith.index_cast %get3A_623 : i32 to index
    %get3A_625 = arith.constant 0 : index
    %get3A_626 = tpu.vector_load %arg9[%get3A_624, %get3A_625] {strides = array<i32>} : memref<32x64xf32, #tpu.memory_space<vmem>>, vector<1x16xf32>,
    %get3A_627 = vector.shape_cast %get3A_626 : vector<1x16xf32> to vector<16xf32>
    %get3A_628 = arith.constant 9 : i32
    %get3A_629 = arith.index_cast %get3A_628 : i32 to index
    %get3A_630 = arith.constant 0 : index
    %get3A_631 = tpu.vector_load %arg10[%get3A_629, %get3A_630] {strides = array<i32>} : memref<32x64xf32, #tpu.memory_space<vmem>>, vector<1x16xf32>,
    %get3A_632 = vector.shape_cast %get3A_631 : vector<1x16xf32> to vector<16xf32>
    %mul3A_633 = arith.mulf %get3A_627, %get3A_632 : vector<16xf32>
    %swap3A_634 = arith.constant 9 : i32
    %swap3A_635 = arith.index_cast %swap3A_634 : i32 to index
    %swap3A_636 = arith.constant 0 : index
    %swap3A_637 = tpu.vector_load %arg9[%swap3A_635, %swap3A_636] {strides = array<i32>} : memref<32x64xf32, #tpu.memory_space<vmem>>, vector<1x16xf32>,
    %swap3A_638 = vector.shape_cast %swap3A_637 : vector<1x16xf32> to vector<16xf32>
    %swap3A_639 = vector.shape_cast %mul3A_633 : vector<16xf32> to vector<1x16xf32>
    tpu.vector_store %arg9[%swap3A_635, %swap3A_636], %swap3A_639 {strides = array<i32>} : memref<32x64xf32, #tpu.memory_space<vmem>>, vector<1x16xf32>,
    %get3A_640 = arith.constant 9 : i32
    %get3A_641 = arith.index_cast %get3A_640 : i32 to index
    %get3A_642 = arith.constant 16 : index
    %get3A_643 = tpu.vector_load %arg9[%get3A_641, %get3A_642] {strides = array<i32>} : memref<32x64xf32, #tpu.memory_space<vmem>>, vector<1x16xf32>,
    %get3A_644 = vector.shape_cast %get3A_643 : vector<1x16xf32> to vector<16xf32>
    %get3A_645 = arith.constant 9 : i32
    %get3A_646 = arith.index_cast %get3A_645 : i32 to index
    %get3A_647 = arith.constant 16 : index
    %get3A_648 = tpu.vector_load %arg10[%get3A_646, %get3A_647] {strides = array<i32>} : memref<32x64xf32, #tpu.memory_space<vmem>>, vector<1x16xf32>,
    %get3A_649 = vector.shape_cast %get3A_648 : vector<1x16xf32> to vector<16xf32>
    %mul3A_650 = arith.mulf %get3A_644, %get3A_649 : vector<16xf32>
    %swap3A_651 = arith.constant 9 : i32
    %swap3A_652 = arith.index_cast %swap3A_651 : i32 to index
    %swap3A_653 = arith.constant 16 : index
    %swap3A_654 = tpu.vector_load %arg9[%swap3A_652, %swap3A_653] {strides = array<i32>} : memref<32x64xf32, #tpu.memory_space<vmem>>, vector<1x16xf32>,
    %swap3A_655 = vector.shape_cast %swap3A_654 : vector<1x16xf32> to vector<16xf32>
    %swap3A_656 = vector.shape_cast %mul3A_650 : vector<16xf32> to vector<1x16xf32>
    tpu.vector_store %arg9[%swap3A_652, %swap3A_653], %swap3A_656 {strides = array<i32>} : memref<32x64xf32, #tpu.memory_space<vmem>>, vector<1x16xf32>,
    %get3A_657 = arith.constant 9 : i32
    %get3A_658 = arith.index_cast %get3A_657 : i32 to index
    %get3A_659 = arith.constant 32 : index
    %get3A_660 = tpu.vector_load %arg9[%get3A_658, %get3A_659] {strides = array<i32>} : memref<32x64xf32, #tpu.memory_space<vmem>>, vector<1x16xf32>,
    %get3A_661 = vector.shape_cast %get3A_660 : vector<1x16xf32> to vector<16xf32>
    %get3A_662 = arith.constant 9 : i32
    %get3A_663 = arith.index_cast %get3A_662 : i32 to index
    %get3A_664 = arith.constant 32 : index
    %get3A_665 = tpu.vector_load %arg10[%get3A_663, %get3A_664] {strides = array<i32>} : memref<32x64xf32, #tpu.memory_space<vmem>>, vector<1x16xf32>,
    %get3A_666 = vector.shape_cast %get3A_665 : vector<1x16xf32> to vector<16xf32>
    %mul3A_667 = arith.mulf %get3A_661, %get3A_666 : vector<16xf32>
    %swap3A_668 = arith.constant 9 : i32
    %swap3A_669 = arith.index_cast %swap3A_668 : i32 to index
    %swap3A_670 = arith.constant 32 : index
    %swap3A_671 = tpu.vector_load %arg9[%swap3A_669, %swap3A_670] {strides = array<i32>} : memref<32x64xf32, #tpu.memory_space<vmem>>, vector<1x16xf32>,
    %swap3A_672 = vector.shape_cast %swap3A_671 : vector<1x16xf32> to vector<16xf32>
    %swap3A_673 = vector.shape_cast %mul3A_667 : vector<16xf32> to vector<1x16xf32>
    tpu.vector_store %arg9[%swap3A_669, %swap3A_670], %swap3A_673 {strides = array<i32>} : memref<32x64xf32, #tpu.memory_space<vmem>>, vector<1x16xf32>,
    %get3A_674 = arith.constant 9 : i32
    %get3A_675 = arith.index_cast %get3A_674 : i32 to index
    %get3A_676 = arith.constant 48 : index
    %get3A_677 = tpu.vector_load %arg9[%get3A_675, %get3A_676] {strides = array<i32>} : memref<32x64xf32, #tpu.memory_space<vmem>>, vector<1x16xf32>,
    %get3A_678 = vector.shape_cast %get3A_677 : vector<1x16xf32> to vector<16xf32>
    %get3A_679 = arith.constant 9 : i32
    %get3A_680 = arith.index_cast %get3A_679 : i32 to index
    %get3A_681 = arith.constant 48 : index
    %get3A_682 = tpu.vector_load %arg10[%get3A_680, %get3A_681] {strides = array<i32>} : memref<32x64xf32, #tpu.memory_space<vmem>>, vector<1x16xf32>,
    %get3A_683 = vector.shape_cast %get3A_682 : vector<1x16xf32> to vector<16xf32>
    %mul3A_684 = arith.mulf %get3A_678, %get3A_683 : vector<16xf32>
    %swap3A_685 = arith.constant 9 : i32
    %swap3A_686 = arith.index_cast %swap3A_685 : i32 to index
    %swap3A_687 = arith.constant 48 : index
    %swap3A_688 = tpu.vector_load %arg9[%swap3A_686, %swap3A_687] {strides = array<i32>} : memref<32x64xf32, #tpu.memory_space<vmem>>, vector<1x16xf32>,
    %swap3A_689 = vector.shape_cast %swap3A_688 : vector<1x16xf32> to vector<16xf32>
    %swap3A_690 = vector.shape_cast %mul3A_684 : vector<16xf32> to vector<1x16xf32>
    tpu.vector_store %arg9[%swap3A_686, %swap3A_687], %swap3A_690 {strides = array<i32>} : memref<32x64xf32, #tpu.memory_space<vmem>>, vector<1x16xf32>,
    %get3A_691 = arith.constant 10 : i32
    %get3A_692 = arith.index_cast %get3A_691 : i32 to index
    %get3A_693 = arith.constant 0 : index
    %get3A_694 = tpu.vector_load %arg9[%get3A_692, %get3A_693] {strides = array<i32>} : memref<32x64xf32, #tpu.memory_space<vmem>>, vector<1x16xf32>,
    %get3A_695 = vector.shape_cast %get3A_694 : vector<1x16xf32> to vector<16xf32>
    %get3A_696 = arith.constant 10 : i32
    %get3A_697 = arith.index_cast %get3A_696 : i32 to index
    %get3A_698 = arith.constant 0 : index
    %get3A_699 = tpu.vector_load %arg10[%get3A_697, %get3A_698] {strides = array<i32>} : memref<32x64xf32, #tpu.memory_space<vmem>>, vector<1x16xf32>,
    %get3A_700 = vector.shape_cast %get3A_699 : vector<1x16xf32> to vector<16xf32>
    %mul3A_701 = arith.mulf %get3A_695, %get3A_700 : vector<16xf32>
    %swap3A_702 = arith.constant 10 : i32
    %swap3A_703 = arith.index_cast %swap3A_702 : i32 to index
    %swap3A_704 = arith.constant 0 : index
    %swap3A_705 = tpu.vector_load %arg9[%swap3A_703, %swap3A_704] {strides = array<i32>} : memref<32x64xf32, #tpu.memory_space<vmem>>, vector<1x16xf32>,
    %swap3A_706 = vector.shape_cast %swap3A_705 : vector<1x16xf32> to vector<16xf32>
    %swap3A_707 = vector.shape_cast %mul3A_701 : vector<16xf32> to vector<1x16xf32>
    tpu.vector_store %arg9[%swap3A_703, %swap3A_704], %swap3A_707 {strides = array<i32>} : memref<32x64xf32, #tpu.memory_space<vmem>>, vector<1x16xf32>,
    %get3A_708 = arith.constant 10 : i32
    %get3A_709 = arith.index_cast %get3A_708 : i32 to index
    %get3A_710 = arith.constant 16 : index
    %get3A_711 = tpu.vector_load %arg9[%get3A_709, %get3A_710] {strides = array<i32>} : memref<32x64xf32, #tpu.memory_space<vmem>>, vector<1x16xf32>,
    %get3A_712 = vector.shape_cast %get3A_711 : vector<1x16xf32> to vector<16xf32>
    %get3A_713 = arith.constant 10 : i32
    %get3A_714 = arith.index_cast %get3A_713 : i32 to index
    %get3A_715 = arith.constant 16 : index
    %get3A_716 = tpu.vector_load %arg10[%get3A_714, %get3A_715] {strides = array<i32>} : memref<32x64xf32, #tpu.memory_space<vmem>>, vector<1x16xf32>,
    %get3A_717 = vector.shape_cast %get3A_716 : vector<1x16xf32> to vector<16xf32>
    %mul3A_718 = arith.mulf %get3A_712, %get3A_717 : vector<16xf32>
    %swap3A_719 = arith.constant 10 : i32
    %swap3A_720 = arith.index_cast %swap3A_719 : i32 to index
    %swap3A_721 = arith.constant 16 : index
    %swap3A_722 = tpu.vector_load %arg9[%swap3A_720, %swap3A_721] {strides = array<i32>} : memref<32x64xf32, #tpu.memory_space<vmem>>, vector<1x16xf32>,
    %swap3A_723 = vector.shape_cast %swap3A_722 : vector<1x16xf32> to vector<16xf32>
    %swap3A_724 = vector.shape_cast %mul3A_718 : vector<16xf32> to vector<1x16xf32>
    tpu.vector_store %arg9[%swap3A_720, %swap3A_721], %swap3A_724 {strides = array<i32>} : memref<32x64xf32, #tpu.memory_space<vmem>>, vector<1x16xf32>,
    %get3A_725 = arith.constant 10 : i32
    %get3A_726 = arith.index_cast %get3A_725 : i32 to index
    %get3A_727 = arith.constant 32 : index
    %get3A_728 = tpu.vector_load %arg9[%get3A_726, %get3A_727] {strides = array<i32>} : memref<32x64xf32, #tpu.memory_space<vmem>>, vector<1x16xf32>,
    %get3A_729 = vector.shape_cast %get3A_728 : vector<1x16xf32> to vector<16xf32>
    %get3A_730 = arith.constant 10 : i32
    %get3A_731 = arith.index_cast %get3A_730 : i32 to index
    %get3A_732 = arith.constant 32 : index
    %get3A_733 = tpu.vector_load %arg10[%get3A_731, %get3A_732] {strides = array<i32>} : memref<32x64xf32, #tpu.memory_space<vmem>>, vector<1x16xf32>,
    %get3A_734 = vector.shape_cast %get3A_733 : vector<1x16xf32> to vector<16xf32>
    %mul3A_735 = arith.mulf %get3A_729, %get3A_734 : vector<16xf32>
    %swap3A_736 = arith.constant 10 : i32
    %swap3A_737 = arith.index_cast %swap3A_736 : i32 to index
    %swap3A_738 = arith.constant 32 : index
    %swap3A_739 = tpu.vector_load %arg9[%swap3A_737, %swap3A_738] {strides = array<i32>} : memref<32x64xf32, #tpu.memory_space<vmem>>, vector<1x16xf32>,
    %swap3A_740 = vector.shape_cast %swap3A_739 : vector<1x16xf32> to vector<16xf32>
    %swap3A_741 = vector.shape_cast %mul3A_735 : vector<16xf32> to vector<1x16xf32>
    tpu.vector_store %arg9[%swap3A_737, %swap3A_738], %swap3A_741 {strides = array<i32>} : memref<32x64xf32, #tpu.memory_space<vmem>>, vector<1x16xf32>,
    %get3A_742 = arith.constant 10 : i32
    %get3A_743 = arith.index_cast %get3A_742 : i32 to index
    %get3A_744 = arith.constant 48 : index
    %get3A_745 = tpu.vector_load %arg9[%get3A_743, %get3A_744] {strides = array<i32>} : memref<32x64xf32, #tpu.memory_space<vmem>>, vector<1x16xf32>,
    %get3A_746 = vector.shape_cast %get3A_745 : vector<1x16xf32> to vector<16xf32>
    %get3A_747 = arith.constant 10 : i32
    %get3A_748 = arith.index_cast %get3A_747 : i32 to index
    %get3A_749 = arith.constant 48 : index
    %get3A_750 = tpu.vector_load %arg10[%get3A_748, %get3A_749] {strides = array<i32>} : memref<32x64xf32, #tpu.memory_space<vmem>>, vector<1x16xf32>,
    %get3A_751 = vector.shape_cast %get3A_750 : vector<1x16xf32> to vector<16xf32>
    %mul3A_752 = arith.mulf %get3A_746, %get3A_751 : vector<16xf32>
    %swap3A_753 = arith.constant 10 : i32
    %swap3A_754 = arith.index_cast %swap3A_753 : i32 to index
    %swap3A_755 = arith.constant 48 : index
    %swap3A_756 = tpu.vector_load %arg9[%swap3A_754, %swap3A_755] {strides = array<i32>} : memref<32x64xf32, #tpu.memory_space<vmem>>, vector<1x16xf32>,
    %swap3A_757 = vector.shape_cast %swap3A_756 : vector<1x16xf32> to vector<16xf32>
    %swap3A_758 = vector.shape_cast %mul3A_752 : vector<16xf32> to vector<1x16xf32>
    tpu.vector_store %arg9[%swap3A_754, %swap3A_755], %swap3A_758 {strides = array<i32>} : memref<32x64xf32, #tpu.memory_space<vmem>>, vector<1x16xf32>,
    %get3A_759 = arith.constant 11 : i32
    %get3A_760 = arith.index_cast %get3A_759 : i32 to index
    %get3A_761 = arith.constant 0 : index
    %get3A_762 = tpu.vector_load %arg9[%get3A_760, %get3A_761] {strides = array<i32>} : memref<32x64xf32, #tpu.memory_space<vmem>>, vector<1x16xf32>,
    %get3A_763 = vector.shape_cast %get3A_762 : vector<1x16xf32> to vector<16xf32>
    %get3A_764 = arith.constant 11 : i32
    %get3A_765 = arith.index_cast %get3A_764 : i32 to index
    %get3A_766 = arith.constant 0 : index
    %get3A_767 = tpu.vector_load %arg10[%get3A_765, %get3A_766] {strides = array<i32>} : memref<32x64xf32, #tpu.memory_space<vmem>>, vector<1x16xf32>,
    %get3A_768 = vector.shape_cast %get3A_767 : vector<1x16xf32> to vector<16xf32>
    %mul3A_769 = arith.mulf %get3A_763, %get3A_768 : vector<16xf32>
    %swap3A_770 = arith.constant 11 : i32
    %swap3A_771 = arith.index_cast %swap3A_770 : i32 to index
    %swap3A_772 = arith.constant 0 : index
    %swap3A_773 = tpu.vector_load %arg9[%swap3A_771, %swap3A_772] {strides = array<i32>} : memref<32x64xf32, #tpu.memory_space<vmem>>, vector<1x16xf32>,
    %swap3A_774 = vector.shape_cast %swap3A_773 : vector<1x16xf32> to vector<16xf32>
    %swap3A_775 = vector.shape_cast %mul3A_769 : vector<16xf32> to vector<1x16xf32>
    tpu.vector_store %arg9[%swap3A_771, %swap3A_772], %swap3A_775 {strides = array<i32>} : memref<32x64xf32, #tpu.memory_space<vmem>>, vector<1x16xf32>,
    %get3A_776 = arith.constant 11 : i32
    %get3A_777 = arith.index_cast %get3A_776 : i32 to index
    %get3A_778 = arith.constant 16 : index
    %get3A_779 = tpu.vector_load %arg9[%get3A_777, %get3A_778] {strides = array<i32>} : memref<32x64xf32, #tpu.memory_space<vmem>>, vector<1x16xf32>,
    %get3A_780 = vector.shape_cast %get3A_779 : vector<1x16xf32> to vector<16xf32>
    %get3A_781 = arith.constant 11 : i32
    %get3A_782 = arith.index_cast %get3A_781 : i32 to index
    %get3A_783 = arith.constant 16 : index
    %get3A_784 = tpu.vector_load %arg10[%get3A_782, %get3A_783] {strides = array<i32>} : memref<32x64xf32, #tpu.memory_space<vmem>>, vector<1x16xf32>,
    %get3A_785 = vector.shape_cast %get3A_784 : vector<1x16xf32> to vector<16xf32>
    %mul3A_786 = arith.mulf %get3A_780, %get3A_785 : vector<16xf32>
    %swap3A_787 = arith.constant 11 : i32
    %swap3A_788 = arith.index_cast %swap3A_787 : i32 to index
    %swap3A_789 = arith.constant 16 : index
    %swap3A_790 = tpu.vector_load %arg9[%swap3A_788, %swap3A_789] {strides = array<i32>} : memref<32x64xf32, #tpu.memory_space<vmem>>, vector<1x16xf32>,
    %swap3A_791 = vector.shape_cast %swap3A_790 : vector<1x16xf32> to vector<16xf32>
    %swap3A_792 = vector.shape_cast %mul3A_786 : vector<16xf32> to vector<1x16xf32>
    tpu.vector_store %arg9[%swap3A_788, %swap3A_789], %swap3A_792 {strides = array<i32>} : memref<32x64xf32, #tpu.memory_space<vmem>>, vector<1x16xf32>,
    %get3A_793 = arith.constant 11 : i32
    %get3A_794 = arith.index_cast %get3A_793 : i32 to index
    %get3A_795 = arith.constant 32 : index
    %get3A_796 = tpu.vector_load %arg9[%get3A_794, %get3A_795] {strides = array<i32>} : memref<32x64xf32, #tpu.memory_space<vmem>>, vector<1x16xf32>,
    %get3A_797 = vector.shape_cast %get3A_796 : vector<1x16xf32> to vector<16xf32>
    %get3A_798 = arith.constant 11 : i32
    %get3A_799 = arith.index_cast %get3A_798 : i32 to index
    %get3A_800 = arith.constant 32 : index
    %get3A_801 = tpu.vector_load %arg10[%get3A_799, %get3A_800] {strides = array<i32>} : memref<32x64xf32, #tpu.memory_space<vmem>>, vector<1x16xf32>,
    %get3A_802 = vector.shape_cast %get3A_801 : vector<1x16xf32> to vector<16xf32>
    %mul3A_803 = arith.mulf %get3A_797, %get3A_802 : vector<16xf32>
    %swap3A_804 = arith.constant 11 : i32
    %swap3A_805 = arith.index_cast %swap3A_804 : i32 to index
    %swap3A_806 = arith.constant 32 : index
    %swap3A_807 = tpu.vector_load %arg9[%swap3A_805, %swap3A_806] {strides = array<i32>} : memref<32x64xf32, #tpu.memory_space<vmem>>, vector<1x16xf32>,
    %swap3A_808 = vector.shape_cast %swap3A_807 : vector<1x16xf32> to vector<16xf32>
    %swap3A_809 = vector.shape_cast %mul3A_803 : vector<16xf32> to vector<1x16xf32>
    tpu.vector_store %arg9[%swap3A_805, %swap3A_806], %swap3A_809 {strides = array<i32>} : memref<32x64xf32, #tpu.memory_space<vmem>>, vector<1x16xf32>,
    %get3A_810 = arith.constant 11 : i32
    %get3A_811 = arith.index_cast %get3A_810 : i32 to index
    %get3A_812 = arith.constant 48 : index
    %get3A_813 = tpu.vector_load %arg9[%get3A_811, %get3A_812] {strides = array<i32>} : memref<32x64xf32, #tpu.memory_space<vmem>>, vector<1x16xf32>,
    %get3A_814 = vector.shape_cast %get3A_813 : vector<1x16xf32> to vector<16xf32>
    %get3A_815 = arith.constant 11 : i32
    %get3A_816 = arith.index_cast %get3A_815 : i32 to index
    %get3A_817 = arith.constant 48 : index
    %get3A_818 = tpu.vector_load %arg10[%get3A_816, %get3A_817] {strides = array<i32>} : memref<32x64xf32, #tpu.memory_space<vmem>>, vector<1x16xf32>,
    %get3A_819 = vector.shape_cast %get3A_818 : vector<1x16xf32> to vector<16xf32>
    %mul3A_820 = arith.mulf %get3A_814, %get3A_819 : vector<16xf32>
    %swap3A_821 = arith.constant 11 : i32
    %swap3A_822 = arith.index_cast %swap3A_821 : i32 to index
    %swap3A_823 = arith.constant 48 : index
    %swap3A_824 = tpu.vector_load %arg9[%swap3A_822, %swap3A_823] {strides = array<i32>} : memref<32x64xf32, #tpu.memory_space<vmem>>, vector<1x16xf32>,
    %swap3A_825 = vector.shape_cast %swap3A_824 : vector<1x16xf32> to vector<16xf32>
    %swap3A_826 = vector.shape_cast %mul3A_820 : vector<16xf32> to vector<1x16xf32>
    tpu.vector_store %arg9[%swap3A_822, %swap3A_823], %swap3A_826 {strides = array<i32>} : memref<32x64xf32, #tpu.memory_space<vmem>>, vector<1x16xf32>,
    %get3A_827 = arith.constant 12 : i32
    %get3A_828 = arith.index_cast %get3A_827 : i32 to index
    %get3A_829 = arith.constant 0 : index
    %get3A_830 = tpu.vector_load %arg9[%get3A_828, %get3A_829] {strides = array<i32>} : memref<32x64xf32, #tpu.memory_space<vmem>>, vector<1x16xf32>,
    %get3A_831 = vector.shape_cast %get3A_830 : vector<1x16xf32> to vector<16xf32>
    %get3A_832 = arith.constant 12 : i32
    %get3A_833 = arith.index_cast %get3A_832 : i32 to index
    %get3A_834 = arith.constant 0 : index
    %get3A_835 = tpu.vector_load %arg10[%get3A_833, %get3A_834] {strides = array<i32>} : memref<32x64xf32, #tpu.memory_space<vmem>>, vector<1x16xf32>,
    %get3A_836 = vector.shape_cast %get3A_835 : vector<1x16xf32> to vector<16xf32>
    %mul3A_837 = arith.mulf %get3A_831, %get3A_836 : vector<16xf32>
    %swap3A_838 = arith.constant 12 : i32
    %swap3A_839 = arith.index_cast %swap3A_838 : i32 to index
    %swap3A_840 = arith.constant 0 : index
    %swap3A_841 = tpu.vector_load %arg9[%swap3A_839, %swap3A_840] {strides = array<i32>} : memref<32x64xf32, #tpu.memory_space<vmem>>, vector<1x16xf32>,
    %swap3A_842 = vector.shape_cast %swap3A_841 : vector<1x16xf32> to vector<16xf32>
    %swap3A_843 = vector.shape_cast %mul3A_837 : vector<16xf32> to vector<1x16xf32>
    tpu.vector_store %arg9[%swap3A_839, %swap3A_840], %swap3A_843 {strides = array<i32>} : memref<32x64xf32, #tpu.memory_space<vmem>>, vector<1x16xf32>,
    %get3A_844 = arith.constant 12 : i32
    %get3A_845 = arith.index_cast %get3A_844 : i32 to index
    %get3A_846 = arith.constant 16 : index
    %get3A_847 = tpu.vector_load %arg9[%get3A_845, %get3A_846] {strides = array<i32>} : memref<32x64xf32, #tpu.memory_space<vmem>>, vector<1x16xf32>,
    %get3A_848 = vector.shape_cast %get3A_847 : vector<1x16xf32> to vector<16xf32>
    %get3A_849 = arith.constant 12 : i32
    %get3A_850 = arith.index_cast %get3A_849 : i32 to index
    %get3A_851 = arith.constant 16 : index
    %get3A_852 = tpu.vector_load %arg10[%get3A_850, %get3A_851] {strides = array<i32>} : memref<32x64xf32, #tpu.memory_space<vmem>>, vector<1x16xf32>,
    %get3A_853 = vector.shape_cast %get3A_852 : vector<1x16xf32> to vector<16xf32>
    %mul3A_854 = arith.mulf %get3A_848, %get3A_853 : vector<16xf32>
    %swap3A_855 = arith.constant 12 : i32
    %swap3A_856 = arith.index_cast %swap3A_855 : i32 to index
    %swap3A_857 = arith.constant 16 : index
    %swap3A_858 = tpu.vector_load %arg9[%swap3A_856, %swap3A_857] {strides = array<i32>} : memref<32x64xf32, #tpu.memory_space<vmem>>, vector<1x16xf32>,
    %swap3A_859 = vector.shape_cast %swap3A_858 : vector<1x16xf32> to vector<16xf32>
    %swap3A_860 = vector.shape_cast %mul3A_854 : vector<16xf32> to vector<1x16xf32>
    tpu.vector_store %arg9[%swap3A_856, %swap3A_857], %swap3A_860 {strides = array<i32>} : memref<32x64xf32, #tpu.memory_space<vmem>>, vector<1x16xf32>,
    %get3A_861 = arith.constant 12 : i32
    %get3A_862 = arith.index_cast %get3A_861 : i32 to index
    %get3A_863 = arith.constant 32 : index
    %get3A_864 = tpu.vector_load %arg9[%get3A_862, %get3A_863] {strides = array<i32>} : memref<32x64xf32, #tpu.memory_space<vmem>>, vector<1x16xf32>,
    %get3A_865 = vector.shape_cast %get3A_864 : vector<1x16xf32> to vector<16xf32>
    %get3A_866 = arith.constant 12 : i32
    %get3A_867 = arith.index_cast %get3A_866 : i32 to index
    %get3A_868 = arith.constant 32 : index
    %get3A_869 = tpu.vector_load %arg10[%get3A_867, %get3A_868] {strides = array<i32>} : memref<32x64xf32, #tpu.memory_space<vmem>>, vector<1x16xf32>,
    %get3A_870 = vector.shape_cast %get3A_869 : vector<1x16xf32> to vector<16xf32>
    %mul3A_871 = arith.mulf %get3A_865, %get3A_870 : vector<16xf32>
    %swap3A_872 = arith.constant 12 : i32
    %swap3A_873 = arith.index_cast %swap3A_872 : i32 to index
    %swap3A_874 = arith.constant 32 : index
    %swap3A_875 = tpu.vector_load %arg9[%swap3A_873, %swap3A_874] {strides = array<i32>} : memref<32x64xf32, #tpu.memory_space<vmem>>, vector<1x16xf32>,
    %swap3A_876 = vector.shape_cast %swap3A_875 : vector<1x16xf32> to vector<16xf32>
    %swap3A_877 = vector.shape_cast %mul3A_871 : vector<16xf32> to vector<1x16xf32>
    tpu.vector_store %arg9[%swap3A_873, %swap3A_874], %swap3A_877 {strides = array<i32>} : memref<32x64xf32, #tpu.memory_space<vmem>>, vector<1x16xf32>,
    %get3A_878 = arith.constant 12 : i32
    %get3A_879 = arith.index_cast %get3A_878 : i32 to index
    %get3A_880 = arith.constant 48 : index
    %get3A_881 = tpu.vector_load %arg9[%get3A_879, %get3A_880] {strides = array<i32>} : memref<32x64xf32, #tpu.memory_space<vmem>>, vector<1x16xf32>,
    %get3A_882 = vector.shape_cast %get3A_881 : vector<1x16xf32> to vector<16xf32>
    %get3A_883 = arith.constant 12 : i32
    %get3A_884 = arith.index_cast %get3A_883 : i32 to index
    %get3A_885 = arith.constant 48 : index
    %get3A_886 = tpu.vector_load %arg10[%get3A_884, %get3A_885] {strides = array<i32>} : memref<32x64xf32, #tpu.memory_space<vmem>>, vector<1x16xf32>,
    %get3A_887 = vector.shape_cast %get3A_886 : vector<1x16xf32> to vector<16xf32>
    %mul3A_888 = arith.mulf %get3A_882, %get3A_887 : vector<16xf32>
    %swap3A_889 = arith.constant 12 : i32
    %swap3A_890 = arith.index_cast %swap3A_889 : i32 to index
    %swap3A_891 = arith.constant 48 : index
    %swap3A_892 = tpu.vector_load %arg9[%swap3A_890, %swap3A_891] {strides = array<i32>} : memref<32x64xf32, #tpu.memory_space<vmem>>, vector<1x16xf32>,
    %swap3A_893 = vector.shape_cast %swap3A_892 : vector<1x16xf32> to vector<16xf32>
    %swap3A_894 = vector.shape_cast %mul3A_888 : vector<16xf32> to vector<1x16xf32>
    tpu.vector_store %arg9[%swap3A_890, %swap3A_891], %swap3A_894 {strides = array<i32>} : memref<32x64xf32, #tpu.memory_space<vmem>>, vector<1x16xf32>,
    %get3A_895 = arith.constant 13 : i32
    %get3A_896 = arith.index_cast %get3A_895 : i32 to index
    %get3A_897 = arith.constant 0 : index
    %get3A_898 = tpu.vector_load %arg9[%get3A_896, %get3A_897] {strides = array<i32>} : memref<32x64xf32, #tpu.memory_space<vmem>>, vector<1x16xf32>,
    %get3A_899 = vector.shape_cast %get3A_898 : vector<1x16xf32> to vector<16xf32>
    %get3A_900 = arith.constant 13 : i32
    %get3A_901 = arith.index_cast %get3A_900 : i32 to index
    %get3A_902 = arith.constant 0 : index
    %get3A_903 = tpu.vector_load %arg10[%get3A_901, %get3A_902] {strides = array<i32>} : memref<32x64xf32, #tpu.memory_space<vmem>>, vector<1x16xf32>,
    %get3A_904 = vector.shape_cast %get3A_903 : vector<1x16xf32> to vector<16xf32>
    %mul3A_905 = arith.mulf %get3A_899, %get3A_904 : vector<16xf32>
    %swap3A_906 = arith.constant 13 : i32
    %swap3A_907 = arith.index_cast %swap3A_906 : i32 to index
    %swap3A_908 = arith.constant 0 : index
    %swap3A_909 = tpu.vector_load %arg9[%swap3A_907, %swap3A_908] {strides = array<i32>} : memref<32x64xf32, #tpu.memory_space<vmem>>, vector<1x16xf32>,
    %swap3A_910 = vector.shape_cast %swap3A_909 : vector<1x16xf32> to vector<16xf32>
    %swap3A_911 = vector.shape_cast %mul3A_905 : vector<16xf32> to vector<1x16xf32>
    tpu.vector_store %arg9[%swap3A_907, %swap3A_908], %swap3A_911 {strides = array<i32>} : memref<32x64xf32, #tpu.memory_space<vmem>>, vector<1x16xf32>,
    %get3A_912 = arith.constant 13 : i32
    %get3A_913 = arith.index_cast %get3A_912 : i32 to index
    %get3A_914 = arith.constant 16 : index
    %get3A_915 = tpu.vector_load %arg9[%get3A_913, %get3A_914] {strides = array<i32>} : memref<32x64xf32, #tpu.memory_space<vmem>>, vector<1x16xf32>,
    %get3A_916 = vector.shape_cast %get3A_915 : vector<1x16xf32> to vector<16xf32>
    %get3A_917 = arith.constant 13 : i32
    %get3A_918 = arith.index_cast %get3A_917 : i32 to index
    %get3A_919 = arith.constant 16 : index
    %get3A_920 = tpu.vector_load %arg10[%get3A_918, %get3A_919] {strides = array<i32>} : memref<32x64xf32, #tpu.memory_space<vmem>>, vector<1x16xf32>,
    %get3A_921 = vector.shape_cast %get3A_920 : vector<1x16xf32> to vector<16xf32>
    %mul3A_922 = arith.mulf %get3A_916, %get3A_921 : vector<16xf32>
    %swap3A_923 = arith.constant 13 : i32
    %swap3A_924 = arith.index_cast %swap3A_923 : i32 to index
    %swap3A_925 = arith.constant 16 : index
    %swap3A_926 = tpu.vector_load %arg9[%swap3A_924, %swap3A_925] {strides = array<i32>} : memref<32x64xf32, #tpu.memory_space<vmem>>, vector<1x16xf32>,
    %swap3A_927 = vector.shape_cast %swap3A_926 : vector<1x16xf32> to vector<16xf32>
    %swap3A_928 = vector.shape_cast %mul3A_922 : vector<16xf32> to vector<1x16xf32>
    tpu.vector_store %arg9[%swap3A_924, %swap3A_925], %swap3A_928 {strides = array<i32>} : memref<32x64xf32, #tpu.memory_space<vmem>>, vector<1x16xf32>,
    %get3A_929 = arith.constant 13 : i32
    %get3A_930 = arith.index_cast %get3A_929 : i32 to index
    %get3A_931 = arith.constant 32 : index
    %get3A_932 = tpu.vector_load %arg9[%get3A_930, %get3A_931] {strides = array<i32>} : memref<32x64xf32, #tpu.memory_space<vmem>>, vector<1x16xf32>,
    %get3A_933 = vector.shape_cast %get3A_932 : vector<1x16xf32> to vector<16xf32>
    %get3A_934 = arith.constant 13 : i32
    %get3A_935 = arith.index_cast %get3A_934 : i32 to index
    %get3A_936 = arith.constant 32 : index
    %get3A_937 = tpu.vector_load %arg10[%get3A_935, %get3A_936] {strides = array<i32>} : memref<32x64xf32, #tpu.memory_space<vmem>>, vector<1x16xf32>,
    %get3A_938 = vector.shape_cast %get3A_937 : vector<1x16xf32> to vector<16xf32>
    %mul3A_939 = arith.mulf %get3A_933, %get3A_938 : vector<16xf32>
    %swap3A_940 = arith.constant 13 : i32
    %swap3A_941 = arith.index_cast %swap3A_940 : i32 to index
    %swap3A_942 = arith.constant 32 : index
    %swap3A_943 = tpu.vector_load %arg9[%swap3A_941, %swap3A_942] {strides = array<i32>} : memref<32x64xf32, #tpu.memory_space<vmem>>, vector<1x16xf32>,
    %swap3A_944 = vector.shape_cast %swap3A_943 : vector<1x16xf32> to vector<16xf32>
    %swap3A_945 = vector.shape_cast %mul3A_939 : vector<16xf32> to vector<1x16xf32>
    tpu.vector_store %arg9[%swap3A_941, %swap3A_942], %swap3A_945 {strides = array<i32>} : memref<32x64xf32, #tpu.memory_space<vmem>>, vector<1x16xf32>,
    %get3A_946 = arith.constant 13 : i32
    %get3A_947 = arith.index_cast %get3A_946 : i32 to index
    %get3A_948 = arith.constant 48 : index
    %get3A_949 = tpu.vector_load %arg9[%get3A_947, %get3A_948] {strides = array<i32>} : memref<32x64xf32, #tpu.memory_space<vmem>>, vector<1x16xf32>,
    %get3A_950 = vector.shape_cast %get3A_949 : vector<1x16xf32> to vector<16xf32>
    %get3A_951 = arith.constant 13 : i32
    %get3A_952 = arith.index_cast %get3A_951 : i32 to index
    %get3A_953 = arith.constant 48 : index
    %get3A_954 = tpu.vector_load %arg10[%get3A_952, %get3A_953] {strides = array<i32>} : memref<32x64xf32, #tpu.memory_space<vmem>>, vector<1x16xf32>,
    %get3A_955 = vector.shape_cast %get3A_954 : vector<1x16xf32> to vector<16xf32>
    %mul3A_956 = arith.mulf %get3A_950, %get3A_955 : vector<16xf32>
    %swap3A_957 = arith.constant 13 : i32
    %swap3A_958 = arith.index_cast %swap3A_957 : i32 to index
    %swap3A_959 = arith.constant 48 : index
    %swap3A_960 = tpu.vector_load %arg9[%swap3A_958, %swap3A_959] {strides = array<i32>} : memref<32x64xf32, #tpu.memory_space<vmem>>, vector<1x16xf32>,
    %swap3A_961 = vector.shape_cast %swap3A_960 : vector<1x16xf32> to vector<16xf32>
    %swap3A_962 = vector.shape_cast %mul3A_956 : vector<16xf32> to vector<1x16xf32>
    tpu.vector_store %arg9[%swap3A_958, %swap3A_959], %swap3A_962 {strides = array<i32>} : memref<32x64xf32, #tpu.memory_space<vmem>>, vector<1x16xf32>,
    %get3A_963 = arith.constant 14 : i32
    %get3A_964 = arith.index_cast %get3A_963 : i32 to index
    %get3A_965 = arith.constant 0 : index
    %get3A_966 = tpu.vector_load %arg9[%get3A_964, %get3A_965] {strides = array<i32>} : memref<32x64xf32, #tpu.memory_space<vmem>>, vector<1x16xf32>,
    %get3A_967 = vector.shape_cast %get3A_966 : vector<1x16xf32> to vector<16xf32>
    %get3A_968 = arith.constant 14 : i32
    %get3A_969 = arith.index_cast %get3A_968 : i32 to index
    %get3A_970 = arith.constant 0 : index
    %get3A_971 = tpu.vector_load %arg10[%get3A_969, %get3A_970] {strides = array<i32>} : memref<32x64xf32, #tpu.memory_space<vmem>>, vector<1x16xf32>,
    %get3A_972 = vector.shape_cast %get3A_971 : vector<1x16xf32> to vector<16xf32>
    %mul3A_973 = arith.mulf %get3A_967, %get3A_972 : vector<16xf32>
    %swap3A_974 = arith.constant 14 : i32
    %swap3A_975 = arith.index_cast %swap3A_974 : i32 to index
    %swap3A_976 = arith.constant 0 : index
    %swap3A_977 = tpu.vector_load %arg9[%swap3A_975, %swap3A_976] {strides = array<i32>} : memref<32x64xf32, #tpu.memory_space<vmem>>, vector<1x16xf32>,
    %swap3A_978 = vector.shape_cast %swap3A_977 : vector<1x16xf32> to vector<16xf32>
    %swap3A_979 = vector.shape_cast %mul3A_973 : vector<16xf32> to vector<1x16xf32>
    tpu.vector_store %arg9[%swap3A_975, %swap3A_976], %swap3A_979 {strides = array<i32>} : memref<32x64xf32, #tpu.memory_space<vmem>>, vector<1x16xf32>,
    %get3A_980 = arith.constant 14 : i32
    %get3A_981 = arith.index_cast %get3A_980 : i32 to index
    %get3A_982 = arith.constant 16 : index
    %get3A_983 = tpu.vector_load %arg9[%get3A_981, %get3A_982] {strides = array<i32>} : memref<32x64xf32, #tpu.memory_space<vmem>>, vector<1x16xf32>,
    %get3A_984 = vector.shape_cast %get3A_983 : vector<1x16xf32> to vector<16xf32>
    %get3A_985 = arith.constant 14 : i32
    %get3A_986 = arith.index_cast %get3A_985 : i32 to index
    %get3A_987 = arith.constant 16 : index
    %get3A_988 = tpu.vector_load %arg10[%get3A_986, %get3A_987] {strides = array<i32>} : memref<32x64xf32, #tpu.memory_space<vmem>>, vector<1x16xf32>,
    %get3A_989 = vector.shape_cast %get3A_988 : vector<1x16xf32> to vector<16xf32>
    %mul3A_990 = arith.mulf %get3A_984, %get3A_989 : vector<16xf32>
    %swap3A_991 = arith.constant 14 : i32
    %swap3A_992 = arith.index_cast %swap3A_991 : i32 to index
    %swap3A_993 = arith.constant 16 : index
    %swap3A_994 = tpu.vector_load %arg9[%swap3A_992, %swap3A_993] {strides = array<i32>} : memref<32x64xf32, #tpu.memory_space<vmem>>, vector<1x16xf32>,
    %swap3A_995 = vector.shape_cast %swap3A_994 : vector<1x16xf32> to vector<16xf32>
    %swap3A_996 = vector.shape_cast %mul3A_990 : vector<16xf32> to vector<1x16xf32>
    tpu.vector_store %arg9[%swap3A_992, %swap3A_993], %swap3A_996 {strides = array<i32>} : memref<32x64xf32, #tpu.memory_space<vmem>>, vector<1x16xf32>,
    %get3A_997 = arith.constant 14 : i32
    %get3A_998 = arith.index_cast %get3A_997 : i32 to index
    %get3A_999 = arith.constant 32 : index
    %get3A_1000 = tpu.vector_load %arg9[%get3A_998, %get3A_999] {strides = array<i32>} : memref<32x64xf32, #tpu.memory_space<vmem>>, vector<1x16xf32>,
    %get3A_1001 = vector.shape_cast %get3A_1000 : vector<1x16xf32> to vector<16xf32>
    %get3A_1002 = arith.constant 14 : i32
    %get3A_1003 = arith.index_cast %get3A_1002 : i32 to index
    %get3A_1004 = arith.constant 32 : index
    %get3A_1005 = tpu.vector_load %arg10[%get3A_1003, %get3A_1004] {strides = array<i32>} : memref<32x64xf32, #tpu.memory_space<vmem>>, vector<1x16xf32>,
    %get3A_1006 = vector.shape_cast %get3A_1005 : vector<1x16xf32> to vector<16xf32>
    %mul3A_1007 = arith.mulf %get3A_1001, %get3A_1006 : vector<16xf32>
    %swap3A_1008 = arith.constant 14 : i32
    %swap3A_1009 = arith.index_cast %swap3A_1008 : i32 to index
    %swap3A_1010 = arith.constant 32 : index
    %swap3A_1011 = tpu.vector_load %arg9[%swap3A_1009, %swap3A_1010] {strides = array<i32>} : memref<32x64xf32, #tpu.memory_space<vmem>>, vector<1x16xf32>,
    %swap3A_1012 = vector.shape_cast %swap3A_1011 : vector<1x16xf32> to vector<16xf32>
    %swap3A_1013 = vector.shape_cast %mul3A_1007 : vector<16xf32> to vector<1x16xf32>
    tpu.vector_store %arg9[%swap3A_1009, %swap3A_1010], %swap3A_1013 {strides = array<i32>} : memref<32x64xf32, #tpu.memory_space<vmem>>, vector<1x16xf32>,
    %get3A_1014 = arith.constant 14 : i32
    %get3A_1015 = arith.index_cast %get3A_1014 : i32 to index
    %get3A_1016 = arith.constant 48 : index
    %get3A_1017 = tpu.vector_load %arg9[%get3A_1015, %get3A_1016] {strides = array<i32>} : memref<32x64xf32, #tpu.memory_space<vmem>>, vector<1x16xf32>,
    %get3A_1018 = vector.shape_cast %get3A_1017 : vector<1x16xf32> to vector<16xf32>
    %get3A_1019 = arith.constant 14 : i32
    %get3A_1020 = arith.index_cast %get3A_1019 : i32 to index
    %get3A_1021 = arith.constant 48 : index
    %get3A_1022 = tpu.vector_load %arg10[%get3A_1020, %get3A_1021] {strides = array<i32>} : memref<32x64xf32, #tpu.memory_space<vmem>>, vector<1x16xf32>,
    %get3A_1023 = vector.shape_cast %get3A_1022 : vector<1x16xf32> to vector<16xf32>
    %mul3A_1024 = arith.mulf %get3A_1018, %get3A_1023 : vector<16xf32>
    %swap3A_1025 = arith.constant 14 : i32
    %swap3A_1026 = arith.index_cast %swap3A_1025 : i32 to index
    %swap3A_1027 = arith.constant 48 : index
    %swap3A_1028 = tpu.vector_load %arg9[%swap3A_1026, %swap3A_1027] {strides = array<i32>} : memref<32x64xf32, #tpu.memory_space<vmem>>, vector<1x16xf32>,
    %swap3A_1029 = vector.shape_cast %swap3A_1028 : vector<1x16xf32> to vector<16xf32>
    %swap3A_1030 = vector.shape_cast %mul3A_1024 : vector<16xf32> to vector<1x16xf32>
    tpu.vector_store %arg9[%swap3A_1026, %swap3A_1027], %swap3A_1030 {strides = array<i32>} : memref<32x64xf32, #tpu.memory_space<vmem>>, vector<1x16xf32>,
    %get3A_1031 = arith.constant 15 : i32
    %get3A_1032 = arith.index_cast %get3A_1031 : i32 to index
    %get3A_1033 = arith.constant 0 : index
    %get3A_1034 = tpu.vector_load %arg9[%get3A_1032, %get3A_1033] {strides = array<i32>} : memref<32x64xf32, #tpu.memory_space<vmem>>, vector<1x16xf32>,
    %get3A_1035 = vector.shape_cast %get3A_1034 : vector<1x16xf32> to vector<16xf32>
    %get3A_1036 = arith.constant 15 : i32
    %get3A_1037 = arith.index_cast %get3A_1036 : i32 to index
    %get3A_1038 = arith.constant 0 : index
    %get3A_1039 = tpu.vector_load %arg10[%get3A_1037, %get3A_1038] {strides = array<i32>} : memref<32x64xf32, #tpu.memory_space<vmem>>, vector<1x16xf32>,
    %get3A_1040 = vector.shape_cast %get3A_1039 : vector<1x16xf32> to vector<16xf32>
    %mul3A_1041 = arith.mulf %get3A_1035, %get3A_1040 : vector<16xf32>
    %swap3A_1042 = arith.constant 15 : i32
    %swap3A_1043 = arith.index_cast %swap3A_1042 : i32 to index
    %swap3A_1044 = arith.constant 0 : index
    %swap3A_1045 = tpu.vector_load %arg9[%swap3A_1043, %swap3A_1044] {strides = array<i32>} : memref<32x64xf32, #tpu.memory_space<vmem>>, vector<1x16xf32>,
    %swap3A_1046 = vector.shape_cast %swap3A_1045 : vector<1x16xf32> to vector<16xf32>
    %swap3A_1047 = vector.shape_cast %mul3A_1041 : vector<16xf32> to vector<1x16xf32>
    tpu.vector_store %arg9[%swap3A_1043, %swap3A_1044], %swap3A_1047 {strides = array<i32>} : memref<32x64xf32, #tpu.memory_space<vmem>>, vector<1x16xf32>,
    %get3A_1048 = arith.constant 15 : i32
    %get3A_1049 = arith.index_cast %get3A_1048 : i32 to index
    %get3A_1050 = arith.constant 16 : index
    %get3A_1051 = tpu.vector_load %arg9[%get3A_1049, %get3A_1050] {strides = array<i32>} : memref<32x64xf32, #tpu.memory_space<vmem>>, vector<1x16xf32>,
    %get3A_1052 = vector.shape_cast %get3A_1051 : vector<1x16xf32> to vector<16xf32>
    %get3A_1053 = arith.constant 15 : i32
    %get3A_1054 = arith.index_cast %get3A_1053 : i32 to index
    %get3A_1055 = arith.constant 16 : index
    %get3A_1056 = tpu.vector_load %arg10[%get3A_1054, %get3A_1055] {strides = array<i32>} : memref<32x64xf32, #tpu.memory_space<vmem>>, vector<1x16xf32>,
    %get3A_1057 = vector.shape_cast %get3A_1056 : vector<1x16xf32> to vector<16xf32>
    %mul3A_1058 = arith.mulf %get3A_1052, %get3A_1057 : vector<16xf32>
    %swap3A_1059 = arith.constant 15 : i32
    %swap3A_1060 = arith.index_cast %swap3A_1059 : i32 to index
    %swap3A_1061 = arith.constant 16 : index
    %swap3A_1062 = tpu.vector_load %arg9[%swap3A_1060, %swap3A_1061] {strides = array<i32>} : memref<32x64xf32, #tpu.memory_space<vmem>>, vector<1x16xf32>,
    %swap3A_1063 = vector.shape_cast %swap3A_1062 : vector<1x16xf32> to vector<16xf32>
    %swap3A_1064 = vector.shape_cast %mul3A_1058 : vector<16xf32> to vector<1x16xf32>
    tpu.vector_store %arg9[%swap3A_1060, %swap3A_1061], %swap3A_1064 {strides = array<i32>} : memref<32x64xf32, #tpu.memory_space<vmem>>, vector<1x16xf32>,
    %get3A_1065 = arith.constant 15 : i32
    %get3A_1066 = arith.index_cast %get3A_1065 : i32 to index
    %get3A_1067 = arith.constant 32 : index
    %get3A_1068 = tpu.vector_load %arg9[%get3A_1066, %get3A_1067] {strides = array<i32>} : memref<32x64xf32, #tpu.memory_space<vmem>>, vector<1x16xf32>,
    %get3A_1069 = vector.shape_cast %get3A_1068 : vector<1x16xf32> to vector<16xf32>
    %get3A_1070 = arith.constant 15 : i32
    %get3A_1071 = arith.index_cast %get3A_1070 : i32 to index
    %get3A_1072 = arith.constant 32 : index
    %get3A_1073 = tpu.vector_load %arg10[%get3A_1071, %get3A_1072] {strides = array<i32>} : memref<32x64xf32, #tpu.memory_space<vmem>>, vector<1x16xf32>,
    %get3A_1074 = vector.shape_cast %get3A_1073 : vector<1x16xf32> to vector<16xf32>
    %mul3A_1075 = arith.mulf %get3A_1069, %get3A_1074 : vector<16xf32>
    %swap3A_1076 = arith.constant 15 : i32
    %swap3A_1077 = arith.index_cast %swap3A_1076 : i32 to index
    %swap3A_1078 = arith.constant 32 : index
    %swap3A_1079 = tpu.vector_load %arg9[%swap3A_1077, %swap3A_1078] {strides = array<i32>} : memref<32x64xf32, #tpu.memory_space<vmem>>, vector<1x16xf32>,
    %swap3A_1080 = vector.shape_cast %swap3A_1079 : vector<1x16xf32> to vector<16xf32>
    %swap3A_1081 = vector.shape_cast %mul3A_1075 : vector<16xf32> to vector<1x16xf32>
    tpu.vector_store %arg9[%swap3A_1077, %swap3A_1078], %swap3A_1081 {strides = array<i32>} : memref<32x64xf32, #tpu.memory_space<vmem>>, vector<1x16xf32>,
    %get3A_1082 = arith.constant 15 : i32
    %get3A_1083 = arith.index_cast %get3A_1082 : i32 to index
    %get3A_1084 = arith.constant 48 : index
    %get3A_1085 = tpu.vector_load %arg9[%get3A_1083, %get3A_1084] {strides = array<i32>} : memref<32x64xf32, #tpu.memory_space<vmem>>, vector<1x16xf32>,
    %get3A_1086 = vector.shape_cast %get3A_1085 : vector<1x16xf32> to vector<16xf32>
    %get3A_1087 = arith.constant 15 : i32
    %get3A_1088 = arith.index_cast %get3A_1087 : i32 to index
    %get3A_1089 = arith.constant 48 : index
    %get3A_1090 = tpu.vector_load %arg10[%get3A_1088, %get3A_1089] {strides = array<i32>} : memref<32x64xf32, #tpu.memory_space<vmem>>, vector<1x16xf32>,
    %get3A_1091 = vector.shape_cast %get3A_1090 : vector<1x16xf32> to vector<16xf32>
    %mul3A_1092 = arith.mulf %get3A_1086, %get3A_1091 : vector<16xf32>
    %swap3A_1093 = arith.constant 15 : i32
    %swap3A_1094 = arith.index_cast %swap3A_1093 : i32 to index
    %swap3A_1095 = arith.constant 48 : index
    %swap3A_1096 = tpu.vector_load %arg9[%swap3A_1094, %swap3A_1095] {strides = array<i32>} : memref<32x64xf32, #tpu.memory_space<vmem>>, vector<1x16xf32>,
    %swap3A_1097 = vector.shape_cast %swap3A_1096 : vector<1x16xf32> to vector<16xf32>
    %swap3A_1098 = vector.shape_cast %mul3A_1092 : vector<16xf32> to vector<1x16xf32>
    tpu.vector_store %arg9[%swap3A_1094, %swap3A_1095], %swap3A_1098 {strides = array<i32>} : memref<32x64xf32, #tpu.memory_space<vmem>>, vector<1x16xf32>,
    %get3A_1099 = arith.constant 16 : i32
    %get3A_1100 = arith.index_cast %get3A_1099 : i32 to index
    %get3A_1101 = arith.constant 0 : index
    %get3A_1102 = tpu.vector_load %arg9[%get3A_1100, %get3A_1101] {strides = array<i32>} : memref<32x64xf32, #tpu.memory_space<vmem>>, vector<1x16xf32>,
    %get3A_1103 = vector.shape_cast %get3A_1102 : vector<1x16xf32> to vector<16xf32>
    %get3A_1104 = arith.constant 16 : i32
    %get3A_1105 = arith.index_cast %get3A_1104 : i32 to index
    %get3A_1106 = arith.constant 0 : index
    %get3A_1107 = tpu.vector_load %arg10[%get3A_1105, %get3A_1106] {strides = array<i32>} : memref<32x64xf32, #tpu.memory_space<vmem>>, vector<1x16xf32>,
    %get3A_1108 = vector.shape_cast %get3A_1107 : vector<1x16xf32> to vector<16xf32>
    %mul3A_1109 = arith.mulf %get3A_1103, %get3A_1108 : vector<16xf32>
    %swap3A_1110 = arith.constant 16 : i32
    %swap3A_1111 = arith.index_cast %swap3A_1110 : i32 to index
    %swap3A_1112 = arith.constant 0 : index
    %swap3A_1113 = tpu.vector_load %arg9[%swap3A_1111, %swap3A_1112] {strides = array<i32>} : memref<32x64xf32, #tpu.memory_space<vmem>>, vector<1x16xf32>,
    %swap3A_1114 = vector.shape_cast %swap3A_1113 : vector<1x16xf32> to vector<16xf32>
    %swap3A_1115 = vector.shape_cast %mul3A_1109 : vector<16xf32> to vector<1x16xf32>
    tpu.vector_store %arg9[%swap3A_1111, %swap3A_1112], %swap3A_1115 {strides = array<i32>} : memref<32x64xf32, #tpu.memory_space<vmem>>, vector<1x16xf32>,
    %get3A_1116 = arith.constant 16 : i32
    %get3A_1117 = arith.index_cast %get3A_1116 : i32 to index
    %get3A_1118 = arith.constant 16 : index
    %get3A_1119 = tpu.vector_load %arg9[%get3A_1117, %get3A_1118] {strides = array<i32>} : memref<32x64xf32, #tpu.memory_space<vmem>>, vector<1x16xf32>,
    %get3A_1120 = vector.shape_cast %get3A_1119 : vector<1x16xf32> to vector<16xf32>
    %get3A_1121 = arith.constant 16 : i32
    %get3A_1122 = arith.index_cast %get3A_1121 : i32 to index
    %get3A_1123 = arith.constant 16 : index
    %get3A_1124 = tpu.vector_load %arg10[%get3A_1122, %get3A_1123] {strides = array<i32>} : memref<32x64xf32, #tpu.memory_space<vmem>>, vector<1x16xf32>,
    %get3A_1125 = vector.shape_cast %get3A_1124 : vector<1x16xf32> to vector<16xf32>
    %mul3A_1126 = arith.mulf %get3A_1120, %get3A_1125 : vector<16xf32>
    %swap3A_1127 = arith.constant 16 : i32
    %swap3A_1128 = arith.index_cast %swap3A_1127 : i32 to index
    %swap3A_1129 = arith.constant 16 : index
    %swap3A_1130 = tpu.vector_load %arg9[%swap3A_1128, %swap3A_1129] {strides = array<i32>} : memref<32x64xf32, #tpu.memory_space<vmem>>, vector<1x16xf32>,
    %swap3A_1131 = vector.shape_cast %swap3A_1130 : vector<1x16xf32> to vector<16xf32>
    %swap3A_1132 = vector.shape_cast %mul3A_1126 : vector<16xf32> to vector<1x16xf32>
    tpu.vector_store %arg9[%swap3A_1128, %swap3A_1129], %swap3A_1132 {strides = array<i32>} : memref<32x64xf32, #tpu.memory_space<vmem>>, vector<1x16xf32>,
    %get3A_1133 = arith.constant 16 : i32
    %get3A_1134 = arith.index_cast %get3A_1133 : i32 to index
    %get3A_1135 = arith.constant 32 : index
    %get3A_1136 = tpu.vector_load %arg9[%get3A_1134, %get3A_1135] {strides = array<i32>} : memref<32x64xf32, #tpu.memory_space<vmem>>, vector<1x16xf32>,
    %get3A_1137 = vector.shape_cast %get3A_1136 : vector<1x16xf32> to vector<16xf32>
    %get3A_1138 = arith.constant 16 : i32
    %get3A_1139 = arith.index_cast %get3A_1138 : i32 to index
    %get3A_1140 = arith.constant 32 : index
    %get3A_1141 = tpu.vector_load %arg10[%get3A_1139, %get3A_1140] {strides = array<i32>} : memref<32x64xf32, #tpu.memory_space<vmem>>, vector<1x16xf32>,
    %get3A_1142 = vector.shape_cast %get3A_1141 : vector<1x16xf32> to vector<16xf32>
    %mul3A_1143 = arith.mulf %get3A_1137, %get3A_1142 : vector<16xf32>
    %swap3A_1144 = arith.constant 16 : i32
    %swap3A_1145 = arith.index_cast %swap3A_1144 : i32 to index
    %swap3A_1146 = arith.constant 32 : index
    %swap3A_1147 = tpu.vector_load %arg9[%swap3A_1145, %swap3A_1146] {strides = array<i32>} : memref<32x64xf32, #tpu.memory_space<vmem>>, vector<1x16xf32>,
    %swap3A_1148 = vector.shape_cast %swap3A_1147 : vector<1x16xf32> to vector<16xf32>
    %swap3A_1149 = vector.shape_cast %mul3A_1143 : vector<16xf32> to vector<1x16xf32>
    tpu.vector_store %arg9[%swap3A_1145, %swap3A_1146], %swap3A_1149 {strides = array<i32>} : memref<32x64xf32, #tpu.memory_space<vmem>>, vector<1x16xf32>,
    %get3A_1150 = arith.constant 16 : i32
    %get3A_1151 = arith.index_cast %get3A_1150 : i32 to index
    %get3A_1152 = arith.constant 48 : index
    %get3A_1153 = tpu.vector_load %arg9[%get3A_1151, %get3A_1152] {strides = array<i32>} : memref<32x64xf32, #tpu.memory_space<vmem>>, vector<1x16xf32>,
    %get3A_1154 = vector.shape_cast %get3A_1153 : vector<1x16xf32> to vector<16xf32>
    %get3A_1155 = arith.constant 16 : i32
    %get3A_1156 = arith.index_cast %get3A_1155 : i32 to index
    %get3A_1157 = arith.constant 48 : index
    %get3A_1158 = tpu.vector_load %arg10[%get3A_1156, %get3A_1157] {strides = array<i32>} : memref<32x64xf32, #tpu.memory_space<vmem>>, vector<1x16xf32>,
    %get3A_1159 = vector.shape_cast %get3A_1158 : vector<1x16xf32> to vector<16xf32>
    %mul3A_1160 = arith.mulf %get3A_1154, %get3A_1159 : vector<16xf32>
    %swap3A_1161 = arith.constant 16 : i32
    %swap3A_1162 = arith.index_cast %swap3A_1161 : i32 to index
    %swap3A_1163 = arith.constant 48 : index
    %swap3A_1164 = tpu.vector_load %arg9[%swap3A_1162, %swap3A_1163] {strides = array<i32>} : memref<32x64xf32, #tpu.memory_space<vmem>>, vector<1x16xf32>,
    %swap3A_1165 = vector.shape_cast %swap3A_1164 : vector<1x16xf32> to vector<16xf32>
    %swap3A_1166 = vector.shape_cast %mul3A_1160 : vector<16xf32> to vector<1x16xf32>
    tpu.vector_store %arg9[%swap3A_1162, %swap3A_1163], %swap3A_1166 {strides = array<i32>} : memref<32x64xf32, #tpu.memory_space<vmem>>, vector<1x16xf32>,
    %get3A_1167 = arith.constant 17 : i32
    %get3A_1168 = arith.index_cast %get3A_1167 : i32 to index
    %get3A_1169 = arith.constant 0 : index
    %get3A_1170 = tpu.vector_load %arg9[%get3A_1168, %get3A_1169] {strides = array<i32>} : memref<32x64xf32, #tpu.memory_space<vmem>>, vector<1x16xf32>,
    %get3A_1171 = vector.shape_cast %get3A_1170 : vector<1x16xf32> to vector<16xf32>
    %get3A_1172 = arith.constant 17 : i32
    %get3A_1173 = arith.index_cast %get3A_1172 : i32 to index
    %get3A_1174 = arith.constant 0 : index
    %get3A_1175 = tpu.vector_load %arg10[%get3A_1173, %get3A_1174] {strides = array<i32>} : memref<32x64xf32, #tpu.memory_space<vmem>>, vector<1x16xf32>,
    %get3A_1176 = vector.shape_cast %get3A_1175 : vector<1x16xf32> to vector<16xf32>
    %mul3A_1177 = arith.mulf %get3A_1171, %get3A_1176 : vector<16xf32>
    %swap3A_1178 = arith.constant 17 : i32
    %swap3A_1179 = arith.index_cast %swap3A_1178 : i32 to index
    %swap3A_1180 = arith.constant 0 : index
    %swap3A_1181 = tpu.vector_load %arg9[%swap3A_1179, %swap3A_1180] {strides = array<i32>} : memref<32x64xf32, #tpu.memory_space<vmem>>, vector<1x16xf32>,
    %swap3A_1182 = vector.shape_cast %swap3A_1181 : vector<1x16xf32> to vector<16xf32>
    %swap3A_1183 = vector.shape_cast %mul3A_1177 : vector<16xf32> to vector<1x16xf32>
    tpu.vector_store %arg9[%swap3A_1179, %swap3A_1180], %swap3A_1183 {strides = array<i32>} : memref<32x64xf32, #tpu.memory_space<vmem>>, vector<1x16xf32>,
    %get3A_1184 = arith.constant 17 : i32
    %get3A_1185 = arith.index_cast %get3A_1184 : i32 to index
    %get3A_1186 = arith.constant 16 : index
    %get3A_1187 = tpu.vector_load %arg9[%get3A_1185, %get3A_1186] {strides = array<i32>} : memref<32x64xf32, #tpu.memory_space<vmem>>, vector<1x16xf32>,
    %get3A_1188 = vector.shape_cast %get3A_1187 : vector<1x16xf32> to vector<16xf32>
    %get3A_1189 = arith.constant 17 : i32
    %get3A_1190 = arith.index_cast %get3A_1189 : i32 to index
    %get3A_1191 = arith.constant 16 : index
    %get3A_1192 = tpu.vector_load %arg10[%get3A_1190, %get3A_1191] {strides = array<i32>} : memref<32x64xf32, #tpu.memory_space<vmem>>, vector<1x16xf32>,
    %get3A_1193 = vector.shape_cast %get3A_1192 : vector<1x16xf32> to vector<16xf32>
    %mul3A_1194 = arith.mulf %get3A_1188, %get3A_1193 : vector<16xf32>
    %swap3A_1195 = arith.constant 17 : i32
    %swap3A_1196 = arith.index_cast %swap3A_1195 : i32 to index
    %swap3A_1197 = arith.constant 16 : index
    %swap3A_1198 = tpu.vector_load %arg9[%swap3A_1196, %swap3A_1197] {strides = array<i32>} : memref<32x64xf32, #tpu.memory_space<vmem>>, vector<1x16xf32>,
    %swap3A_1199 = vector.shape_cast %swap3A_1198 : vector<1x16xf32> to vector<16xf32>
    %swap3A_1200 = vector.shape_cast %mul3A_1194 : vector<16xf32> to vector<1x16xf32>
    tpu.vector_store %arg9[%swap3A_1196, %swap3A_1197], %swap3A_1200 {strides = array<i32>} : memref<32x64xf32, #tpu.memory_space<vmem>>, vector<1x16xf32>,
    %get3A_1201 = arith.constant 17 : i32
    %get3A_1202 = arith.index_cast %get3A_1201 : i32 to index
    %get3A_1203 = arith.constant 32 : index
    %get3A_1204 = tpu.vector_load %arg9[%get3A_1202, %get3A_1203] {strides = array<i32>} : memref<32x64xf32, #tpu.memory_space<vmem>>, vector<1x16xf32>,
    %get3A_1205 = vector.shape_cast %get3A_1204 : vector<1x16xf32> to vector<16xf32>
    %get3A_1206 = arith.constant 17 : i32
    %get3A_1207 = arith.index_cast %get3A_1206 : i32 to index
    %get3A_1208 = arith.constant 32 : index
    %get3A_1209 = tpu.vector_load %arg10[%get3A_1207, %get3A_1208] {strides = array<i32>} : memref<32x64xf32, #tpu.memory_space<vmem>>, vector<1x16xf32>,
    %get3A_1210 = vector.shape_cast %get3A_1209 : vector<1x16xf32> to vector<16xf32>
    %mul3A_1211 = arith.mulf %get3A_1205, %get3A_1210 : vector<16xf32>
    %swap3A_1212 = arith.constant 17 : i32
    %swap3A_1213 = arith.index_cast %swap3A_1212 : i32 to index
    %swap3A_1214 = arith.constant 32 : index
    %swap3A_1215 = tpu.vector_load %arg9[%swap3A_1213, %swap3A_1214] {strides = array<i32>} : memref<32x64xf32, #tpu.memory_space<vmem>>, vector<1x16xf32>,
    %swap3A_1216 = vector.shape_cast %swap3A_1215 : vector<1x16xf32> to vector<16xf32>
    %swap3A_1217 = vector.shape_cast %mul3A_1211 : vector<16xf32> to vector<1x16xf32>
    tpu.vector_store %arg9[%swap3A_1213, %swap3A_1214], %swap3A_1217 {strides = array<i32>} : memref<32x64xf32, #tpu.memory_space<vmem>>, vector<1x16xf32>,
    %get3A_1218 = arith.constant 17 : i32
    %get3A_1219 = arith.index_cast %get3A_1218 : i32 to index
    %get3A_1220 = arith.constant 48 : index
    %get3A_1221 = tpu.vector_load %arg9[%get3A_1219, %get3A_1220] {strides = array<i32>} : memref<32x64xf32, #tpu.memory_space<vmem>>, vector<1x16xf32>,
    %get3A_1222 = vector.shape_cast %get3A_1221 : vector<1x16xf32> to vector<16xf32>
    %get3A_1223 = arith.constant 17 : i32
    %get3A_1224 = arith.index_cast %get3A_1223 : i32 to index
    %get3A_1225 = arith.constant 48 : index
    %get3A_1226 = tpu.vector_load %arg10[%get3A_1224, %get3A_1225] {strides = array<i32>} : memref<32x64xf32, #tpu.memory_space<vmem>>, vector<1x16xf32>,
    %get3A_1227 = vector.shape_cast %get3A_1226 : vector<1x16xf32> to vector<16xf32>
    %mul3A_1228 = arith.mulf %get3A_1222, %get3A_1227 : vector<16xf32>
    %swap3A_1229 = arith.constant 17 : i32
    %swap3A_1230 = arith.index_cast %swap3A_1229 : i32 to index
    %swap3A_1231 = arith.constant 48 : index
    %swap3A_1232 = tpu.vector_load %arg9[%swap3A_1230, %swap3A_1231] {strides = array<i32>} : memref<32x64xf32, #tpu.memory_space<vmem>>, vector<1x16xf32>,
    %swap3A_1233 = vector.shape_cast %swap3A_1232 : vector<1x16xf32> to vector<16xf32>
    %swap3A_1234 = vector.shape_cast %mul3A_1228 : vector<16xf32> to vector<1x16xf32>
    tpu.vector_store %arg9[%swap3A_1230, %swap3A_1231], %swap3A_1234 {strides = array<i32>} : memref<32x64xf32, #tpu.memory_space<vmem>>, vector<1x16xf32>,
    %get3A_1235 = arith.constant 18 : i32
    %get3A_1236 = arith.index_cast %get3A_1235 : i32 to index
    %get3A_1237 = arith.constant 0 : index
    %get3A_1238 = tpu.vector_load %arg9[%get3A_1236, %get3A_1237] {strides = array<i32>} : memref<32x64xf32, #tpu.memory_space<vmem>>, vector<1x16xf32>,
    %get3A_1239 = vector.shape_cast %get3A_1238 : vector<1x16xf32> to vector<16xf32>
    %get3A_1240 = arith.constant 18 : i32
    %get3A_1241 = arith.index_cast %get3A_1240 : i32 to index
    %get3A_1242 = arith.constant 0 : index
    %get3A_1243 = tpu.vector_load %arg10[%get3A_1241, %get3A_1242] {strides = array<i32>} : memref<32x64xf32, #tpu.memory_space<vmem>>, vector<1x16xf32>,
    %get3A_1244 = vector.shape_cast %get3A_1243 : vector<1x16xf32> to vector<16xf32>
    %mul3A_1245 = arith.mulf %get3A_1239, %get3A_1244 : vector<16xf32>
    %swap3A_1246 = arith.constant 18 : i32
    %swap3A_1247 = arith.index_cast %swap3A_1246 : i32 to index
    %swap3A_1248 = arith.constant 0 : index
    %swap3A_1249 = tpu.vector_load %arg9[%swap3A_1247, %swap3A_1248] {strides = array<i32>} : memref<32x64xf32, #tpu.memory_space<vmem>>, vector<1x16xf32>,
    %swap3A_1250 = vector.shape_cast %swap3A_1249 : vector<1x16xf32> to vector<16xf32>
    %swap3A_1251 = vector.shape_cast %mul3A_1245 : vector<16xf32> to vector<1x16xf32>
    tpu.vector_store %arg9[%swap3A_1247, %swap3A_1248], %swap3A_1251 {strides = array<i32>} : memref<32x64xf32, #tpu.memory_space<vmem>>, vector<1x16xf32>,
    %get3A_1252 = arith.constant 18 : i32
    %get3A_1253 = arith.index_cast %get3A_1252 : i32 to index
    %get3A_1254 = arith.constant 16 : index
    %get3A_1255 = tpu.vector_load %arg9[%get3A_1253, %get3A_1254] {strides = array<i32>} : memref<32x64xf32, #tpu.memory_space<vmem>>, vector<1x16xf32>,
    %get3A_1256 = vector.shape_cast %get3A_1255 : vector<1x16xf32> to vector<16xf32>
    %get3A_1257 = arith.constant 18 : i32
    %get3A_1258 = arith.index_cast %get3A_1257 : i32 to index
    %get3A_1259 = arith.constant 16 : index
    %get3A_1260 = tpu.vector_load %arg10[%get3A_1258, %get3A_1259] {strides = array<i32>} : memref<32x64xf32, #tpu.memory_space<vmem>>, vector<1x16xf32>,
    %get3A_1261 = vector.shape_cast %get3A_1260 : vector<1x16xf32> to vector<16xf32>
    %mul3A_1262 = arith.mulf %get3A_1256, %get3A_1261 : vector<16xf32>
    %swap3A_1263 = arith.constant 18 : i32
    %swap3A_1264 = arith.index_cast %swap3A_1263 : i32 to index
    %swap3A_1265 = arith.constant 16 : index
    %swap3A_1266 = tpu.vector_load %arg9[%swap3A_1264, %swap3A_1265] {strides = array<i32>} : memref<32x64xf32, #tpu.memory_space<vmem>>, vector<1x16xf32>,
    %swap3A_1267 = vector.shape_cast %swap3A_1266 : vector<1x16xf32> to vector<16xf32>
    %swap3A_1268 = vector.shape_cast %mul3A_1262 : vector<16xf32> to vector<1x16xf32>
    tpu.vector_store %arg9[%swap3A_1264, %swap3A_1265], %swap3A_1268 {strides = array<i32>} : memref<32x64xf32, #tpu.memory_space<vmem>>, vector<1x16xf32>,
    %get3A_1269 = arith.constant 18 : i32
    %get3A_1270 = arith.index_cast %get3A_1269 : i32 to index
    %get3A_1271 = arith.constant 32 : index
    %get3A_1272 = tpu.vector_load %arg9[%get3A_1270, %get3A_1271] {strides = array<i32>} : memref<32x64xf32, #tpu.memory_space<vmem>>, vector<1x16xf32>,
    %get3A_1273 = vector.shape_cast %get3A_1272 : vector<1x16xf32> to vector<16xf32>
    %get3A_1274 = arith.constant 18 : i32
    %get3A_1275 = arith.index_cast %get3A_1274 : i32 to index
    %get3A_1276 = arith.constant 32 : index
    %get3A_1277 = tpu.vector_load %arg10[%get3A_1275, %get3A_1276] {strides = array<i32>} : memref<32x64xf32, #tpu.memory_space<vmem>>, vector<1x16xf32>,
    %get3A_1278 = vector.shape_cast %get3A_1277 : vector<1x16xf32> to vector<16xf32>
    %mul3A_1279 = arith.mulf %get3A_1273, %get3A_1278 : vector<16xf32>
    %swap3A_1280 = arith.constant 18 : i32
    %swap3A_1281 = arith.index_cast %swap3A_1280 : i32 to index
    %swap3A_1282 = arith.constant 32 : index
    %swap3A_1283 = tpu.vector_load %arg9[%swap3A_1281, %swap3A_1282] {strides = array<i32>} : memref<32x64xf32, #tpu.memory_space<vmem>>, vector<1x16xf32>,
    %swap3A_1284 = vector.shape_cast %swap3A_1283 : vector<1x16xf32> to vector<16xf32>
    %swap3A_1285 = vector.shape_cast %mul3A_1279 : vector<16xf32> to vector<1x16xf32>
    tpu.vector_store %arg9[%swap3A_1281, %swap3A_1282], %swap3A_1285 {strides = array<i32>} : memref<32x64xf32, #tpu.memory_space<vmem>>, vector<1x16xf32>,
    %get3A_1286 = arith.constant 18 : i32
    %get3A_1287 = arith.index_cast %get3A_1286 : i32 to index
    %get3A_1288 = arith.constant 48 : index
    %get3A_1289 = tpu.vector_load %arg9[%get3A_1287, %get3A_1288] {strides = array<i32>} : memref<32x64xf32, #tpu.memory_space<vmem>>, vector<1x16xf32>,
    %get3A_1290 = vector.shape_cast %get3A_1289 : vector<1x16xf32> to vector<16xf32>
    %get3A_1291 = arith.constant 18 : i32
    %get3A_1292 = arith.index_cast %get3A_1291 : i32 to index
    %get3A_1293 = arith.constant 48 : index
    %get3A_1294 = tpu.vector_load %arg10[%get3A_1292, %get3A_1293] {strides = array<i32>} : memref<32x64xf32, #tpu.memory_space<vmem>>, vector<1x16xf32>,
    %get3A_1295 = vector.shape_cast %get3A_1294 : vector<1x16xf32> to vector<16xf32>
    %mul3A_1296 = arith.mulf %get3A_1290, %get3A_1295 : vector<16xf32>
    %swap3A_1297 = arith.constant 18 : i32
    %swap3A_1298 = arith.index_cast %swap3A_1297 : i32 to index
    %swap3A_1299 = arith.constant 48 : index
    %swap3A_1300 = tpu.vector_load %arg9[%swap3A_1298, %swap3A_1299] {strides = array<i32>} : memref<32x64xf32, #tpu.memory_space<vmem>>, vector<1x16xf32>,
    %swap3A_1301 = vector.shape_cast %swap3A_1300 : vector<1x16xf32> to vector<16xf32>
    %swap3A_1302 = vector.shape_cast %mul3A_1296 : vector<16xf32> to vector<1x16xf32>
    tpu.vector_store %arg9[%swap3A_1298, %swap3A_1299], %swap3A_1302 {strides = array<i32>} : memref<32x64xf32, #tpu.memory_space<vmem>>, vector<1x16xf32>,
    %get3A_1303 = arith.constant 19 : i32
    %get3A_1304 = arith.index_cast %get3A_1303 : i32 to index
    %get3A_1305 = arith.constant 0 : index
    %get3A_1306 = tpu.vector_load %arg9[%get3A_1304, %get3A_1305] {strides = array<i32>} : memref<32x64xf32, #tpu.memory_space<vmem>>, vector<1x16xf32>,
    %get3A_1307 = vector.shape_cast %get3A_1306 : vector<1x16xf32> to vector<16xf32>
    %get3A_1308 = arith.constant 19 : i32
    %get3A_1309 = arith.index_cast %get3A_1308 : i32 to index
    %get3A_1310 = arith.constant 0 : index
    %get3A_1311 = tpu.vector_load %arg10[%get3A_1309, %get3A_1310] {strides = array<i32>} : memref<32x64xf32, #tpu.memory_space<vmem>>, vector<1x16xf32>,
    %get3A_1312 = vector.shape_cast %get3A_1311 : vector<1x16xf32> to vector<16xf32>
    %mul3A_1313 = arith.mulf %get3A_1307, %get3A_1312 : vector<16xf32>
    %swap3A_1314 = arith.constant 19 : i32
    %swap3A_1315 = arith.index_cast %swap3A_1314 : i32 to index
    %swap3A_1316 = arith.constant 0 : index
    %swap3A_1317 = tpu.vector_load %arg9[%swap3A_1315, %swap3A_1316] {strides = array<i32>} : memref<32x64xf32, #tpu.memory_space<vmem>>, vector<1x16xf32>,
    %swap3A_1318 = vector.shape_cast %swap3A_1317 : vector<1x16xf32> to vector<16xf32>
    %swap3A_1319 = vector.shape_cast %mul3A_1313 : vector<16xf32> to vector<1x16xf32>
    tpu.vector_store %arg9[%swap3A_1315, %swap3A_1316], %swap3A_1319 {strides = array<i32>} : memref<32x64xf32, #tpu.memory_space<vmem>>, vector<1x16xf32>,
    %get3A_1320 = arith.constant 19 : i32
    %get3A_1321 = arith.index_cast %get3A_1320 : i32 to index
    %get3A_1322 = arith.constant 16 : index
    %get3A_1323 = tpu.vector_load %arg9[%get3A_1321, %get3A_1322] {strides = array<i32>} : memref<32x64xf32, #tpu.memory_space<vmem>>, vector<1x16xf32>,
    %get3A_1324 = vector.shape_cast %get3A_1323 : vector<1x16xf32> to vector<16xf32>
    %get3A_1325 = arith.constant 19 : i32
    %get3A_1326 = arith.index_cast %get3A_1325 : i32 to index
    %get3A_1327 = arith.constant 16 : index
    %get3A_1328 = tpu.vector_load %arg10[%get3A_1326, %get3A_1327] {strides = array<i32>} : memref<32x64xf32, #tpu.memory_space<vmem>>, vector<1x16xf32>,
    %get3A_1329 = vector.shape_cast %get3A_1328 : vector<1x16xf32> to vector<16xf32>
    %mul3A_1330 = arith.mulf %get3A_1324, %get3A_1329 : vector<16xf32>
    %swap3A_1331 = arith.constant 19 : i32
    %swap3A_1332 = arith.index_cast %swap3A_1331 : i32 to index
    %swap3A_1333 = arith.constant 16 : index
    %swap3A_1334 = tpu.vector_load %arg9[%swap3A_1332, %swap3A_1333] {strides = array<i32>} : memref<32x64xf32, #tpu.memory_space<vmem>>, vector<1x16xf32>,
    %swap3A_1335 = vector.shape_cast %swap3A_1334 : vector<1x16xf32> to vector<16xf32>
    %swap3A_1336 = vector.shape_cast %mul3A_1330 : vector<16xf32> to vector<1x16xf32>
    tpu.vector_store %arg9[%swap3A_1332, %swap3A_1333], %swap3A_1336 {strides = array<i32>} : memref<32x64xf32, #tpu.memory_space<vmem>>, vector<1x16xf32>,
    %get3A_1337 = arith.constant 19 : i32
    %get3A_1338 = arith.index_cast %get3A_1337 : i32 to index
    %get3A_1339 = arith.constant 32 : index
    %get3A_1340 = tpu.vector_load %arg9[%get3A_1338, %get3A_1339] {strides = array<i32>} : memref<32x64xf32, #tpu.memory_space<vmem>>, vector<1x16xf32>,
    %get3A_1341 = vector.shape_cast %get3A_1340 : vector<1x16xf32> to vector<16xf32>
    %get3A_1342 = arith.constant 19 : i32
    %get3A_1343 = arith.index_cast %get3A_1342 : i32 to index
    %get3A_1344 = arith.constant 32 : index
    %get3A_1345 = tpu.vector_load %arg10[%get3A_1343, %get3A_1344] {strides = array<i32>} : memref<32x64xf32, #tpu.memory_space<vmem>>, vector<1x16xf32>,
    %get3A_1346 = vector.shape_cast %get3A_1345 : vector<1x16xf32> to vector<16xf32>
    %mul3A_1347 = arith.mulf %get3A_1341, %get3A_1346 : vector<16xf32>
    %swap3A_1348 = arith.constant 19 : i32
    %swap3A_1349 = arith.index_cast %swap3A_1348 : i32 to index
    %swap3A_1350 = arith.constant 32 : index
    %swap3A_1351 = tpu.vector_load %arg9[%swap3A_1349, %swap3A_1350] {strides = array<i32>} : memref<32x64xf32, #tpu.memory_space<vmem>>, vector<1x16xf32>,
    %swap3A_1352 = vector.shape_cast %swap3A_1351 : vector<1x16xf32> to vector<16xf32>
    %swap3A_1353 = vector.shape_cast %mul3A_1347 : vector<16xf32> to vector<1x16xf32>
    tpu.vector_store %arg9[%swap3A_1349, %swap3A_1350], %swap3A_1353 {strides = array<i32>} : memref<32x64xf32, #tpu.memory_space<vmem>>, vector<1x16xf32>,
    %get3A_1354 = arith.constant 19 : i32
    %get3A_1355 = arith.index_cast %get3A_1354 : i32 to index
    %get3A_1356 = arith.constant 48 : index
    %get3A_1357 = tpu.vector_load %arg9[%get3A_1355, %get3A_1356] {strides = array<i32>} : memref<32x64xf32, #tpu.memory_space<vmem>>, vector<1x16xf32>,
    %get3A_1358 = vector.shape_cast %get3A_1357 : vector<1x16xf32> to vector<16xf32>
    %get3A_1359 = arith.constant 19 : i32
    %get3A_1360 = arith.index_cast %get3A_1359 : i32 to index
    %get3A_1361 = arith.constant 48 : index
    %get3A_1362 = tpu.vector_load %arg10[%get3A_1360, %get3A_1361] {strides = array<i32>} : memref<32x64xf32, #tpu.memory_space<vmem>>, vector<1x16xf32>,
    %get3A_1363 = vector.shape_cast %get3A_1362 : vector<1x16xf32> to vector<16xf32>
    %mul3A_1364 = arith.mulf %get3A_1358, %get3A_1363 : vector<16xf32>
    %swap3A_1365 = arith.constant 19 : i32
    %swap3A_1366 = arith.index_cast %swap3A_1365 : i32 to index
    %swap3A_1367 = arith.constant 48 : index
    %swap3A_1368 = tpu.vector_load %arg9[%swap3A_1366, %swap3A_1367] {strides = array<i32>} : memref<32x64xf32, #tpu.memory_space<vmem>>, vector<1x16xf32>,
    %swap3A_1369 = vector.shape_cast %swap3A_1368 : vector<1x16xf32> to vector<16xf32>
    %swap3A_1370 = vector.shape_cast %mul3A_1364 : vector<16xf32> to vector<1x16xf32>
    tpu.vector_store %arg9[%swap3A_1366, %swap3A_1367], %swap3A_1370 {strides = array<i32>} : memref<32x64xf32, #tpu.memory_space<vmem>>, vector<1x16xf32>,
    %get3A_1371 = arith.constant 20 : i32
    %get3A_1372 = arith.index_cast %get3A_1371 : i32 to index
    %get3A_1373 = arith.constant 0 : index
    %get3A_1374 = tpu.vector_load %arg9[%get3A_1372, %get3A_1373] {strides = array<i32>} : memref<32x64xf32, #tpu.memory_space<vmem>>, vector<1x16xf32>,
    %get3A_1375 = vector.shape_cast %get3A_1374 : vector<1x16xf32> to vector<16xf32>
    %get3A_1376 = arith.constant 20 : i32
    %get3A_1377 = arith.index_cast %get3A_1376 : i32 to index
    %get3A_1378 = arith.constant 0 : index
    %get3A_1379 = tpu.vector_load %arg10[%get3A_1377, %get3A_1378] {strides = array<i32>} : memref<32x64xf32, #tpu.memory_space<vmem>>, vector<1x16xf32>,
    %get3A_1380 = vector.shape_cast %get3A_1379 : vector<1x16xf32> to vector<16xf32>
    %mul3A_1381 = arith.mulf %get3A_1375, %get3A_1380 : vector<16xf32>
    %swap3A_1382 = arith.constant 20 : i32
    %swap3A_1383 = arith.index_cast %swap3A_1382 : i32 to index
    %swap3A_1384 = arith.constant 0 : index
    %swap3A_1385 = tpu.vector_load %arg9[%swap3A_1383, %swap3A_1384] {strides = array<i32>} : memref<32x64xf32, #tpu.memory_space<vmem>>, vector<1x16xf32>,
    %swap3A_1386 = vector.shape_cast %swap3A_1385 : vector<1x16xf32> to vector<16xf32>
    %swap3A_1387 = vector.shape_cast %mul3A_1381 : vector<16xf32> to vector<1x16xf32>
    tpu.vector_store %arg9[%swap3A_1383, %swap3A_1384], %swap3A_1387 {strides = array<i32>} : memref<32x64xf32, #tpu.memory_space<vmem>>, vector<1x16xf32>,
    %get3A_1388 = arith.constant 20 : i32
    %get3A_1389 = arith.index_cast %get3A_1388 : i32 to index
    %get3A_1390 = arith.constant 16 : index
    %get3A_1391 = tpu.vector_load %arg9[%get3A_1389, %get3A_1390] {strides = array<i32>} : memref<32x64xf32, #tpu.memory_space<vmem>>, vector<1x16xf32>,
    %get3A_1392 = vector.shape_cast %get3A_1391 : vector<1x16xf32> to vector<16xf32>
    %get3A_1393 = arith.constant 20 : i32
    %get3A_1394 = arith.index_cast %get3A_1393 : i32 to index
    %get3A_1395 = arith.constant 16 : index
    %get3A_1396 = tpu.vector_load %arg10[%get3A_1394, %get3A_1395] {strides = array<i32>} : memref<32x64xf32, #tpu.memory_space<vmem>>, vector<1x16xf32>,
    %get3A_1397 = vector.shape_cast %get3A_1396 : vector<1x16xf32> to vector<16xf32>
    %mul3A_1398 = arith.mulf %get3A_1392, %get3A_1397 : vector<16xf32>
    %swap3A_1399 = arith.constant 20 : i32
    %swap3A_1400 = arith.index_cast %swap3A_1399 : i32 to index
    %swap3A_1401 = arith.constant 16 : index
    %swap3A_1402 = tpu.vector_load %arg9[%swap3A_1400, %swap3A_1401] {strides = array<i32>} : memref<32x64xf32, #tpu.memory_space<vmem>>, vector<1x16xf32>,
    %swap3A_1403 = vector.shape_cast %swap3A_1402 : vector<1x16xf32> to vector<16xf32>
    %swap3A_1404 = vector.shape_cast %mul3A_1398 : vector<16xf32> to vector<1x16xf32>
    tpu.vector_store %arg9[%swap3A_1400, %swap3A_1401], %swap3A_1404 {strides = array<i32>} : memref<32x64xf32, #tpu.memory_space<vmem>>, vector<1x16xf32>,
    %get3A_1405 = arith.constant 20 : i32
    %get3A_1406 = arith.index_cast %get3A_1405 : i32 to index
    %get3A_1407 = arith.constant 32 : index
    %get3A_1408 = tpu.vector_load %arg9[%get3A_1406, %get3A_1407] {strides = array<i32>} : memref<32x64xf32, #tpu.memory_space<vmem>>, vector<1x16xf32>,
    %get3A_1409 = vector.shape_cast %get3A_1408 : vector<1x16xf32> to vector<16xf32>
    %get3A_1410 = arith.constant 20 : i32
    %get3A_1411 = arith.index_cast %get3A_1410 : i32 to index
    %get3A_1412 = arith.constant 32 : index
    %get3A_1413 = tpu.vector_load %arg10[%get3A_1411, %get3A_1412] {strides = array<i32>} : memref<32x64xf32, #tpu.memory_space<vmem>>, vector<1x16xf32>,
    %get3A_1414 = vector.shape_cast %get3A_1413 : vector<1x16xf32> to vector<16xf32>
    %mul3A_1415 = arith.mulf %get3A_1409, %get3A_1414 : vector<16xf32>
    %swap3A_1416 = arith.constant 20 : i32
    %swap3A_1417 = arith.index_cast %swap3A_1416 : i32 to index
    %swap3A_1418 = arith.constant 32 : index
    %swap3A_1419 = tpu.vector_load %arg9[%swap3A_1417, %swap3A_1418] {strides = array<i32>} : memref<32x64xf32, #tpu.memory_space<vmem>>, vector<1x16xf32>,
    %swap3A_1420 = vector.shape_cast %swap3A_1419 : vector<1x16xf32> to vector<16xf32>
    %swap3A_1421 = vector.shape_cast %mul3A_1415 : vector<16xf32> to vector<1x16xf32>
    tpu.vector_store %arg9[%swap3A_1417, %swap3A_1418], %swap3A_1421 {strides = array<i32>} : memref<32x64xf32, #tpu.memory_space<vmem>>, vector<1x16xf32>,
    %get3A_1422 = arith.constant 20 : i32
    %get3A_1423 = arith.index_cast %get3A_1422 : i32 to index
    %get3A_1424 = arith.constant 48 : index
    %get3A_1425 = tpu.vector_load %arg9[%get3A_1423, %get3A_1424] {strides = array<i32>} : memref<32x64xf32, #tpu.memory_space<vmem>>, vector<1x16xf32>,
    %get3A_1426 = vector.shape_cast %get3A_1425 : vector<1x16xf32> to vector<16xf32>
    %get3A_1427 = arith.constant 20 : i32
    %get3A_1428 = arith.index_cast %get3A_1427 : i32 to index
    %get3A_1429 = arith.constant 48 : index
    %get3A_1430 = tpu.vector_load %arg10[%get3A_1428, %get3A_1429] {strides = array<i32>} : memref<32x64xf32, #tpu.memory_space<vmem>>, vector<1x16xf32>,
    %get3A_1431 = vector.shape_cast %get3A_1430 : vector<1x16xf32> to vector<16xf32>
    %mul3A_1432 = arith.mulf %get3A_1426, %get3A_1431 : vector<16xf32>
    %swap3A_1433 = arith.constant 20 : i32
    %swap3A_1434 = arith.index_cast %swap3A_1433 : i32 to index
    %swap3A_1435 = arith.constant 48 : index
    %swap3A_1436 = tpu.vector_load %arg9[%swap3A_1434, %swap3A_1435] {strides = array<i32>} : memref<32x64xf32, #tpu.memory_space<vmem>>, vector<1x16xf32>,
    %swap3A_1437 = vector.shape_cast %swap3A_1436 : vector<1x16xf32> to vector<16xf32>
    %swap3A_1438 = vector.shape_cast %mul3A_1432 : vector<16xf32> to vector<1x16xf32>
    tpu.vector_store %arg9[%swap3A_1434, %swap3A_1435], %swap3A_1438 {strides = array<i32>} : memref<32x64xf32, #tpu.memory_space<vmem>>, vector<1x16xf32>,
    %get3A_1439 = arith.constant 21 : i32
    %get3A_1440 = arith.index_cast %get3A_1439 : i32 to index
    %get3A_1441 = arith.constant 0 : index
    %get3A_1442 = tpu.vector_load %arg9[%get3A_1440, %get3A_1441] {strides = array<i32>} : memref<32x64xf32, #tpu.memory_space<vmem>>, vector<1x16xf32>,
    %get3A_1443 = vector.shape_cast %get3A_1442 : vector<1x16xf32> to vector<16xf32>
    %get3A_1444 = arith.constant 21 : i32
    %get3A_1445 = arith.index_cast %get3A_1444 : i32 to index
    %get3A_1446 = arith.constant 0 : index
    %get3A_1447 = tpu.vector_load %arg10[%get3A_1445, %get3A_1446] {strides = array<i32>} : memref<32x64xf32, #tpu.memory_space<vmem>>, vector<1x16xf32>,
    %get3A_1448 = vector.shape_cast %get3A_1447 : vector<1x16xf32> to vector<16xf32>
    %mul3A_1449 = arith.mulf %get3A_1443, %get3A_1448 : vector<16xf32>
    %swap3A_1450 = arith.constant 21 : i32
    %swap3A_1451 = arith.index_cast %swap3A_1450 : i32 to index
    %swap3A_1452 = arith.constant 0 : index
    %swap3A_1453 = tpu.vector_load %arg9[%swap3A_1451, %swap3A_1452] {strides = array<i32>} : memref<32x64xf32, #tpu.memory_space<vmem>>, vector<1x16xf32>,
    %swap3A_1454 = vector.shape_cast %swap3A_1453 : vector<1x16xf32> to vector<16xf32>
    %swap3A_1455 = vector.shape_cast %mul3A_1449 : vector<16xf32> to vector<1x16xf32>
    tpu.vector_store %arg9[%swap3A_1451, %swap3A_1452], %swap3A_1455 {strides = array<i32>} : memref<32x64xf32, #tpu.memory_space<vmem>>, vector<1x16xf32>,
    %get3A_1456 = arith.constant 21 : i32
    %get3A_1457 = arith.index_cast %get3A_1456 : i32 to index
    %get3A_1458 = arith.constant 16 : index
    %get3A_1459 = tpu.vector_load %arg9[%get3A_1457, %get3A_1458] {strides = array<i32>} : memref<32x64xf32, #tpu.memory_space<vmem>>, vector<1x16xf32>,
    %get3A_1460 = vector.shape_cast %get3A_1459 : vector<1x16xf32> to vector<16xf32>
    %get3A_1461 = arith.constant 21 : i32
    %get3A_1462 = arith.index_cast %get3A_1461 : i32 to index
    %get3A_1463 = arith.constant 16 : index
    %get3A_1464 = tpu.vector_load %arg10[%get3A_1462, %get3A_1463] {strides = array<i32>} : memref<32x64xf32, #tpu.memory_space<vmem>>, vector<1x16xf32>,
    %get3A_1465 = vector.shape_cast %get3A_1464 : vector<1x16xf32> to vector<16xf32>
    %mul3A_1466 = arith.mulf %get3A_1460, %get3A_1465 : vector<16xf32>
    %swap3A_1467 = arith.constant 21 : i32
    %swap3A_1468 = arith.index_cast %swap3A_1467 : i32 to index
    %swap3A_1469 = arith.constant 16 : index
    %swap3A_1470 = tpu.vector_load %arg9[%swap3A_1468, %swap3A_1469] {strides = array<i32>} : memref<32x64xf32, #tpu.memory_space<vmem>>, vector<1x16xf32>,
    %swap3A_1471 = vector.shape_cast %swap3A_1470 : vector<1x16xf32> to vector<16xf32>
    %swap3A_1472 = vector.shape_cast %mul3A_1466 : vector<16xf32> to vector<1x16xf32>
    tpu.vector_store %arg9[%swap3A_1468, %swap3A_1469], %swap3A_1472 {strides = array<i32>} : memref<32x64xf32, #tpu.memory_space<vmem>>, vector<1x16xf32>,
    %get3A_1473 = arith.constant 21 : i32
    %get3A_1474 = arith.index_cast %get3A_1473 : i32 to index
    %get3A_1475 = arith.constant 32 : index
    %get3A_1476 = tpu.vector_load %arg9[%get3A_1474, %get3A_1475] {strides = array<i32>} : memref<32x64xf32, #tpu.memory_space<vmem>>, vector<1x16xf32>,
    %get3A_1477 = vector.shape_cast %get3A_1476 : vector<1x16xf32> to vector<16xf32>
    %get3A_1478 = arith.constant 21 : i32
    %get3A_1479 = arith.index_cast %get3A_1478 : i32 to index
    %get3A_1480 = arith.constant 32 : index
    %get3A_1481 = tpu.vector_load %arg10[%get3A_1479, %get3A_1480] {strides = array<i32>} : memref<32x64xf32, #tpu.memory_space<vmem>>, vector<1x16xf32>,
    %get3A_1482 = vector.shape_cast %get3A_1481 : vector<1x16xf32> to vector<16xf32>
    %mul3A_1483 = arith.mulf %get3A_1477, %get3A_1482 : vector<16xf32>
    %swap3A_1484 = arith.constant 21 : i32
    %swap3A_1485 = arith.index_cast %swap3A_1484 : i32 to index
    %swap3A_1486 = arith.constant 32 : index
    %swap3A_1487 = tpu.vector_load %arg9[%swap3A_1485, %swap3A_1486] {strides = array<i32>} : memref<32x64xf32, #tpu.memory_space<vmem>>, vector<1x16xf32>,
    %swap3A_1488 = vector.shape_cast %swap3A_1487 : vector<1x16xf32> to vector<16xf32>
    %swap3A_1489 = vector.shape_cast %mul3A_1483 : vector<16xf32> to vector<1x16xf32>
    tpu.vector_store %arg9[%swap3A_1485, %swap3A_1486], %swap3A_1489 {strides = array<i32>} : memref<32x64xf32, #tpu.memory_space<vmem>>, vector<1x16xf32>,
    %get3A_1490 = arith.constant 21 : i32
    %get3A_1491 = arith.index_cast %get3A_1490 : i32 to index
    %get3A_1492 = arith.constant 48 : index
    %get3A_1493 = tpu.vector_load %arg9[%get3A_1491, %get3A_1492] {strides = array<i32>} : memref<32x64xf32, #tpu.memory_space<vmem>>, vector<1x16xf32>,
    %get3A_1494 = vector.shape_cast %get3A_1493 : vector<1x16xf32> to vector<16xf32>
    %get3A_1495 = arith.constant 21 : i32
    %get3A_1496 = arith.index_cast %get3A_1495 : i32 to index
    %get3A_1497 = arith.constant 48 : index
    %get3A_1498 = tpu.vector_load %arg10[%get3A_1496, %get3A_1497] {strides = array<i32>} : memref<32x64xf32, #tpu.memory_space<vmem>>, vector<1x16xf32>,
    %get3A_1499 = vector.shape_cast %get3A_1498 : vector<1x16xf32> to vector<16xf32>
    %mul3A_1500 = arith.mulf %get3A_1494, %get3A_1499 : vector<16xf32>
    %swap3A_1501 = arith.constant 21 : i32
    %swap3A_1502 = arith.index_cast %swap3A_1501 : i32 to index
    %swap3A_1503 = arith.constant 48 : index
    %swap3A_1504 = tpu.vector_load %arg9[%swap3A_1502, %swap3A_1503] {strides = array<i32>} : memref<32x64xf32, #tpu.memory_space<vmem>>, vector<1x16xf32>,
    %swap3A_1505 = vector.shape_cast %swap3A_1504 : vector<1x16xf32> to vector<16xf32>
    %swap3A_1506 = vector.shape_cast %mul3A_1500 : vector<16xf32> to vector<1x16xf32>
    tpu.vector_store %arg9[%swap3A_1502, %swap3A_1503], %swap3A_1506 {strides = array<i32>} : memref<32x64xf32, #tpu.memory_space<vmem>>, vector<1x16xf32>,
    %get3A_1507 = arith.constant 22 : i32
    %get3A_1508 = arith.index_cast %get3A_1507 : i32 to index
    %get3A_1509 = arith.constant 0 : index
    %get3A_1510 = tpu.vector_load %arg9[%get3A_1508, %get3A_1509] {strides = array<i32>} : memref<32x64xf32, #tpu.memory_space<vmem>>, vector<1x16xf32>,
    %get3A_1511 = vector.shape_cast %get3A_1510 : vector<1x16xf32> to vector<16xf32>
    %get3A_1512 = arith.constant 22 : i32
    %get3A_1513 = arith.index_cast %get3A_1512 : i32 to index
    %get3A_1514 = arith.constant 0 : index
    %get3A_1515 = tpu.vector_load %arg10[%get3A_1513, %get3A_1514] {strides = array<i32>} : memref<32x64xf32, #tpu.memory_space<vmem>>, vector<1x16xf32>,
    %get3A_1516 = vector.shape_cast %get3A_1515 : vector<1x16xf32> to vector<16xf32>
    %mul3A_1517 = arith.mulf %get3A_1511, %get3A_1516 : vector<16xf32>
    %swap3A_1518 = arith.constant 22 : i32
    %swap3A_1519 = arith.index_cast %swap3A_1518 : i32 to index
    %swap3A_1520 = arith.constant 0 : index
    %swap3A_1521 = tpu.vector_load %arg9[%swap3A_1519, %swap3A_1520] {strides = array<i32>} : memref<32x64xf32, #tpu.memory_space<vmem>>, vector<1x16xf32>,
    %swap3A_1522 = vector.shape_cast %swap3A_1521 : vector<1x16xf32> to vector<16xf32>
    %swap3A_1523 = vector.shape_cast %mul3A_1517 : vector<16xf32> to vector<1x16xf32>
    tpu.vector_store %arg9[%swap3A_1519, %swap3A_1520], %swap3A_1523 {strides = array<i32>} : memref<32x64xf32, #tpu.memory_space<vmem>>, vector<1x16xf32>,
    %get3A_1524 = arith.constant 22 : i32
    %get3A_1525 = arith.index_cast %get3A_1524 : i32 to index
    %get3A_1526 = arith.constant 16 : index
    %get3A_1527 = tpu.vector_load %arg9[%get3A_1525, %get3A_1526] {strides = array<i32>} : memref<32x64xf32, #tpu.memory_space<vmem>>, vector<1x16xf32>,
    %get3A_1528 = vector.shape_cast %get3A_1527 : vector<1x16xf32> to vector<16xf32>
    %get3A_1529 = arith.constant 22 : i32
    %get3A_1530 = arith.index_cast %get3A_1529 : i32 to index
    %get3A_1531 = arith.constant 16 : index
    %get3A_1532 = tpu.vector_load %arg10[%get3A_1530, %get3A_1531] {strides = array<i32>} : memref<32x64xf32, #tpu.memory_space<vmem>>, vector<1x16xf32>,
    %get3A_1533 = vector.shape_cast %get3A_1532 : vector<1x16xf32> to vector<16xf32>
    %mul3A_1534 = arith.mulf %get3A_1528, %get3A_1533 : vector<16xf32>
    %swap3A_1535 = arith.constant 22 : i32
    %swap3A_1536 = arith.index_cast %swap3A_1535 : i32 to index
    %swap3A_1537 = arith.constant 16 : index
    %swap3A_1538 = tpu.vector_load %arg9[%swap3A_1536, %swap3A_1537] {strides = array<i32>} : memref<32x64xf32, #tpu.memory_space<vmem>>, vector<1x16xf32>,
    %swap3A_1539 = vector.shape_cast %swap3A_1538 : vector<1x16xf32> to vector<16xf32>
    %swap3A_1540 = vector.shape_cast %mul3A_1534 : vector<16xf32> to vector<1x16xf32>
    tpu.vector_store %arg9[%swap3A_1536, %swap3A_1537], %swap3A_1540 {strides = array<i32>} : memref<32x64xf32, #tpu.memory_space<vmem>>, vector<1x16xf32>,
    %get3A_1541 = arith.constant 22 : i32
    %get3A_1542 = arith.index_cast %get3A_1541 : i32 to index
    %get3A_1543 = arith.constant 32 : index
    %get3A_1544 = tpu.vector_load %arg9[%get3A_1542, %get3A_1543] {strides = array<i32>} : memref<32x64xf32, #tpu.memory_space<vmem>>, vector<1x16xf32>,
    %get3A_1545 = vector.shape_cast %get3A_1544 : vector<1x16xf32> to vector<16xf32>
    %get3A_1546 = arith.constant 22 : i32
    %get3A_1547 = arith.index_cast %get3A_1546 : i32 to index
    %get3A_1548 = arith.constant 32 : index
    %get3A_1549 = tpu.vector_load %arg10[%get3A_1547, %get3A_1548] {strides = array<i32>} : memref<32x64xf32, #tpu.memory_space<vmem>>, vector<1x16xf32>,
    %get3A_1550 = vector.shape_cast %get3A_1549 : vector<1x16xf32> to vector<16xf32>
    %mul3A_1551 = arith.mulf %get3A_1545, %get3A_1550 : vector<16xf32>
    %swap3A_1552 = arith.constant 22 : i32
    %swap3A_1553 = arith.index_cast %swap3A_1552 : i32 to index
    %swap3A_1554 = arith.constant 32 : index
    %swap3A_1555 = tpu.vector_load %arg9[%swap3A_1553, %swap3A_1554] {strides = array<i32>} : memref<32x64xf32, #tpu.memory_space<vmem>>, vector<1x16xf32>,
    %swap3A_1556 = vector.shape_cast %swap3A_1555 : vector<1x16xf32> to vector<16xf32>
    %swap3A_1557 = vector.shape_cast %mul3A_1551 : vector<16xf32> to vector<1x16xf32>
    tpu.vector_store %arg9[%swap3A_1553, %swap3A_1554], %swap3A_1557 {strides = array<i32>} : memref<32x64xf32, #tpu.memory_space<vmem>>, vector<1x16xf32>,
    %get3A_1558 = arith.constant 22 : i32
    %get3A_1559 = arith.index_cast %get3A_1558 : i32 to index
    %get3A_1560 = arith.constant 48 : index
    %get3A_1561 = tpu.vector_load %arg9[%get3A_1559, %get3A_1560] {strides = array<i32>} : memref<32x64xf32, #tpu.memory_space<vmem>>, vector<1x16xf32>,
    %get3A_1562 = vector.shape_cast %get3A_1561 : vector<1x16xf32> to vector<16xf32>
    %get3A_1563 = arith.constant 22 : i32
    %get3A_1564 = arith.index_cast %get3A_1563 : i32 to index
    %get3A_1565 = arith.constant 48 : index
    %get3A_1566 = tpu.vector_load %arg10[%get3A_1564, %get3A_1565] {strides = array<i32>} : memref<32x64xf32, #tpu.memory_space<vmem>>, vector<1x16xf32>,
    %get3A_1567 = vector.shape_cast %get3A_1566 : vector<1x16xf32> to vector<16xf32>
    %mul3A_1568 = arith.mulf %get3A_1562, %get3A_1567 : vector<16xf32>
    %swap3A_1569 = arith.constant 22 : i32
    %swap3A_1570 = arith.index_cast %swap3A_1569 : i32 to index
    %swap3A_1571 = arith.constant 48 : index
    %swap3A_1572 = tpu.vector_load %arg9[%swap3A_1570, %swap3A_1571] {strides = array<i32>} : memref<32x64xf32, #tpu.memory_space<vmem>>, vector<1x16xf32>,
    %swap3A_1573 = vector.shape_cast %swap3A_1572 : vector<1x16xf32> to vector<16xf32>
    %swap3A_1574 = vector.shape_cast %mul3A_1568 : vector<16xf32> to vector<1x16xf32>
    tpu.vector_store %arg9[%swap3A_1570, %swap3A_1571], %swap3A_1574 {strides = array<i32>} : memref<32x64xf32, #tpu.memory_space<vmem>>, vector<1x16xf32>,
    %get3A_1575 = arith.constant 23 : i32
    %get3A_1576 = arith.index_cast %get3A_1575 : i32 to index
    %get3A_1577 = arith.constant 0 : index
    %get3A_1578 = tpu.vector_load %arg9[%get3A_1576, %get3A_1577] {strides = array<i32>} : memref<32x64xf32, #tpu.memory_space<vmem>>, vector<1x16xf32>,
    %get3A_1579 = vector.shape_cast %get3A_1578 : vector<1x16xf32> to vector<16xf32>
    %get3A_1580 = arith.constant 23 : i32
    %get3A_1581 = arith.index_cast %get3A_1580 : i32 to index
    %get3A_1582 = arith.constant 0 : index
    %get3A_1583 = tpu.vector_load %arg10[%get3A_1581, %get3A_1582] {strides = array<i32>} : memref<32x64xf32, #tpu.memory_space<vmem>>, vector<1x16xf32>,
    %get3A_1584 = vector.shape_cast %get3A_1583 : vector<1x16xf32> to vector<16xf32>
    %mul3A_1585 = arith.mulf %get3A_1579, %get3A_1584 : vector<16xf32>
    %swap3A_1586 = arith.constant 23 : i32
    %swap3A_1587 = arith.index_cast %swap3A_1586 : i32 to index
    %swap3A_1588 = arith.constant 0 : index
    %swap3A_1589 = tpu.vector_load %arg9[%swap3A_1587, %swap3A_1588] {strides = array<i32>} : memref<32x64xf32, #tpu.memory_space<vmem>>, vector<1x16xf32>,
    %swap3A_1590 = vector.shape_cast %swap3A_1589 : vector<1x16xf32> to vector<16xf32>
    %swap3A_1591 = vector.shape_cast %mul3A_1585 : vector<16xf32> to vector<1x16xf32>
    tpu.vector_store %arg9[%swap3A_1587, %swap3A_1588], %swap3A_1591 {strides = array<i32>} : memref<32x64xf32, #tpu.memory_space<vmem>>, vector<1x16xf32>,
    %get3A_1592 = arith.constant 23 : i32
    %get3A_1593 = arith.index_cast %get3A_1592 : i32 to index
    %get3A_1594 = arith.constant 16 : index
    %get3A_1595 = tpu.vector_load %arg9[%get3A_1593, %get3A_1594] {strides = array<i32>} : memref<32x64xf32, #tpu.memory_space<vmem>>, vector<1x16xf32>,
    %get3A_1596 = vector.shape_cast %get3A_1595 : vector<1x16xf32> to vector<16xf32>
    %get3A_1597 = arith.constant 23 : i32
    %get3A_1598 = arith.index_cast %get3A_1597 : i32 to index
    %get3A_1599 = arith.constant 16 : index
    %get3A_1600 = tpu.vector_load %arg10[%get3A_1598, %get3A_1599] {strides = array<i32>} : memref<32x64xf32, #tpu.memory_space<vmem>>, vector<1x16xf32>,
    %get3A_1601 = vector.shape_cast %get3A_1600 : vector<1x16xf32> to vector<16xf32>
    %mul3A_1602 = arith.mulf %get3A_1596, %get3A_1601 : vector<16xf32>
    %swap3A_1603 = arith.constant 23 : i32
    %swap3A_1604 = arith.index_cast %swap3A_1603 : i32 to index
    %swap3A_1605 = arith.constant 16 : index
    %swap3A_1606 = tpu.vector_load %arg9[%swap3A_1604, %swap3A_1605] {strides = array<i32>} : memref<32x64xf32, #tpu.memory_space<vmem>>, vector<1x16xf32>,
    %swap3A_1607 = vector.shape_cast %swap3A_1606 : vector<1x16xf32> to vector<16xf32>
    %swap3A_1608 = vector.shape_cast %mul3A_1602 : vector<16xf32> to vector<1x16xf32>
    tpu.vector_store %arg9[%swap3A_1604, %swap3A_1605], %swap3A_1608 {strides = array<i32>} : memref<32x64xf32, #tpu.memory_space<vmem>>, vector<1x16xf32>,
    %get3A_1609 = arith.constant 23 : i32
    %get3A_1610 = arith.index_cast %get3A_1609 : i32 to index
    %get3A_1611 = arith.constant 32 : index
    %get3A_1612 = tpu.vector_load %arg9[%get3A_1610, %get3A_1611] {strides = array<i32>} : memref<32x64xf32, #tpu.memory_space<vmem>>, vector<1x16xf32>,
    %get3A_1613 = vector.shape_cast %get3A_1612 : vector<1x16xf32> to vector<16xf32>
    %get3A_1614 = arith.constant 23 : i32
    %get3A_1615 = arith.index_cast %get3A_1614 : i32 to index
    %get3A_1616 = arith.constant 32 : index
    %get3A_1617 = tpu.vector_load %arg10[%get3A_1615, %get3A_1616] {strides = array<i32>} : memref<32x64xf32, #tpu.memory_space<vmem>>, vector<1x16xf32>,
    %get3A_1618 = vector.shape_cast %get3A_1617 : vector<1x16xf32> to vector<16xf32>
    %mul3A_1619 = arith.mulf %get3A_1613, %get3A_1618 : vector<16xf32>
    %swap3A_1620 = arith.constant 23 : i32
    %swap3A_1621 = arith.index_cast %swap3A_1620 : i32 to index
    %swap3A_1622 = arith.constant 32 : index
    %swap3A_1623 = tpu.vector_load %arg9[%swap3A_1621, %swap3A_1622] {strides = array<i32>} : memref<32x64xf32, #tpu.memory_space<vmem>>, vector<1x16xf32>,
    %swap3A_1624 = vector.shape_cast %swap3A_1623 : vector<1x16xf32> to vector<16xf32>
    %swap3A_1625 = vector.shape_cast %mul3A_1619 : vector<16xf32> to vector<1x16xf32>
    tpu.vector_store %arg9[%swap3A_1621, %swap3A_1622], %swap3A_1625 {strides = array<i32>} : memref<32x64xf32, #tpu.memory_space<vmem>>, vector<1x16xf32>,
    %get3A_1626 = arith.constant 23 : i32
    %get3A_1627 = arith.index_cast %get3A_1626 : i32 to index
    %get3A_1628 = arith.constant 48 : index
    %get3A_1629 = tpu.vector_load %arg9[%get3A_1627, %get3A_1628] {strides = array<i32>} : memref<32x64xf32, #tpu.memory_space<vmem>>, vector<1x16xf32>,
    %get3A_1630 = vector.shape_cast %get3A_1629 : vector<1x16xf32> to vector<16xf32>
    %get3A_1631 = arith.constant 23 : i32
    %get3A_1632 = arith.index_cast %get3A_1631 : i32 to index
    %get3A_1633 = arith.constant 48 : index
    %get3A_1634 = tpu.vector_load %arg10[%get3A_1632, %get3A_1633] {strides = array<i32>} : memref<32x64xf32, #tpu.memory_space<vmem>>, vector<1x16xf32>,
    %get3A_1635 = vector.shape_cast %get3A_1634 : vector<1x16xf32> to vector<16xf32>
    %mul3A_1636 = arith.mulf %get3A_1630, %get3A_1635 : vector<16xf32>
    %swap3A_1637 = arith.constant 23 : i32
    %swap3A_1638 = arith.index_cast %swap3A_1637 : i32 to index
    %swap3A_1639 = arith.constant 48 : index
    %swap3A_1640 = tpu.vector_load %arg9[%swap3A_1638, %swap3A_1639] {strides = array<i32>} : memref<32x64xf32, #tpu.memory_space<vmem>>, vector<1x16xf32>,
    %swap3A_1641 = vector.shape_cast %swap3A_1640 : vector<1x16xf32> to vector<16xf32>
    %swap3A_1642 = vector.shape_cast %mul3A_1636 : vector<16xf32> to vector<1x16xf32>
    tpu.vector_store %arg9[%swap3A_1638, %swap3A_1639], %swap3A_1642 {strides = array<i32>} : memref<32x64xf32, #tpu.memory_space<vmem>>, vector<1x16xf32>,
    %get3A_1643 = arith.constant 24 : i32
    %get3A_1644 = arith.index_cast %get3A_1643 : i32 to index
    %get3A_1645 = arith.constant 0 : index
    %get3A_1646 = tpu.vector_load %arg9[%get3A_1644, %get3A_1645] {strides = array<i32>} : memref<32x64xf32, #tpu.memory_space<vmem>>, vector<1x16xf32>,
    %get3A_1647 = vector.shape_cast %get3A_1646 : vector<1x16xf32> to vector<16xf32>
    %get3A_1648 = arith.constant 24 : i32
    %get3A_1649 = arith.index_cast %get3A_1648 : i32 to index
    %get3A_1650 = arith.constant 0 : index
    %get3A_1651 = tpu.vector_load %arg10[%get3A_1649, %get3A_1650] {strides = array<i32>} : memref<32x64xf32, #tpu.memory_space<vmem>>, vector<1x16xf32>,
    %get3A_1652 = vector.shape_cast %get3A_1651 : vector<1x16xf32> to vector<16xf32>
    %mul3A_1653 = arith.mulf %get3A_1647, %get3A_1652 : vector<16xf32>
    %swap3A_1654 = arith.constant 24 : i32
    %swap3A_1655 = arith.index_cast %swap3A_1654 : i32 to index
    %swap3A_1656 = arith.constant 0 : index
    %swap3A_1657 = tpu.vector_load %arg9[%swap3A_1655, %swap3A_1656] {strides = array<i32>} : memref<32x64xf32, #tpu.memory_space<vmem>>, vector<1x16xf32>,
    %swap3A_1658 = vector.shape_cast %swap3A_1657 : vector<1x16xf32> to vector<16xf32>
    %swap3A_1659 = vector.shape_cast %mul3A_1653 : vector<16xf32> to vector<1x16xf32>
    tpu.vector_store %arg9[%swap3A_1655, %swap3A_1656], %swap3A_1659 {strides = array<i32>} : memref<32x64xf32, #tpu.memory_space<vmem>>, vector<1x16xf32>,
    %get3A_1660 = arith.constant 24 : i32
    %get3A_1661 = arith.index_cast %get3A_1660 : i32 to index
    %get3A_1662 = arith.constant 16 : index
    %get3A_1663 = tpu.vector_load %arg9[%get3A_1661, %get3A_1662] {strides = array<i32>} : memref<32x64xf32, #tpu.memory_space<vmem>>, vector<1x16xf32>,
    %get3A_1664 = vector.shape_cast %get3A_1663 : vector<1x16xf32> to vector<16xf32>
    %get3A_1665 = arith.constant 24 : i32
    %get3A_1666 = arith.index_cast %get3A_1665 : i32 to index
    %get3A_1667 = arith.constant 16 : index
    %get3A_1668 = tpu.vector_load %arg10[%get3A_1666, %get3A_1667] {strides = array<i32>} : memref<32x64xf32, #tpu.memory_space<vmem>>, vector<1x16xf32>,
    %get3A_1669 = vector.shape_cast %get3A_1668 : vector<1x16xf32> to vector<16xf32>
    %mul3A_1670 = arith.mulf %get3A_1664, %get3A_1669 : vector<16xf32>
    %swap3A_1671 = arith.constant 24 : i32
    %swap3A_1672 = arith.index_cast %swap3A_1671 : i32 to index
    %swap3A_1673 = arith.constant 16 : index
    %swap3A_1674 = tpu.vector_load %arg9[%swap3A_1672, %swap3A_1673] {strides = array<i32>} : memref<32x64xf32, #tpu.memory_space<vmem>>, vector<1x16xf32>,
    %swap3A_1675 = vector.shape_cast %swap3A_1674 : vector<1x16xf32> to vector<16xf32>
    %swap3A_1676 = vector.shape_cast %mul3A_1670 : vector<16xf32> to vector<1x16xf32>
    tpu.vector_store %arg9[%swap3A_1672, %swap3A_1673], %swap3A_1676 {strides = array<i32>} : memref<32x64xf32, #tpu.memory_space<vmem>>, vector<1x16xf32>,
    %get3A_1677 = arith.constant 24 : i32
    %get3A_1678 = arith.index_cast %get3A_1677 : i32 to index
    %get3A_1679 = arith.constant 32 : index
    %get3A_1680 = tpu.vector_load %arg9[%get3A_1678, %get3A_1679] {strides = array<i32>} : memref<32x64xf32, #tpu.memory_space<vmem>>, vector<1x16xf32>,
    %get3A_1681 = vector.shape_cast %get3A_1680 : vector<1x16xf32> to vector<16xf32>
    %get3A_1682 = arith.constant 24 : i32
    %get3A_1683 = arith.index_cast %get3A_1682 : i32 to index
    %get3A_1684 = arith.constant 32 : index
    %get3A_1685 = tpu.vector_load %arg10[%get3A_1683, %get3A_1684] {strides = array<i32>} : memref<32x64xf32, #tpu.memory_space<vmem>>, vector<1x16xf32>,
    %get3A_1686 = vector.shape_cast %get3A_1685 : vector<1x16xf32> to vector<16xf32>
    %mul3A_1687 = arith.mulf %get3A_1681, %get3A_1686 : vector<16xf32>
    %swap3A_1688 = arith.constant 24 : i32
    %swap3A_1689 = arith.index_cast %swap3A_1688 : i32 to index
    %swap3A_1690 = arith.constant 32 : index
    %swap3A_1691 = tpu.vector_load %arg9[%swap3A_1689, %swap3A_1690] {strides = array<i32>} : memref<32x64xf32, #tpu.memory_space<vmem>>, vector<1x16xf32>,
    %swap3A_1692 = vector.shape_cast %swap3A_1691 : vector<1x16xf32> to vector<16xf32>
    %swap3A_1693 = vector.shape_cast %mul3A_1687 : vector<16xf32> to vector<1x16xf32>
    tpu.vector_store %arg9[%swap3A_1689, %swap3A_1690], %swap3A_1693 {strides = array<i32>} : memref<32x64xf32, #tpu.memory_space<vmem>>, vector<1x16xf32>,
    %get3A_1694 = arith.constant 24 : i32
    %get3A_1695 = arith.index_cast %get3A_1694 : i32 to index
    %get3A_1696 = arith.constant 48 : index
    %get3A_1697 = tpu.vector_load %arg9[%get3A_1695, %get3A_1696] {strides = array<i32>} : memref<32x64xf32, #tpu.memory_space<vmem>>, vector<1x16xf32>,
    %get3A_1698 = vector.shape_cast %get3A_1697 : vector<1x16xf32> to vector<16xf32>
    %get3A_1699 = arith.constant 24 : i32
    %get3A_1700 = arith.index_cast %get3A_1699 : i32 to index
    %get3A_1701 = arith.constant 48 : index
    %get3A_1702 = tpu.vector_load %arg10[%get3A_1700, %get3A_1701] {strides = array<i32>} : memref<32x64xf32, #tpu.memory_space<vmem>>, vector<1x16xf32>,
    %get3A_1703 = vector.shape_cast %get3A_1702 : vector<1x16xf32> to vector<16xf32>
    %mul3A_1704 = arith.mulf %get3A_1698, %get3A_1703 : vector<16xf32>
    %swap3A_1705 = arith.constant 24 : i32
    %swap3A_1706 = arith.index_cast %swap3A_1705 : i32 to index
    %swap3A_1707 = arith.constant 48 : index
    %swap3A_1708 = tpu.vector_load %arg9[%swap3A_1706, %swap3A_1707] {strides = array<i32>} : memref<32x64xf32, #tpu.memory_space<vmem>>, vector<1x16xf32>,
    %swap3A_1709 = vector.shape_cast %swap3A_1708 : vector<1x16xf32> to vector<16xf32>
    %swap3A_1710 = vector.shape_cast %mul3A_1704 : vector<16xf32> to vector<1x16xf32>
    tpu.vector_store %arg9[%swap3A_1706, %swap3A_1707], %swap3A_1710 {strides = array<i32>} : memref<32x64xf32, #tpu.memory_space<vmem>>, vector<1x16xf32>,
    %get3A_1711 = arith.constant 25 : i32
    %get3A_1712 = arith.index_cast %get3A_1711 : i32 to index
    %get3A_1713 = arith.constant 0 : index
    %get3A_1714 = tpu.vector_load %arg9[%get3A_1712, %get3A_1713] {strides = array<i32>} : memref<32x64xf32, #tpu.memory_space<vmem>>, vector<1x16xf32>,
    %get3A_1715 = vector.shape_cast %get3A_1714 : vector<1x16xf32> to vector<16xf32>
    %get3A_1716 = arith.constant 25 : i32
    %get3A_1717 = arith.index_cast %get3A_1716 : i32 to index
    %get3A_1718 = arith.constant 0 : index
    %get3A_1719 = tpu.vector_load %arg10[%get3A_1717, %get3A_1718] {strides = array<i32>} : memref<32x64xf32, #tpu.memory_space<vmem>>, vector<1x16xf32>,
    %get3A_1720 = vector.shape_cast %get3A_1719 : vector<1x16xf32> to vector<16xf32>
    %mul3A_1721 = arith.mulf %get3A_1715, %get3A_1720 : vector<16xf32>
    %swap3A_1722 = arith.constant 25 : i32
    %swap3A_1723 = arith.index_cast %swap3A_1722 : i32 to index
    %swap3A_1724 = arith.constant 0 : index
    %swap3A_1725 = tpu.vector_load %arg9[%swap3A_1723, %swap3A_1724] {strides = array<i32>} : memref<32x64xf32, #tpu.memory_space<vmem>>, vector<1x16xf32>,
    %swap3A_1726 = vector.shape_cast %swap3A_1725 : vector<1x16xf32> to vector<16xf32>
    %swap3A_1727 = vector.shape_cast %mul3A_1721 : vector<16xf32> to vector<1x16xf32>
    tpu.vector_store %arg9[%swap3A_1723, %swap3A_1724], %swap3A_1727 {strides = array<i32>} : memref<32x64xf32, #tpu.memory_space<vmem>>, vector<1x16xf32>,
    %get3A_1728 = arith.constant 25 : i32
    %get3A_1729 = arith.index_cast %get3A_1728 : i32 to index
    %get3A_1730 = arith.constant 16 : index
    %get3A_1731 = tpu.vector_load %arg9[%get3A_1729, %get3A_1730] {strides = array<i32>} : memref<32x64xf32, #tpu.memory_space<vmem>>, vector<1x16xf32>,
    %get3A_1732 = vector.shape_cast %get3A_1731 : vector<1x16xf32> to vector<16xf32>
    %get3A_1733 = arith.constant 25 : i32
    %get3A_1734 = arith.index_cast %get3A_1733 : i32 to index
    %get3A_1735 = arith.constant 16 : index
    %get3A_1736 = tpu.vector_load %arg10[%get3A_1734, %get3A_1735] {strides = array<i32>} : memref<32x64xf32, #tpu.memory_space<vmem>>, vector<1x16xf32>,
    %get3A_1737 = vector.shape_cast %get3A_1736 : vector<1x16xf32> to vector<16xf32>
    %mul3A_1738 = arith.mulf %get3A_1732, %get3A_1737 : vector<16xf32>
    %swap3A_1739 = arith.constant 25 : i32
    %swap3A_1740 = arith.index_cast %swap3A_1739 : i32 to index
    %swap3A_1741 = arith.constant 16 : index
    %swap3A_1742 = tpu.vector_load %arg9[%swap3A_1740, %swap3A_1741] {strides = array<i32>} : memref<32x64xf32, #tpu.memory_space<vmem>>, vector<1x16xf32>,
    %swap3A_1743 = vector.shape_cast %swap3A_1742 : vector<1x16xf32> to vector<16xf32>
    %swap3A_1744 = vector.shape_cast %mul3A_1738 : vector<16xf32> to vector<1x16xf32>
    tpu.vector_store %arg9[%swap3A_1740, %swap3A_1741], %swap3A_1744 {strides = array<i32>} : memref<32x64xf32, #tpu.memory_space<vmem>>, vector<1x16xf32>,
    %get3A_1745 = arith.constant 25 : i32
    %get3A_1746 = arith.index_cast %get3A_1745 : i32 to index
    %get3A_1747 = arith.constant 32 : index
    %get3A_1748 = tpu.vector_load %arg9[%get3A_1746, %get3A_1747] {strides = array<i32>} : memref<32x64xf32, #tpu.memory_space<vmem>>, vector<1x16xf32>,
    %get3A_1749 = vector.shape_cast %get3A_1748 : vector<1x16xf32> to vector<16xf32>
    %get3A_1750 = arith.constant 25 : i32
    %get3A_1751 = arith.index_cast %get3A_1750 : i32 to index
    %get3A_1752 = arith.constant 32 : index
    %get3A_1753 = tpu.vector_load %arg10[%get3A_1751, %get3A_1752] {strides = array<i32>} : memref<32x64xf32, #tpu.memory_space<vmem>>, vector<1x16xf32>,
    %get3A_1754 = vector.shape_cast %get3A_1753 : vector<1x16xf32> to vector<16xf32>
    %mul3A_1755 = arith.mulf %get3A_1749, %get3A_1754 : vector<16xf32>
    %swap3A_1756 = arith.constant 25 : i32
    %swap3A_1757 = arith.index_cast %swap3A_1756 : i32 to index
    %swap3A_1758 = arith.constant 32 : index
    %swap3A_1759 = tpu.vector_load %arg9[%swap3A_1757, %swap3A_1758] {strides = array<i32>} : memref<32x64xf32, #tpu.memory_space<vmem>>, vector<1x16xf32>,
    %swap3A_1760 = vector.shape_cast %swap3A_1759 : vector<1x16xf32> to vector<16xf32>
    %swap3A_1761 = vector.shape_cast %mul3A_1755 : vector<16xf32> to vector<1x16xf32>
    tpu.vector_store %arg9[%swap3A_1757, %swap3A_1758], %swap3A_1761 {strides = array<i32>} : memref<32x64xf32, #tpu.memory_space<vmem>>, vector<1x16xf32>,
    %get3A_1762 = arith.constant 25 : i32
    %get3A_1763 = arith.index_cast %get3A_1762 : i32 to index
    %get3A_1764 = arith.constant 48 : index
    %get3A_1765 = tpu.vector_load %arg9[%get3A_1763, %get3A_1764] {strides = array<i32>} : memref<32x64xf32, #tpu.memory_space<vmem>>, vector<1x16xf32>,
    %get3A_1766 = vector.shape_cast %get3A_1765 : vector<1x16xf32> to vector<16xf32>
    %get3A_1767 = arith.constant 25 : i32
    %get3A_1768 = arith.index_cast %get3A_1767 : i32 to index
    %get3A_1769 = arith.constant 48 : index
    %get3A_1770 = tpu.vector_load %arg10[%get3A_1768, %get3A_1769] {strides = array<i32>} : memref<32x64xf32, #tpu.memory_space<vmem>>, vector<1x16xf32>,
    %get3A_1771 = vector.shape_cast %get3A_1770 : vector<1x16xf32> to vector<16xf32>
    %mul3A_1772 = arith.mulf %get3A_1766, %get3A_1771 : vector<16xf32>
    %swap3A_1773 = arith.constant 25 : i32
    %swap3A_1774 = arith.index_cast %swap3A_1773 : i32 to index
    %swap3A_1775 = arith.constant 48 : index
    %swap3A_1776 = tpu.vector_load %arg9[%swap3A_1774, %swap3A_1775] {strides = array<i32>} : memref<32x64xf32, #tpu.memory_space<vmem>>, vector<1x16xf32>,
    %swap3A_1777 = vector.shape_cast %swap3A_1776 : vector<1x16xf32> to vector<16xf32>
    %swap3A_1778 = vector.shape_cast %mul3A_1772 : vector<16xf32> to vector<1x16xf32>
    tpu.vector_store %arg9[%swap3A_1774, %swap3A_1775], %swap3A_1778 {strides = array<i32>} : memref<32x64xf32, #tpu.memory_space<vmem>>, vector<1x16xf32>,
    %get3A_1779 = arith.constant 26 : i32
    %get3A_1780 = arith.index_cast %get3A_1779 : i32 to index
    %get3A_1781 = arith.constant 0 : index
    %get3A_1782 = tpu.vector_load %arg9[%get3A_1780, %get3A_1781] {strides = array<i32>} : memref<32x64xf32, #tpu.memory_space<vmem>>, vector<1x16xf32>,
    %get3A_1783 = vector.shape_cast %get3A_1782 : vector<1x16xf32> to vector<16xf32>
    %get3A_1784 = arith.constant 26 : i32
    %get3A_1785 = arith.index_cast %get3A_1784 : i32 to index
    %get3A_1786 = arith.constant 0 : index
    %get3A_1787 = tpu.vector_load %arg10[%get3A_1785, %get3A_1786] {strides = array<i32>} : memref<32x64xf32, #tpu.memory_space<vmem>>, vector<1x16xf32>,
    %get3A_1788 = vector.shape_cast %get3A_1787 : vector<1x16xf32> to vector<16xf32>
    %mul3A_1789 = arith.mulf %get3A_1783, %get3A_1788 : vector<16xf32>
    %swap3A_1790 = arith.constant 26 : i32
    %swap3A_1791 = arith.index_cast %swap3A_1790 : i32 to index
    %swap3A_1792 = arith.constant 0 : index
    %swap3A_1793 = tpu.vector_load %arg9[%swap3A_1791, %swap3A_1792] {strides = array<i32>} : memref<32x64xf32, #tpu.memory_space<vmem>>, vector<1x16xf32>,
    %swap3A_1794 = vector.shape_cast %swap3A_1793 : vector<1x16xf32> to vector<16xf32>
    %swap3A_1795 = vector.shape_cast %mul3A_1789 : vector<16xf32> to vector<1x16xf32>
    tpu.vector_store %arg9[%swap3A_1791, %swap3A_1792], %swap3A_1795 {strides = array<i32>} : memref<32x64xf32, #tpu.memory_space<vmem>>, vector<1x16xf32>,
    %get3A_1796 = arith.constant 26 : i32
    %get3A_1797 = arith.index_cast %get3A_1796 : i32 to index
    %get3A_1798 = arith.constant 16 : index
    %get3A_1799 = tpu.vector_load %arg9[%get3A_1797, %get3A_1798] {strides = array<i32>} : memref<32x64xf32, #tpu.memory_space<vmem>>, vector<1x16xf32>,
    %get3A_1800 = vector.shape_cast %get3A_1799 : vector<1x16xf32> to vector<16xf32>
    %get3A_1801 = arith.constant 26 : i32
    %get3A_1802 = arith.index_cast %get3A_1801 : i32 to index
    %get3A_1803 = arith.constant 16 : index
    %get3A_1804 = tpu.vector_load %arg10[%get3A_1802, %get3A_1803] {strides = array<i32>} : memref<32x64xf32, #tpu.memory_space<vmem>>, vector<1x16xf32>,
    %get3A_1805 = vector.shape_cast %get3A_1804 : vector<1x16xf32> to vector<16xf32>
    %mul3A_1806 = arith.mulf %get3A_1800, %get3A_1805 : vector<16xf32>
    %swap3A_1807 = arith.constant 26 : i32
    %swap3A_1808 = arith.index_cast %swap3A_1807 : i32 to index
    %swap3A_1809 = arith.constant 16 : index
    %swap3A_1810 = tpu.vector_load %arg9[%swap3A_1808, %swap3A_1809] {strides = array<i32>} : memref<32x64xf32, #tpu.memory_space<vmem>>, vector<1x16xf32>,
    %swap3A_1811 = vector.shape_cast %swap3A_1810 : vector<1x16xf32> to vector<16xf32>
    %swap3A_1812 = vector.shape_cast %mul3A_1806 : vector<16xf32> to vector<1x16xf32>
    tpu.vector_store %arg9[%swap3A_1808, %swap3A_1809], %swap3A_1812 {strides = array<i32>} : memref<32x64xf32, #tpu.memory_space<vmem>>, vector<1x16xf32>,
    %get3A_1813 = arith.constant 26 : i32
    %get3A_1814 = arith.index_cast %get3A_1813 : i32 to index
    %get3A_1815 = arith.constant 32 : index
    %get3A_1816 = tpu.vector_load %arg9[%get3A_1814, %get3A_1815] {strides = array<i32>} : memref<32x64xf32, #tpu.memory_space<vmem>>, vector<1x16xf32>,
    %get3A_1817 = vector.shape_cast %get3A_1816 : vector<1x16xf32> to vector<16xf32>
    %get3A_1818 = arith.constant 26 : i32
    %get3A_1819 = arith.index_cast %get3A_1818 : i32 to index
    %get3A_1820 = arith.constant 32 : index
    %get3A_1821 = tpu.vector_load %arg10[%get3A_1819, %get3A_1820] {strides = array<i32>} : memref<32x64xf32, #tpu.memory_space<vmem>>, vector<1x16xf32>,
    %get3A_1822 = vector.shape_cast %get3A_1821 : vector<1x16xf32> to vector<16xf32>
    %mul3A_1823 = arith.mulf %get3A_1817, %get3A_1822 : vector<16xf32>
    %swap3A_1824 = arith.constant 26 : i32
    %swap3A_1825 = arith.index_cast %swap3A_1824 : i32 to index
    %swap3A_1826 = arith.constant 32 : index
    %swap3A_1827 = tpu.vector_load %arg9[%swap3A_1825, %swap3A_1826] {strides = array<i32>} : memref<32x64xf32, #tpu.memory_space<vmem>>, vector<1x16xf32>,
    %swap3A_1828 = vector.shape_cast %swap3A_1827 : vector<1x16xf32> to vector<16xf32>
    %swap3A_1829 = vector.shape_cast %mul3A_1823 : vector<16xf32> to vector<1x16xf32>
    tpu.vector_store %arg9[%swap3A_1825, %swap3A_1826], %swap3A_1829 {strides = array<i32>} : memref<32x64xf32, #tpu.memory_space<vmem>>, vector<1x16xf32>,
    %get3A_1830 = arith.constant 26 : i32
    %get3A_1831 = arith.index_cast %get3A_1830 : i32 to index
    %get3A_1832 = arith.constant 48 : index
    %get3A_1833 = tpu.vector_load %arg9[%get3A_1831, %get3A_1832] {strides = array<i32>} : memref<32x64xf32, #tpu.memory_space<vmem>>, vector<1x16xf32>,
    %get3A_1834 = vector.shape_cast %get3A_1833 : vector<1x16xf32> to vector<16xf32>
    %get3A_1835 = arith.constant 26 : i32
    %get3A_1836 = arith.index_cast %get3A_1835 : i32 to index
    %get3A_1837 = arith.constant 48 : index
    %get3A_1838 = tpu.vector_load %arg10[%get3A_1836, %get3A_1837] {strides = array<i32>} : memref<32x64xf32, #tpu.memory_space<vmem>>, vector<1x16xf32>,
    %get3A_1839 = vector.shape_cast %get3A_1838 : vector<1x16xf32> to vector<16xf32>
    %mul3A_1840 = arith.mulf %get3A_1834, %get3A_1839 : vector<16xf32>
    %swap3A_1841 = arith.constant 26 : i32
    %swap3A_1842 = arith.index_cast %swap3A_1841 : i32 to index
    %swap3A_1843 = arith.constant 48 : index
    %swap3A_1844 = tpu.vector_load %arg9[%swap3A_1842, %swap3A_1843] {strides = array<i32>} : memref<32x64xf32, #tpu.memory_space<vmem>>, vector<1x16xf32>,
    %swap3A_1845 = vector.shape_cast %swap3A_1844 : vector<1x16xf32> to vector<16xf32>
    %swap3A_1846 = vector.shape_cast %mul3A_1840 : vector<16xf32> to vector<1x16xf32>
    tpu.vector_store %arg9[%swap3A_1842, %swap3A_1843], %swap3A_1846 {strides = array<i32>} : memref<32x64xf32, #tpu.memory_space<vmem>>, vector<1x16xf32>,
    %get3A_1847 = arith.constant 27 : i32
    %get3A_1848 = arith.index_cast %get3A_1847 : i32 to index
    %get3A_1849 = arith.constant 0 : index
    %get3A_1850 = tpu.vector_load %arg9[%get3A_1848, %get3A_1849] {strides = array<i32>} : memref<32x64xf32, #tpu.memory_space<vmem>>, vector<1x16xf32>,
    %get3A_1851 = vector.shape_cast %get3A_1850 : vector<1x16xf32> to vector<16xf32>
    %get3A_1852 = arith.constant 27 : i32
    %get3A_1853 = arith.index_cast %get3A_1852 : i32 to index
    %get3A_1854 = arith.constant 0 : index
    %get3A_1855 = tpu.vector_load %arg10[%get3A_1853, %get3A_1854] {strides = array<i32>} : memref<32x64xf32, #tpu.memory_space<vmem>>, vector<1x16xf32>,
    %get3A_1856 = vector.shape_cast %get3A_1855 : vector<1x16xf32> to vector<16xf32>
    %mul3A_1857 = arith.mulf %get3A_1851, %get3A_1856 : vector<16xf32>
    %swap3A_1858 = arith.constant 27 : i32
    %swap3A_1859 = arith.index_cast %swap3A_1858 : i32 to index
    %swap3A_1860 = arith.constant 0 : index
    %swap3A_1861 = tpu.vector_load %arg9[%swap3A_1859, %swap3A_1860] {strides = array<i32>} : memref<32x64xf32, #tpu.memory_space<vmem>>, vector<1x16xf32>,
    %swap3A_1862 = vector.shape_cast %swap3A_1861 : vector<1x16xf32> to vector<16xf32>
    %swap3A_1863 = vector.shape_cast %mul3A_1857 : vector<16xf32> to vector<1x16xf32>
    tpu.vector_store %arg9[%swap3A_1859, %swap3A_1860], %swap3A_1863 {strides = array<i32>} : memref<32x64xf32, #tpu.memory_space<vmem>>, vector<1x16xf32>,
    %get3A_1864 = arith.constant 27 : i32
    %get3A_1865 = arith.index_cast %get3A_1864 : i32 to index
    %get3A_1866 = arith.constant 16 : index
    %get3A_1867 = tpu.vector_load %arg9[%get3A_1865, %get3A_1866] {strides = array<i32>} : memref<32x64xf32, #tpu.memory_space<vmem>>, vector<1x16xf32>,
    %get3A_1868 = vector.shape_cast %get3A_1867 : vector<1x16xf32> to vector<16xf32>
    %get3A_1869 = arith.constant 27 : i32
    %get3A_1870 = arith.index_cast %get3A_1869 : i32 to index
    %get3A_1871 = arith.constant 16 : index
    %get3A_1872 = tpu.vector_load %arg10[%get3A_1870, %get3A_1871] {strides = array<i32>} : memref<32x64xf32, #tpu.memory_space<vmem>>, vector<1x16xf32>,
    %get3A_1873 = vector.shape_cast %get3A_1872 : vector<1x16xf32> to vector<16xf32>
    %mul3A_1874 = arith.mulf %get3A_1868, %get3A_1873 : vector<16xf32>
    %swap3A_1875 = arith.constant 27 : i32
    %swap3A_1876 = arith.index_cast %swap3A_1875 : i32 to index
    %swap3A_1877 = arith.constant 16 : index
    %swap3A_1878 = tpu.vector_load %arg9[%swap3A_1876, %swap3A_1877] {strides = array<i32>} : memref<32x64xf32, #tpu.memory_space<vmem>>, vector<1x16xf32>,
    %swap3A_1879 = vector.shape_cast %swap3A_1878 : vector<1x16xf32> to vector<16xf32>
    %swap3A_1880 = vector.shape_cast %mul3A_1874 : vector<16xf32> to vector<1x16xf32>
    tpu.vector_store %arg9[%swap3A_1876, %swap3A_1877], %swap3A_1880 {strides = array<i32>} : memref<32x64xf32, #tpu.memory_space<vmem>>, vector<1x16xf32>,
    %get3A_1881 = arith.constant 27 : i32
    %get3A_1882 = arith.index_cast %get3A_1881 : i32 to index
    %get3A_1883 = arith.constant 32 : index
    %get3A_1884 = tpu.vector_load %arg9[%get3A_1882, %get3A_1883] {strides = array<i32>} : memref<32x64xf32, #tpu.memory_space<vmem>>, vector<1x16xf32>,
    %get3A_1885 = vector.shape_cast %get3A_1884 : vector<1x16xf32> to vector<16xf32>
    %get3A_1886 = arith.constant 27 : i32
    %get3A_1887 = arith.index_cast %get3A_1886 : i32 to index
    %get3A_1888 = arith.constant 32 : index
    %get3A_1889 = tpu.vector_load %arg10[%get3A_1887, %get3A_1888] {strides = array<i32>} : memref<32x64xf32, #tpu.memory_space<vmem>>, vector<1x16xf32>,
    %get3A_1890 = vector.shape_cast %get3A_1889 : vector<1x16xf32> to vector<16xf32>
    %mul3A_1891 = arith.mulf %get3A_1885, %get3A_1890 : vector<16xf32>
    %swap3A_1892 = arith.constant 27 : i32
    %swap3A_1893 = arith.index_cast %swap3A_1892 : i32 to index
    %swap3A_1894 = arith.constant 32 : index
    %swap3A_1895 = tpu.vector_load %arg9[%swap3A_1893, %swap3A_1894] {strides = array<i32>} : memref<32x64xf32, #tpu.memory_space<vmem>>, vector<1x16xf32>,
    %swap3A_1896 = vector.shape_cast %swap3A_1895 : vector<1x16xf32> to vector<16xf32>
    %swap3A_1897 = vector.shape_cast %mul3A_1891 : vector<16xf32> to vector<1x16xf32>
    tpu.vector_store %arg9[%swap3A_1893, %swap3A_1894], %swap3A_1897 {strides = array<i32>} : memref<32x64xf32, #tpu.memory_space<vmem>>, vector<1x16xf32>,
    %get3A_1898 = arith.constant 27 : i32
    %get3A_1899 = arith.index_cast %get3A_1898 : i32 to index
    %get3A_1900 = arith.constant 48 : index
    %get3A_1901 = tpu.vector_load %arg9[%get3A_1899, %get3A_1900] {strides = array<i32>} : memref<32x64xf32, #tpu.memory_space<vmem>>, vector<1x16xf32>,
    %get3A_1902 = vector.shape_cast %get3A_1901 : vector<1x16xf32> to vector<16xf32>
    %get3A_1903 = arith.constant 27 : i32
    %get3A_1904 = arith.index_cast %get3A_1903 : i32 to index
    %get3A_1905 = arith.constant 48 : index
    %get3A_1906 = tpu.vector_load %arg10[%get3A_1904, %get3A_1905] {strides = array<i32>} : memref<32x64xf32, #tpu.memory_space<vmem>>, vector<1x16xf32>,
    %get3A_1907 = vector.shape_cast %get3A_1906 : vector<1x16xf32> to vector<16xf32>
    %mul3A_1908 = arith.mulf %get3A_1902, %get3A_1907 : vector<16xf32>
    %swap3A_1909 = arith.constant 27 : i32
    %swap3A_1910 = arith.index_cast %swap3A_1909 : i32 to index
    %swap3A_1911 = arith.constant 48 : index
    %swap3A_1912 = tpu.vector_load %arg9[%swap3A_1910, %swap3A_1911] {strides = array<i32>} : memref<32x64xf32, #tpu.memory_space<vmem>>, vector<1x16xf32>,
    %swap3A_1913 = vector.shape_cast %swap3A_1912 : vector<1x16xf32> to vector<16xf32>
    %swap3A_1914 = vector.shape_cast %mul3A_1908 : vector<16xf32> to vector<1x16xf32>
    tpu.vector_store %arg9[%swap3A_1910, %swap3A_1911], %swap3A_1914 {strides = array<i32>} : memref<32x64xf32, #tpu.memory_space<vmem>>, vector<1x16xf32>,
    %get3A_1915 = arith.constant 28 : i32
    %get3A_1916 = arith.index_cast %get3A_1915 : i32 to index
    %get3A_1917 = arith.constant 0 : index
    %get3A_1918 = tpu.vector_load %arg9[%get3A_1916, %get3A_1917] {strides = array<i32>} : memref<32x64xf32, #tpu.memory_space<vmem>>, vector<1x16xf32>,
    %get3A_1919 = vector.shape_cast %get3A_1918 : vector<1x16xf32> to vector<16xf32>
    %get3A_1920 = arith.constant 28 : i32
    %get3A_1921 = arith.index_cast %get3A_1920 : i32 to index
    %get3A_1922 = arith.constant 0 : index
    %get3A_1923 = tpu.vector_load %arg10[%get3A_1921, %get3A_1922] {strides = array<i32>} : memref<32x64xf32, #tpu.memory_space<vmem>>, vector<1x16xf32>,
    %get3A_1924 = vector.shape_cast %get3A_1923 : vector<1x16xf32> to vector<16xf32>
    %mul3A_1925 = arith.mulf %get3A_1919, %get3A_1924 : vector<16xf32>
    %swap3A_1926 = arith.constant 28 : i32
    %swap3A_1927 = arith.index_cast %swap3A_1926 : i32 to index
    %swap3A_1928 = arith.constant 0 : index
    %swap3A_1929 = tpu.vector_load %arg9[%swap3A_1927, %swap3A_1928] {strides = array<i32>} : memref<32x64xf32, #tpu.memory_space<vmem>>, vector<1x16xf32>,
    %swap3A_1930 = vector.shape_cast %swap3A_1929 : vector<1x16xf32> to vector<16xf32>
    %swap3A_1931 = vector.shape_cast %mul3A_1925 : vector<16xf32> to vector<1x16xf32>
    tpu.vector_store %arg9[%swap3A_1927, %swap3A_1928], %swap3A_1931 {strides = array<i32>} : memref<32x64xf32, #tpu.memory_space<vmem>>, vector<1x16xf32>,
    %get3A_1932 = arith.constant 28 : i32
    %get3A_1933 = arith.index_cast %get3A_1932 : i32 to index
    %get3A_1934 = arith.constant 16 : index
    %get3A_1935 = tpu.vector_load %arg9[%get3A_1933, %get3A_1934] {strides = array<i32>} : memref<32x64xf32, #tpu.memory_space<vmem>>, vector<1x16xf32>,
    %get3A_1936 = vector.shape_cast %get3A_1935 : vector<1x16xf32> to vector<16xf32>
    %get3A_1937 = arith.constant 28 : i32
    %get3A_1938 = arith.index_cast %get3A_1937 : i32 to index
    %get3A_1939 = arith.constant 16 : index
    %get3A_1940 = tpu.vector_load %arg10[%get3A_1938, %get3A_1939] {strides = array<i32>} : memref<32x64xf32, #tpu.memory_space<vmem>>, vector<1x16xf32>,
    %get3A_1941 = vector.shape_cast %get3A_1940 : vector<1x16xf32> to vector<16xf32>
    %mul3A_1942 = arith.mulf %get3A_1936, %get3A_1941 : vector<16xf32>
    %swap3A_1943 = arith.constant 28 : i32
    %swap3A_1944 = arith.index_cast %swap3A_1943 : i32 to index
    %swap3A_1945 = arith.constant 16 : index
    %swap3A_1946 = tpu.vector_load %arg9[%swap3A_1944, %swap3A_1945] {strides = array<i32>} : memref<32x64xf32, #tpu.memory_space<vmem>>, vector<1x16xf32>,
    %swap3A_1947 = vector.shape_cast %swap3A_1946 : vector<1x16xf32> to vector<16xf32>
    %swap3A_1948 = vector.shape_cast %mul3A_1942 : vector<16xf32> to vector<1x16xf32>
    tpu.vector_store %arg9[%swap3A_1944, %swap3A_1945], %swap3A_1948 {strides = array<i32>} : memref<32x64xf32, #tpu.memory_space<vmem>>, vector<1x16xf32>,
    %get3A_1949 = arith.constant 28 : i32
    %get3A_1950 = arith.index_cast %get3A_1949 : i32 to index
    %get3A_1951 = arith.constant 32 : index
    %get3A_1952 = tpu.vector_load %arg9[%get3A_1950, %get3A_1951] {strides = array<i32>} : memref<32x64xf32, #tpu.memory_space<vmem>>, vector<1x16xf32>,
    %get3A_1953 = vector.shape_cast %get3A_1952 : vector<1x16xf32> to vector<16xf32>
    %get3A_1954 = arith.constant 28 : i32
    %get3A_1955 = arith.index_cast %get3A_1954 : i32 to index
    %get3A_1956 = arith.constant 32 : index
    %get3A_1957 = tpu.vector_load %arg10[%get3A_1955, %get3A_1956] {strides = array<i32>} : memref<32x64xf32, #tpu.memory_space<vmem>>, vector<1x16xf32>,
    %get3A_1958 = vector.shape_cast %get3A_1957 : vector<1x16xf32> to vector<16xf32>
    %mul3A_1959 = arith.mulf %get3A_1953, %get3A_1958 : vector<16xf32>
    %swap3A_1960 = arith.constant 28 : i32
    %swap3A_1961 = arith.index_cast %swap3A_1960 : i32 to index
    %swap3A_1962 = arith.constant 32 : index
    %swap3A_1963 = tpu.vector_load %arg9[%swap3A_1961, %swap3A_1962] {strides = array<i32>} : memref<32x64xf32, #tpu.memory_space<vmem>>, vector<1x16xf32>,
    %swap3A_1964 = vector.shape_cast %swap3A_1963 : vector<1x16xf32> to vector<16xf32>
    %swap3A_1965 = vector.shape_cast %mul3A_1959 : vector<16xf32> to vector<1x16xf32>
    tpu.vector_store %arg9[%swap3A_1961, %swap3A_1962], %swap3A_1965 {strides = array<i32>} : memref<32x64xf32, #tpu.memory_space<vmem>>, vector<1x16xf32>,
    %get3A_1966 = arith.constant 28 : i32
    %get3A_1967 = arith.index_cast %get3A_1966 : i32 to index
    %get3A_1968 = arith.constant 48 : index
    %get3A_1969 = tpu.vector_load %arg9[%get3A_1967, %get3A_1968] {strides = array<i32>} : memref<32x64xf32, #tpu.memory_space<vmem>>, vector<1x16xf32>,
    %get3A_1970 = vector.shape_cast %get3A_1969 : vector<1x16xf32> to vector<16xf32>
    %get3A_1971 = arith.constant 28 : i32
    %get3A_1972 = arith.index_cast %get3A_1971 : i32 to index
    %get3A_1973 = arith.constant 48 : index
    %get3A_1974 = tpu.vector_load %arg10[%get3A_1972, %get3A_1973] {strides = array<i32>} : memref<32x64xf32, #tpu.memory_space<vmem>>, vector<1x16xf32>,
    %get3A_1975 = vector.shape_cast %get3A_1974 : vector<1x16xf32> to vector<16xf32>
    %mul3A_1976 = arith.mulf %get3A_1970, %get3A_1975 : vector<16xf32>
    %swap3A_1977 = arith.constant 28 : i32
    %swap3A_1978 = arith.index_cast %swap3A_1977 : i32 to index
    %swap3A_1979 = arith.constant 48 : index
    %swap3A_1980 = tpu.vector_load %arg9[%swap3A_1978, %swap3A_1979] {strides = array<i32>} : memref<32x64xf32, #tpu.memory_space<vmem>>, vector<1x16xf32>,
    %swap3A_1981 = vector.shape_cast %swap3A_1980 : vector<1x16xf32> to vector<16xf32>
    %swap3A_1982 = vector.shape_cast %mul3A_1976 : vector<16xf32> to vector<1x16xf32>
    tpu.vector_store %arg9[%swap3A_1978, %swap3A_1979], %swap3A_1982 {strides = array<i32>} : memref<32x64xf32, #tpu.memory_space<vmem>>, vector<1x16xf32>,
    %get3A_1983 = arith.constant 29 : i32
    %get3A_1984 = arith.index_cast %get3A_1983 : i32 to index
    %get3A_1985 = arith.constant 0 : index
    %get3A_1986 = tpu.vector_load %arg9[%get3A_1984, %get3A_1985] {strides = array<i32>} : memref<32x64xf32, #tpu.memory_space<vmem>>, vector<1x16xf32>,
    %get3A_1987 = vector.shape_cast %get3A_1986 : vector<1x16xf32> to vector<16xf32>
    %get3A_1988 = arith.constant 29 : i32
    %get3A_1989 = arith.index_cast %get3A_1988 : i32 to index
    %get3A_1990 = arith.constant 0 : index
    %get3A_1991 = tpu.vector_load %arg10[%get3A_1989, %get3A_1990] {strides = array<i32>} : memref<32x64xf32, #tpu.memory_space<vmem>>, vector<1x16xf32>,
    %get3A_1992 = vector.shape_cast %get3A_1991 : vector<1x16xf32> to vector<16xf32>
    %mul3A_1993 = arith.mulf %get3A_1987, %get3A_1992 : vector<16xf32>
    %swap3A_1994 = arith.constant 29 : i32
    %swap3A_1995 = arith.index_cast %swap3A_1994 : i32 to index
    %swap3A_1996 = arith.constant 0 : index
    %swap3A_1997 = tpu.vector_load %arg9[%swap3A_1995, %swap3A_1996] {strides = array<i32>} : memref<32x64xf32, #tpu.memory_space<vmem>>, vector<1x16xf32>,
    %swap3A_1998 = vector.shape_cast %swap3A_1997 : vector<1x16xf32> to vector<16xf32>
    %swap3A_1999 = vector.shape_cast %mul3A_1993 : vector<16xf32> to vector<1x16xf32>
    tpu.vector_store %arg9[%swap3A_1995, %swap3A_1996], %swap3A_1999 {strides = array<i32>} : memref<32x64xf32, #tpu.memory_space<vmem>>, vector<1x16xf32>,
    %get3A_2000 = arith.constant 29 : i32
    %get3A_2001 = arith.index_cast %get3A_2000 : i32 to index
    %get3A_2002 = arith.constant 16 : index
    %get3A_2003 = tpu.vector_load %arg9[%get3A_2001, %get3A_2002] {strides = array<i32>} : memref<32x64xf32, #tpu.memory_space<vmem>>, vector<1x16xf32>,
    %get3A_2004 = vector.shape_cast %get3A_2003 : vector<1x16xf32> to vector<16xf32>
    %get3A_2005 = arith.constant 29 : i32
    %get3A_2006 = arith.index_cast %get3A_2005 : i32 to index
    %get3A_2007 = arith.constant 16 : index
    %get3A_2008 = tpu.vector_load %arg10[%get3A_2006, %get3A_2007] {strides = array<i32>} : memref<32x64xf32, #tpu.memory_space<vmem>>, vector<1x16xf32>,
    %get3A_2009 = vector.shape_cast %get3A_2008 : vector<1x16xf32> to vector<16xf32>
    %mul3A_2010 = arith.mulf %get3A_2004, %get3A_2009 : vector<16xf32>
    %swap3A_2011 = arith.constant 29 : i32
    %swap3A_2012 = arith.index_cast %swap3A_2011 : i32 to index
    %swap3A_2013 = arith.constant 16 : index
    %swap3A_2014 = tpu.vector_load %arg9[%swap3A_2012, %swap3A_2013] {strides = array<i32>} : memref<32x64xf32, #tpu.memory_space<vmem>>, vector<1x16xf32>,
    %swap3A_2015 = vector.shape_cast %swap3A_2014 : vector<1x16xf32> to vector<16xf32>
    %swap3A_2016 = vector.shape_cast %mul3A_2010 : vector<16xf32> to vector<1x16xf32>
    tpu.vector_store %arg9[%swap3A_2012, %swap3A_2013], %swap3A_2016 {strides = array<i32>} : memref<32x64xf32, #tpu.memory_space<vmem>>, vector<1x16xf32>,
    %get3A_2017 = arith.constant 29 : i32
    %get3A_2018 = arith.index_cast %get3A_2017 : i32 to index
    %get3A_2019 = arith.constant 32 : index
    %get3A_2020 = tpu.vector_load %arg9[%get3A_2018, %get3A_2019] {strides = array<i32>} : memref<32x64xf32, #tpu.memory_space<vmem>>, vector<1x16xf32>,
    %get3A_2021 = vector.shape_cast %get3A_2020 : vector<1x16xf32> to vector<16xf32>
    %get3A_2022 = arith.constant 29 : i32
    %get3A_2023 = arith.index_cast %get3A_2022 : i32 to index
    %get3A_2024 = arith.constant 32 : index
    %get3A_2025 = tpu.vector_load %arg10[%get3A_2023, %get3A_2024] {strides = array<i32>} : memref<32x64xf32, #tpu.memory_space<vmem>>, vector<1x16xf32>,
    %get3A_2026 = vector.shape_cast %get3A_2025 : vector<1x16xf32> to vector<16xf32>
    %mul3A_2027 = arith.mulf %get3A_2021, %get3A_2026 : vector<16xf32>
    %swap3A_2028 = arith.constant 29 : i32
    %swap3A_2029 = arith.index_cast %swap3A_2028 : i32 to index
    %swap3A_2030 = arith.constant 32 : index
    %swap3A_2031 = tpu.vector_load %arg9[%swap3A_2029, %swap3A_2030] {strides = array<i32>} : memref<32x64xf32, #tpu.memory_space<vmem>>, vector<1x16xf32>,
    %swap3A_2032 = vector.shape_cast %swap3A_2031 : vector<1x16xf32> to vector<16xf32>
    %swap3A_2033 = vector.shape_cast %mul3A_2027 : vector<16xf32> to vector<1x16xf32>
    tpu.vector_store %arg9[%swap3A_2029, %swap3A_2030], %swap3A_2033 {strides = array<i32>} : memref<32x64xf32, #tpu.memory_space<vmem>>, vector<1x16xf32>,
    %get3A_2034 = arith.constant 29 : i32
    %get3A_2035 = arith.index_cast %get3A_2034 : i32 to index
    %get3A_2036 = arith.constant 48 : index
    %get3A_2037 = tpu.vector_load %arg9[%get3A_2035, %get3A_2036] {strides = array<i32>} : memref<32x64xf32, #tpu.memory_space<vmem>>, vector<1x16xf32>,
    %get3A_2038 = vector.shape_cast %get3A_2037 : vector<1x16xf32> to vector<16xf32>
    %get3A_2039 = arith.constant 29 : i32
    %get3A_2040 = arith.index_cast %get3A_2039 : i32 to index
    %get3A_2041 = arith.constant 48 : index
    %get3A_2042 = tpu.vector_load %arg10[%get3A_2040, %get3A_2041] {strides = array<i32>} : memref<32x64xf32, #tpu.memory_space<vmem>>, vector<1x16xf32>,
    %get3A_2043 = vector.shape_cast %get3A_2042 : vector<1x16xf32> to vector<16xf32>
    %mul3A_2044 = arith.mulf %get3A_2038, %get3A_2043 : vector<16xf32>
    %swap3A_2045 = arith.constant 29 : i32
    %swap3A_2046 = arith.index_cast %swap3A_2045 : i32 to index
    %swap3A_2047 = arith.constant 48 : index
    %swap3A_2048 = tpu.vector_load %arg9[%swap3A_2046, %swap3A_2047] {strides = array<i32>} : memref<32x64xf32, #tpu.memory_space<vmem>>, vector<1x16xf32>,
    %swap3A_2049 = vector.shape_cast %swap3A_2048 : vector<1x16xf32> to vector<16xf32>
    %swap3A_2050 = vector.shape_cast %mul3A_2044 : vector<16xf32> to vector<1x16xf32>
    tpu.vector_store %arg9[%swap3A_2046, %swap3A_2047], %swap3A_2050 {strides = array<i32>} : memref<32x64xf32, #tpu.memory_space<vmem>>, vector<1x16xf32>,
    %get3A_2051 = arith.constant 30 : i32
    %get3A_2052 = arith.index_cast %get3A_2051 : i32 to index
    %get3A_2053 = arith.constant 0 : index
    %get3A_2054 = tpu.vector_load %arg9[%get3A_2052, %get3A_2053] {strides = array<i32>} : memref<32x64xf32, #tpu.memory_space<vmem>>, vector<1x16xf32>,
    %get3A_2055 = vector.shape_cast %get3A_2054 : vector<1x16xf32> to vector<16xf32>
    %get3A_2056 = arith.constant 30 : i32
    %get3A_2057 = arith.index_cast %get3A_2056 : i32 to index
    %get3A_2058 = arith.constant 0 : index
    %get3A_2059 = tpu.vector_load %arg10[%get3A_2057, %get3A_2058] {strides = array<i32>} : memref<32x64xf32, #tpu.memory_space<vmem>>, vector<1x16xf32>,
    %get3A_2060 = vector.shape_cast %get3A_2059 : vector<1x16xf32> to vector<16xf32>
    %mul3A_2061 = arith.mulf %get3A_2055, %get3A_2060 : vector<16xf32>
    %swap3A_2062 = arith.constant 30 : i32
    %swap3A_2063 = arith.index_cast %swap3A_2062 : i32 to index
    %swap3A_2064 = arith.constant 0 : index
    %swap3A_2065 = tpu.vector_load %arg9[%swap3A_2063, %swap3A_2064] {strides = array<i32>} : memref<32x64xf32, #tpu.memory_space<vmem>>, vector<1x16xf32>,
    %swap3A_2066 = vector.shape_cast %swap3A_2065 : vector<1x16xf32> to vector<16xf32>
    %swap3A_2067 = vector.shape_cast %mul3A_2061 : vector<16xf32> to vector<1x16xf32>
    tpu.vector_store %arg9[%swap3A_2063, %swap3A_2064], %swap3A_2067 {strides = array<i32>} : memref<32x64xf32, #tpu.memory_space<vmem>>, vector<1x16xf32>,
    %get3A_2068 = arith.constant 30 : i32
    %get3A_2069 = arith.index_cast %get3A_2068 : i32 to index
    %get3A_2070 = arith.constant 16 : index
    %get3A_2071 = tpu.vector_load %arg9[%get3A_2069, %get3A_2070] {strides = array<i32>} : memref<32x64xf32, #tpu.memory_space<vmem>>, vector<1x16xf32>,
    %get3A_2072 = vector.shape_cast %get3A_2071 : vector<1x16xf32> to vector<16xf32>
    %get3A_2073 = arith.constant 30 : i32
    %get3A_2074 = arith.index_cast %get3A_2073 : i32 to index
    %get3A_2075 = arith.constant 16 : index
    %get3A_2076 = tpu.vector_load %arg10[%get3A_2074, %get3A_2075] {strides = array<i32>} : memref<32x64xf32, #tpu.memory_space<vmem>>, vector<1x16xf32>,
    %get3A_2077 = vector.shape_cast %get3A_2076 : vector<1x16xf32> to vector<16xf32>
    %mul3A_2078 = arith.mulf %get3A_2072, %get3A_2077 : vector<16xf32>
    %swap3A_2079 = arith.constant 30 : i32
    %swap3A_2080 = arith.index_cast %swap3A_2079 : i32 to index
    %swap3A_2081 = arith.constant 16 : index
    %swap3A_2082 = tpu.vector_load %arg9[%swap3A_2080, %swap3A_2081] {strides = array<i32>} : memref<32x64xf32, #tpu.memory_space<vmem>>, vector<1x16xf32>,
    %swap3A_2083 = vector.shape_cast %swap3A_2082 : vector<1x16xf32> to vector<16xf32>
    %swap3A_2084 = vector.shape_cast %mul3A_2078 : vector<16xf32> to vector<1x16xf32>
    tpu.vector_store %arg9[%swap3A_2080, %swap3A_2081], %swap3A_2084 {strides = array<i32>} : memref<32x64xf32, #tpu.memory_space<vmem>>, vector<1x16xf32>,
    %get3A_2085 = arith.constant 30 : i32
    %get3A_2086 = arith.index_cast %get3A_2085 : i32 to index
    %get3A_2087 = arith.constant 32 : index
    %get3A_2088 = tpu.vector_load %arg9[%get3A_2086, %get3A_2087] {strides = array<i32>} : memref<32x64xf32, #tpu.memory_space<vmem>>, vector<1x16xf32>,
    %get3A_2089 = vector.shape_cast %get3A_2088 : vector<1x16xf32> to vector<16xf32>
    %get3A_2090 = arith.constant 30 : i32
    %get3A_2091 = arith.index_cast %get3A_2090 : i32 to index
    %get3A_2092 = arith.constant 32 : index
    %get3A_2093 = tpu.vector_load %arg10[%get3A_2091, %get3A_2092] {strides = array<i32>} : memref<32x64xf32, #tpu.memory_space<vmem>>, vector<1x16xf32>,
    %get3A_2094 = vector.shape_cast %get3A_2093 : vector<1x16xf32> to vector<16xf32>
    %mul3A_2095 = arith.mulf %get3A_2089, %get3A_2094 : vector<16xf32>
    %swap3A_2096 = arith.constant 30 : i32
    %swap3A_2097 = arith.index_cast %swap3A_2096 : i32 to index
    %swap3A_2098 = arith.constant 32 : index
    %swap3A_2099 = tpu.vector_load %arg9[%swap3A_2097, %swap3A_2098] {strides = array<i32>} : memref<32x64xf32, #tpu.memory_space<vmem>>, vector<1x16xf32>,
    %swap3A_2100 = vector.shape_cast %swap3A_2099 : vector<1x16xf32> to vector<16xf32>
    %swap3A_2101 = vector.shape_cast %mul3A_2095 : vector<16xf32> to vector<1x16xf32>
    tpu.vector_store %arg9[%swap3A_2097, %swap3A_2098], %swap3A_2101 {strides = array<i32>} : memref<32x64xf32, #tpu.memory_space<vmem>>, vector<1x16xf32>,
    %get3A_2102 = arith.constant 30 : i32
    %get3A_2103 = arith.index_cast %get3A_2102 : i32 to index
    %get3A_2104 = arith.constant 48 : index
    %get3A_2105 = tpu.vector_load %arg9[%get3A_2103, %get3A_2104] {strides = array<i32>} : memref<32x64xf32, #tpu.memory_space<vmem>>, vector<1x16xf32>,
    %get3A_2106 = vector.shape_cast %get3A_2105 : vector<1x16xf32> to vector<16xf32>
    %get3A_2107 = arith.constant 30 : i32
    %get3A_2108 = arith.index_cast %get3A_2107 : i32 to index
    %get3A_2109 = arith.constant 48 : index
    %get3A_2110 = tpu.vector_load %arg10[%get3A_2108, %get3A_2109] {strides = array<i32>} : memref<32x64xf32, #tpu.memory_space<vmem>>, vector<1x16xf32>,
    %get3A_2111 = vector.shape_cast %get3A_2110 : vector<1x16xf32> to vector<16xf32>
    %mul3A_2112 = arith.mulf %get3A_2106, %get3A_2111 : vector<16xf32>
    %swap3A_2113 = arith.constant 30 : i32
    %swap3A_2114 = arith.index_cast %swap3A_2113 : i32 to index
    %swap3A_2115 = arith.constant 48 : index
    %swap3A_2116 = tpu.vector_load %arg9[%swap3A_2114, %swap3A_2115] {strides = array<i32>} : memref<32x64xf32, #tpu.memory_space<vmem>>, vector<1x16xf32>,
    %swap3A_2117 = vector.shape_cast %swap3A_2116 : vector<1x16xf32> to vector<16xf32>
    %swap3A_2118 = vector.shape_cast %mul3A_2112 : vector<16xf32> to vector<1x16xf32>
    tpu.vector_store %arg9[%swap3A_2114, %swap3A_2115], %swap3A_2118 {strides = array<i32>} : memref<32x64xf32, #tpu.memory_space<vmem>>, vector<1x16xf32>,
    %get3A_2119 = arith.constant 31 : i32
    %get3A_2120 = arith.index_cast %get3A_2119 : i32 to index
    %get3A_2121 = arith.constant 0 : index
    %get3A_2122 = tpu.vector_load %arg9[%get3A_2120, %get3A_2121] {strides = array<i32>} : memref<32x64xf32, #tpu.memory_space<vmem>>, vector<1x16xf32>,
    %get3A_2123 = vector.shape_cast %get3A_2122 : vector<1x16xf32> to vector<16xf32>
    %get3A_2124 = arith.constant 31 : i32
    %get3A_2125 = arith.index_cast %get3A_2124 : i32 to index
    %get3A_2126 = arith.constant 0 : index
    %get3A_2127 = tpu.vector_load %arg10[%get3A_2125, %get3A_2126] {strides = array<i32>} : memref<32x64xf32, #tpu.memory_space<vmem>>, vector<1x16xf32>,
    %get3A_2128 = vector.shape_cast %get3A_2127 : vector<1x16xf32> to vector<16xf32>
    %mul3A_2129 = arith.mulf %get3A_2123, %get3A_2128 : vector<16xf32>
    %swap3A_2130 = arith.constant 31 : i32
    %swap3A_2131 = arith.index_cast %swap3A_2130 : i32 to index
    %swap3A_2132 = arith.constant 0 : index
    %swap3A_2133 = tpu.vector_load %arg9[%swap3A_2131, %swap3A_2132] {strides = array<i32>} : memref<32x64xf32, #tpu.memory_space<vmem>>, vector<1x16xf32>,
    %swap3A_2134 = vector.shape_cast %swap3A_2133 : vector<1x16xf32> to vector<16xf32>
    %swap3A_2135 = vector.shape_cast %mul3A_2129 : vector<16xf32> to vector<1x16xf32>
    tpu.vector_store %arg9[%swap3A_2131, %swap3A_2132], %swap3A_2135 {strides = array<i32>} : memref<32x64xf32, #tpu.memory_space<vmem>>, vector<1x16xf32>,
    %get3A_2136 = arith.constant 31 : i32
    %get3A_2137 = arith.index_cast %get3A_2136 : i32 to index
    %get3A_2138 = arith.constant 16 : index
    %get3A_2139 = tpu.vector_load %arg9[%get3A_2137, %get3A_2138] {strides = array<i32>} : memref<32x64xf32, #tpu.memory_space<vmem>>, vector<1x16xf32>,
    %get3A_2140 = vector.shape_cast %get3A_2139 : vector<1x16xf32> to vector<16xf32>
    %get3A_2141 = arith.constant 31 : i32
    %get3A_2142 = arith.index_cast %get3A_2141 : i32 to index
    %get3A_2143 = arith.constant 16 : index
    %get3A_2144 = tpu.vector_load %arg10[%get3A_2142, %get3A_2143] {strides = array<i32>} : memref<32x64xf32, #tpu.memory_space<vmem>>, vector<1x16xf32>,
    %get3A_2145 = vector.shape_cast %get3A_2144 : vector<1x16xf32> to vector<16xf32>
    %mul3A_2146 = arith.mulf %get3A_2140, %get3A_2145 : vector<16xf32>
    %swap3A_2147 = arith.constant 31 : i32
    %swap3A_2148 = arith.index_cast %swap3A_2147 : i32 to index
    %swap3A_2149 = arith.constant 16 : index
    %swap3A_2150 = tpu.vector_load %arg9[%swap3A_2148, %swap3A_2149] {strides = array<i32>} : memref<32x64xf32, #tpu.memory_space<vmem>>, vector<1x16xf32>,
    %swap3A_2151 = vector.shape_cast %swap3A_2150 : vector<1x16xf32> to vector<16xf32>
    %swap3A_2152 = vector.shape_cast %mul3A_2146 : vector<16xf32> to vector<1x16xf32>
    tpu.vector_store %arg9[%swap3A_2148, %swap3A_2149], %swap3A_2152 {strides = array<i32>} : memref<32x64xf32, #tpu.memory_space<vmem>>, vector<1x16xf32>,
    %get3A_2153 = arith.constant 31 : i32
    %get3A_2154 = arith.index_cast %get3A_2153 : i32 to index
    %get3A_2155 = arith.constant 32 : index
    %get3A_2156 = tpu.vector_load %arg9[%get3A_2154, %get3A_2155] {strides = array<i32>} : memref<32x64xf32, #tpu.memory_space<vmem>>, vector<1x16xf32>,
    %get3A_2157 = vector.shape_cast %get3A_2156 : vector<1x16xf32> to vector<16xf32>
    %get3A_2158 = arith.constant 31 : i32
    %get3A_2159 = arith.index_cast %get3A_2158 : i32 to index
    %get3A_2160 = arith.constant 32 : index
    %get3A_2161 = tpu.vector_load %arg10[%get3A_2159, %get3A_2160] {strides = array<i32>} : memref<32x64xf32, #tpu.memory_space<vmem>>, vector<1x16xf32>,
    %get3A_2162 = vector.shape_cast %get3A_2161 : vector<1x16xf32> to vector<16xf32>
    %mul3A_2163 = arith.mulf %get3A_2157, %get3A_2162 : vector<16xf32>
    %swap3A_2164 = arith.constant 31 : i32
    %swap3A_2165 = arith.index_cast %swap3A_2164 : i32 to index
    %swap3A_2166 = arith.constant 32 : index
    %swap3A_2167 = tpu.vector_load %arg9[%swap3A_2165, %swap3A_2166] {strides = array<i32>} : memref<32x64xf32, #tpu.memory_space<vmem>>, vector<1x16xf32>,
    %swap3A_2168 = vector.shape_cast %swap3A_2167 : vector<1x16xf32> to vector<16xf32>
    %swap3A_2169 = vector.shape_cast %mul3A_2163 : vector<16xf32> to vector<1x16xf32>
    tpu.vector_store %arg9[%swap3A_2165, %swap3A_2166], %swap3A_2169 {strides = array<i32>} : memref<32x64xf32, #tpu.memory_space<vmem>>, vector<1x16xf32>,
    %get3A_2170 = arith.constant 31 : i32
    %get3A_2171 = arith.index_cast %get3A_2170 : i32 to index
    %get3A_2172 = arith.constant 48 : index
    %get3A_2173 = tpu.vector_load %arg9[%get3A_2171, %get3A_2172] {strides = array<i32>} : memref<32x64xf32, #tpu.memory_space<vmem>>, vector<1x16xf32>,
    %get3A_2174 = vector.shape_cast %get3A_2173 : vector<1x16xf32> to vector<16xf32>
    %get3A_2175 = arith.constant 31 : i32
    %get3A_2176 = arith.index_cast %get3A_2175 : i32 to index
    %get3A_2177 = arith.constant 48 : index
    %get3A_2178 = tpu.vector_load %arg10[%get3A_2176, %get3A_2177] {strides = array<i32>} : memref<32x64xf32, #tpu.memory_space<vmem>>, vector<1x16xf32>,
    %get3A_2179 = vector.shape_cast %get3A_2178 : vector<1x16xf32> to vector<16xf32>
    %mul3A_2180 = arith.mulf %get3A_2174, %get3A_2179 : vector<16xf32>
    %swap3A_2181 = arith.constant 31 : i32
    %swap3A_2182 = arith.index_cast %swap3A_2181 : i32 to index
    %swap3A_2183 = arith.constant 48 : index
    %swap3A_2184 = tpu.vector_load %arg9[%swap3A_2182, %swap3A_2183] {strides = array<i32>} : memref<32x64xf32, #tpu.memory_space<vmem>>, vector<1x16xf32>,
    %swap3A_2185 = vector.shape_cast %swap3A_2184 : vector<1x16xf32> to vector<16xf32>
    %swap3A_2186 = vector.shape_cast %mul3A_2180 : vector<16xf32> to vector<1x16xf32>
    tpu.vector_store %arg9[%swap3A_2182, %swap3A_2183], %swap3A_2186 {strides = array<i32>} : memref<32x64xf32, #tpu.memory_space<vmem>>, vector<1x16xf32>,
    "tpu.region"() ({
      %run_scoped3A = tpu.sem_alloc : memref<!tpu.dma_semaphore, #tpu.memory_space<semaphore_mem>>
      %dma_start3A_2187 = arith.constant 0 : i32
      %dma_start3A_2188 = tpu.memref_slice %arg6[%mul3A_2, %dma_start3A_2187] : memref<1024x64xf32, #tpu.memory_space<hbm>> -> memref<32x64xf32, #tpu.memory_space<hbm>>
      %dma_start3A_2189 = arith.constant 0 : i32
      %dma_start3A_2190 = tpu.memref_slice %arg6[%mul3A_2, %dma_start3A_2189] : memref<1024x64xf32, #tpu.memory_space<hbm>> -> memref<32x64xf32, #tpu.memory_space<hbm>>
      tpu.enqueue_dma source(%arg9 : memref<32x64xf32, #tpu.memory_space<vmem>>) target(%dma_start3A_2190 : memref<32x64xf32, #tpu.memory_space<hbm>>) target_semaphore(%run_scoped3A : memref<!tpu.dma_semaphore, #tpu.memory_space<semaphore_mem>>)
      %dma_wait3A_2191 = arith.constant 0 : i32
      %dma_wait3A_2192 = tpu.memref_slice %arg6[%mul3A_2, %dma_wait3A_2191] : memref<1024x64xf32, #tpu.memory_space<hbm>> -> memref<32x64xf32, #tpu.memory_space<hbm>>
      %dma_wait3A_2193 = arith.constant 0 : i32
      %dma_wait3A_2194 = tpu.memref_slice %arg6[%mul3A_2, %dma_wait3A_2193] : memref<1024x64xf32, #tpu.memory_space<hbm>> -> memref<32x64xf32, #tpu.memory_space<hbm>>
      tpu.wait_dma2 semaphore(%run_scoped3A : memref<!tpu.dma_semaphore, #tpu.memory_space<semaphore_mem>>) src(%arg9 : memref<32x64xf32, #tpu.memory_space<vmem>>) dst(%dma_wait3A_2194 : memref<32x64xf32, #tpu.memory_space<hbm>>)
      tpu.yield
    }) : () -> ()
    return
  }
}

#map = affine_map<(d0, d1) -> (0)>
#map1 = affine_map<(d0, d1) -> (0, 0)>
module attributes {stable_mosaic.version = 14 : i64} {
  func.func @_expand_gather(%arg0: i32, %arg1: i32, %arg2: memref<131072xi32, #tpu.memory_space<hbm>>, %arg3: memref<100000x64xf32, #tpu.memory_space<hbm>>, %arg4: memref<262144xi32, #tpu.memory_space<hbm>>, %arg5: memref<262144x64xf32, #tpu.memory_space<hbm>>, %arg6: memref<4096xi32, #tpu.memory_space<vmem>>, %arg7: memref<128xi32, #tpu.memory_space<vmem>>, %arg8: memref<8192xi32, #tpu.memory_space<vmem>>, %arg9: memref<256x64xf32, #tpu.memory_space<vmem>>, %arg10: memref<!tpu.dma_semaphore, #tpu.memory_space<semaphore_mem>>) attributes {dimension_semantics = [#tpu.dimension_semantics<core_parallel>, #tpu.dimension_semantics<subcore_parallel>], iteration_bounds = array<i64: 2, 16>, scalar_prefetch = 0 : i64, scratch_operands = 5 : i64, tpu.core_type = #tpu.core_type<sc_vector_subcore>, window_params = [{transform_indices = #map}, {transform_indices = #map1}, {transform_indices = #map}, {transform_indices = #map1}]} {
    %mul3A = arith.constant 2 : i32
    %mul3A_0 = arith.muli %arg1, %mul3A : i32
    %add3A = arith.addi %mul3A_0, %arg0 : i32
    %mul3A_1 = arith.constant 32 : i32
    %mul3A_2 = arith.muli %add3A, %mul3A_1 : i32
    %mul3A_3 = arith.constant 128 : i32
    %mul3A_4 = arith.muli %mul3A_2, %mul3A_3 : i32
    "tpu.region"() ({
      %run_scoped3A = tpu.sem_alloc : memref<!tpu.dma_semaphore, #tpu.memory_space<semaphore_mem>>
      %dma_start3A = tpu.memref_slice %arg2[%mul3A_4] : memref<131072xi32, #tpu.memory_space<hbm>> -> memref<4096xi32, #tpu.memory_space<hbm>>
      %dma_start3A_12 = tpu.memref_slice %arg2[%mul3A_4] : memref<131072xi32, #tpu.memory_space<hbm>> -> memref<4096xi32, #tpu.memory_space<hbm>>
      tpu.enqueue_dma source(%dma_start3A_12 : memref<4096xi32, #tpu.memory_space<hbm>>) target(%arg6 : memref<4096xi32, #tpu.memory_space<vmem>>) target_semaphore(%run_scoped3A : memref<!tpu.dma_semaphore, #tpu.memory_space<semaphore_mem>>)
      %dma_wait3A = tpu.memref_slice %arg2[%mul3A_4] : memref<131072xi32, #tpu.memory_space<hbm>> -> memref<4096xi32, #tpu.memory_space<hbm>>
      %dma_wait3A_13 = tpu.memref_slice %arg2[%mul3A_4] : memref<131072xi32, #tpu.memory_space<hbm>> -> memref<4096xi32, #tpu.memory_space<hbm>>
      tpu.wait_dma2 semaphore(%run_scoped3A : memref<!tpu.dma_semaphore, #tpu.memory_space<semaphore_mem>>) src(%dma_wait3A_13 : memref<4096xi32, #tpu.memory_space<hbm>>) dst(%arg6 : memref<4096xi32, #tpu.memory_space<vmem>>)
      tpu.yield
    }) : () -> ()
    %scan3A = arith.constant 0 : i32
    %scan3A_5 = arith.constant 0 : i32
    %scan3A_6 = arith.constant 32 : i32
    %scan3A_7 = arith.addi %scan3A_5, %scan3A_6 : i32
    %scan3A_8 = arith.constant 1 : i32
    scf.for %scan3A_12 = %scan3A_5 to %scan3A_7 step %scan3A_8  : i32 {
      %mul3A_13 = arith.constant 128 : i32
      %mul3A_14 = arith.muli %scan3A_12, %mul3A_13 : i32
      %get3A = arith.index_cast %mul3A_14 : i32 to index
      %get3A_15 = tpu.vector_load %arg6[%get3A] {strides = array<i32>} : memref<4096xi32, #tpu.memory_space<vmem>>, vector<16xi32>,
      %get3A_16 = vector.shape_cast %get3A_15 : vector<16xi32> to vector<16xi32>
      %shift_right_arithmetic3A = arith.constant 7 : i32
      %shift_right_arithmetic3A_17 = vector.broadcast %shift_right_arithmetic3A : i32 to vector<16xi32>
      %shift_right_arithmetic3A_18 = arith.shrsi %get3A_16, %shift_right_arithmetic3A_17 : vector<16xi32>
      %and3A = arith.constant 127 : i32
      %and3A_19 = vector.broadcast %and3A : i32 to vector<16xi32>
      %and3A_20 = arith.andi %get3A_16, %and3A_19 : vector<16xi32>
      %mul3A_21 = arith.constant 2048 : i32
      %mul3A_22 = vector.broadcast %mul3A_21 : i32 to vector<16xi32>
      %mul3A_23 = arith.muli %shift_right_arithmetic3A_18, %mul3A_22 : vector<16xi32>
      %add3A_24 = arith.constant 0 : i32
      %add3A_25 = vector.broadcast %add3A_24 : i32 to vector<16xi32>
      %add3A_26 = arith.addi %mul3A_23, %add3A_25 : vector<16xi32>
      %add3A_27 = arith.addi %add3A_26, %and3A_20 : vector<16xi32>
      %mul3A_28 = arith.constant 256 : i32
      %mul3A_29 = arith.muli %scan3A_12, %mul3A_28 : i32
      %add3A_30 = arith.constant 0 : i32
      %add3A_31 = arith.addi %mul3A_29, %add3A_30 : i32
      %swap3A = arith.index_cast %add3A_31 : i32 to index
      %swap3A_32 = tpu.vector_load %arg8[%swap3A] {strides = array<i32>} : memref<8192xi32, #tpu.memory_space<vmem>>, vector<16xi32>,
      %swap3A_33 = vector.shape_cast %swap3A_32 : vector<16xi32> to vector<16xi32>
      %swap3A_34 = vector.shape_cast %add3A_27 : vector<16xi32> to vector<16xi32>
      tpu.vector_store %arg8[%swap3A], %swap3A_34 {strides = array<i32>} : memref<8192xi32, #tpu.memory_space<vmem>>, vector<16xi32>,
      %min3A = arith.constant 99999 : i32
      %min3A_35 = vector.broadcast %min3A : i32 to vector<16xi32>
      %min3A_36 = arith.minsi %add3A_27, %min3A_35 : vector<16xi32>
      %swap3A_37 = arith.constant 0 : index
      %swap3A_38 = tpu.vector_load %arg7[%swap3A_37] {strides = array<i32>} : memref<128xi32, #tpu.memory_space<vmem>>, vector<16xi32>,
      %swap3A_39 = vector.shape_cast %swap3A_38 : vector<16xi32> to vector<16xi32>
      %swap3A_40 = vector.shape_cast %min3A_36 : vector<16xi32> to vector<16xi32>
      tpu.vector_store %arg7[%swap3A_37], %swap3A_40 {strides = array<i32>} : memref<128xi32, #tpu.memory_space<vmem>>, vector<16xi32>,
      %mul3A_41 = arith.constant 2048 : i32
      %mul3A_42 = vector.broadcast %mul3A_41 : i32 to vector<16xi32>
      %mul3A_43 = arith.muli %shift_right_arithmetic3A_18, %mul3A_42 : vector<16xi32>
      %add3A_44 = arith.constant 128 : i32
      %add3A_45 = vector.broadcast %add3A_44 : i32 to vector<16xi32>
      %add3A_46 = arith.addi %mul3A_43, %add3A_45 : vector<16xi32>
      %add3A_47 = arith.addi %add3A_46, %and3A_20 : vector<16xi32>
      %mul3A_48 = arith.constant 256 : i32
      %mul3A_49 = arith.muli %scan3A_12, %mul3A_48 : i32
      %add3A_50 = arith.constant 16 : i32
      %add3A_51 = arith.addi %mul3A_49, %add3A_50 : i32
      %swap3A_52 = arith.index_cast %add3A_51 : i32 to index
      %swap3A_53 = tpu.vector_load %arg8[%swap3A_52] {strides = array<i32>} : memref<8192xi32, #tpu.memory_space<vmem>>, vector<16xi32>,
      %swap3A_54 = vector.shape_cast %swap3A_53 : vector<16xi32> to vector<16xi32>
      %swap3A_55 = vector.shape_cast %add3A_47 : vector<16xi32> to vector<16xi32>
      tpu.vector_store %arg8[%swap3A_52], %swap3A_55 {strides = array<i32>} : memref<8192xi32, #tpu.memory_space<vmem>>, vector<16xi32>,
      %min3A_56 = arith.constant 99999 : i32
      %min3A_57 = vector.broadcast %min3A_56 : i32 to vector<16xi32>
      %min3A_58 = arith.minsi %add3A_47, %min3A_57 : vector<16xi32>
      %swap3A_59 = arith.constant 16 : index
      %swap3A_60 = tpu.vector_load %arg7[%swap3A_59] {strides = array<i32>} : memref<128xi32, #tpu.memory_space<vmem>>, vector<16xi32>,
      %swap3A_61 = vector.shape_cast %swap3A_60 : vector<16xi32> to vector<16xi32>
      %swap3A_62 = vector.shape_cast %min3A_58 : vector<16xi32> to vector<16xi32>
      tpu.vector_store %arg7[%swap3A_59], %swap3A_62 {strides = array<i32>} : memref<128xi32, #tpu.memory_space<vmem>>, vector<16xi32>,
      %mul3A_63 = arith.constant 2048 : i32
      %mul3A_64 = vector.broadcast %mul3A_63 : i32 to vector<16xi32>
      %mul3A_65 = arith.muli %shift_right_arithmetic3A_18, %mul3A_64 : vector<16xi32>
      %add3A_66 = arith.constant 256 : i32
      %add3A_67 = vector.broadcast %add3A_66 : i32 to vector<16xi32>
      %add3A_68 = arith.addi %mul3A_65, %add3A_67 : vector<16xi32>
      %add3A_69 = arith.addi %add3A_68, %and3A_20 : vector<16xi32>
      %mul3A_70 = arith.constant 256 : i32
      %mul3A_71 = arith.muli %scan3A_12, %mul3A_70 : i32
      %add3A_72 = arith.constant 32 : i32
      %add3A_73 = arith.addi %mul3A_71, %add3A_72 : i32
      %swap3A_74 = arith.index_cast %add3A_73 : i32 to index
      %swap3A_75 = tpu.vector_load %arg8[%swap3A_74] {strides = array<i32>} : memref<8192xi32, #tpu.memory_space<vmem>>, vector<16xi32>,
      %swap3A_76 = vector.shape_cast %swap3A_75 : vector<16xi32> to vector<16xi32>
      %swap3A_77 = vector.shape_cast %add3A_69 : vector<16xi32> to vector<16xi32>
      tpu.vector_store %arg8[%swap3A_74], %swap3A_77 {strides = array<i32>} : memref<8192xi32, #tpu.memory_space<vmem>>, vector<16xi32>,
      %min3A_78 = arith.constant 99999 : i32
      %min3A_79 = vector.broadcast %min3A_78 : i32 to vector<16xi32>
      %min3A_80 = arith.minsi %add3A_69, %min3A_79 : vector<16xi32>
      %swap3A_81 = arith.constant 32 : index
      %swap3A_82 = tpu.vector_load %arg7[%swap3A_81] {strides = array<i32>} : memref<128xi32, #tpu.memory_space<vmem>>, vector<16xi32>,
      %swap3A_83 = vector.shape_cast %swap3A_82 : vector<16xi32> to vector<16xi32>
      %swap3A_84 = vector.shape_cast %min3A_80 : vector<16xi32> to vector<16xi32>
      tpu.vector_store %arg7[%swap3A_81], %swap3A_84 {strides = array<i32>} : memref<128xi32, #tpu.memory_space<vmem>>, vector<16xi32>,
      %mul3A_85 = arith.constant 2048 : i32
      %mul3A_86 = vector.broadcast %mul3A_85 : i32 to vector<16xi32>
      %mul3A_87 = arith.muli %shift_right_arithmetic3A_18, %mul3A_86 : vector<16xi32>
      %add3A_88 = arith.constant 384 : i32
      %add3A_89 = vector.broadcast %add3A_88 : i32 to vector<16xi32>
      %add3A_90 = arith.addi %mul3A_87, %add3A_89 : vector<16xi32>
      %add3A_91 = arith.addi %add3A_90, %and3A_20 : vector<16xi32>
      %mul3A_92 = arith.constant 256 : i32
      %mul3A_93 = arith.muli %scan3A_12, %mul3A_92 : i32
      %add3A_94 = arith.constant 48 : i32
      %add3A_95 = arith.addi %mul3A_93, %add3A_94 : i32
      %swap3A_96 = arith.index_cast %add3A_95 : i32 to index
      %swap3A_97 = tpu.vector_load %arg8[%swap3A_96] {strides = array<i32>} : memref<8192xi32, #tpu.memory_space<vmem>>, vector<16xi32>,
      %swap3A_98 = vector.shape_cast %swap3A_97 : vector<16xi32> to vector<16xi32>
      %swap3A_99 = vector.shape_cast %add3A_91 : vector<16xi32> to vector<16xi32>
      tpu.vector_store %arg8[%swap3A_96], %swap3A_99 {strides = array<i32>} : memref<8192xi32, #tpu.memory_space<vmem>>, vector<16xi32>,
      %min3A_100 = arith.constant 99999 : i32
      %min3A_101 = vector.broadcast %min3A_100 : i32 to vector<16xi32>
      %min3A_102 = arith.minsi %add3A_91, %min3A_101 : vector<16xi32>
      %swap3A_103 = arith.constant 48 : index
      %swap3A_104 = tpu.vector_load %arg7[%swap3A_103] {strides = array<i32>} : memref<128xi32, #tpu.memory_space<vmem>>, vector<16xi32>,
      %swap3A_105 = vector.shape_cast %swap3A_104 : vector<16xi32> to vector<16xi32>
      %swap3A_106 = vector.shape_cast %min3A_102 : vector<16xi32> to vector<16xi32>
      tpu.vector_store %arg7[%swap3A_103], %swap3A_106 {strides = array<i32>} : memref<128xi32, #tpu.memory_space<vmem>>, vector<16xi32>,
      %mul3A_107 = arith.constant 2048 : i32
      %mul3A_108 = vector.broadcast %mul3A_107 : i32 to vector<16xi32>
      %mul3A_109 = arith.muli %shift_right_arithmetic3A_18, %mul3A_108 : vector<16xi32>
      %add3A_110 = arith.constant 512 : i32
      %add3A_111 = vector.broadcast %add3A_110 : i32 to vector<16xi32>
      %add3A_112 = arith.addi %mul3A_109, %add3A_111 : vector<16xi32>
      %add3A_113 = arith.addi %add3A_112, %and3A_20 : vector<16xi32>
      %mul3A_114 = arith.constant 256 : i32
      %mul3A_115 = arith.muli %scan3A_12, %mul3A_114 : i32
      %add3A_116 = arith.constant 64 : i32
      %add3A_117 = arith.addi %mul3A_115, %add3A_116 : i32
      %swap3A_118 = arith.index_cast %add3A_117 : i32 to index
      %swap3A_119 = tpu.vector_load %arg8[%swap3A_118] {strides = array<i32>} : memref<8192xi32, #tpu.memory_space<vmem>>, vector<16xi32>,
      %swap3A_120 = vector.shape_cast %swap3A_119 : vector<16xi32> to vector<16xi32>
      %swap3A_121 = vector.shape_cast %add3A_113 : vector<16xi32> to vector<16xi32>
      tpu.vector_store %arg8[%swap3A_118], %swap3A_121 {strides = array<i32>} : memref<8192xi32, #tpu.memory_space<vmem>>, vector<16xi32>,
      %min3A_122 = arith.constant 99999 : i32
      %min3A_123 = vector.broadcast %min3A_122 : i32 to vector<16xi32>
      %min3A_124 = arith.minsi %add3A_113, %min3A_123 : vector<16xi32>
      %swap3A_125 = arith.constant 64 : index
      %swap3A_126 = tpu.vector_load %arg7[%swap3A_125] {strides = array<i32>} : memref<128xi32, #tpu.memory_space<vmem>>, vector<16xi32>,
      %swap3A_127 = vector.shape_cast %swap3A_126 : vector<16xi32> to vector<16xi32>
      %swap3A_128 = vector.shape_cast %min3A_124 : vector<16xi32> to vector<16xi32>
      tpu.vector_store %arg7[%swap3A_125], %swap3A_128 {strides = array<i32>} : memref<128xi32, #tpu.memory_space<vmem>>, vector<16xi32>,
      %mul3A_129 = arith.constant 2048 : i32
      %mul3A_130 = vector.broadcast %mul3A_129 : i32 to vector<16xi32>
      %mul3A_131 = arith.muli %shift_right_arithmetic3A_18, %mul3A_130 : vector<16xi32>
      %add3A_132 = arith.constant 640 : i32
      %add3A_133 = vector.broadcast %add3A_132 : i32 to vector<16xi32>
      %add3A_134 = arith.addi %mul3A_131, %add3A_133 : vector<16xi32>
      %add3A_135 = arith.addi %add3A_134, %and3A_20 : vector<16xi32>
      %mul3A_136 = arith.constant 256 : i32
      %mul3A_137 = arith.muli %scan3A_12, %mul3A_136 : i32
      %add3A_138 = arith.constant 80 : i32
      %add3A_139 = arith.addi %mul3A_137, %add3A_138 : i32
      %swap3A_140 = arith.index_cast %add3A_139 : i32 to index
      %swap3A_141 = tpu.vector_load %arg8[%swap3A_140] {strides = array<i32>} : memref<8192xi32, #tpu.memory_space<vmem>>, vector<16xi32>,
      %swap3A_142 = vector.shape_cast %swap3A_141 : vector<16xi32> to vector<16xi32>
      %swap3A_143 = vector.shape_cast %add3A_135 : vector<16xi32> to vector<16xi32>
      tpu.vector_store %arg8[%swap3A_140], %swap3A_143 {strides = array<i32>} : memref<8192xi32, #tpu.memory_space<vmem>>, vector<16xi32>,
      %min3A_144 = arith.constant 99999 : i32
      %min3A_145 = vector.broadcast %min3A_144 : i32 to vector<16xi32>
      %min3A_146 = arith.minsi %add3A_135, %min3A_145 : vector<16xi32>
      %swap3A_147 = arith.constant 80 : index
      %swap3A_148 = tpu.vector_load %arg7[%swap3A_147] {strides = array<i32>} : memref<128xi32, #tpu.memory_space<vmem>>, vector<16xi32>,
      %swap3A_149 = vector.shape_cast %swap3A_148 : vector<16xi32> to vector<16xi32>
      %swap3A_150 = vector.shape_cast %min3A_146 : vector<16xi32> to vector<16xi32>
      tpu.vector_store %arg7[%swap3A_147], %swap3A_150 {strides = array<i32>} : memref<128xi32, #tpu.memory_space<vmem>>, vector<16xi32>,
      %mul3A_151 = arith.constant 2048 : i32
      %mul3A_152 = vector.broadcast %mul3A_151 : i32 to vector<16xi32>
      %mul3A_153 = arith.muli %shift_right_arithmetic3A_18, %mul3A_152 : vector<16xi32>
      %add3A_154 = arith.constant 768 : i32
      %add3A_155 = vector.broadcast %add3A_154 : i32 to vector<16xi32>
      %add3A_156 = arith.addi %mul3A_153, %add3A_155 : vector<16xi32>
      %add3A_157 = arith.addi %add3A_156, %and3A_20 : vector<16xi32>
      %mul3A_158 = arith.constant 256 : i32
      %mul3A_159 = arith.muli %scan3A_12, %mul3A_158 : i32
      %add3A_160 = arith.constant 96 : i32
      %add3A_161 = arith.addi %mul3A_159, %add3A_160 : i32
      %swap3A_162 = arith.index_cast %add3A_161 : i32 to index
      %swap3A_163 = tpu.vector_load %arg8[%swap3A_162] {strides = array<i32>} : memref<8192xi32, #tpu.memory_space<vmem>>, vector<16xi32>,
      %swap3A_164 = vector.shape_cast %swap3A_163 : vector<16xi32> to vector<16xi32>
      %swap3A_165 = vector.shape_cast %add3A_157 : vector<16xi32> to vector<16xi32>
      tpu.vector_store %arg8[%swap3A_162], %swap3A_165 {strides = array<i32>} : memref<8192xi32, #tpu.memory_space<vmem>>, vector<16xi32>,
      %min3A_166 = arith.constant 99999 : i32
      %min3A_167 = vector.broadcast %min3A_166 : i32 to vector<16xi32>
      %min3A_168 = arith.minsi %add3A_157, %min3A_167 : vector<16xi32>
      %swap3A_169 = arith.constant 96 : index
      %swap3A_170 = tpu.vector_load %arg7[%swap3A_169] {strides = array<i32>} : memref<128xi32, #tpu.memory_space<vmem>>, vector<16xi32>,
      %swap3A_171 = vector.shape_cast %swap3A_170 : vector<16xi32> to vector<16xi32>
      %swap3A_172 = vector.shape_cast %min3A_168 : vector<16xi32> to vector<16xi32>
      tpu.vector_store %arg7[%swap3A_169], %swap3A_172 {strides = array<i32>} : memref<128xi32, #tpu.memory_space<vmem>>, vector<16xi32>,
      %mul3A_173 = arith.constant 2048 : i32
      %mul3A_174 = vector.broadcast %mul3A_173 : i32 to vector<16xi32>
      %mul3A_175 = arith.muli %shift_right_arithmetic3A_18, %mul3A_174 : vector<16xi32>
      %add3A_176 = arith.constant 896 : i32
      %add3A_177 = vector.broadcast %add3A_176 : i32 to vector<16xi32>
      %add3A_178 = arith.addi %mul3A_175, %add3A_177 : vector<16xi32>
      %add3A_179 = arith.addi %add3A_178, %and3A_20 : vector<16xi32>
      %mul3A_180 = arith.constant 256 : i32
      %mul3A_181 = arith.muli %scan3A_12, %mul3A_180 : i32
      %add3A_182 = arith.constant 112 : i32
      %add3A_183 = arith.addi %mul3A_181, %add3A_182 : i32
      %swap3A_184 = arith.index_cast %add3A_183 : i32 to index
      %swap3A_185 = tpu.vector_load %arg8[%swap3A_184] {strides = array<i32>} : memref<8192xi32, #tpu.memory_space<vmem>>, vector<16xi32>,
      %swap3A_186 = vector.shape_cast %swap3A_185 : vector<16xi32> to vector<16xi32>
      %swap3A_187 = vector.shape_cast %add3A_179 : vector<16xi32> to vector<16xi32>
      tpu.vector_store %arg8[%swap3A_184], %swap3A_187 {strides = array<i32>} : memref<8192xi32, #tpu.memory_space<vmem>>, vector<16xi32>,
      %min3A_188 = arith.constant 99999 : i32
      %min3A_189 = vector.broadcast %min3A_188 : i32 to vector<16xi32>
      %min3A_190 = arith.minsi %add3A_179, %min3A_189 : vector<16xi32>
      %swap3A_191 = arith.constant 112 : index
      %swap3A_192 = tpu.vector_load %arg7[%swap3A_191] {strides = array<i32>} : memref<128xi32, #tpu.memory_space<vmem>>, vector<16xi32>,
      %swap3A_193 = vector.shape_cast %swap3A_192 : vector<16xi32> to vector<16xi32>
      %swap3A_194 = vector.shape_cast %min3A_190 : vector<16xi32> to vector<16xi32>
      tpu.vector_store %arg7[%swap3A_191], %swap3A_194 {strides = array<i32>} : memref<128xi32, #tpu.memory_space<vmem>>, vector<16xi32>,
      %dma_start3A = arith.constant 0 : i32
      %dma_start3A_195 = arith.constant 0 : i32
      %dma_start3A_196 = tpu.memref_slice %arg9[%dma_start3A, %dma_start3A_195] : memref<256x64xf32, #tpu.memory_space<vmem>> -> memref<128x64xf32, #tpu.memory_space<vmem>>
      %dma_start3A_197 = arith.constant 0 : i32
      %dma_start3A_198 = arith.constant 0 : i32
      %dma_start3A_199 = tpu.memref_slice %arg3[%dma_start3A_197, %dma_start3A_198] : memref<100000x64xf32, #tpu.memory_space<hbm>> -> memref<100000x64xf32, #tpu.memory_space<hbm>>
      tpu.enqueue_indirect_dma source(%dma_start3A_199 : memref<100000x64xf32, #tpu.memory_space<hbm>>) target(%dma_start3A_196 : memref<128x64xf32, #tpu.memory_space<vmem>>) offsets(%arg7 : memref<128xi32, #tpu.memory_space<vmem>>) semaphore(%arg10 : memref<!tpu.dma_semaphore, #tpu.memory_space<semaphore_mem>>)
      %dma_wait3A = arith.constant 0 : i32
      %dma_wait3A_200 = arith.constant 0 : i32
      %dma_wait3A_201 = tpu.memref_slice %arg9[%dma_wait3A, %dma_wait3A_200] : memref<256x64xf32, #tpu.memory_space<vmem>> -> memref<128x64xf32, #tpu.memory_space<vmem>>
      %dma_wait3A_202 = arith.constant 0 : i32
      %dma_wait3A_203 = arith.constant 0 : i32
      %dma_wait3A_204 = tpu.memref_slice %arg3[%dma_wait3A_202, %dma_wait3A_203] : memref<100000x64xf32, #tpu.memory_space<hbm>> -> memref<100000x64xf32, #tpu.memory_space<hbm>>
      tpu.wait_indirect_dma semaphore(%arg10 : memref<!tpu.dma_semaphore, #tpu.memory_space<semaphore_mem>>) src(%dma_wait3A_204 : memref<100000x64xf32, #tpu.memory_space<hbm>>) dst(%dma_wait3A_201 : memref<128x64xf32, #tpu.memory_space<vmem>>)
      %mul3A_205 = arith.constant 2048 : i32
      %mul3A_206 = vector.broadcast %mul3A_205 : i32 to vector<16xi32>
      %mul3A_207 = arith.muli %shift_right_arithmetic3A_18, %mul3A_206 : vector<16xi32>
      %add3A_208 = arith.constant 1024 : i32
      %add3A_209 = vector.broadcast %add3A_208 : i32 to vector<16xi32>
      %add3A_210 = arith.addi %mul3A_207, %add3A_209 : vector<16xi32>
      %add3A_211 = arith.addi %add3A_210, %and3A_20 : vector<16xi32>
      %mul3A_212 = arith.constant 256 : i32
      %mul3A_213 = arith.muli %scan3A_12, %mul3A_212 : i32
      %add3A_214 = arith.constant 128 : i32
      %add3A_215 = arith.addi %mul3A_213, %add3A_214 : i32
      %swap3A_216 = arith.index_cast %add3A_215 : i32 to index
      %swap3A_217 = tpu.vector_load %arg8[%swap3A_216] {strides = array<i32>} : memref<8192xi32, #tpu.memory_space<vmem>>, vector<16xi32>,
      %swap3A_218 = vector.shape_cast %swap3A_217 : vector<16xi32> to vector<16xi32>
      %swap3A_219 = vector.shape_cast %add3A_211 : vector<16xi32> to vector<16xi32>
      tpu.vector_store %arg8[%swap3A_216], %swap3A_219 {strides = array<i32>} : memref<8192xi32, #tpu.memory_space<vmem>>, vector<16xi32>,
      %min3A_220 = arith.constant 99999 : i32
      %min3A_221 = vector.broadcast %min3A_220 : i32 to vector<16xi32>
      %min3A_222 = arith.minsi %add3A_211, %min3A_221 : vector<16xi32>
      %swap3A_223 = arith.constant 0 : index
      %swap3A_224 = tpu.vector_load %arg7[%swap3A_223] {strides = array<i32>} : memref<128xi32, #tpu.memory_space<vmem>>, vector<16xi32>,
      %swap3A_225 = vector.shape_cast %swap3A_224 : vector<16xi32> to vector<16xi32>
      %swap3A_226 = vector.shape_cast %min3A_222 : vector<16xi32> to vector<16xi32>
      tpu.vector_store %arg7[%swap3A_223], %swap3A_226 {strides = array<i32>} : memref<128xi32, #tpu.memory_space<vmem>>, vector<16xi32>,
      %mul3A_227 = arith.constant 2048 : i32
      %mul3A_228 = vector.broadcast %mul3A_227 : i32 to vector<16xi32>
      %mul3A_229 = arith.muli %shift_right_arithmetic3A_18, %mul3A_228 : vector<16xi32>
      %add3A_230 = arith.constant 1152 : i32
      %add3A_231 = vector.broadcast %add3A_230 : i32 to vector<16xi32>
      %add3A_232 = arith.addi %mul3A_229, %add3A_231 : vector<16xi32>
      %add3A_233 = arith.addi %add3A_232, %and3A_20 : vector<16xi32>
      %mul3A_234 = arith.constant 256 : i32
      %mul3A_235 = arith.muli %scan3A_12, %mul3A_234 : i32
      %add3A_236 = arith.constant 144 : i32
      %add3A_237 = arith.addi %mul3A_235, %add3A_236 : i32
      %swap3A_238 = arith.index_cast %add3A_237 : i32 to index
      %swap3A_239 = tpu.vector_load %arg8[%swap3A_238] {strides = array<i32>} : memref<8192xi32, #tpu.memory_space<vmem>>, vector<16xi32>,
      %swap3A_240 = vector.shape_cast %swap3A_239 : vector<16xi32> to vector<16xi32>
      %swap3A_241 = vector.shape_cast %add3A_233 : vector<16xi32> to vector<16xi32>
      tpu.vector_store %arg8[%swap3A_238], %swap3A_241 {strides = array<i32>} : memref<8192xi32, #tpu.memory_space<vmem>>, vector<16xi32>,
      %min3A_242 = arith.constant 99999 : i32
      %min3A_243 = vector.broadcast %min3A_242 : i32 to vector<16xi32>
      %min3A_244 = arith.minsi %add3A_233, %min3A_243 : vector<16xi32>
      %swap3A_245 = arith.constant 16 : index
      %swap3A_246 = tpu.vector_load %arg7[%swap3A_245] {strides = array<i32>} : memref<128xi32, #tpu.memory_space<vmem>>, vector<16xi32>,
      %swap3A_247 = vector.shape_cast %swap3A_246 : vector<16xi32> to vector<16xi32>
      %swap3A_248 = vector.shape_cast %min3A_244 : vector<16xi32> to vector<16xi32>
      tpu.vector_store %arg7[%swap3A_245], %swap3A_248 {strides = array<i32>} : memref<128xi32, #tpu.memory_space<vmem>>, vector<16xi32>,
      %mul3A_249 = arith.constant 2048 : i32
      %mul3A_250 = vector.broadcast %mul3A_249 : i32 to vector<16xi32>
      %mul3A_251 = arith.muli %shift_right_arithmetic3A_18, %mul3A_250 : vector<16xi32>
      %add3A_252 = arith.constant 1280 : i32
      %add3A_253 = vector.broadcast %add3A_252 : i32 to vector<16xi32>
      %add3A_254 = arith.addi %mul3A_251, %add3A_253 : vector<16xi32>
      %add3A_255 = arith.addi %add3A_254, %and3A_20 : vector<16xi32>
      %mul3A_256 = arith.constant 256 : i32
      %mul3A_257 = arith.muli %scan3A_12, %mul3A_256 : i32
      %add3A_258 = arith.constant 160 : i32
      %add3A_259 = arith.addi %mul3A_257, %add3A_258 : i32
      %swap3A_260 = arith.index_cast %add3A_259 : i32 to index
      %swap3A_261 = tpu.vector_load %arg8[%swap3A_260] {strides = array<i32>} : memref<8192xi32, #tpu.memory_space<vmem>>, vector<16xi32>,
      %swap3A_262 = vector.shape_cast %swap3A_261 : vector<16xi32> to vector<16xi32>
      %swap3A_263 = vector.shape_cast %add3A_255 : vector<16xi32> to vector<16xi32>
      tpu.vector_store %arg8[%swap3A_260], %swap3A_263 {strides = array<i32>} : memref<8192xi32, #tpu.memory_space<vmem>>, vector<16xi32>,
      %min3A_264 = arith.constant 99999 : i32
      %min3A_265 = vector.broadcast %min3A_264 : i32 to vector<16xi32>
      %min3A_266 = arith.minsi %add3A_255, %min3A_265 : vector<16xi32>
      %swap3A_267 = arith.constant 32 : index
      %swap3A_268 = tpu.vector_load %arg7[%swap3A_267] {strides = array<i32>} : memref<128xi32, #tpu.memory_space<vmem>>, vector<16xi32>,
      %swap3A_269 = vector.shape_cast %swap3A_268 : vector<16xi32> to vector<16xi32>
      %swap3A_270 = vector.shape_cast %min3A_266 : vector<16xi32> to vector<16xi32>
      tpu.vector_store %arg7[%swap3A_267], %swap3A_270 {strides = array<i32>} : memref<128xi32, #tpu.memory_space<vmem>>, vector<16xi32>,
      %mul3A_271 = arith.constant 2048 : i32
      %mul3A_272 = vector.broadcast %mul3A_271 : i32 to vector<16xi32>
      %mul3A_273 = arith.muli %shift_right_arithmetic3A_18, %mul3A_272 : vector<16xi32>
      %add3A_274 = arith.constant 1408 : i32
      %add3A_275 = vector.broadcast %add3A_274 : i32 to vector<16xi32>
      %add3A_276 = arith.addi %mul3A_273, %add3A_275 : vector<16xi32>
      %add3A_277 = arith.addi %add3A_276, %and3A_20 : vector<16xi32>
      %mul3A_278 = arith.constant 256 : i32
      %mul3A_279 = arith.muli %scan3A_12, %mul3A_278 : i32
      %add3A_280 = arith.constant 176 : i32
      %add3A_281 = arith.addi %mul3A_279, %add3A_280 : i32
      %swap3A_282 = arith.index_cast %add3A_281 : i32 to index
      %swap3A_283 = tpu.vector_load %arg8[%swap3A_282] {strides = array<i32>} : memref<8192xi32, #tpu.memory_space<vmem>>, vector<16xi32>,
      %swap3A_284 = vector.shape_cast %swap3A_283 : vector<16xi32> to vector<16xi32>
      %swap3A_285 = vector.shape_cast %add3A_277 : vector<16xi32> to vector<16xi32>
      tpu.vector_store %arg8[%swap3A_282], %swap3A_285 {strides = array<i32>} : memref<8192xi32, #tpu.memory_space<vmem>>, vector<16xi32>,
      %min3A_286 = arith.constant 99999 : i32
      %min3A_287 = vector.broadcast %min3A_286 : i32 to vector<16xi32>
      %min3A_288 = arith.minsi %add3A_277, %min3A_287 : vector<16xi32>
      %swap3A_289 = arith.constant 48 : index
      %swap3A_290 = tpu.vector_load %arg7[%swap3A_289] {strides = array<i32>} : memref<128xi32, #tpu.memory_space<vmem>>, vector<16xi32>,
      %swap3A_291 = vector.shape_cast %swap3A_290 : vector<16xi32> to vector<16xi32>
      %swap3A_292 = vector.shape_cast %min3A_288 : vector<16xi32> to vector<16xi32>
      tpu.vector_store %arg7[%swap3A_289], %swap3A_292 {strides = array<i32>} : memref<128xi32, #tpu.memory_space<vmem>>, vector<16xi32>,
      %mul3A_293 = arith.constant 2048 : i32
      %mul3A_294 = vector.broadcast %mul3A_293 : i32 to vector<16xi32>
      %mul3A_295 = arith.muli %shift_right_arithmetic3A_18, %mul3A_294 : vector<16xi32>
      %add3A_296 = arith.constant 1536 : i32
      %add3A_297 = vector.broadcast %add3A_296 : i32 to vector<16xi32>
      %add3A_298 = arith.addi %mul3A_295, %add3A_297 : vector<16xi32>
      %add3A_299 = arith.addi %add3A_298, %and3A_20 : vector<16xi32>
      %mul3A_300 = arith.constant 256 : i32
      %mul3A_301 = arith.muli %scan3A_12, %mul3A_300 : i32
      %add3A_302 = arith.constant 192 : i32
      %add3A_303 = arith.addi %mul3A_301, %add3A_302 : i32
      %swap3A_304 = arith.index_cast %add3A_303 : i32 to index
      %swap3A_305 = tpu.vector_load %arg8[%swap3A_304] {strides = array<i32>} : memref<8192xi32, #tpu.memory_space<vmem>>, vector<16xi32>,
      %swap3A_306 = vector.shape_cast %swap3A_305 : vector<16xi32> to vector<16xi32>
      %swap3A_307 = vector.shape_cast %add3A_299 : vector<16xi32> to vector<16xi32>
      tpu.vector_store %arg8[%swap3A_304], %swap3A_307 {strides = array<i32>} : memref<8192xi32, #tpu.memory_space<vmem>>, vector<16xi32>,
      %min3A_308 = arith.constant 99999 : i32
      %min3A_309 = vector.broadcast %min3A_308 : i32 to vector<16xi32>
      %min3A_310 = arith.minsi %add3A_299, %min3A_309 : vector<16xi32>
      %swap3A_311 = arith.constant 64 : index
      %swap3A_312 = tpu.vector_load %arg7[%swap3A_311] {strides = array<i32>} : memref<128xi32, #tpu.memory_space<vmem>>, vector<16xi32>,
      %swap3A_313 = vector.shape_cast %swap3A_312 : vector<16xi32> to vector<16xi32>
      %swap3A_314 = vector.shape_cast %min3A_310 : vector<16xi32> to vector<16xi32>
      tpu.vector_store %arg7[%swap3A_311], %swap3A_314 {strides = array<i32>} : memref<128xi32, #tpu.memory_space<vmem>>, vector<16xi32>,
      %mul3A_315 = arith.constant 2048 : i32
      %mul3A_316 = vector.broadcast %mul3A_315 : i32 to vector<16xi32>
      %mul3A_317 = arith.muli %shift_right_arithmetic3A_18, %mul3A_316 : vector<16xi32>
      %add3A_318 = arith.constant 1664 : i32
      %add3A_319 = vector.broadcast %add3A_318 : i32 to vector<16xi32>
      %add3A_320 = arith.addi %mul3A_317, %add3A_319 : vector<16xi32>
      %add3A_321 = arith.addi %add3A_320, %and3A_20 : vector<16xi32>
      %mul3A_322 = arith.constant 256 : i32
      %mul3A_323 = arith.muli %scan3A_12, %mul3A_322 : i32
      %add3A_324 = arith.constant 208 : i32
      %add3A_325 = arith.addi %mul3A_323, %add3A_324 : i32
      %swap3A_326 = arith.index_cast %add3A_325 : i32 to index
      %swap3A_327 = tpu.vector_load %arg8[%swap3A_326] {strides = array<i32>} : memref<8192xi32, #tpu.memory_space<vmem>>, vector<16xi32>,
      %swap3A_328 = vector.shape_cast %swap3A_327 : vector<16xi32> to vector<16xi32>
      %swap3A_329 = vector.shape_cast %add3A_321 : vector<16xi32> to vector<16xi32>
      tpu.vector_store %arg8[%swap3A_326], %swap3A_329 {strides = array<i32>} : memref<8192xi32, #tpu.memory_space<vmem>>, vector<16xi32>,
      %min3A_330 = arith.constant 99999 : i32
      %min3A_331 = vector.broadcast %min3A_330 : i32 to vector<16xi32>
      %min3A_332 = arith.minsi %add3A_321, %min3A_331 : vector<16xi32>
      %swap3A_333 = arith.constant 80 : index
      %swap3A_334 = tpu.vector_load %arg7[%swap3A_333] {strides = array<i32>} : memref<128xi32, #tpu.memory_space<vmem>>, vector<16xi32>,
      %swap3A_335 = vector.shape_cast %swap3A_334 : vector<16xi32> to vector<16xi32>
      %swap3A_336 = vector.shape_cast %min3A_332 : vector<16xi32> to vector<16xi32>
      tpu.vector_store %arg7[%swap3A_333], %swap3A_336 {strides = array<i32>} : memref<128xi32, #tpu.memory_space<vmem>>, vector<16xi32>,
      %mul3A_337 = arith.constant 2048 : i32
      %mul3A_338 = vector.broadcast %mul3A_337 : i32 to vector<16xi32>
      %mul3A_339 = arith.muli %shift_right_arithmetic3A_18, %mul3A_338 : vector<16xi32>
      %add3A_340 = arith.constant 1792 : i32
      %add3A_341 = vector.broadcast %add3A_340 : i32 to vector<16xi32>
      %add3A_342 = arith.addi %mul3A_339, %add3A_341 : vector<16xi32>
      %add3A_343 = arith.addi %add3A_342, %and3A_20 : vector<16xi32>
      %mul3A_344 = arith.constant 256 : i32
      %mul3A_345 = arith.muli %scan3A_12, %mul3A_344 : i32
      %add3A_346 = arith.constant 224 : i32
      %add3A_347 = arith.addi %mul3A_345, %add3A_346 : i32
      %swap3A_348 = arith.index_cast %add3A_347 : i32 to index
      %swap3A_349 = tpu.vector_load %arg8[%swap3A_348] {strides = array<i32>} : memref<8192xi32, #tpu.memory_space<vmem>>, vector<16xi32>,
      %swap3A_350 = vector.shape_cast %swap3A_349 : vector<16xi32> to vector<16xi32>
      %swap3A_351 = vector.shape_cast %add3A_343 : vector<16xi32> to vector<16xi32>
      tpu.vector_store %arg8[%swap3A_348], %swap3A_351 {strides = array<i32>} : memref<8192xi32, #tpu.memory_space<vmem>>, vector<16xi32>,
      %min3A_352 = arith.constant 99999 : i32
      %min3A_353 = vector.broadcast %min3A_352 : i32 to vector<16xi32>
      %min3A_354 = arith.minsi %add3A_343, %min3A_353 : vector<16xi32>
      %swap3A_355 = arith.constant 96 : index
      %swap3A_356 = tpu.vector_load %arg7[%swap3A_355] {strides = array<i32>} : memref<128xi32, #tpu.memory_space<vmem>>, vector<16xi32>,
      %swap3A_357 = vector.shape_cast %swap3A_356 : vector<16xi32> to vector<16xi32>
      %swap3A_358 = vector.shape_cast %min3A_354 : vector<16xi32> to vector<16xi32>
      tpu.vector_store %arg7[%swap3A_355], %swap3A_358 {strides = array<i32>} : memref<128xi32, #tpu.memory_space<vmem>>, vector<16xi32>,
      %mul3A_359 = arith.constant 2048 : i32
      %mul3A_360 = vector.broadcast %mul3A_359 : i32 to vector<16xi32>
      %mul3A_361 = arith.muli %shift_right_arithmetic3A_18, %mul3A_360 : vector<16xi32>
      %add3A_362 = arith.constant 1920 : i32
      %add3A_363 = vector.broadcast %add3A_362 : i32 to vector<16xi32>
      %add3A_364 = arith.addi %mul3A_361, %add3A_363 : vector<16xi32>
      %add3A_365 = arith.addi %add3A_364, %and3A_20 : vector<16xi32>
      %mul3A_366 = arith.constant 256 : i32
      %mul3A_367 = arith.muli %scan3A_12, %mul3A_366 : i32
      %add3A_368 = arith.constant 240 : i32
      %add3A_369 = arith.addi %mul3A_367, %add3A_368 : i32
      %swap3A_370 = arith.index_cast %add3A_369 : i32 to index
      %swap3A_371 = tpu.vector_load %arg8[%swap3A_370] {strides = array<i32>} : memref<8192xi32, #tpu.memory_space<vmem>>, vector<16xi32>,
      %swap3A_372 = vector.shape_cast %swap3A_371 : vector<16xi32> to vector<16xi32>
      %swap3A_373 = vector.shape_cast %add3A_365 : vector<16xi32> to vector<16xi32>
      tpu.vector_store %arg8[%swap3A_370], %swap3A_373 {strides = array<i32>} : memref<8192xi32, #tpu.memory_space<vmem>>, vector<16xi32>,
      %min3A_374 = arith.constant 99999 : i32
      %min3A_375 = vector.broadcast %min3A_374 : i32 to vector<16xi32>
      %min3A_376 = arith.minsi %add3A_365, %min3A_375 : vector<16xi32>
      %swap3A_377 = arith.constant 112 : index
      %swap3A_378 = tpu.vector_load %arg7[%swap3A_377] {strides = array<i32>} : memref<128xi32, #tpu.memory_space<vmem>>, vector<16xi32>,
      %swap3A_379 = vector.shape_cast %swap3A_378 : vector<16xi32> to vector<16xi32>
      %swap3A_380 = vector.shape_cast %min3A_376 : vector<16xi32> to vector<16xi32>
      tpu.vector_store %arg7[%swap3A_377], %swap3A_380 {strides = array<i32>} : memref<128xi32, #tpu.memory_space<vmem>>, vector<16xi32>,
      %dma_start3A_381 = arith.constant 128 : i32
      %dma_start3A_382 = arith.constant 0 : i32
      %dma_start3A_383 = tpu.memref_slice %arg9[%dma_start3A_381, %dma_start3A_382] : memref<256x64xf32, #tpu.memory_space<vmem>> -> memref<128x64xf32, #tpu.memory_space<vmem>>
      %dma_start3A_384 = arith.constant 0 : i32
      %dma_start3A_385 = arith.constant 0 : i32
      %dma_start3A_386 = tpu.memref_slice %arg3[%dma_start3A_384, %dma_start3A_385] : memref<100000x64xf32, #tpu.memory_space<hbm>> -> memref<100000x64xf32, #tpu.memory_space<hbm>>
      tpu.enqueue_indirect_dma source(%dma_start3A_386 : memref<100000x64xf32, #tpu.memory_space<hbm>>) target(%dma_start3A_383 : memref<128x64xf32, #tpu.memory_space<vmem>>) offsets(%arg7 : memref<128xi32, #tpu.memory_space<vmem>>) semaphore(%arg10 : memref<!tpu.dma_semaphore, #tpu.memory_space<semaphore_mem>>)
      %dma_wait3A_387 = arith.constant 128 : i32
      %dma_wait3A_388 = arith.constant 0 : i32
      %dma_wait3A_389 = tpu.memref_slice %arg9[%dma_wait3A_387, %dma_wait3A_388] : memref<256x64xf32, #tpu.memory_space<vmem>> -> memref<128x64xf32, #tpu.memory_space<vmem>>
      %dma_wait3A_390 = arith.constant 0 : i32
      %dma_wait3A_391 = arith.constant 0 : i32
      %dma_wait3A_392 = tpu.memref_slice %arg3[%dma_wait3A_390, %dma_wait3A_391] : memref<100000x64xf32, #tpu.memory_space<hbm>> -> memref<100000x64xf32, #tpu.memory_space<hbm>>
      tpu.wait_indirect_dma semaphore(%arg10 : memref<!tpu.dma_semaphore, #tpu.memory_space<semaphore_mem>>) src(%dma_wait3A_392 : memref<100000x64xf32, #tpu.memory_space<hbm>>) dst(%dma_wait3A_389 : memref<128x64xf32, #tpu.memory_space<vmem>>)
      %add3A_393 = arith.addi %mul3A_2, %scan3A_12 : i32
      %mul3A_394 = arith.constant 256 : i32
      %mul3A_395 = arith.muli %add3A_393, %mul3A_394 : i32
      "tpu.region"() ({
        %run_scoped3A = tpu.sem_alloc : memref<!tpu.dma_semaphore, #tpu.memory_space<semaphore_mem>>
        %dma_start3A_396 = arith.constant 0 : i32
        %dma_start3A_397 = tpu.memref_slice %arg5[%mul3A_395, %dma_start3A_396] : memref<262144x64xf32, #tpu.memory_space<hbm>> -> memref<256x64xf32, #tpu.memory_space<hbm>>
        %dma_start3A_398 = arith.constant 0 : i32
        %dma_start3A_399 = tpu.memref_slice %arg5[%mul3A_395, %dma_start3A_398] : memref<262144x64xf32, #tpu.memory_space<hbm>> -> memref<256x64xf32, #tpu.memory_space<hbm>>
        tpu.enqueue_dma source(%arg9 : memref<256x64xf32, #tpu.memory_space<vmem>>) target(%dma_start3A_399 : memref<256x64xf32, #tpu.memory_space<hbm>>) target_semaphore(%run_scoped3A : memref<!tpu.dma_semaphore, #tpu.memory_space<semaphore_mem>>)
        %dma_wait3A_400 = arith.constant 0 : i32
        %dma_wait3A_401 = tpu.memref_slice %arg5[%mul3A_395, %dma_wait3A_400] : memref<262144x64xf32, #tpu.memory_space<hbm>> -> memref<256x64xf32, #tpu.memory_space<hbm>>
        %dma_wait3A_402 = arith.constant 0 : i32
        %dma_wait3A_403 = tpu.memref_slice %arg5[%mul3A_395, %dma_wait3A_402] : memref<262144x64xf32, #tpu.memory_space<hbm>> -> memref<256x64xf32, #tpu.memory_space<hbm>>
        tpu.wait_dma2 semaphore(%run_scoped3A : memref<!tpu.dma_semaphore, #tpu.memory_space<semaphore_mem>>) src(%arg9 : memref<256x64xf32, #tpu.memory_space<vmem>>) dst(%dma_wait3A_403 : memref<256x64xf32, #tpu.memory_space<hbm>>)
        tpu.yield
      }) : () -> ()
    }
    %scan3A_9 = arith.constant 32 : i32
    %mul3A_10 = arith.constant 256 : i32
    %mul3A_11 = arith.muli %mul3A_2, %mul3A_10 : i32
    "tpu.region"() ({
      %run_scoped3A = tpu.sem_alloc : memref<!tpu.dma_semaphore, #tpu.memory_space<semaphore_mem>>
      %dma_start3A = tpu.memref_slice %arg4[%mul3A_11] : memref<262144xi32, #tpu.memory_space<hbm>> -> memref<8192xi32, #tpu.memory_space<hbm>>
      %dma_start3A_12 = tpu.memref_slice %arg4[%mul3A_11] : memref<262144xi32, #tpu.memory_space<hbm>> -> memref<8192xi32, #tpu.memory_space<hbm>>
      tpu.enqueue_dma source(%arg8 : memref<8192xi32, #tpu.memory_space<vmem>>) target(%dma_start3A_12 : memref<8192xi32, #tpu.memory_space<hbm>>) target_semaphore(%run_scoped3A : memref<!tpu.dma_semaphore, #tpu.memory_space<semaphore_mem>>)
      %dma_wait3A = tpu.memref_slice %arg4[%mul3A_11] : memref<262144xi32, #tpu.memory_space<hbm>> -> memref<8192xi32, #tpu.memory_space<hbm>>
      %dma_wait3A_13 = tpu.memref_slice %arg4[%mul3A_11] : memref<262144xi32, #tpu.memory_space<hbm>> -> memref<8192xi32, #tpu.memory_space<hbm>>
      tpu.wait_dma2 semaphore(%run_scoped3A : memref<!tpu.dma_semaphore, #tpu.memory_space<semaphore_mem>>) src(%arg8 : memref<8192xi32, #tpu.memory_space<vmem>>) dst(%dma_wait3A_13 : memref<8192xi32, #tpu.memory_space<hbm>>)
      tpu.yield
    }) : () -> ()
    return
  }
}

module attributes {stable_mosaic.version = 14 : i64} {
  func.func @_cell_topk_body(%arg0: i32, %arg1: i32, %arg2: memref<256x64xf32, #tpu.memory_space<vmem>>, %arg3: memref<2048x64xf32, #tpu.memory_space<vmem>>, %arg4: memref<256x128xi32, #tpu.memory_space<vmem>>, %arg5: memref<10x256x128xf32, #tpu.memory_space<vmem>>, %arg6: memref<10x256x128xi32, #tpu.memory_space<vmem>>, %arg7: memref<256x1280xf32, #tpu.memory_space<vmem>>, %arg8: memref<256x1280xi32, #tpu.memory_space<vmem>>) attributes {dimension_semantics = [#tpu.dimension_semantics<arbitrary>, #tpu.dimension_semantics<arbitrary>], iteration_bounds = array<i64: 4, 49>, scalar_prefetch = 0 : i64, scratch_operands = 4 : i64, tpu.core_type = #tpu.core_type<tc>, window_params = [{transform_indices = @transform_0, window_bounds = array<i64: 256, 64>}, {transform_indices = @transform_1, window_bounds = array<i64: 2048, 64>}, {transform_indices = @transform_2, window_bounds = array<i64: 256, 128>}]} {
    %eq3A = arith.constant 0 : i32
    %eq3A_0 = arith.cmpi eq, %arg1, %eq3A : i32
    %convert_element_type3A = arith.extui %eq3A_0 : i1 to i32
    %cond3A = arith.constant 0 : i32
    %cond3A_1 = arith.cmpi ne, %convert_element_type3A, %cond3A : i32
    scf.if %cond3A_1 {
      %broadcast_in_dim3A_498 = arith.constant -3.000000e+38 : f32
      %broadcast_in_dim3A_499 = vector.broadcast %broadcast_in_dim3A_498 : f32 to vector<256x128xf32>
      %swap3A_500 = arith.constant 0 : index
      %swap3A_501 = arith.constant 0 : index
      %swap3A_502 = arith.constant 0 : index
      %swap3A_503 = vector.load %arg5[%swap3A_500, %swap3A_501, %swap3A_502] : memref<10x256x128xf32, #tpu.memory_space<vmem>>, vector<1x256x128xf32>
      %swap3A_504 = vector.shape_cast %swap3A_503 : vector<1x256x128xf32> to vector<256x128xf32>
      %swap3A_505 = vector.shape_cast %broadcast_in_dim3A_499 : vector<256x128xf32> to vector<1x256x128xf32>
      tpu.vector_store %arg5[%swap3A_500, %swap3A_501, %swap3A_502], %swap3A_505 {strides = array<i32>} : memref<10x256x128xf32, #tpu.memory_space<vmem>>, vector<1x256x128xf32>,
      %broadcast_in_dim3A_506 = arith.constant 0 : i32
      %broadcast_in_dim3A_507 = vector.broadcast %broadcast_in_dim3A_506 : i32 to vector<256x128xi32>
      %swap3A_508 = arith.constant 0 : index
      %swap3A_509 = arith.constant 0 : index
      %swap3A_510 = arith.constant 0 : index
      %swap3A_511 = vector.load %arg6[%swap3A_508, %swap3A_509, %swap3A_510] : memref<10x256x128xi32, #tpu.memory_space<vmem>>, vector<1x256x128xi32>
      %swap3A_512 = vector.shape_cast %swap3A_511 : vector<1x256x128xi32> to vector<256x128xi32>
      %swap3A_513 = vector.shape_cast %broadcast_in_dim3A_507 : vector<256x128xi32> to vector<1x256x128xi32>
      tpu.vector_store %arg6[%swap3A_508, %swap3A_509, %swap3A_510], %swap3A_513 {strides = array<i32>} : memref<10x256x128xi32, #tpu.memory_space<vmem>>, vector<1x256x128xi32>,
      %broadcast_in_dim3A_514 = arith.constant -3.000000e+38 : f32
      %broadcast_in_dim3A_515 = vector.broadcast %broadcast_in_dim3A_514 : f32 to vector<256x128xf32>
      %swap3A_516 = arith.constant 1 : index
      %swap3A_517 = arith.constant 0 : index
      %swap3A_518 = arith.constant 0 : index
      %swap3A_519 = vector.load %arg5[%swap3A_516, %swap3A_517, %swap3A_518] : memref<10x256x128xf32, #tpu.memory_space<vmem>>, vector<1x256x128xf32>
      %swap3A_520 = vector.shape_cast %swap3A_519 : vector<1x256x128xf32> to vector<256x128xf32>
      %swap3A_521 = vector.shape_cast %broadcast_in_dim3A_515 : vector<256x128xf32> to vector<1x256x128xf32>
      tpu.vector_store %arg5[%swap3A_516, %swap3A_517, %swap3A_518], %swap3A_521 {strides = array<i32>} : memref<10x256x128xf32, #tpu.memory_space<vmem>>, vector<1x256x128xf32>,
      %broadcast_in_dim3A_522 = arith.constant 0 : i32
      %broadcast_in_dim3A_523 = vector.broadcast %broadcast_in_dim3A_522 : i32 to vector<256x128xi32>
      %swap3A_524 = arith.constant 1 : index
      %swap3A_525 = arith.constant 0 : index
      %swap3A_526 = arith.constant 0 : index
      %swap3A_527 = vector.load %arg6[%swap3A_524, %swap3A_525, %swap3A_526] : memref<10x256x128xi32, #tpu.memory_space<vmem>>, vector<1x256x128xi32>
      %swap3A_528 = vector.shape_cast %swap3A_527 : vector<1x256x128xi32> to vector<256x128xi32>
      %swap3A_529 = vector.shape_cast %broadcast_in_dim3A_523 : vector<256x128xi32> to vector<1x256x128xi32>
      tpu.vector_store %arg6[%swap3A_524, %swap3A_525, %swap3A_526], %swap3A_529 {strides = array<i32>} : memref<10x256x128xi32, #tpu.memory_space<vmem>>, vector<1x256x128xi32>,
      %broadcast_in_dim3A_530 = arith.constant -3.000000e+38 : f32
      %broadcast_in_dim3A_531 = vector.broadcast %broadcast_in_dim3A_530 : f32 to vector<256x128xf32>
      %swap3A_532 = arith.constant 2 : index
      %swap3A_533 = arith.constant 0 : index
      %swap3A_534 = arith.constant 0 : index
      %swap3A_535 = vector.load %arg5[%swap3A_532, %swap3A_533, %swap3A_534] : memref<10x256x128xf32, #tpu.memory_space<vmem>>, vector<1x256x128xf32>
      %swap3A_536 = vector.shape_cast %swap3A_535 : vector<1x256x128xf32> to vector<256x128xf32>
      %swap3A_537 = vector.shape_cast %broadcast_in_dim3A_531 : vector<256x128xf32> to vector<1x256x128xf32>
      tpu.vector_store %arg5[%swap3A_532, %swap3A_533, %swap3A_534], %swap3A_537 {strides = array<i32>} : memref<10x256x128xf32, #tpu.memory_space<vmem>>, vector<1x256x128xf32>,
      %broadcast_in_dim3A_538 = arith.constant 0 : i32
      %broadcast_in_dim3A_539 = vector.broadcast %broadcast_in_dim3A_538 : i32 to vector<256x128xi32>
      %swap3A_540 = arith.constant 2 : index
      %swap3A_541 = arith.constant 0 : index
      %swap3A_542 = arith.constant 0 : index
      %swap3A_543 = vector.load %arg6[%swap3A_540, %swap3A_541, %swap3A_542] : memref<10x256x128xi32, #tpu.memory_space<vmem>>, vector<1x256x128xi32>
      %swap3A_544 = vector.shape_cast %swap3A_543 : vector<1x256x128xi32> to vector<256x128xi32>
      %swap3A_545 = vector.shape_cast %broadcast_in_dim3A_539 : vector<256x128xi32> to vector<1x256x128xi32>
      tpu.vector_store %arg6[%swap3A_540, %swap3A_541, %swap3A_542], %swap3A_545 {strides = array<i32>} : memref<10x256x128xi32, #tpu.memory_space<vmem>>, vector<1x256x128xi32>,
      %broadcast_in_dim3A_546 = arith.constant -3.000000e+38 : f32
      %broadcast_in_dim3A_547 = vector.broadcast %broadcast_in_dim3A_546 : f32 to vector<256x128xf32>
      %swap3A_548 = arith.constant 3 : index
      %swap3A_549 = arith.constant 0 : index
      %swap3A_550 = arith.constant 0 : index
      %swap3A_551 = vector.load %arg5[%swap3A_548, %swap3A_549, %swap3A_550] : memref<10x256x128xf32, #tpu.memory_space<vmem>>, vector<1x256x128xf32>
      %swap3A_552 = vector.shape_cast %swap3A_551 : vector<1x256x128xf32> to vector<256x128xf32>
      %swap3A_553 = vector.shape_cast %broadcast_in_dim3A_547 : vector<256x128xf32> to vector<1x256x128xf32>
      tpu.vector_store %arg5[%swap3A_548, %swap3A_549, %swap3A_550], %swap3A_553 {strides = array<i32>} : memref<10x256x128xf32, #tpu.memory_space<vmem>>, vector<1x256x128xf32>,
      %broadcast_in_dim3A_554 = arith.constant 0 : i32
      %broadcast_in_dim3A_555 = vector.broadcast %broadcast_in_dim3A_554 : i32 to vector<256x128xi32>
      %swap3A_556 = arith.constant 3 : index
      %swap3A_557 = arith.constant 0 : index
      %swap3A_558 = arith.constant 0 : index
      %swap3A_559 = vector.load %arg6[%swap3A_556, %swap3A_557, %swap3A_558] : memref<10x256x128xi32, #tpu.memory_space<vmem>>, vector<1x256x128xi32>
      %swap3A_560 = vector.shape_cast %swap3A_559 : vector<1x256x128xi32> to vector<256x128xi32>
      %swap3A_561 = vector.shape_cast %broadcast_in_dim3A_555 : vector<256x128xi32> to vector<1x256x128xi32>
      tpu.vector_store %arg6[%swap3A_556, %swap3A_557, %swap3A_558], %swap3A_561 {strides = array<i32>} : memref<10x256x128xi32, #tpu.memory_space<vmem>>, vector<1x256x128xi32>,
      %broadcast_in_dim3A_562 = arith.constant -3.000000e+38 : f32
      %broadcast_in_dim3A_563 = vector.broadcast %broadcast_in_dim3A_562 : f32 to vector<256x128xf32>
      %swap3A_564 = arith.constant 4 : index
      %swap3A_565 = arith.constant 0 : index
      %swap3A_566 = arith.constant 0 : index
      %swap3A_567 = vector.load %arg5[%swap3A_564, %swap3A_565, %swap3A_566] : memref<10x256x128xf32, #tpu.memory_space<vmem>>, vector<1x256x128xf32>
      %swap3A_568 = vector.shape_cast %swap3A_567 : vector<1x256x128xf32> to vector<256x128xf32>
      %swap3A_569 = vector.shape_cast %broadcast_in_dim3A_563 : vector<256x128xf32> to vector<1x256x128xf32>
      tpu.vector_store %arg5[%swap3A_564, %swap3A_565, %swap3A_566], %swap3A_569 {strides = array<i32>} : memref<10x256x128xf32, #tpu.memory_space<vmem>>, vector<1x256x128xf32>,
      %broadcast_in_dim3A_570 = arith.constant 0 : i32
      %broadcast_in_dim3A_571 = vector.broadcast %broadcast_in_dim3A_570 : i32 to vector<256x128xi32>
      %swap3A_572 = arith.constant 4 : index
      %swap3A_573 = arith.constant 0 : index
      %swap3A_574 = arith.constant 0 : index
      %swap3A_575 = vector.load %arg6[%swap3A_572, %swap3A_573, %swap3A_574] : memref<10x256x128xi32, #tpu.memory_space<vmem>>, vector<1x256x128xi32>
      %swap3A_576 = vector.shape_cast %swap3A_575 : vector<1x256x128xi32> to vector<256x128xi32>
      %swap3A_577 = vector.shape_cast %broadcast_in_dim3A_571 : vector<256x128xi32> to vector<1x256x128xi32>
      tpu.vector_store %arg6[%swap3A_572, %swap3A_573, %swap3A_574], %swap3A_577 {strides = array<i32>} : memref<10x256x128xi32, #tpu.memory_space<vmem>>, vector<1x256x128xi32>,
      %broadcast_in_dim3A_578 = arith.constant -3.000000e+38 : f32
      %broadcast_in_dim3A_579 = vector.broadcast %broadcast_in_dim3A_578 : f32 to vector<256x128xf32>
      %swap3A_580 = arith.constant 5 : index
      %swap3A_581 = arith.constant 0 : index
      %swap3A_582 = arith.constant 0 : index
      %swap3A_583 = vector.load %arg5[%swap3A_580, %swap3A_581, %swap3A_582] : memref<10x256x128xf32, #tpu.memory_space<vmem>>, vector<1x256x128xf32>
      %swap3A_584 = vector.shape_cast %swap3A_583 : vector<1x256x128xf32> to vector<256x128xf32>
      %swap3A_585 = vector.shape_cast %broadcast_in_dim3A_579 : vector<256x128xf32> to vector<1x256x128xf32>
      tpu.vector_store %arg5[%swap3A_580, %swap3A_581, %swap3A_582], %swap3A_585 {strides = array<i32>} : memref<10x256x128xf32, #tpu.memory_space<vmem>>, vector<1x256x128xf32>,
      %broadcast_in_dim3A_586 = arith.constant 0 : i32
      %broadcast_in_dim3A_587 = vector.broadcast %broadcast_in_dim3A_586 : i32 to vector<256x128xi32>
      %swap3A_588 = arith.constant 5 : index
      %swap3A_589 = arith.constant 0 : index
      %swap3A_590 = arith.constant 0 : index
      %swap3A_591 = vector.load %arg6[%swap3A_588, %swap3A_589, %swap3A_590] : memref<10x256x128xi32, #tpu.memory_space<vmem>>, vector<1x256x128xi32>
      %swap3A_592 = vector.shape_cast %swap3A_591 : vector<1x256x128xi32> to vector<256x128xi32>
      %swap3A_593 = vector.shape_cast %broadcast_in_dim3A_587 : vector<256x128xi32> to vector<1x256x128xi32>
      tpu.vector_store %arg6[%swap3A_588, %swap3A_589, %swap3A_590], %swap3A_593 {strides = array<i32>} : memref<10x256x128xi32, #tpu.memory_space<vmem>>, vector<1x256x128xi32>,
      %broadcast_in_dim3A_594 = arith.constant -3.000000e+38 : f32
      %broadcast_in_dim3A_595 = vector.broadcast %broadcast_in_dim3A_594 : f32 to vector<256x128xf32>
      %swap3A_596 = arith.constant 6 : index
      %swap3A_597 = arith.constant 0 : index
      %swap3A_598 = arith.constant 0 : index
      %swap3A_599 = vector.load %arg5[%swap3A_596, %swap3A_597, %swap3A_598] : memref<10x256x128xf32, #tpu.memory_space<vmem>>, vector<1x256x128xf32>
      %swap3A_600 = vector.shape_cast %swap3A_599 : vector<1x256x128xf32> to vector<256x128xf32>
      %swap3A_601 = vector.shape_cast %broadcast_in_dim3A_595 : vector<256x128xf32> to vector<1x256x128xf32>
      tpu.vector_store %arg5[%swap3A_596, %swap3A_597, %swap3A_598], %swap3A_601 {strides = array<i32>} : memref<10x256x128xf32, #tpu.memory_space<vmem>>, vector<1x256x128xf32>,
      %broadcast_in_dim3A_602 = arith.constant 0 : i32
      %broadcast_in_dim3A_603 = vector.broadcast %broadcast_in_dim3A_602 : i32 to vector<256x128xi32>
      %swap3A_604 = arith.constant 6 : index
      %swap3A_605 = arith.constant 0 : index
      %swap3A_606 = arith.constant 0 : index
      %swap3A_607 = vector.load %arg6[%swap3A_604, %swap3A_605, %swap3A_606] : memref<10x256x128xi32, #tpu.memory_space<vmem>>, vector<1x256x128xi32>
      %swap3A_608 = vector.shape_cast %swap3A_607 : vector<1x256x128xi32> to vector<256x128xi32>
      %swap3A_609 = vector.shape_cast %broadcast_in_dim3A_603 : vector<256x128xi32> to vector<1x256x128xi32>
      tpu.vector_store %arg6[%swap3A_604, %swap3A_605, %swap3A_606], %swap3A_609 {strides = array<i32>} : memref<10x256x128xi32, #tpu.memory_space<vmem>>, vector<1x256x128xi32>,
      %broadcast_in_dim3A_610 = arith.constant -3.000000e+38 : f32
      %broadcast_in_dim3A_611 = vector.broadcast %broadcast_in_dim3A_610 : f32 to vector<256x128xf32>
      %swap3A_612 = arith.constant 7 : index
      %swap3A_613 = arith.constant 0 : index
      %swap3A_614 = arith.constant 0 : index
      %swap3A_615 = vector.load %arg5[%swap3A_612, %swap3A_613, %swap3A_614] : memref<10x256x128xf32, #tpu.memory_space<vmem>>, vector<1x256x128xf32>
      %swap3A_616 = vector.shape_cast %swap3A_615 : vector<1x256x128xf32> to vector<256x128xf32>
      %swap3A_617 = vector.shape_cast %broadcast_in_dim3A_611 : vector<256x128xf32> to vector<1x256x128xf32>
      tpu.vector_store %arg5[%swap3A_612, %swap3A_613, %swap3A_614], %swap3A_617 {strides = array<i32>} : memref<10x256x128xf32, #tpu.memory_space<vmem>>, vector<1x256x128xf32>,
      %broadcast_in_dim3A_618 = arith.constant 0 : i32
      %broadcast_in_dim3A_619 = vector.broadcast %broadcast_in_dim3A_618 : i32 to vector<256x128xi32>
      %swap3A_620 = arith.constant 7 : index
      %swap3A_621 = arith.constant 0 : index
      %swap3A_622 = arith.constant 0 : index
      %swap3A_623 = vector.load %arg6[%swap3A_620, %swap3A_621, %swap3A_622] : memref<10x256x128xi32, #tpu.memory_space<vmem>>, vector<1x256x128xi32>
      %swap3A_624 = vector.shape_cast %swap3A_623 : vector<1x256x128xi32> to vector<256x128xi32>
      %swap3A_625 = vector.shape_cast %broadcast_in_dim3A_619 : vector<256x128xi32> to vector<1x256x128xi32>
      tpu.vector_store %arg6[%swap3A_620, %swap3A_621, %swap3A_622], %swap3A_625 {strides = array<i32>} : memref<10x256x128xi32, #tpu.memory_space<vmem>>, vector<1x256x128xi32>,
      %broadcast_in_dim3A_626 = arith.constant -3.000000e+38 : f32
      %broadcast_in_dim3A_627 = vector.broadcast %broadcast_in_dim3A_626 : f32 to vector<256x128xf32>
      %swap3A_628 = arith.constant 8 : index
      %swap3A_629 = arith.constant 0 : index
      %swap3A_630 = arith.constant 0 : index
      %swap3A_631 = vector.load %arg5[%swap3A_628, %swap3A_629, %swap3A_630] : memref<10x256x128xf32, #tpu.memory_space<vmem>>, vector<1x256x128xf32>
      %swap3A_632 = vector.shape_cast %swap3A_631 : vector<1x256x128xf32> to vector<256x128xf32>
      %swap3A_633 = vector.shape_cast %broadcast_in_dim3A_627 : vector<256x128xf32> to vector<1x256x128xf32>
      tpu.vector_store %arg5[%swap3A_628, %swap3A_629, %swap3A_630], %swap3A_633 {strides = array<i32>} : memref<10x256x128xf32, #tpu.memory_space<vmem>>, vector<1x256x128xf32>,
      %broadcast_in_dim3A_634 = arith.constant 0 : i32
      %broadcast_in_dim3A_635 = vector.broadcast %broadcast_in_dim3A_634 : i32 to vector<256x128xi32>
      %swap3A_636 = arith.constant 8 : index
      %swap3A_637 = arith.constant 0 : index
      %swap3A_638 = arith.constant 0 : index
      %swap3A_639 = vector.load %arg6[%swap3A_636, %swap3A_637, %swap3A_638] : memref<10x256x128xi32, #tpu.memory_space<vmem>>, vector<1x256x128xi32>
      %swap3A_640 = vector.shape_cast %swap3A_639 : vector<1x256x128xi32> to vector<256x128xi32>
      %swap3A_641 = vector.shape_cast %broadcast_in_dim3A_635 : vector<256x128xi32> to vector<1x256x128xi32>
      tpu.vector_store %arg6[%swap3A_636, %swap3A_637, %swap3A_638], %swap3A_641 {strides = array<i32>} : memref<10x256x128xi32, #tpu.memory_space<vmem>>, vector<1x256x128xi32>,
      %broadcast_in_dim3A_642 = arith.constant -3.000000e+38 : f32
      %broadcast_in_dim3A_643 = vector.broadcast %broadcast_in_dim3A_642 : f32 to vector<256x128xf32>
      %swap3A_644 = arith.constant 9 : index
      %swap3A_645 = arith.constant 0 : index
      %swap3A_646 = arith.constant 0 : index
      %swap3A_647 = vector.load %arg5[%swap3A_644, %swap3A_645, %swap3A_646] : memref<10x256x128xf32, #tpu.memory_space<vmem>>, vector<1x256x128xf32>
      %swap3A_648 = vector.shape_cast %swap3A_647 : vector<1x256x128xf32> to vector<256x128xf32>
      %swap3A_649 = vector.shape_cast %broadcast_in_dim3A_643 : vector<256x128xf32> to vector<1x256x128xf32>
      tpu.vector_store %arg5[%swap3A_644, %swap3A_645, %swap3A_646], %swap3A_649 {strides = array<i32>} : memref<10x256x128xf32, #tpu.memory_space<vmem>>, vector<1x256x128xf32>,
      %broadcast_in_dim3A_650 = arith.constant 0 : i32
      %broadcast_in_dim3A_651 = vector.broadcast %broadcast_in_dim3A_650 : i32 to vector<256x128xi32>
      %swap3A_652 = arith.constant 9 : index
      %swap3A_653 = arith.constant 0 : index
      %swap3A_654 = arith.constant 0 : index
      %swap3A_655 = vector.load %arg6[%swap3A_652, %swap3A_653, %swap3A_654] : memref<10x256x128xi32, #tpu.memory_space<vmem>>, vector<1x256x128xi32>
      %swap3A_656 = vector.shape_cast %swap3A_655 : vector<1x256x128xi32> to vector<256x128xi32>
      %swap3A_657 = vector.shape_cast %broadcast_in_dim3A_651 : vector<256x128xi32> to vector<1x256x128xi32>
      tpu.vector_store %arg6[%swap3A_652, %swap3A_653, %swap3A_654], %swap3A_657 {strides = array<i32>} : memref<10x256x128xi32, #tpu.memory_space<vmem>>, vector<1x256x128xi32>,
    } else {
    }
    %get3A = arith.constant 0 : index
    %get3A_2 = arith.constant 0 : index
    %get3A_3 = vector.load %arg2[%get3A, %get3A_2] : memref<256x64xf32, #tpu.memory_space<vmem>>, vector<256x64xf32>
    %get3A_4 = arith.constant 0 : index
    %get3A_5 = arith.constant 0 : index
    %get3A_6 = vector.load %arg3[%get3A_4, %get3A_5] : memref<2048x64xf32, #tpu.memory_space<vmem>>, vector<2048x64xf32>
    %dot_general3A = arith.constant dense<0.000000e+00> : vector<256x2048xf32>
    %dot_general3A_7 = tpu.matmul %get3A_3, %get3A_6, %dot_general3A {dimension_numbers = #tpu.dot_dimension_numbers<[1], [1], [0], [0], [0, 0, 1, 0], [], []>, transpose_lhs_hint = false} : vector<256x64xf32>, vector<2048x64xf32>, vector<256x2048xf32> -> vector<256x2048xf32>
    %iota3A = tpu.iota {dimensions = array<i32: 1>} : vector<256x128xi32>
    %slice3A = vector.extract_strided_slice %dot_general3A_7 {offsets = [0, 0], sizes = [256, 128], strides = [1, 1]} : vector<256x2048xf32> to vector<256x128xf32>
    %mul3A = arith.constant 2048 : i32
    %mul3A_8 = arith.muli %arg1, %mul3A : i32
    %add3A = arith.constant 0 : i32
    %add3A_9 = arith.addi %mul3A_8, %add3A : i32
    %add3A_10 = vector.broadcast %add3A_9 : i32 to vector<256x128xi32>
    %add3A_11 = arith.addi %iota3A, %add3A_10 : vector<256x128xi32>
    %lt3A = arith.constant 100000 : i32
    %lt3A_12 = vector.broadcast %lt3A : i32 to vector<256x128xi32>
    %lt3A_13 = arith.cmpi slt, %add3A_11, %lt3A_12 : vector<256x128xi32>
    %jit3A = arith.constant -3.000000e+38 : f32
    %broadcast_in_dim3A = vector.broadcast %jit3A : f32 to vector<256x128xf32>
    %select_n3A = arith.select %lt3A_13, %slice3A, %broadcast_in_dim3A : vector<256x128xi1>, vector<256x128xf32>
    %slice3A_14 = vector.extract_strided_slice %dot_general3A_7 {offsets = [0, 128], sizes = [256, 128], strides = [1, 1]} : vector<256x2048xf32> to vector<256x128xf32>
    %mul3A_15 = arith.constant 2048 : i32
    %mul3A_16 = arith.muli %arg1, %mul3A_15 : i32
    %add3A_17 = arith.constant 128 : i32
    %add3A_18 = arith.addi %mul3A_16, %add3A_17 : i32
    %add3A_19 = vector.broadcast %add3A_18 : i32 to vector<256x128xi32>
    %add3A_20 = arith.addi %iota3A, %add3A_19 : vector<256x128xi32>
    %lt3A_21 = arith.constant 100000 : i32
    %lt3A_22 = vector.broadcast %lt3A_21 : i32 to vector<256x128xi32>
    %lt3A_23 = arith.cmpi slt, %add3A_20, %lt3A_22 : vector<256x128xi32>
    %jit3A_24 = arith.constant -3.000000e+38 : f32
    %broadcast_in_dim3A_25 = vector.broadcast %jit3A_24 : f32 to vector<256x128xf32>
    %select_n3A_26 = arith.select %lt3A_23, %slice3A_14, %broadcast_in_dim3A_25 : vector<256x128xi1>, vector<256x128xf32>
    %max3A = arith.maximumf %select_n3A, %select_n3A_26 : vector<256x128xf32>
    %slice3A_27 = vector.extract_strided_slice %dot_general3A_7 {offsets = [0, 256], sizes = [256, 128], strides = [1, 1]} : vector<256x2048xf32> to vector<256x128xf32>
    %mul3A_28 = arith.constant 2048 : i32
    %mul3A_29 = arith.muli %arg1, %mul3A_28 : i32
    %add3A_30 = arith.constant 256 : i32
    %add3A_31 = arith.addi %mul3A_29, %add3A_30 : i32
    %add3A_32 = vector.broadcast %add3A_31 : i32 to vector<256x128xi32>
    %add3A_33 = arith.addi %iota3A, %add3A_32 : vector<256x128xi32>
    %lt3A_34 = arith.constant 100000 : i32
    %lt3A_35 = vector.broadcast %lt3A_34 : i32 to vector<256x128xi32>
    %lt3A_36 = arith.cmpi slt, %add3A_33, %lt3A_35 : vector<256x128xi32>
    %jit3A_37 = arith.constant -3.000000e+38 : f32
    %broadcast_in_dim3A_38 = vector.broadcast %jit3A_37 : f32 to vector<256x128xf32>
    %select_n3A_39 = arith.select %lt3A_36, %slice3A_27, %broadcast_in_dim3A_38 : vector<256x128xi1>, vector<256x128xf32>
    %max3A_40 = arith.maximumf %max3A, %select_n3A_39 : vector<256x128xf32>
    %slice3A_41 = vector.extract_strided_slice %dot_general3A_7 {offsets = [0, 384], sizes = [256, 128], strides = [1, 1]} : vector<256x2048xf32> to vector<256x128xf32>
    %mul3A_42 = arith.constant 2048 : i32
    %mul3A_43 = arith.muli %arg1, %mul3A_42 : i32
    %add3A_44 = arith.constant 384 : i32
    %add3A_45 = arith.addi %mul3A_43, %add3A_44 : i32
    %add3A_46 = vector.broadcast %add3A_45 : i32 to vector<256x128xi32>
    %add3A_47 = arith.addi %iota3A, %add3A_46 : vector<256x128xi32>
    %lt3A_48 = arith.constant 100000 : i32
    %lt3A_49 = vector.broadcast %lt3A_48 : i32 to vector<256x128xi32>
    %lt3A_50 = arith.cmpi slt, %add3A_47, %lt3A_49 : vector<256x128xi32>
    %jit3A_51 = arith.constant -3.000000e+38 : f32
    %broadcast_in_dim3A_52 = vector.broadcast %jit3A_51 : f32 to vector<256x128xf32>
    %select_n3A_53 = arith.select %lt3A_50, %slice3A_41, %broadcast_in_dim3A_52 : vector<256x128xi1>, vector<256x128xf32>
    %max3A_54 = arith.maximumf %max3A_40, %select_n3A_53 : vector<256x128xf32>
    %slice3A_55 = vector.extract_strided_slice %dot_general3A_7 {offsets = [0, 512], sizes = [256, 128], strides = [1, 1]} : vector<256x2048xf32> to vector<256x128xf32>
    %mul3A_56 = arith.constant 2048 : i32
    %mul3A_57 = arith.muli %arg1, %mul3A_56 : i32
    %add3A_58 = arith.constant 512 : i32
    %add3A_59 = arith.addi %mul3A_57, %add3A_58 : i32
    %add3A_60 = vector.broadcast %add3A_59 : i32 to vector<256x128xi32>
    %add3A_61 = arith.addi %iota3A, %add3A_60 : vector<256x128xi32>
    %lt3A_62 = arith.constant 100000 : i32
    %lt3A_63 = vector.broadcast %lt3A_62 : i32 to vector<256x128xi32>
    %lt3A_64 = arith.cmpi slt, %add3A_61, %lt3A_63 : vector<256x128xi32>
    %jit3A_65 = arith.constant -3.000000e+38 : f32
    %broadcast_in_dim3A_66 = vector.broadcast %jit3A_65 : f32 to vector<256x128xf32>
    %select_n3A_67 = arith.select %lt3A_64, %slice3A_55, %broadcast_in_dim3A_66 : vector<256x128xi1>, vector<256x128xf32>
    %max3A_68 = arith.maximumf %max3A_54, %select_n3A_67 : vector<256x128xf32>
    %slice3A_69 = vector.extract_strided_slice %dot_general3A_7 {offsets = [0, 640], sizes = [256, 128], strides = [1, 1]} : vector<256x2048xf32> to vector<256x128xf32>
    %mul3A_70 = arith.constant 2048 : i32
    %mul3A_71 = arith.muli %arg1, %mul3A_70 : i32
    %add3A_72 = arith.constant 640 : i32
    %add3A_73 = arith.addi %mul3A_71, %add3A_72 : i32
    %add3A_74 = vector.broadcast %add3A_73 : i32 to vector<256x128xi32>
    %add3A_75 = arith.addi %iota3A, %add3A_74 : vector<256x128xi32>
    %lt3A_76 = arith.constant 100000 : i32
    %lt3A_77 = vector.broadcast %lt3A_76 : i32 to vector<256x128xi32>
    %lt3A_78 = arith.cmpi slt, %add3A_75, %lt3A_77 : vector<256x128xi32>
    %jit3A_79 = arith.constant -3.000000e+38 : f32
    %broadcast_in_dim3A_80 = vector.broadcast %jit3A_79 : f32 to vector<256x128xf32>
    %select_n3A_81 = arith.select %lt3A_78, %slice3A_69, %broadcast_in_dim3A_80 : vector<256x128xi1>, vector<256x128xf32>
    %max3A_82 = arith.maximumf %max3A_68, %select_n3A_81 : vector<256x128xf32>
    %slice3A_83 = vector.extract_strided_slice %dot_general3A_7 {offsets = [0, 768], sizes = [256, 128], strides = [1, 1]} : vector<256x2048xf32> to vector<256x128xf32>
    %mul3A_84 = arith.constant 2048 : i32
    %mul3A_85 = arith.muli %arg1, %mul3A_84 : i32
    %add3A_86 = arith.constant 768 : i32
    %add3A_87 = arith.addi %mul3A_85, %add3A_86 : i32
    %add3A_88 = vector.broadcast %add3A_87 : i32 to vector<256x128xi32>
    %add3A_89 = arith.addi %iota3A, %add3A_88 : vector<256x128xi32>
    %lt3A_90 = arith.constant 100000 : i32
    %lt3A_91 = vector.broadcast %lt3A_90 : i32 to vector<256x128xi32>
    %lt3A_92 = arith.cmpi slt, %add3A_89, %lt3A_91 : vector<256x128xi32>
    %jit3A_93 = arith.constant -3.000000e+38 : f32
    %broadcast_in_dim3A_94 = vector.broadcast %jit3A_93 : f32 to vector<256x128xf32>
    %select_n3A_95 = arith.select %lt3A_92, %slice3A_83, %broadcast_in_dim3A_94 : vector<256x128xi1>, vector<256x128xf32>
    %max3A_96 = arith.maximumf %max3A_82, %select_n3A_95 : vector<256x128xf32>
    %slice3A_97 = vector.extract_strided_slice %dot_general3A_7 {offsets = [0, 896], sizes = [256, 128], strides = [1, 1]} : vector<256x2048xf32> to vector<256x128xf32>
    %mul3A_98 = arith.constant 2048 : i32
    %mul3A_99 = arith.muli %arg1, %mul3A_98 : i32
    %add3A_100 = arith.constant 896 : i32
    %add3A_101 = arith.addi %mul3A_99, %add3A_100 : i32
    %add3A_102 = vector.broadcast %add3A_101 : i32 to vector<256x128xi32>
    %add3A_103 = arith.addi %iota3A, %add3A_102 : vector<256x128xi32>
    %lt3A_104 = arith.constant 100000 : i32
    %lt3A_105 = vector.broadcast %lt3A_104 : i32 to vector<256x128xi32>
    %lt3A_106 = arith.cmpi slt, %add3A_103, %lt3A_105 : vector<256x128xi32>
    %jit3A_107 = arith.constant -3.000000e+38 : f32
    %broadcast_in_dim3A_108 = vector.broadcast %jit3A_107 : f32 to vector<256x128xf32>
    %select_n3A_109 = arith.select %lt3A_106, %slice3A_97, %broadcast_in_dim3A_108 : vector<256x128xi1>, vector<256x128xf32>
    %max3A_110 = arith.maximumf %max3A_96, %select_n3A_109 : vector<256x128xf32>
    %slice3A_111 = vector.extract_strided_slice %dot_general3A_7 {offsets = [0, 1024], sizes = [256, 128], strides = [1, 1]} : vector<256x2048xf32> to vector<256x128xf32>
    %mul3A_112 = arith.constant 2048 : i32
    %mul3A_113 = arith.muli %arg1, %mul3A_112 : i32
    %add3A_114 = arith.constant 1024 : i32
    %add3A_115 = arith.addi %mul3A_113, %add3A_114 : i32
    %add3A_116 = vector.broadcast %add3A_115 : i32 to vector<256x128xi32>
    %add3A_117 = arith.addi %iota3A, %add3A_116 : vector<256x128xi32>
    %lt3A_118 = arith.constant 100000 : i32
    %lt3A_119 = vector.broadcast %lt3A_118 : i32 to vector<256x128xi32>
    %lt3A_120 = arith.cmpi slt, %add3A_117, %lt3A_119 : vector<256x128xi32>
    %jit3A_121 = arith.constant -3.000000e+38 : f32
    %broadcast_in_dim3A_122 = vector.broadcast %jit3A_121 : f32 to vector<256x128xf32>
    %select_n3A_123 = arith.select %lt3A_120, %slice3A_111, %broadcast_in_dim3A_122 : vector<256x128xi1>, vector<256x128xf32>
    %max3A_124 = arith.maximumf %max3A_110, %select_n3A_123 : vector<256x128xf32>
    %slice3A_125 = vector.extract_strided_slice %dot_general3A_7 {offsets = [0, 1152], sizes = [256, 128], strides = [1, 1]} : vector<256x2048xf32> to vector<256x128xf32>
    %mul3A_126 = arith.constant 2048 : i32
    %mul3A_127 = arith.muli %arg1, %mul3A_126 : i32
    %add3A_128 = arith.constant 1152 : i32
    %add3A_129 = arith.addi %mul3A_127, %add3A_128 : i32
    %add3A_130 = vector.broadcast %add3A_129 : i32 to vector<256x128xi32>
    %add3A_131 = arith.addi %iota3A, %add3A_130 : vector<256x128xi32>
    %lt3A_132 = arith.constant 100000 : i32
    %lt3A_133 = vector.broadcast %lt3A_132 : i32 to vector<256x128xi32>
    %lt3A_134 = arith.cmpi slt, %add3A_131, %lt3A_133 : vector<256x128xi32>
    %jit3A_135 = arith.constant -3.000000e+38 : f32
    %broadcast_in_dim3A_136 = vector.broadcast %jit3A_135 : f32 to vector<256x128xf32>
    %select_n3A_137 = arith.select %lt3A_134, %slice3A_125, %broadcast_in_dim3A_136 : vector<256x128xi1>, vector<256x128xf32>
    %max3A_138 = arith.maximumf %max3A_124, %select_n3A_137 : vector<256x128xf32>
    %slice3A_139 = vector.extract_strided_slice %dot_general3A_7 {offsets = [0, 1280], sizes = [256, 128], strides = [1, 1]} : vector<256x2048xf32> to vector<256x128xf32>
    %mul3A_140 = arith.constant 2048 : i32
    %mul3A_141 = arith.muli %arg1, %mul3A_140 : i32
    %add3A_142 = arith.constant 1280 : i32
    %add3A_143 = arith.addi %mul3A_141, %add3A_142 : i32
    %add3A_144 = vector.broadcast %add3A_143 : i32 to vector<256x128xi32>
    %add3A_145 = arith.addi %iota3A, %add3A_144 : vector<256x128xi32>
    %lt3A_146 = arith.constant 100000 : i32
    %lt3A_147 = vector.broadcast %lt3A_146 : i32 to vector<256x128xi32>
    %lt3A_148 = arith.cmpi slt, %add3A_145, %lt3A_147 : vector<256x128xi32>
    %jit3A_149 = arith.constant -3.000000e+38 : f32
    %broadcast_in_dim3A_150 = vector.broadcast %jit3A_149 : f32 to vector<256x128xf32>
    %select_n3A_151 = arith.select %lt3A_148, %slice3A_139, %broadcast_in_dim3A_150 : vector<256x128xi1>, vector<256x128xf32>
    %max3A_152 = arith.maximumf %max3A_138, %select_n3A_151 : vector<256x128xf32>
    %slice3A_153 = vector.extract_strided_slice %dot_general3A_7 {offsets = [0, 1408], sizes = [256, 128], strides = [1, 1]} : vector<256x2048xf32> to vector<256x128xf32>
    %mul3A_154 = arith.constant 2048 : i32
    %mul3A_155 = arith.muli %arg1, %mul3A_154 : i32
    %add3A_156 = arith.constant 1408 : i32
    %add3A_157 = arith.addi %mul3A_155, %add3A_156 : i32
    %add3A_158 = vector.broadcast %add3A_157 : i32 to vector<256x128xi32>
    %add3A_159 = arith.addi %iota3A, %add3A_158 : vector<256x128xi32>
    %lt3A_160 = arith.constant 100000 : i32
    %lt3A_161 = vector.broadcast %lt3A_160 : i32 to vector<256x128xi32>
    %lt3A_162 = arith.cmpi slt, %add3A_159, %lt3A_161 : vector<256x128xi32>
    %jit3A_163 = arith.constant -3.000000e+38 : f32
    %broadcast_in_dim3A_164 = vector.broadcast %jit3A_163 : f32 to vector<256x128xf32>
    %select_n3A_165 = arith.select %lt3A_162, %slice3A_153, %broadcast_in_dim3A_164 : vector<256x128xi1>, vector<256x128xf32>
    %max3A_166 = arith.maximumf %max3A_152, %select_n3A_165 : vector<256x128xf32>
    %slice3A_167 = vector.extract_strided_slice %dot_general3A_7 {offsets = [0, 1536], sizes = [256, 128], strides = [1, 1]} : vector<256x2048xf32> to vector<256x128xf32>
    %mul3A_168 = arith.constant 2048 : i32
    %mul3A_169 = arith.muli %arg1, %mul3A_168 : i32
    %add3A_170 = arith.constant 1536 : i32
    %add3A_171 = arith.addi %mul3A_169, %add3A_170 : i32
    %add3A_172 = vector.broadcast %add3A_171 : i32 to vector<256x128xi32>
    %add3A_173 = arith.addi %iota3A, %add3A_172 : vector<256x128xi32>
    %lt3A_174 = arith.constant 100000 : i32
    %lt3A_175 = vector.broadcast %lt3A_174 : i32 to vector<256x128xi32>
    %lt3A_176 = arith.cmpi slt, %add3A_173, %lt3A_175 : vector<256x128xi32>
    %jit3A_177 = arith.constant -3.000000e+38 : f32
    %broadcast_in_dim3A_178 = vector.broadcast %jit3A_177 : f32 to vector<256x128xf32>
    %select_n3A_179 = arith.select %lt3A_176, %slice3A_167, %broadcast_in_dim3A_178 : vector<256x128xi1>, vector<256x128xf32>
    %max3A_180 = arith.maximumf %max3A_166, %select_n3A_179 : vector<256x128xf32>
    %slice3A_181 = vector.extract_strided_slice %dot_general3A_7 {offsets = [0, 1664], sizes = [256, 128], strides = [1, 1]} : vector<256x2048xf32> to vector<256x128xf32>
    %mul3A_182 = arith.constant 2048 : i32
    %mul3A_183 = arith.muli %arg1, %mul3A_182 : i32
    %add3A_184 = arith.constant 1664 : i32
    %add3A_185 = arith.addi %mul3A_183, %add3A_184 : i32
    %add3A_186 = vector.broadcast %add3A_185 : i32 to vector<256x128xi32>
    %add3A_187 = arith.addi %iota3A, %add3A_186 : vector<256x128xi32>
    %lt3A_188 = arith.constant 100000 : i32
    %lt3A_189 = vector.broadcast %lt3A_188 : i32 to vector<256x128xi32>
    %lt3A_190 = arith.cmpi slt, %add3A_187, %lt3A_189 : vector<256x128xi32>
    %jit3A_191 = arith.constant -3.000000e+38 : f32
    %broadcast_in_dim3A_192 = vector.broadcast %jit3A_191 : f32 to vector<256x128xf32>
    %select_n3A_193 = arith.select %lt3A_190, %slice3A_181, %broadcast_in_dim3A_192 : vector<256x128xi1>, vector<256x128xf32>
    %max3A_194 = arith.maximumf %max3A_180, %select_n3A_193 : vector<256x128xf32>
    %slice3A_195 = vector.extract_strided_slice %dot_general3A_7 {offsets = [0, 1792], sizes = [256, 128], strides = [1, 1]} : vector<256x2048xf32> to vector<256x128xf32>
    %mul3A_196 = arith.constant 2048 : i32
    %mul3A_197 = arith.muli %arg1, %mul3A_196 : i32
    %add3A_198 = arith.constant 1792 : i32
    %add3A_199 = arith.addi %mul3A_197, %add3A_198 : i32
    %add3A_200 = vector.broadcast %add3A_199 : i32 to vector<256x128xi32>
    %add3A_201 = arith.addi %iota3A, %add3A_200 : vector<256x128xi32>
    %lt3A_202 = arith.constant 100000 : i32
    %lt3A_203 = vector.broadcast %lt3A_202 : i32 to vector<256x128xi32>
    %lt3A_204 = arith.cmpi slt, %add3A_201, %lt3A_203 : vector<256x128xi32>
    %jit3A_205 = arith.constant -3.000000e+38 : f32
    %broadcast_in_dim3A_206 = vector.broadcast %jit3A_205 : f32 to vector<256x128xf32>
    %select_n3A_207 = arith.select %lt3A_204, %slice3A_195, %broadcast_in_dim3A_206 : vector<256x128xi1>, vector<256x128xf32>
    %max3A_208 = arith.maximumf %max3A_194, %select_n3A_207 : vector<256x128xf32>
    %slice3A_209 = vector.extract_strided_slice %dot_general3A_7 {offsets = [0, 1920], sizes = [256, 128], strides = [1, 1]} : vector<256x2048xf32> to vector<256x128xf32>
    %mul3A_210 = arith.constant 2048 : i32
    %mul3A_211 = arith.muli %arg1, %mul3A_210 : i32
    %add3A_212 = arith.constant 1920 : i32
    %add3A_213 = arith.addi %mul3A_211, %add3A_212 : i32
    %add3A_214 = vector.broadcast %add3A_213 : i32 to vector<256x128xi32>
    %add3A_215 = arith.addi %iota3A, %add3A_214 : vector<256x128xi32>
    %lt3A_216 = arith.constant 100000 : i32
    %lt3A_217 = vector.broadcast %lt3A_216 : i32 to vector<256x128xi32>
    %lt3A_218 = arith.cmpi slt, %add3A_215, %lt3A_217 : vector<256x128xi32>
    %jit3A_219 = arith.constant -3.000000e+38 : f32
    %broadcast_in_dim3A_220 = vector.broadcast %jit3A_219 : f32 to vector<256x128xf32>
    %select_n3A_221 = arith.select %lt3A_218, %slice3A_209, %broadcast_in_dim3A_220 : vector<256x128xi1>, vector<256x128xf32>
    %max3A_222 = arith.maximumf %max3A_208, %select_n3A_221 : vector<256x128xf32>
    %mul3A_223 = arith.constant 128 : i32
    %mul3A_224 = arith.muli %arg1, %mul3A_223 : i32
    %add3A_225 = vector.broadcast %mul3A_224 : i32 to vector<256x128xi32>
    %add3A_226 = arith.addi %iota3A, %add3A_225 : vector<256x128xi32>
    %get3A_227 = arith.constant 0 : index
    %get3A_228 = arith.constant 0 : index
    %get3A_229 = arith.constant 0 : index
    %get3A_230 = vector.load %arg5[%get3A_227, %get3A_228, %get3A_229] : memref<10x256x128xf32, #tpu.memory_space<vmem>>, vector<1x256x128xf32>
    %get3A_231 = vector.shape_cast %get3A_230 : vector<1x256x128xf32> to vector<256x128xf32>
    %get3A_232 = arith.constant 0 : index
    %get3A_233 = arith.constant 0 : index
    %get3A_234 = arith.constant 0 : index
    %get3A_235 = vector.load %arg6[%get3A_232, %get3A_233, %get3A_234] : memref<10x256x128xi32, #tpu.memory_space<vmem>>, vector<1x256x128xi32>
    %get3A_236 = vector.shape_cast %get3A_235 : vector<1x256x128xi32> to vector<256x128xi32>
    %gt3A = arith.cmpf ogt, %max3A_222, %get3A_231 : vector<256x128xf32>
    %select_n3A_237 = arith.select %gt3A, %max3A_222, %get3A_231 : vector<256x128xi1>, vector<256x128xf32>
    %swap3A = arith.constant 0 : index
    %swap3A_238 = arith.constant 0 : index
    %swap3A_239 = arith.constant 0 : index
    %swap3A_240 = vector.load %arg5[%swap3A, %swap3A_238, %swap3A_239] : memref<10x256x128xf32, #tpu.memory_space<vmem>>, vector<1x256x128xf32>
    %swap3A_241 = vector.shape_cast %swap3A_240 : vector<1x256x128xf32> to vector<256x128xf32>
    %swap3A_242 = vector.shape_cast %select_n3A_237 : vector<256x128xf32> to vector<1x256x128xf32>
    tpu.vector_store %arg5[%swap3A, %swap3A_238, %swap3A_239], %swap3A_242 {strides = array<i32>} : memref<10x256x128xf32, #tpu.memory_space<vmem>>, vector<1x256x128xf32>,
    %select_n3A_243 = arith.select %gt3A, %add3A_226, %get3A_236 : vector<256x128xi1>, vector<256x128xi32>
    %swap3A_244 = arith.constant 0 : index
    %swap3A_245 = arith.constant 0 : index
    %swap3A_246 = arith.constant 0 : index
    %swap3A_247 = vector.load %arg6[%swap3A_244, %swap3A_245, %swap3A_246] : memref<10x256x128xi32, #tpu.memory_space<vmem>>, vector<1x256x128xi32>
    %swap3A_248 = vector.shape_cast %swap3A_247 : vector<1x256x128xi32> to vector<256x128xi32>
    %swap3A_249 = vector.shape_cast %select_n3A_243 : vector<256x128xi32> to vector<1x256x128xi32>
    tpu.vector_store %arg6[%swap3A_244, %swap3A_245, %swap3A_246], %swap3A_249 {strides = array<i32>} : memref<10x256x128xi32, #tpu.memory_space<vmem>>, vector<1x256x128xi32>,
    %select_n3A_250 = arith.select %gt3A, %get3A_231, %max3A_222 : vector<256x128xi1>, vector<256x128xf32>
    %select_n3A_251 = arith.select %gt3A, %get3A_236, %add3A_226 : vector<256x128xi1>, vector<256x128xi32>
    %get3A_252 = arith.constant 1 : index
    %get3A_253 = arith.constant 0 : index
    %get3A_254 = arith.constant 0 : index
    %get3A_255 = vector.load %arg5[%get3A_252, %get3A_253, %get3A_254] : memref<10x256x128xf32, #tpu.memory_space<vmem>>, vector<1x256x128xf32>
    %get3A_256 = vector.shape_cast %get3A_255 : vector<1x256x128xf32> to vector<256x128xf32>
    %get3A_257 = arith.constant 1 : index
    %get3A_258 = arith.constant 0 : index
    %get3A_259 = arith.constant 0 : index
    %get3A_260 = vector.load %arg6[%get3A_257, %get3A_258, %get3A_259] : memref<10x256x128xi32, #tpu.memory_space<vmem>>, vector<1x256x128xi32>
    %get3A_261 = vector.shape_cast %get3A_260 : vector<1x256x128xi32> to vector<256x128xi32>
    %gt3A_262 = arith.cmpf ogt, %select_n3A_250, %get3A_256 : vector<256x128xf32>
    %select_n3A_263 = arith.select %gt3A_262, %select_n3A_250, %get3A_256 : vector<256x128xi1>, vector<256x128xf32>
    %swap3A_264 = arith.constant 1 : index
    %swap3A_265 = arith.constant 0 : index
    %swap3A_266 = arith.constant 0 : index
    %swap3A_267 = vector.load %arg5[%swap3A_264, %swap3A_265, %swap3A_266] : memref<10x256x128xf32, #tpu.memory_space<vmem>>, vector<1x256x128xf32>
    %swap3A_268 = vector.shape_cast %swap3A_267 : vector<1x256x128xf32> to vector<256x128xf32>
    %swap3A_269 = vector.shape_cast %select_n3A_263 : vector<256x128xf32> to vector<1x256x128xf32>
    tpu.vector_store %arg5[%swap3A_264, %swap3A_265, %swap3A_266], %swap3A_269 {strides = array<i32>} : memref<10x256x128xf32, #tpu.memory_space<vmem>>, vector<1x256x128xf32>,
    %select_n3A_270 = arith.select %gt3A_262, %select_n3A_251, %get3A_261 : vector<256x128xi1>, vector<256x128xi32>
    %swap3A_271 = arith.constant 1 : index
    %swap3A_272 = arith.constant 0 : index
    %swap3A_273 = arith.constant 0 : index
    %swap3A_274 = vector.load %arg6[%swap3A_271, %swap3A_272, %swap3A_273] : memref<10x256x128xi32, #tpu.memory_space<vmem>>, vector<1x256x128xi32>
    %swap3A_275 = vector.shape_cast %swap3A_274 : vector<1x256x128xi32> to vector<256x128xi32>
    %swap3A_276 = vector.shape_cast %select_n3A_270 : vector<256x128xi32> to vector<1x256x128xi32>
    tpu.vector_store %arg6[%swap3A_271, %swap3A_272, %swap3A_273], %swap3A_276 {strides = array<i32>} : memref<10x256x128xi32, #tpu.memory_space<vmem>>, vector<1x256x128xi32>,
    %select_n3A_277 = arith.select %gt3A_262, %get3A_256, %select_n3A_250 : vector<256x128xi1>, vector<256x128xf32>
    %select_n3A_278 = arith.select %gt3A_262, %get3A_261, %select_n3A_251 : vector<256x128xi1>, vector<256x128xi32>
    %get3A_279 = arith.constant 2 : index
    %get3A_280 = arith.constant 0 : index
    %get3A_281 = arith.constant 0 : index
    %get3A_282 = vector.load %arg5[%get3A_279, %get3A_280, %get3A_281] : memref<10x256x128xf32, #tpu.memory_space<vmem>>, vector<1x256x128xf32>
    %get3A_283 = vector.shape_cast %get3A_282 : vector<1x256x128xf32> to vector<256x128xf32>
    %get3A_284 = arith.constant 2 : index
    %get3A_285 = arith.constant 0 : index
    %get3A_286 = arith.constant 0 : index
    %get3A_287 = vector.load %arg6[%get3A_284, %get3A_285, %get3A_286] : memref<10x256x128xi32, #tpu.memory_space<vmem>>, vector<1x256x128xi32>
    %get3A_288 = vector.shape_cast %get3A_287 : vector<1x256x128xi32> to vector<256x128xi32>
    %gt3A_289 = arith.cmpf ogt, %select_n3A_277, %get3A_283 : vector<256x128xf32>
    %select_n3A_290 = arith.select %gt3A_289, %select_n3A_277, %get3A_283 : vector<256x128xi1>, vector<256x128xf32>
    %swap3A_291 = arith.constant 2 : index
    %swap3A_292 = arith.constant 0 : index
    %swap3A_293 = arith.constant 0 : index
    %swap3A_294 = vector.load %arg5[%swap3A_291, %swap3A_292, %swap3A_293] : memref<10x256x128xf32, #tpu.memory_space<vmem>>, vector<1x256x128xf32>
    %swap3A_295 = vector.shape_cast %swap3A_294 : vector<1x256x128xf32> to vector<256x128xf32>
    %swap3A_296 = vector.shape_cast %select_n3A_290 : vector<256x128xf32> to vector<1x256x128xf32>
    tpu.vector_store %arg5[%swap3A_291, %swap3A_292, %swap3A_293], %swap3A_296 {strides = array<i32>} : memref<10x256x128xf32, #tpu.memory_space<vmem>>, vector<1x256x128xf32>,
    %select_n3A_297 = arith.select %gt3A_289, %select_n3A_278, %get3A_288 : vector<256x128xi1>, vector<256x128xi32>
    %swap3A_298 = arith.constant 2 : index
    %swap3A_299 = arith.constant 0 : index
    %swap3A_300 = arith.constant 0 : index
    %swap3A_301 = vector.load %arg6[%swap3A_298, %swap3A_299, %swap3A_300] : memref<10x256x128xi32, #tpu.memory_space<vmem>>, vector<1x256x128xi32>
    %swap3A_302 = vector.shape_cast %swap3A_301 : vector<1x256x128xi32> to vector<256x128xi32>
    %swap3A_303 = vector.shape_cast %select_n3A_297 : vector<256x128xi32> to vector<1x256x128xi32>
    tpu.vector_store %arg6[%swap3A_298, %swap3A_299, %swap3A_300], %swap3A_303 {strides = array<i32>} : memref<10x256x128xi32, #tpu.memory_space<vmem>>, vector<1x256x128xi32>,
    %select_n3A_304 = arith.select %gt3A_289, %get3A_283, %select_n3A_277 : vector<256x128xi1>, vector<256x128xf32>
    %select_n3A_305 = arith.select %gt3A_289, %get3A_288, %select_n3A_278 : vector<256x128xi1>, vector<256x128xi32>
    %get3A_306 = arith.constant 3 : index
    %get3A_307 = arith.constant 0 : index
    %get3A_308 = arith.constant 0 : index
    %get3A_309 = vector.load %arg5[%get3A_306, %get3A_307, %get3A_308] : memref<10x256x128xf32, #tpu.memory_space<vmem>>, vector<1x256x128xf32>
    %get3A_310 = vector.shape_cast %get3A_309 : vector<1x256x128xf32> to vector<256x128xf32>
    %get3A_311 = arith.constant 3 : index
    %get3A_312 = arith.constant 0 : index
    %get3A_313 = arith.constant 0 : index
    %get3A_314 = vector.load %arg6[%get3A_311, %get3A_312, %get3A_313] : memref<10x256x128xi32, #tpu.memory_space<vmem>>, vector<1x256x128xi32>
    %get3A_315 = vector.shape_cast %get3A_314 : vector<1x256x128xi32> to vector<256x128xi32>
    %gt3A_316 = arith.cmpf ogt, %select_n3A_304, %get3A_310 : vector<256x128xf32>
    %select_n3A_317 = arith.select %gt3A_316, %select_n3A_304, %get3A_310 : vector<256x128xi1>, vector<256x128xf32>
    %swap3A_318 = arith.constant 3 : index
    %swap3A_319 = arith.constant 0 : index
    %swap3A_320 = arith.constant 0 : index
    %swap3A_321 = vector.load %arg5[%swap3A_318, %swap3A_319, %swap3A_320] : memref<10x256x128xf32, #tpu.memory_space<vmem>>, vector<1x256x128xf32>
    %swap3A_322 = vector.shape_cast %swap3A_321 : vector<1x256x128xf32> to vector<256x128xf32>
    %swap3A_323 = vector.shape_cast %select_n3A_317 : vector<256x128xf32> to vector<1x256x128xf32>
    tpu.vector_store %arg5[%swap3A_318, %swap3A_319, %swap3A_320], %swap3A_323 {strides = array<i32>} : memref<10x256x128xf32, #tpu.memory_space<vmem>>, vector<1x256x128xf32>,
    %select_n3A_324 = arith.select %gt3A_316, %select_n3A_305, %get3A_315 : vector<256x128xi1>, vector<256x128xi32>
    %swap3A_325 = arith.constant 3 : index
    %swap3A_326 = arith.constant 0 : index
    %swap3A_327 = arith.constant 0 : index
    %swap3A_328 = vector.load %arg6[%swap3A_325, %swap3A_326, %swap3A_327] : memref<10x256x128xi32, #tpu.memory_space<vmem>>, vector<1x256x128xi32>
    %swap3A_329 = vector.shape_cast %swap3A_328 : vector<1x256x128xi32> to vector<256x128xi32>
    %swap3A_330 = vector.shape_cast %select_n3A_324 : vector<256x128xi32> to vector<1x256x128xi32>
    tpu.vector_store %arg6[%swap3A_325, %swap3A_326, %swap3A_327], %swap3A_330 {strides = array<i32>} : memref<10x256x128xi32, #tpu.memory_space<vmem>>, vector<1x256x128xi32>,
    %select_n3A_331 = arith.select %gt3A_316, %get3A_310, %select_n3A_304 : vector<256x128xi1>, vector<256x128xf32>
    %select_n3A_332 = arith.select %gt3A_316, %get3A_315, %select_n3A_305 : vector<256x128xi1>, vector<256x128xi32>
    %get3A_333 = arith.constant 4 : index
    %get3A_334 = arith.constant 0 : index
    %get3A_335 = arith.constant 0 : index
    %get3A_336 = vector.load %arg5[%get3A_333, %get3A_334, %get3A_335] : memref<10x256x128xf32, #tpu.memory_space<vmem>>, vector<1x256x128xf32>
    %get3A_337 = vector.shape_cast %get3A_336 : vector<1x256x128xf32> to vector<256x128xf32>
    %get3A_338 = arith.constant 4 : index
    %get3A_339 = arith.constant 0 : index
    %get3A_340 = arith.constant 0 : index
    %get3A_341 = vector.load %arg6[%get3A_338, %get3A_339, %get3A_340] : memref<10x256x128xi32, #tpu.memory_space<vmem>>, vector<1x256x128xi32>
    %get3A_342 = vector.shape_cast %get3A_341 : vector<1x256x128xi32> to vector<256x128xi32>
    %gt3A_343 = arith.cmpf ogt, %select_n3A_331, %get3A_337 : vector<256x128xf32>
    %select_n3A_344 = arith.select %gt3A_343, %select_n3A_331, %get3A_337 : vector<256x128xi1>, vector<256x128xf32>
    %swap3A_345 = arith.constant 4 : index
    %swap3A_346 = arith.constant 0 : index
    %swap3A_347 = arith.constant 0 : index
    %swap3A_348 = vector.load %arg5[%swap3A_345, %swap3A_346, %swap3A_347] : memref<10x256x128xf32, #tpu.memory_space<vmem>>, vector<1x256x128xf32>
    %swap3A_349 = vector.shape_cast %swap3A_348 : vector<1x256x128xf32> to vector<256x128xf32>
    %swap3A_350 = vector.shape_cast %select_n3A_344 : vector<256x128xf32> to vector<1x256x128xf32>
    tpu.vector_store %arg5[%swap3A_345, %swap3A_346, %swap3A_347], %swap3A_350 {strides = array<i32>} : memref<10x256x128xf32, #tpu.memory_space<vmem>>, vector<1x256x128xf32>,
    %select_n3A_351 = arith.select %gt3A_343, %select_n3A_332, %get3A_342 : vector<256x128xi1>, vector<256x128xi32>
    %swap3A_352 = arith.constant 4 : index
    %swap3A_353 = arith.constant 0 : index
    %swap3A_354 = arith.constant 0 : index
    %swap3A_355 = vector.load %arg6[%swap3A_352, %swap3A_353, %swap3A_354] : memref<10x256x128xi32, #tpu.memory_space<vmem>>, vector<1x256x128xi32>
    %swap3A_356 = vector.shape_cast %swap3A_355 : vector<1x256x128xi32> to vector<256x128xi32>
    %swap3A_357 = vector.shape_cast %select_n3A_351 : vector<256x128xi32> to vector<1x256x128xi32>
    tpu.vector_store %arg6[%swap3A_352, %swap3A_353, %swap3A_354], %swap3A_357 {strides = array<i32>} : memref<10x256x128xi32, #tpu.memory_space<vmem>>, vector<1x256x128xi32>,
    %select_n3A_358 = arith.select %gt3A_343, %get3A_337, %select_n3A_331 : vector<256x128xi1>, vector<256x128xf32>
    %select_n3A_359 = arith.select %gt3A_343, %get3A_342, %select_n3A_332 : vector<256x128xi1>, vector<256x128xi32>
    %get3A_360 = arith.constant 5 : index
    %get3A_361 = arith.constant 0 : index
    %get3A_362 = arith.constant 0 : index
    %get3A_363 = vector.load %arg5[%get3A_360, %get3A_361, %get3A_362] : memref<10x256x128xf32, #tpu.memory_space<vmem>>, vector<1x256x128xf32>
    %get3A_364 = vector.shape_cast %get3A_363 : vector<1x256x128xf32> to vector<256x128xf32>
    %get3A_365 = arith.constant 5 : index
    %get3A_366 = arith.constant 0 : index
    %get3A_367 = arith.constant 0 : index
    %get3A_368 = vector.load %arg6[%get3A_365, %get3A_366, %get3A_367] : memref<10x256x128xi32, #tpu.memory_space<vmem>>, vector<1x256x128xi32>
    %get3A_369 = vector.shape_cast %get3A_368 : vector<1x256x128xi32> to vector<256x128xi32>
    %gt3A_370 = arith.cmpf ogt, %select_n3A_358, %get3A_364 : vector<256x128xf32>
    %select_n3A_371 = arith.select %gt3A_370, %select_n3A_358, %get3A_364 : vector<256x128xi1>, vector<256x128xf32>
    %swap3A_372 = arith.constant 5 : index
    %swap3A_373 = arith.constant 0 : index
    %swap3A_374 = arith.constant 0 : index
    %swap3A_375 = vector.load %arg5[%swap3A_372, %swap3A_373, %swap3A_374] : memref<10x256x128xf32, #tpu.memory_space<vmem>>, vector<1x256x128xf32>
    %swap3A_376 = vector.shape_cast %swap3A_375 : vector<1x256x128xf32> to vector<256x128xf32>
    %swap3A_377 = vector.shape_cast %select_n3A_371 : vector<256x128xf32> to vector<1x256x128xf32>
    tpu.vector_store %arg5[%swap3A_372, %swap3A_373, %swap3A_374], %swap3A_377 {strides = array<i32>} : memref<10x256x128xf32, #tpu.memory_space<vmem>>, vector<1x256x128xf32>,
    %select_n3A_378 = arith.select %gt3A_370, %select_n3A_359, %get3A_369 : vector<256x128xi1>, vector<256x128xi32>
    %swap3A_379 = arith.constant 5 : index
    %swap3A_380 = arith.constant 0 : index
    %swap3A_381 = arith.constant 0 : index
    %swap3A_382 = vector.load %arg6[%swap3A_379, %swap3A_380, %swap3A_381] : memref<10x256x128xi32, #tpu.memory_space<vmem>>, vector<1x256x128xi32>
    %swap3A_383 = vector.shape_cast %swap3A_382 : vector<1x256x128xi32> to vector<256x128xi32>
    %swap3A_384 = vector.shape_cast %select_n3A_378 : vector<256x128xi32> to vector<1x256x128xi32>
    tpu.vector_store %arg6[%swap3A_379, %swap3A_380, %swap3A_381], %swap3A_384 {strides = array<i32>} : memref<10x256x128xi32, #tpu.memory_space<vmem>>, vector<1x256x128xi32>,
    %select_n3A_385 = arith.select %gt3A_370, %get3A_364, %select_n3A_358 : vector<256x128xi1>, vector<256x128xf32>
    %select_n3A_386 = arith.select %gt3A_370, %get3A_369, %select_n3A_359 : vector<256x128xi1>, vector<256x128xi32>
    %get3A_387 = arith.constant 6 : index
    %get3A_388 = arith.constant 0 : index
    %get3A_389 = arith.constant 0 : index
    %get3A_390 = vector.load %arg5[%get3A_387, %get3A_388, %get3A_389] : memref<10x256x128xf32, #tpu.memory_space<vmem>>, vector<1x256x128xf32>
    %get3A_391 = vector.shape_cast %get3A_390 : vector<1x256x128xf32> to vector<256x128xf32>
    %get3A_392 = arith.constant 6 : index
    %get3A_393 = arith.constant 0 : index
    %get3A_394 = arith.constant 0 : index
    %get3A_395 = vector.load %arg6[%get3A_392, %get3A_393, %get3A_394] : memref<10x256x128xi32, #tpu.memory_space<vmem>>, vector<1x256x128xi32>
    %get3A_396 = vector.shape_cast %get3A_395 : vector<1x256x128xi32> to vector<256x128xi32>
    %gt3A_397 = arith.cmpf ogt, %select_n3A_385, %get3A_391 : vector<256x128xf32>
    %select_n3A_398 = arith.select %gt3A_397, %select_n3A_385, %get3A_391 : vector<256x128xi1>, vector<256x128xf32>
    %swap3A_399 = arith.constant 6 : index
    %swap3A_400 = arith.constant 0 : index
    %swap3A_401 = arith.constant 0 : index
    %swap3A_402 = vector.load %arg5[%swap3A_399, %swap3A_400, %swap3A_401] : memref<10x256x128xf32, #tpu.memory_space<vmem>>, vector<1x256x128xf32>
    %swap3A_403 = vector.shape_cast %swap3A_402 : vector<1x256x128xf32> to vector<256x128xf32>
    %swap3A_404 = vector.shape_cast %select_n3A_398 : vector<256x128xf32> to vector<1x256x128xf32>
    tpu.vector_store %arg5[%swap3A_399, %swap3A_400, %swap3A_401], %swap3A_404 {strides = array<i32>} : memref<10x256x128xf32, #tpu.memory_space<vmem>>, vector<1x256x128xf32>,
    %select_n3A_405 = arith.select %gt3A_397, %select_n3A_386, %get3A_396 : vector<256x128xi1>, vector<256x128xi32>
    %swap3A_406 = arith.constant 6 : index
    %swap3A_407 = arith.constant 0 : index
    %swap3A_408 = arith.constant 0 : index
    %swap3A_409 = vector.load %arg6[%swap3A_406, %swap3A_407, %swap3A_408] : memref<10x256x128xi32, #tpu.memory_space<vmem>>, vector<1x256x128xi32>
    %swap3A_410 = vector.shape_cast %swap3A_409 : vector<1x256x128xi32> to vector<256x128xi32>
    %swap3A_411 = vector.shape_cast %select_n3A_405 : vector<256x128xi32> to vector<1x256x128xi32>
    tpu.vector_store %arg6[%swap3A_406, %swap3A_407, %swap3A_408], %swap3A_411 {strides = array<i32>} : memref<10x256x128xi32, #tpu.memory_space<vmem>>, vector<1x256x128xi32>,
    %select_n3A_412 = arith.select %gt3A_397, %get3A_391, %select_n3A_385 : vector<256x128xi1>, vector<256x128xf32>
    %select_n3A_413 = arith.select %gt3A_397, %get3A_396, %select_n3A_386 : vector<256x128xi1>, vector<256x128xi32>
    %get3A_414 = arith.constant 7 : index
    %get3A_415 = arith.constant 0 : index
    %get3A_416 = arith.constant 0 : index
    %get3A_417 = vector.load %arg5[%get3A_414, %get3A_415, %get3A_416] : memref<10x256x128xf32, #tpu.memory_space<vmem>>, vector<1x256x128xf32>
    %get3A_418 = vector.shape_cast %get3A_417 : vector<1x256x128xf32> to vector<256x128xf32>
    %get3A_419 = arith.constant 7 : index
    %get3A_420 = arith.constant 0 : index
    %get3A_421 = arith.constant 0 : index
    %get3A_422 = vector.load %arg6[%get3A_419, %get3A_420, %get3A_421] : memref<10x256x128xi32, #tpu.memory_space<vmem>>, vector<1x256x128xi32>
    %get3A_423 = vector.shape_cast %get3A_422 : vector<1x256x128xi32> to vector<256x128xi32>
    %gt3A_424 = arith.cmpf ogt, %select_n3A_412, %get3A_418 : vector<256x128xf32>
    %select_n3A_425 = arith.select %gt3A_424, %select_n3A_412, %get3A_418 : vector<256x128xi1>, vector<256x128xf32>
    %swap3A_426 = arith.constant 7 : index
    %swap3A_427 = arith.constant 0 : index
    %swap3A_428 = arith.constant 0 : index
    %swap3A_429 = vector.load %arg5[%swap3A_426, %swap3A_427, %swap3A_428] : memref<10x256x128xf32, #tpu.memory_space<vmem>>, vector<1x256x128xf32>
    %swap3A_430 = vector.shape_cast %swap3A_429 : vector<1x256x128xf32> to vector<256x128xf32>
    %swap3A_431 = vector.shape_cast %select_n3A_425 : vector<256x128xf32> to vector<1x256x128xf32>
    tpu.vector_store %arg5[%swap3A_426, %swap3A_427, %swap3A_428], %swap3A_431 {strides = array<i32>} : memref<10x256x128xf32, #tpu.memory_space<vmem>>, vector<1x256x128xf32>,
    %select_n3A_432 = arith.select %gt3A_424, %select_n3A_413, %get3A_423 : vector<256x128xi1>, vector<256x128xi32>
    %swap3A_433 = arith.constant 7 : index
    %swap3A_434 = arith.constant 0 : index
    %swap3A_435 = arith.constant 0 : index
    %swap3A_436 = vector.load %arg6[%swap3A_433, %swap3A_434, %swap3A_435] : memref<10x256x128xi32, #tpu.memory_space<vmem>>, vector<1x256x128xi32>
    %swap3A_437 = vector.shape_cast %swap3A_436 : vector<1x256x128xi32> to vector<256x128xi32>
    %swap3A_438 = vector.shape_cast %select_n3A_432 : vector<256x128xi32> to vector<1x256x128xi32>
    tpu.vector_store %arg6[%swap3A_433, %swap3A_434, %swap3A_435], %swap3A_438 {strides = array<i32>} : memref<10x256x128xi32, #tpu.memory_space<vmem>>, vector<1x256x128xi32>,
    %select_n3A_439 = arith.select %gt3A_424, %get3A_418, %select_n3A_412 : vector<256x128xi1>, vector<256x128xf32>
    %select_n3A_440 = arith.select %gt3A_424, %get3A_423, %select_n3A_413 : vector<256x128xi1>, vector<256x128xi32>
    %get3A_441 = arith.constant 8 : index
    %get3A_442 = arith.constant 0 : index
    %get3A_443 = arith.constant 0 : index
    %get3A_444 = vector.load %arg5[%get3A_441, %get3A_442, %get3A_443] : memref<10x256x128xf32, #tpu.memory_space<vmem>>, vector<1x256x128xf32>
    %get3A_445 = vector.shape_cast %get3A_444 : vector<1x256x128xf32> to vector<256x128xf32>
    %get3A_446 = arith.constant 8 : index
    %get3A_447 = arith.constant 0 : index
    %get3A_448 = arith.constant 0 : index
    %get3A_449 = vector.load %arg6[%get3A_446, %get3A_447, %get3A_448] : memref<10x256x128xi32, #tpu.memory_space<vmem>>, vector<1x256x128xi32>
    %get3A_450 = vector.shape_cast %get3A_449 : vector<1x256x128xi32> to vector<256x128xi32>
    %gt3A_451 = arith.cmpf ogt, %select_n3A_439, %get3A_445 : vector<256x128xf32>
    %select_n3A_452 = arith.select %gt3A_451, %select_n3A_439, %get3A_445 : vector<256x128xi1>, vector<256x128xf32>
    %swap3A_453 = arith.constant 8 : index
    %swap3A_454 = arith.constant 0 : index
    %swap3A_455 = arith.constant 0 : index
    %swap3A_456 = vector.load %arg5[%swap3A_453, %swap3A_454, %swap3A_455] : memref<10x256x128xf32, #tpu.memory_space<vmem>>, vector<1x256x128xf32>
    %swap3A_457 = vector.shape_cast %swap3A_456 : vector<1x256x128xf32> to vector<256x128xf32>
    %swap3A_458 = vector.shape_cast %select_n3A_452 : vector<256x128xf32> to vector<1x256x128xf32>
    tpu.vector_store %arg5[%swap3A_453, %swap3A_454, %swap3A_455], %swap3A_458 {strides = array<i32>} : memref<10x256x128xf32, #tpu.memory_space<vmem>>, vector<1x256x128xf32>,
    %select_n3A_459 = arith.select %gt3A_451, %select_n3A_440, %get3A_450 : vector<256x128xi1>, vector<256x128xi32>
    %swap3A_460 = arith.constant 8 : index
    %swap3A_461 = arith.constant 0 : index
    %swap3A_462 = arith.constant 0 : index
    %swap3A_463 = vector.load %arg6[%swap3A_460, %swap3A_461, %swap3A_462] : memref<10x256x128xi32, #tpu.memory_space<vmem>>, vector<1x256x128xi32>
    %swap3A_464 = vector.shape_cast %swap3A_463 : vector<1x256x128xi32> to vector<256x128xi32>
    %swap3A_465 = vector.shape_cast %select_n3A_459 : vector<256x128xi32> to vector<1x256x128xi32>
    tpu.vector_store %arg6[%swap3A_460, %swap3A_461, %swap3A_462], %swap3A_465 {strides = array<i32>} : memref<10x256x128xi32, #tpu.memory_space<vmem>>, vector<1x256x128xi32>,
    %select_n3A_466 = arith.select %gt3A_451, %get3A_445, %select_n3A_439 : vector<256x128xi1>, vector<256x128xf32>
    %select_n3A_467 = arith.select %gt3A_451, %get3A_450, %select_n3A_440 : vector<256x128xi1>, vector<256x128xi32>
    %get3A_468 = arith.constant 9 : index
    %get3A_469 = arith.constant 0 : index
    %get3A_470 = arith.constant 0 : index
    %get3A_471 = vector.load %arg5[%get3A_468, %get3A_469, %get3A_470] : memref<10x256x128xf32, #tpu.memory_space<vmem>>, vector<1x256x128xf32>
    %get3A_472 = vector.shape_cast %get3A_471 : vector<1x256x128xf32> to vector<256x128xf32>
    %get3A_473 = arith.constant 9 : index
    %get3A_474 = arith.constant 0 : index
    %get3A_475 = arith.constant 0 : index
    %get3A_476 = vector.load %arg6[%get3A_473, %get3A_474, %get3A_475] : memref<10x256x128xi32, #tpu.memory_space<vmem>>, vector<1x256x128xi32>
    %get3A_477 = vector.shape_cast %get3A_476 : vector<1x256x128xi32> to vector<256x128xi32>
    %gt3A_478 = arith.cmpf ogt, %select_n3A_466, %get3A_472 : vector<256x128xf32>
    %select_n3A_479 = arith.select %gt3A_478, %select_n3A_466, %get3A_472 : vector<256x128xi1>, vector<256x128xf32>
    %swap3A_480 = arith.constant 9 : index
    %swap3A_481 = arith.constant 0 : index
    %swap3A_482 = arith.constant 0 : index
    %swap3A_483 = vector.load %arg5[%swap3A_480, %swap3A_481, %swap3A_482] : memref<10x256x128xf32, #tpu.memory_space<vmem>>, vector<1x256x128xf32>
    %swap3A_484 = vector.shape_cast %swap3A_483 : vector<1x256x128xf32> to vector<256x128xf32>
    %swap3A_485 = vector.shape_cast %select_n3A_479 : vector<256x128xf32> to vector<1x256x128xf32>
    tpu.vector_store %arg5[%swap3A_480, %swap3A_481, %swap3A_482], %swap3A_485 {strides = array<i32>} : memref<10x256x128xf32, #tpu.memory_space<vmem>>, vector<1x256x128xf32>,
    %select_n3A_486 = arith.select %gt3A_478, %select_n3A_467, %get3A_477 : vector<256x128xi1>, vector<256x128xi32>
    %swap3A_487 = arith.constant 9 : index
    %swap3A_488 = arith.constant 0 : index
    %swap3A_489 = arith.constant 0 : index
    %swap3A_490 = vector.load %arg6[%swap3A_487, %swap3A_488, %swap3A_489] : memref<10x256x128xi32, #tpu.memory_space<vmem>>, vector<1x256x128xi32>
    %swap3A_491 = vector.shape_cast %swap3A_490 : vector<1x256x128xi32> to vector<256x128xi32>
    %swap3A_492 = vector.shape_cast %select_n3A_486 : vector<256x128xi32> to vector<1x256x128xi32>
    tpu.vector_store %arg6[%swap3A_487, %swap3A_488, %swap3A_489], %swap3A_492 {strides = array<i32>} : memref<10x256x128xi32, #tpu.memory_space<vmem>>, vector<1x256x128xi32>,
    %eq3A_493 = arith.constant 48 : i32
    %eq3A_494 = arith.cmpi eq, %arg1, %eq3A_493 : i32
    %convert_element_type3A_495 = arith.extui %eq3A_494 : i1 to i32
    %cond3A_496 = arith.constant 0 : i32
    %cond3A_497 = arith.cmpi ne, %convert_element_type3A_495, %cond3A_496 : i32
    scf.if %cond3A_497 {
      %get3A_498 = arith.constant 0 : index
      %get3A_499 = arith.constant 0 : index
      %get3A_500 = arith.constant 0 : index
      %get3A_501 = vector.load %arg5[%get3A_498, %get3A_499, %get3A_500] : memref<10x256x128xf32, #tpu.memory_space<vmem>>, vector<1x256x128xf32>
      %get3A_502 = vector.shape_cast %get3A_501 : vector<1x256x128xf32> to vector<256x128xf32>
      %swap3A_503 = arith.constant 0 : index
      %swap3A_504 = arith.constant 0 : index
      %swap3A_505 = vector.load %arg7[%swap3A_503, %swap3A_504] : memref<256x1280xf32, #tpu.memory_space<vmem>>, vector<256x128xf32>
      tpu.vector_store %arg7[%swap3A_503, %swap3A_504], %get3A_502 {strides = array<i32>} : memref<256x1280xf32, #tpu.memory_space<vmem>>, vector<256x128xf32>,
      %get3A_506 = arith.constant 0 : index
      %get3A_507 = arith.constant 0 : index
      %get3A_508 = arith.constant 0 : index
      %get3A_509 = vector.load %arg6[%get3A_506, %get3A_507, %get3A_508] : memref<10x256x128xi32, #tpu.memory_space<vmem>>, vector<1x256x128xi32>
      %get3A_510 = vector.shape_cast %get3A_509 : vector<1x256x128xi32> to vector<256x128xi32>
      %swap3A_511 = arith.constant 0 : index
      %swap3A_512 = arith.constant 0 : index
      %swap3A_513 = vector.load %arg8[%swap3A_511, %swap3A_512] : memref<256x1280xi32, #tpu.memory_space<vmem>>, vector<256x128xi32>
      tpu.vector_store %arg8[%swap3A_511, %swap3A_512], %get3A_510 {strides = array<i32>} : memref<256x1280xi32, #tpu.memory_space<vmem>>, vector<256x128xi32>,
      %get3A_514 = arith.constant 1 : index
      %get3A_515 = arith.constant 0 : index
      %get3A_516 = arith.constant 0 : index
      %get3A_517 = vector.load %arg5[%get3A_514, %get3A_515, %get3A_516] : memref<10x256x128xf32, #tpu.memory_space<vmem>>, vector<1x256x128xf32>
      %get3A_518 = vector.shape_cast %get3A_517 : vector<1x256x128xf32> to vector<256x128xf32>
      %swap3A_519 = arith.constant 0 : index
      %swap3A_520 = arith.constant 128 : index
      %swap3A_521 = vector.load %arg7[%swap3A_519, %swap3A_520] : memref<256x1280xf32, #tpu.memory_space<vmem>>, vector<256x128xf32>
      tpu.vector_store %arg7[%swap3A_519, %swap3A_520], %get3A_518 {strides = array<i32>} : memref<256x1280xf32, #tpu.memory_space<vmem>>, vector<256x128xf32>,
      %get3A_522 = arith.constant 1 : index
      %get3A_523 = arith.constant 0 : index
      %get3A_524 = arith.constant 0 : index
      %get3A_525 = vector.load %arg6[%get3A_522, %get3A_523, %get3A_524] : memref<10x256x128xi32, #tpu.memory_space<vmem>>, vector<1x256x128xi32>
      %get3A_526 = vector.shape_cast %get3A_525 : vector<1x256x128xi32> to vector<256x128xi32>
      %swap3A_527 = arith.constant 0 : index
      %swap3A_528 = arith.constant 128 : index
      %swap3A_529 = vector.load %arg8[%swap3A_527, %swap3A_528] : memref<256x1280xi32, #tpu.memory_space<vmem>>, vector<256x128xi32>
      tpu.vector_store %arg8[%swap3A_527, %swap3A_528], %get3A_526 {strides = array<i32>} : memref<256x1280xi32, #tpu.memory_space<vmem>>, vector<256x128xi32>,
      %get3A_530 = arith.constant 2 : index
      %get3A_531 = arith.constant 0 : index
      %get3A_532 = arith.constant 0 : index
      %get3A_533 = vector.load %arg5[%get3A_530, %get3A_531, %get3A_532] : memref<10x256x128xf32, #tpu.memory_space<vmem>>, vector<1x256x128xf32>
      %get3A_534 = vector.shape_cast %get3A_533 : vector<1x256x128xf32> to vector<256x128xf32>
      %swap3A_535 = arith.constant 0 : index
      %swap3A_536 = arith.constant 256 : index
      %swap3A_537 = vector.load %arg7[%swap3A_535, %swap3A_536] : memref<256x1280xf32, #tpu.memory_space<vmem>>, vector<256x128xf32>
      tpu.vector_store %arg7[%swap3A_535, %swap3A_536], %get3A_534 {strides = array<i32>} : memref<256x1280xf32, #tpu.memory_space<vmem>>, vector<256x128xf32>,
      %get3A_538 = arith.constant 2 : index
      %get3A_539 = arith.constant 0 : index
      %get3A_540 = arith.constant 0 : index
      %get3A_541 = vector.load %arg6[%get3A_538, %get3A_539, %get3A_540] : memref<10x256x128xi32, #tpu.memory_space<vmem>>, vector<1x256x128xi32>
      %get3A_542 = vector.shape_cast %get3A_541 : vector<1x256x128xi32> to vector<256x128xi32>
      %swap3A_543 = arith.constant 0 : index
      %swap3A_544 = arith.constant 256 : index
      %swap3A_545 = vector.load %arg8[%swap3A_543, %swap3A_544] : memref<256x1280xi32, #tpu.memory_space<vmem>>, vector<256x128xi32>
      tpu.vector_store %arg8[%swap3A_543, %swap3A_544], %get3A_542 {strides = array<i32>} : memref<256x1280xi32, #tpu.memory_space<vmem>>, vector<256x128xi32>,
      %get3A_546 = arith.constant 3 : index
      %get3A_547 = arith.constant 0 : index
      %get3A_548 = arith.constant 0 : index
      %get3A_549 = vector.load %arg5[%get3A_546, %get3A_547, %get3A_548] : memref<10x256x128xf32, #tpu.memory_space<vmem>>, vector<1x256x128xf32>
      %get3A_550 = vector.shape_cast %get3A_549 : vector<1x256x128xf32> to vector<256x128xf32>
      %swap3A_551 = arith.constant 0 : index
      %swap3A_552 = arith.constant 384 : index
      %swap3A_553 = vector.load %arg7[%swap3A_551, %swap3A_552] : memref<256x1280xf32, #tpu.memory_space<vmem>>, vector<256x128xf32>
      tpu.vector_store %arg7[%swap3A_551, %swap3A_552], %get3A_550 {strides = array<i32>} : memref<256x1280xf32, #tpu.memory_space<vmem>>, vector<256x128xf32>,
      %get3A_554 = arith.constant 3 : index
      %get3A_555 = arith.constant 0 : index
      %get3A_556 = arith.constant 0 : index
      %get3A_557 = vector.load %arg6[%get3A_554, %get3A_555, %get3A_556] : memref<10x256x128xi32, #tpu.memory_space<vmem>>, vector<1x256x128xi32>
      %get3A_558 = vector.shape_cast %get3A_557 : vector<1x256x128xi32> to vector<256x128xi32>
      %swap3A_559 = arith.constant 0 : index
      %swap3A_560 = arith.constant 384 : index
      %swap3A_561 = vector.load %arg8[%swap3A_559, %swap3A_560] : memref<256x1280xi32, #tpu.memory_space<vmem>>, vector<256x128xi32>
      tpu.vector_store %arg8[%swap3A_559, %swap3A_560], %get3A_558 {strides = array<i32>} : memref<256x1280xi32, #tpu.memory_space<vmem>>, vector<256x128xi32>,
      %get3A_562 = arith.constant 4 : index
      %get3A_563 = arith.constant 0 : index
      %get3A_564 = arith.constant 0 : index
      %get3A_565 = vector.load %arg5[%get3A_562, %get3A_563, %get3A_564] : memref<10x256x128xf32, #tpu.memory_space<vmem>>, vector<1x256x128xf32>
      %get3A_566 = vector.shape_cast %get3A_565 : vector<1x256x128xf32> to vector<256x128xf32>
      %swap3A_567 = arith.constant 0 : index
      %swap3A_568 = arith.constant 512 : index
      %swap3A_569 = vector.load %arg7[%swap3A_567, %swap3A_568] : memref<256x1280xf32, #tpu.memory_space<vmem>>, vector<256x128xf32>
      tpu.vector_store %arg7[%swap3A_567, %swap3A_568], %get3A_566 {strides = array<i32>} : memref<256x1280xf32, #tpu.memory_space<vmem>>, vector<256x128xf32>,
      %get3A_570 = arith.constant 4 : index
      %get3A_571 = arith.constant 0 : index
      %get3A_572 = arith.constant 0 : index
      %get3A_573 = vector.load %arg6[%get3A_570, %get3A_571, %get3A_572] : memref<10x256x128xi32, #tpu.memory_space<vmem>>, vector<1x256x128xi32>
      %get3A_574 = vector.shape_cast %get3A_573 : vector<1x256x128xi32> to vector<256x128xi32>
      %swap3A_575 = arith.constant 0 : index
      %swap3A_576 = arith.constant 512 : index
      %swap3A_577 = vector.load %arg8[%swap3A_575, %swap3A_576] : memref<256x1280xi32, #tpu.memory_space<vmem>>, vector<256x128xi32>
      tpu.vector_store %arg8[%swap3A_575, %swap3A_576], %get3A_574 {strides = array<i32>} : memref<256x1280xi32, #tpu.memory_space<vmem>>, vector<256x128xi32>,
      %get3A_578 = arith.constant 5 : index
      %get3A_579 = arith.constant 0 : index
      %get3A_580 = arith.constant 0 : index
      %get3A_581 = vector.load %arg5[%get3A_578, %get3A_579, %get3A_580] : memref<10x256x128xf32, #tpu.memory_space<vmem>>, vector<1x256x128xf32>
      %get3A_582 = vector.shape_cast %get3A_581 : vector<1x256x128xf32> to vector<256x128xf32>
      %swap3A_583 = arith.constant 0 : index
      %swap3A_584 = arith.constant 640 : index
      %swap3A_585 = vector.load %arg7[%swap3A_583, %swap3A_584] : memref<256x1280xf32, #tpu.memory_space<vmem>>, vector<256x128xf32>
      tpu.vector_store %arg7[%swap3A_583, %swap3A_584], %get3A_582 {strides = array<i32>} : memref<256x1280xf32, #tpu.memory_space<vmem>>, vector<256x128xf32>,
      %get3A_586 = arith.constant 5 : index
      %get3A_587 = arith.constant 0 : index
      %get3A_588 = arith.constant 0 : index
      %get3A_589 = vector.load %arg6[%get3A_586, %get3A_587, %get3A_588] : memref<10x256x128xi32, #tpu.memory_space<vmem>>, vector<1x256x128xi32>
      %get3A_590 = vector.shape_cast %get3A_589 : vector<1x256x128xi32> to vector<256x128xi32>
      %swap3A_591 = arith.constant 0 : index
      %swap3A_592 = arith.constant 640 : index
      %swap3A_593 = vector.load %arg8[%swap3A_591, %swap3A_592] : memref<256x1280xi32, #tpu.memory_space<vmem>>, vector<256x128xi32>
      tpu.vector_store %arg8[%swap3A_591, %swap3A_592], %get3A_590 {strides = array<i32>} : memref<256x1280xi32, #tpu.memory_space<vmem>>, vector<256x128xi32>,
      %get3A_594 = arith.constant 6 : index
      %get3A_595 = arith.constant 0 : index
      %get3A_596 = arith.constant 0 : index
      %get3A_597 = vector.load %arg5[%get3A_594, %get3A_595, %get3A_596] : memref<10x256x128xf32, #tpu.memory_space<vmem>>, vector<1x256x128xf32>
      %get3A_598 = vector.shape_cast %get3A_597 : vector<1x256x128xf32> to vector<256x128xf32>
      %swap3A_599 = arith.constant 0 : index
      %swap3A_600 = arith.constant 768 : index
      %swap3A_601 = vector.load %arg7[%swap3A_599, %swap3A_600] : memref<256x1280xf32, #tpu.memory_space<vmem>>, vector<256x128xf32>
      tpu.vector_store %arg7[%swap3A_599, %swap3A_600], %get3A_598 {strides = array<i32>} : memref<256x1280xf32, #tpu.memory_space<vmem>>, vector<256x128xf32>,
      %get3A_602 = arith.constant 6 : index
      %get3A_603 = arith.constant 0 : index
      %get3A_604 = arith.constant 0 : index
      %get3A_605 = vector.load %arg6[%get3A_602, %get3A_603, %get3A_604] : memref<10x256x128xi32, #tpu.memory_space<vmem>>, vector<1x256x128xi32>
      %get3A_606 = vector.shape_cast %get3A_605 : vector<1x256x128xi32> to vector<256x128xi32>
      %swap3A_607 = arith.constant 0 : index
      %swap3A_608 = arith.constant 768 : index
      %swap3A_609 = vector.load %arg8[%swap3A_607, %swap3A_608] : memref<256x1280xi32, #tpu.memory_space<vmem>>, vector<256x128xi32>
      tpu.vector_store %arg8[%swap3A_607, %swap3A_608], %get3A_606 {strides = array<i32>} : memref<256x1280xi32, #tpu.memory_space<vmem>>, vector<256x128xi32>,
      %get3A_610 = arith.constant 7 : index
      %get3A_611 = arith.constant 0 : index
      %get3A_612 = arith.constant 0 : index
      %get3A_613 = vector.load %arg5[%get3A_610, %get3A_611, %get3A_612] : memref<10x256x128xf32, #tpu.memory_space<vmem>>, vector<1x256x128xf32>
      %get3A_614 = vector.shape_cast %get3A_613 : vector<1x256x128xf32> to vector<256x128xf32>
      %swap3A_615 = arith.constant 0 : index
      %swap3A_616 = arith.constant 896 : index
      %swap3A_617 = vector.load %arg7[%swap3A_615, %swap3A_616] : memref<256x1280xf32, #tpu.memory_space<vmem>>, vector<256x128xf32>
      tpu.vector_store %arg7[%swap3A_615, %swap3A_616], %get3A_614 {strides = array<i32>} : memref<256x1280xf32, #tpu.memory_space<vmem>>, vector<256x128xf32>,
      %get3A_618 = arith.constant 7 : index
      %get3A_619 = arith.constant 0 : index
      %get3A_620 = arith.constant 0 : index
      %get3A_621 = vector.load %arg6[%get3A_618, %get3A_619, %get3A_620] : memref<10x256x128xi32, #tpu.memory_space<vmem>>, vector<1x256x128xi32>
      %get3A_622 = vector.shape_cast %get3A_621 : vector<1x256x128xi32> to vector<256x128xi32>
      %swap3A_623 = arith.constant 0 : index
      %swap3A_624 = arith.constant 896 : index
      %swap3A_625 = vector.load %arg8[%swap3A_623, %swap3A_624] : memref<256x1280xi32, #tpu.memory_space<vmem>>, vector<256x128xi32>
      tpu.vector_store %arg8[%swap3A_623, %swap3A_624], %get3A_622 {strides = array<i32>} : memref<256x1280xi32, #tpu.memory_space<vmem>>, vector<256x128xi32>,
      %get3A_626 = arith.constant 8 : index
      %get3A_627 = arith.constant 0 : index
      %get3A_628 = arith.constant 0 : index
      %get3A_629 = vector.load %arg5[%get3A_626, %get3A_627, %get3A_628] : memref<10x256x128xf32, #tpu.memory_space<vmem>>, vector<1x256x128xf32>
      %get3A_630 = vector.shape_cast %get3A_629 : vector<1x256x128xf32> to vector<256x128xf32>
      %swap3A_631 = arith.constant 0 : index
      %swap3A_632 = arith.constant 1024 : index
      %swap3A_633 = vector.load %arg7[%swap3A_631, %swap3A_632] : memref<256x1280xf32, #tpu.memory_space<vmem>>, vector<256x128xf32>
      tpu.vector_store %arg7[%swap3A_631, %swap3A_632], %get3A_630 {strides = array<i32>} : memref<256x1280xf32, #tpu.memory_space<vmem>>, vector<256x128xf32>,
      %get3A_634 = arith.constant 8 : index
      %get3A_635 = arith.constant 0 : index
      %get3A_636 = arith.constant 0 : index
      %get3A_637 = vector.load %arg6[%get3A_634, %get3A_635, %get3A_636] : memref<10x256x128xi32, #tpu.memory_space<vmem>>, vector<1x256x128xi32>
      %get3A_638 = vector.shape_cast %get3A_637 : vector<1x256x128xi32> to vector<256x128xi32>
      %swap3A_639 = arith.constant 0 : index
      %swap3A_640 = arith.constant 1024 : index
      %swap3A_641 = vector.load %arg8[%swap3A_639, %swap3A_640] : memref<256x1280xi32, #tpu.memory_space<vmem>>, vector<256x128xi32>
      tpu.vector_store %arg8[%swap3A_639, %swap3A_640], %get3A_638 {strides = array<i32>} : memref<256x1280xi32, #tpu.memory_space<vmem>>, vector<256x128xi32>,
      %get3A_642 = arith.constant 9 : index
      %get3A_643 = arith.constant 0 : index
      %get3A_644 = arith.constant 0 : index
      %get3A_645 = vector.load %arg5[%get3A_642, %get3A_643, %get3A_644] : memref<10x256x128xf32, #tpu.memory_space<vmem>>, vector<1x256x128xf32>
      %get3A_646 = vector.shape_cast %get3A_645 : vector<1x256x128xf32> to vector<256x128xf32>
      %swap3A_647 = arith.constant 0 : index
      %swap3A_648 = arith.constant 1152 : index
      %swap3A_649 = vector.load %arg7[%swap3A_647, %swap3A_648] : memref<256x1280xf32, #tpu.memory_space<vmem>>, vector<256x128xf32>
      tpu.vector_store %arg7[%swap3A_647, %swap3A_648], %get3A_646 {strides = array<i32>} : memref<256x1280xf32, #tpu.memory_space<vmem>>, vector<256x128xf32>,
      %get3A_650 = arith.constant 9 : index
      %get3A_651 = arith.constant 0 : index
      %get3A_652 = arith.constant 0 : index
      %get3A_653 = vector.load %arg6[%get3A_650, %get3A_651, %get3A_652] : memref<10x256x128xi32, #tpu.memory_space<vmem>>, vector<1x256x128xi32>
      %get3A_654 = vector.shape_cast %get3A_653 : vector<1x256x128xi32> to vector<256x128xi32>
      %swap3A_655 = arith.constant 0 : index
      %swap3A_656 = arith.constant 1152 : index
      %swap3A_657 = vector.load %arg8[%swap3A_655, %swap3A_656] : memref<256x1280xi32, #tpu.memory_space<vmem>>, vector<256x128xi32>
      tpu.vector_store %arg8[%swap3A_655, %swap3A_656], %get3A_654 {strides = array<i32>} : memref<256x1280xi32, #tpu.memory_space<vmem>>, vector<256x128xi32>,
      %iota3A_658 = tpu.iota {dimensions = array<i32: 1>} : vector<256x1280xi32>
      %get3A_659 = arith.constant 0 : index
      %get3A_660 = arith.constant 0 : index
      %get3A_661 = vector.load %arg7[%get3A_659, %get3A_660] : memref<256x1280xf32, #tpu.memory_space<vmem>>, vector<256x1280xf32>
      %reduce_max3A = arith.constant dense<0xFF800000> : vector<256xf32>
      %reduce_max3A_662 = vector.multi_reduction <maximumf>, %get3A_661, %reduce_max3A [1] : vector<256x1280xf32> to vector<256xf32>
      %broadcast_in_dim3A_663 = vector.shape_cast %reduce_max3A_662 : vector<256xf32> to vector<256x1xf32>
      %eq3A_664 = vector.broadcast %broadcast_in_dim3A_663 : vector<256x1xf32> to vector<256x1280xf32>
      %eq3A_665 = arith.cmpf oeq, %get3A_661, %eq3A_664 : vector<256x1280xf32>
      %jit3A_666 = arith.constant 1073741824 : i32
      %broadcast_in_dim3A_667 = vector.broadcast %jit3A_666 : i32 to vector<256x1280xi32>
      %select_n3A_668 = arith.select %eq3A_665, %iota3A_658, %broadcast_in_dim3A_667 : vector<256x1280xi1>, vector<256x1280xi32>
      %reduce_min3A = arith.constant dense<2147483647> : vector<256xi32>
      %reduce_min3A_669 = vector.multi_reduction <minsi>, %select_n3A_668, %reduce_min3A [1] : vector<256x1280xi32> to vector<256xi32>
      %broadcast_in_dim3A_670 = vector.shape_cast %reduce_min3A_669 : vector<256xi32> to vector<256x1xi32>
      %eq3A_671 = vector.broadcast %broadcast_in_dim3A_670 : vector<256x1xi32> to vector<256x1280xi32>
      %eq3A_672 = arith.cmpi eq, %iota3A_658, %eq3A_671 : vector<256x1280xi32>
      %get3A_673 = arith.constant 0 : index
      %get3A_674 = arith.constant 0 : index
      %get3A_675 = vector.load %arg8[%get3A_673, %get3A_674] : memref<256x1280xi32, #tpu.memory_space<vmem>>, vector<256x1280xi32>
      %jit3A_676 = arith.constant 0 : i32
      %broadcast_in_dim3A_677 = vector.broadcast %jit3A_676 : i32 to vector<256x1280xi32>
      %select_n3A_678 = arith.select %eq3A_672, %get3A_675, %broadcast_in_dim3A_677 : vector<256x1280xi1>, vector<256x1280xi32>
      %reduce_sum3A = arith.constant dense<0> : vector<256xi32>
      %reduce_sum3A_679 = vector.multi_reduction <add>, %select_n3A_678, %reduce_sum3A [1] : vector<256x1280xi32> to vector<256xi32>
      %broadcast_in_dim3A_680 = vector.shape_cast %reduce_sum3A_679 : vector<256xi32> to vector<256x1xi32>
      %swap3A_681 = arith.constant 0 : index
      %swap3A_682 = arith.constant 0 : index
      %swap3A_683 = vector.load %arg4[%swap3A_681, %swap3A_682] : memref<256x128xi32, #tpu.memory_space<vmem>>, vector<256x1xi32>
      tpu.vector_store %arg4[%swap3A_681, %swap3A_682], %broadcast_in_dim3A_680 {strides = array<i32>} : memref<256x128xi32, #tpu.memory_space<vmem>>, vector<256x1xi32>,
      %jit3A_684 = arith.constant -3.000000e+38 : f32
      %broadcast_in_dim3A_685 = vector.broadcast %jit3A_684 : f32 to vector<256x1280xf32>
      %select_n3A_686 = arith.select %eq3A_672, %broadcast_in_dim3A_685, %get3A_661 : vector<256x1280xi1>, vector<256x1280xf32>
      %swap3A_687 = arith.constant 0 : index
      %swap3A_688 = arith.constant 0 : index
      %swap3A_689 = vector.load %arg7[%swap3A_687, %swap3A_688] : memref<256x1280xf32, #tpu.memory_space<vmem>>, vector<256x1280xf32>
      tpu.vector_store %arg7[%swap3A_687, %swap3A_688], %select_n3A_686 {strides = array<i32>} : memref<256x1280xf32, #tpu.memory_space<vmem>>, vector<256x1280xf32>,
      %get3A_690 = arith.constant 0 : index
      %get3A_691 = arith.constant 0 : index
      %get3A_692 = vector.load %arg7[%get3A_690, %get3A_691] : memref<256x1280xf32, #tpu.memory_space<vmem>>, vector<256x1280xf32>
      %reduce_max3A_693 = arith.constant dense<0xFF800000> : vector<256xf32>
      %reduce_max3A_694 = vector.multi_reduction <maximumf>, %get3A_692, %reduce_max3A_693 [1] : vector<256x1280xf32> to vector<256xf32>
      %broadcast_in_dim3A_695 = vector.shape_cast %reduce_max3A_694 : vector<256xf32> to vector<256x1xf32>
      %eq3A_696 = vector.broadcast %broadcast_in_dim3A_695 : vector<256x1xf32> to vector<256x1280xf32>
      %eq3A_697 = arith.cmpf oeq, %get3A_692, %eq3A_696 : vector<256x1280xf32>
      %jit3A_698 = arith.constant 1073741824 : i32
      %broadcast_in_dim3A_699 = vector.broadcast %jit3A_698 : i32 to vector<256x1280xi32>
      %select_n3A_700 = arith.select %eq3A_697, %iota3A_658, %broadcast_in_dim3A_699 : vector<256x1280xi1>, vector<256x1280xi32>
      %reduce_min3A_701 = arith.constant dense<2147483647> : vector<256xi32>
      %reduce_min3A_702 = vector.multi_reduction <minsi>, %select_n3A_700, %reduce_min3A_701 [1] : vector<256x1280xi32> to vector<256xi32>
      %broadcast_in_dim3A_703 = vector.shape_cast %reduce_min3A_702 : vector<256xi32> to vector<256x1xi32>
      %eq3A_704 = vector.broadcast %broadcast_in_dim3A_703 : vector<256x1xi32> to vector<256x1280xi32>
      %eq3A_705 = arith.cmpi eq, %iota3A_658, %eq3A_704 : vector<256x1280xi32>
      %get3A_706 = arith.constant 0 : index
      %get3A_707 = arith.constant 0 : index
      %get3A_708 = vector.load %arg8[%get3A_706, %get3A_707] : memref<256x1280xi32, #tpu.memory_space<vmem>>, vector<256x1280xi32>
      %jit3A_709 = arith.constant 0 : i32
      %broadcast_in_dim3A_710 = vector.broadcast %jit3A_709 : i32 to vector<256x1280xi32>
      %select_n3A_711 = arith.select %eq3A_705, %get3A_708, %broadcast_in_dim3A_710 : vector<256x1280xi1>, vector<256x1280xi32>
      %reduce_sum3A_712 = arith.constant dense<0> : vector<256xi32>
      %reduce_sum3A_713 = vector.multi_reduction <add>, %select_n3A_711, %reduce_sum3A_712 [1] : vector<256x1280xi32> to vector<256xi32>
      %broadcast_in_dim3A_714 = vector.shape_cast %reduce_sum3A_713 : vector<256xi32> to vector<256x1xi32>
      %swap3A_715 = arith.constant 0 : index
      %swap3A_716 = arith.constant 1 : index
      %swap3A_717 = vector.load %arg4[%swap3A_715, %swap3A_716] : memref<256x128xi32, #tpu.memory_space<vmem>>, vector<256x1xi32>
      tpu.vector_store %arg4[%swap3A_715, %swap3A_716], %broadcast_in_dim3A_714 {strides = array<i32>} : memref<256x128xi32, #tpu.memory_space<vmem>>, vector<256x1xi32>,
      %jit3A_718 = arith.constant -3.000000e+38 : f32
      %broadcast_in_dim3A_719 = vector.broadcast %jit3A_718 : f32 to vector<256x1280xf32>
      %select_n3A_720 = arith.select %eq3A_705, %broadcast_in_dim3A_719, %get3A_692 : vector<256x1280xi1>, vector<256x1280xf32>
      %swap3A_721 = arith.constant 0 : index
      %swap3A_722 = arith.constant 0 : index
      %swap3A_723 = vector.load %arg7[%swap3A_721, %swap3A_722] : memref<256x1280xf32, #tpu.memory_space<vmem>>, vector<256x1280xf32>
      tpu.vector_store %arg7[%swap3A_721, %swap3A_722], %select_n3A_720 {strides = array<i32>} : memref<256x1280xf32, #tpu.memory_space<vmem>>, vector<256x1280xf32>,
      %get3A_724 = arith.constant 0 : index
      %get3A_725 = arith.constant 0 : index
      %get3A_726 = vector.load %arg7[%get3A_724, %get3A_725] : memref<256x1280xf32, #tpu.memory_space<vmem>>, vector<256x1280xf32>
      %reduce_max3A_727 = arith.constant dense<0xFF800000> : vector<256xf32>
      %reduce_max3A_728 = vector.multi_reduction <maximumf>, %get3A_726, %reduce_max3A_727 [1] : vector<256x1280xf32> to vector<256xf32>
      %broadcast_in_dim3A_729 = vector.shape_cast %reduce_max3A_728 : vector<256xf32> to vector<256x1xf32>
      %eq3A_730 = vector.broadcast %broadcast_in_dim3A_729 : vector<256x1xf32> to vector<256x1280xf32>
      %eq3A_731 = arith.cmpf oeq, %get3A_726, %eq3A_730 : vector<256x1280xf32>
      %jit3A_732 = arith.constant 1073741824 : i32
      %broadcast_in_dim3A_733 = vector.broadcast %jit3A_732 : i32 to vector<256x1280xi32>
      %select_n3A_734 = arith.select %eq3A_731, %iota3A_658, %broadcast_in_dim3A_733 : vector<256x1280xi1>, vector<256x1280xi32>
      %reduce_min3A_735 = arith.constant dense<2147483647> : vector<256xi32>
      %reduce_min3A_736 = vector.multi_reduction <minsi>, %select_n3A_734, %reduce_min3A_735 [1] : vector<256x1280xi32> to vector<256xi32>
      %broadcast_in_dim3A_737 = vector.shape_cast %reduce_min3A_736 : vector<256xi32> to vector<256x1xi32>
      %eq3A_738 = vector.broadcast %broadcast_in_dim3A_737 : vector<256x1xi32> to vector<256x1280xi32>
      %eq3A_739 = arith.cmpi eq, %iota3A_658, %eq3A_738 : vector<256x1280xi32>
      %get3A_740 = arith.constant 0 : index
      %get3A_741 = arith.constant 0 : index
      %get3A_742 = vector.load %arg8[%get3A_740, %get3A_741] : memref<256x1280xi32, #tpu.memory_space<vmem>>, vector<256x1280xi32>
      %jit3A_743 = arith.constant 0 : i32
      %broadcast_in_dim3A_744 = vector.broadcast %jit3A_743 : i32 to vector<256x1280xi32>
      %select_n3A_745 = arith.select %eq3A_739, %get3A_742, %broadcast_in_dim3A_744 : vector<256x1280xi1>, vector<256x1280xi32>
      %reduce_sum3A_746 = arith.constant dense<0> : vector<256xi32>
      %reduce_sum3A_747 = vector.multi_reduction <add>, %select_n3A_745, %reduce_sum3A_746 [1] : vector<256x1280xi32> to vector<256xi32>
      %broadcast_in_dim3A_748 = vector.shape_cast %reduce_sum3A_747 : vector<256xi32> to vector<256x1xi32>
      %swap3A_749 = arith.constant 0 : index
      %swap3A_750 = arith.constant 2 : index
      %swap3A_751 = vector.load %arg4[%swap3A_749, %swap3A_750] : memref<256x128xi32, #tpu.memory_space<vmem>>, vector<256x1xi32>
      tpu.vector_store %arg4[%swap3A_749, %swap3A_750], %broadcast_in_dim3A_748 {strides = array<i32>} : memref<256x128xi32, #tpu.memory_space<vmem>>, vector<256x1xi32>,
      %jit3A_752 = arith.constant -3.000000e+38 : f32
      %broadcast_in_dim3A_753 = vector.broadcast %jit3A_752 : f32 to vector<256x1280xf32>
      %select_n3A_754 = arith.select %eq3A_739, %broadcast_in_dim3A_753, %get3A_726 : vector<256x1280xi1>, vector<256x1280xf32>
      %swap3A_755 = arith.constant 0 : index
      %swap3A_756 = arith.constant 0 : index
      %swap3A_757 = vector.load %arg7[%swap3A_755, %swap3A_756] : memref<256x1280xf32, #tpu.memory_space<vmem>>, vector<256x1280xf32>
      tpu.vector_store %arg7[%swap3A_755, %swap3A_756], %select_n3A_754 {strides = array<i32>} : memref<256x1280xf32, #tpu.memory_space<vmem>>, vector<256x1280xf32>,
      %get3A_758 = arith.constant 0 : index
      %get3A_759 = arith.constant 0 : index
      %get3A_760 = vector.load %arg7[%get3A_758, %get3A_759] : memref<256x1280xf32, #tpu.memory_space<vmem>>, vector<256x1280xf32>
      %reduce_max3A_761 = arith.constant dense<0xFF800000> : vector<256xf32>
      %reduce_max3A_762 = vector.multi_reduction <maximumf>, %get3A_760, %reduce_max3A_761 [1] : vector<256x1280xf32> to vector<256xf32>
      %broadcast_in_dim3A_763 = vector.shape_cast %reduce_max3A_762 : vector<256xf32> to vector<256x1xf32>
      %eq3A_764 = vector.broadcast %broadcast_in_dim3A_763 : vector<256x1xf32> to vector<256x1280xf32>
      %eq3A_765 = arith.cmpf oeq, %get3A_760, %eq3A_764 : vector<256x1280xf32>
      %jit3A_766 = arith.constant 1073741824 : i32
      %broadcast_in_dim3A_767 = vector.broadcast %jit3A_766 : i32 to vector<256x1280xi32>
      %select_n3A_768 = arith.select %eq3A_765, %iota3A_658, %broadcast_in_dim3A_767 : vector<256x1280xi1>, vector<256x1280xi32>
      %reduce_min3A_769 = arith.constant dense<2147483647> : vector<256xi32>
      %reduce_min3A_770 = vector.multi_reduction <minsi>, %select_n3A_768, %reduce_min3A_769 [1] : vector<256x1280xi32> to vector<256xi32>
      %broadcast_in_dim3A_771 = vector.shape_cast %reduce_min3A_770 : vector<256xi32> to vector<256x1xi32>
      %eq3A_772 = vector.broadcast %broadcast_in_dim3A_771 : vector<256x1xi32> to vector<256x1280xi32>
      %eq3A_773 = arith.cmpi eq, %iota3A_658, %eq3A_772 : vector<256x1280xi32>
      %get3A_774 = arith.constant 0 : index
      %get3A_775 = arith.constant 0 : index
      %get3A_776 = vector.load %arg8[%get3A_774, %get3A_775] : memref<256x1280xi32, #tpu.memory_space<vmem>>, vector<256x1280xi32>
      %jit3A_777 = arith.constant 0 : i32
      %broadcast_in_dim3A_778 = vector.broadcast %jit3A_777 : i32 to vector<256x1280xi32>
      %select_n3A_779 = arith.select %eq3A_773, %get3A_776, %broadcast_in_dim3A_778 : vector<256x1280xi1>, vector<256x1280xi32>
      %reduce_sum3A_780 = arith.constant dense<0> : vector<256xi32>
      %reduce_sum3A_781 = vector.multi_reduction <add>, %select_n3A_779, %reduce_sum3A_780 [1] : vector<256x1280xi32> to vector<256xi32>
      %broadcast_in_dim3A_782 = vector.shape_cast %reduce_sum3A_781 : vector<256xi32> to vector<256x1xi32>
      %swap3A_783 = arith.constant 0 : index
      %swap3A_784 = arith.constant 3 : index
      %swap3A_785 = vector.load %arg4[%swap3A_783, %swap3A_784] : memref<256x128xi32, #tpu.memory_space<vmem>>, vector<256x1xi32>
      tpu.vector_store %arg4[%swap3A_783, %swap3A_784], %broadcast_in_dim3A_782 {strides = array<i32>} : memref<256x128xi32, #tpu.memory_space<vmem>>, vector<256x1xi32>,
      %jit3A_786 = arith.constant -3.000000e+38 : f32
      %broadcast_in_dim3A_787 = vector.broadcast %jit3A_786 : f32 to vector<256x1280xf32>
      %select_n3A_788 = arith.select %eq3A_773, %broadcast_in_dim3A_787, %get3A_760 : vector<256x1280xi1>, vector<256x1280xf32>
      %swap3A_789 = arith.constant 0 : index
      %swap3A_790 = arith.constant 0 : index
      %swap3A_791 = vector.load %arg7[%swap3A_789, %swap3A_790] : memref<256x1280xf32, #tpu.memory_space<vmem>>, vector<256x1280xf32>
      tpu.vector_store %arg7[%swap3A_789, %swap3A_790], %select_n3A_788 {strides = array<i32>} : memref<256x1280xf32, #tpu.memory_space<vmem>>, vector<256x1280xf32>,
      %get3A_792 = arith.constant 0 : index
      %get3A_793 = arith.constant 0 : index
      %get3A_794 = vector.load %arg7[%get3A_792, %get3A_793] : memref<256x1280xf32, #tpu.memory_space<vmem>>, vector<256x1280xf32>
      %reduce_max3A_795 = arith.constant dense<0xFF800000> : vector<256xf32>
      %reduce_max3A_796 = vector.multi_reduction <maximumf>, %get3A_794, %reduce_max3A_795 [1] : vector<256x1280xf32> to vector<256xf32>
      %broadcast_in_dim3A_797 = vector.shape_cast %reduce_max3A_796 : vector<256xf32> to vector<256x1xf32>
      %eq3A_798 = vector.broadcast %broadcast_in_dim3A_797 : vector<256x1xf32> to vector<256x1280xf32>
      %eq3A_799 = arith.cmpf oeq, %get3A_794, %eq3A_798 : vector<256x1280xf32>
      %jit3A_800 = arith.constant 1073741824 : i32
      %broadcast_in_dim3A_801 = vector.broadcast %jit3A_800 : i32 to vector<256x1280xi32>
      %select_n3A_802 = arith.select %eq3A_799, %iota3A_658, %broadcast_in_dim3A_801 : vector<256x1280xi1>, vector<256x1280xi32>
      %reduce_min3A_803 = arith.constant dense<2147483647> : vector<256xi32>
      %reduce_min3A_804 = vector.multi_reduction <minsi>, %select_n3A_802, %reduce_min3A_803 [1] : vector<256x1280xi32> to vector<256xi32>
      %broadcast_in_dim3A_805 = vector.shape_cast %reduce_min3A_804 : vector<256xi32> to vector<256x1xi32>
      %eq3A_806 = vector.broadcast %broadcast_in_dim3A_805 : vector<256x1xi32> to vector<256x1280xi32>
      %eq3A_807 = arith.cmpi eq, %iota3A_658, %eq3A_806 : vector<256x1280xi32>
      %get3A_808 = arith.constant 0 : index
      %get3A_809 = arith.constant 0 : index
      %get3A_810 = vector.load %arg8[%get3A_808, %get3A_809] : memref<256x1280xi32, #tpu.memory_space<vmem>>, vector<256x1280xi32>
      %jit3A_811 = arith.constant 0 : i32
      %broadcast_in_dim3A_812 = vector.broadcast %jit3A_811 : i32 to vector<256x1280xi32>
      %select_n3A_813 = arith.select %eq3A_807, %get3A_810, %broadcast_in_dim3A_812 : vector<256x1280xi1>, vector<256x1280xi32>
      %reduce_sum3A_814 = arith.constant dense<0> : vector<256xi32>
      %reduce_sum3A_815 = vector.multi_reduction <add>, %select_n3A_813, %reduce_sum3A_814 [1] : vector<256x1280xi32> to vector<256xi32>
      %broadcast_in_dim3A_816 = vector.shape_cast %reduce_sum3A_815 : vector<256xi32> to vector<256x1xi32>
      %swap3A_817 = arith.constant 0 : index
      %swap3A_818 = arith.constant 4 : index
      %swap3A_819 = vector.load %arg4[%swap3A_817, %swap3A_818] : memref<256x128xi32, #tpu.memory_space<vmem>>, vector<256x1xi32>
      tpu.vector_store %arg4[%swap3A_817, %swap3A_818], %broadcast_in_dim3A_816 {strides = array<i32>} : memref<256x128xi32, #tpu.memory_space<vmem>>, vector<256x1xi32>,
      %jit3A_820 = arith.constant -3.000000e+38 : f32
      %broadcast_in_dim3A_821 = vector.broadcast %jit3A_820 : f32 to vector<256x1280xf32>
      %select_n3A_822 = arith.select %eq3A_807, %broadcast_in_dim3A_821, %get3A_794 : vector<256x1280xi1>, vector<256x1280xf32>
      %swap3A_823 = arith.constant 0 : index
      %swap3A_824 = arith.constant 0 : index
      %swap3A_825 = vector.load %arg7[%swap3A_823, %swap3A_824] : memref<256x1280xf32, #tpu.memory_space<vmem>>, vector<256x1280xf32>
      tpu.vector_store %arg7[%swap3A_823, %swap3A_824], %select_n3A_822 {strides = array<i32>} : memref<256x1280xf32, #tpu.memory_space<vmem>>, vector<256x1280xf32>,
      %get3A_826 = arith.constant 0 : index
      %get3A_827 = arith.constant 0 : index
      %get3A_828 = vector.load %arg7[%get3A_826, %get3A_827] : memref<256x1280xf32, #tpu.memory_space<vmem>>, vector<256x1280xf32>
      %reduce_max3A_829 = arith.constant dense<0xFF800000> : vector<256xf32>
      %reduce_max3A_830 = vector.multi_reduction <maximumf>, %get3A_828, %reduce_max3A_829 [1] : vector<256x1280xf32> to vector<256xf32>
      %broadcast_in_dim3A_831 = vector.shape_cast %reduce_max3A_830 : vector<256xf32> to vector<256x1xf32>
      %eq3A_832 = vector.broadcast %broadcast_in_dim3A_831 : vector<256x1xf32> to vector<256x1280xf32>
      %eq3A_833 = arith.cmpf oeq, %get3A_828, %eq3A_832 : vector<256x1280xf32>
      %jit3A_834 = arith.constant 1073741824 : i32
      %broadcast_in_dim3A_835 = vector.broadcast %jit3A_834 : i32 to vector<256x1280xi32>
      %select_n3A_836 = arith.select %eq3A_833, %iota3A_658, %broadcast_in_dim3A_835 : vector<256x1280xi1>, vector<256x1280xi32>
      %reduce_min3A_837 = arith.constant dense<2147483647> : vector<256xi32>
      %reduce_min3A_838 = vector.multi_reduction <minsi>, %select_n3A_836, %reduce_min3A_837 [1] : vector<256x1280xi32> to vector<256xi32>
      %broadcast_in_dim3A_839 = vector.shape_cast %reduce_min3A_838 : vector<256xi32> to vector<256x1xi32>
      %eq3A_840 = vector.broadcast %broadcast_in_dim3A_839 : vector<256x1xi32> to vector<256x1280xi32>
      %eq3A_841 = arith.cmpi eq, %iota3A_658, %eq3A_840 : vector<256x1280xi32>
      %get3A_842 = arith.constant 0 : index
      %get3A_843 = arith.constant 0 : index
      %get3A_844 = vector.load %arg8[%get3A_842, %get3A_843] : memref<256x1280xi32, #tpu.memory_space<vmem>>, vector<256x1280xi32>
      %jit3A_845 = arith.constant 0 : i32
      %broadcast_in_dim3A_846 = vector.broadcast %jit3A_845 : i32 to vector<256x1280xi32>
      %select_n3A_847 = arith.select %eq3A_841, %get3A_844, %broadcast_in_dim3A_846 : vector<256x1280xi1>, vector<256x1280xi32>
      %reduce_sum3A_848 = arith.constant dense<0> : vector<256xi32>
      %reduce_sum3A_849 = vector.multi_reduction <add>, %select_n3A_847, %reduce_sum3A_848 [1] : vector<256x1280xi32> to vector<256xi32>
      %broadcast_in_dim3A_850 = vector.shape_cast %reduce_sum3A_849 : vector<256xi32> to vector<256x1xi32>
      %swap3A_851 = arith.constant 0 : index
      %swap3A_852 = arith.constant 5 : index
      %swap3A_853 = vector.load %arg4[%swap3A_851, %swap3A_852] : memref<256x128xi32, #tpu.memory_space<vmem>>, vector<256x1xi32>
      tpu.vector_store %arg4[%swap3A_851, %swap3A_852], %broadcast_in_dim3A_850 {strides = array<i32>} : memref<256x128xi32, #tpu.memory_space<vmem>>, vector<256x1xi32>,
      %jit3A_854 = arith.constant -3.000000e+38 : f32
      %broadcast_in_dim3A_855 = vector.broadcast %jit3A_854 : f32 to vector<256x1280xf32>
      %select_n3A_856 = arith.select %eq3A_841, %broadcast_in_dim3A_855, %get3A_828 : vector<256x1280xi1>, vector<256x1280xf32>
      %swap3A_857 = arith.constant 0 : index
      %swap3A_858 = arith.constant 0 : index
      %swap3A_859 = vector.load %arg7[%swap3A_857, %swap3A_858] : memref<256x1280xf32, #tpu.memory_space<vmem>>, vector<256x1280xf32>
      tpu.vector_store %arg7[%swap3A_857, %swap3A_858], %select_n3A_856 {strides = array<i32>} : memref<256x1280xf32, #tpu.memory_space<vmem>>, vector<256x1280xf32>,
      %get3A_860 = arith.constant 0 : index
      %get3A_861 = arith.constant 0 : index
      %get3A_862 = vector.load %arg7[%get3A_860, %get3A_861] : memref<256x1280xf32, #tpu.memory_space<vmem>>, vector<256x1280xf32>
      %reduce_max3A_863 = arith.constant dense<0xFF800000> : vector<256xf32>
      %reduce_max3A_864 = vector.multi_reduction <maximumf>, %get3A_862, %reduce_max3A_863 [1] : vector<256x1280xf32> to vector<256xf32>
      %broadcast_in_dim3A_865 = vector.shape_cast %reduce_max3A_864 : vector<256xf32> to vector<256x1xf32>
      %eq3A_866 = vector.broadcast %broadcast_in_dim3A_865 : vector<256x1xf32> to vector<256x1280xf32>
      %eq3A_867 = arith.cmpf oeq, %get3A_862, %eq3A_866 : vector<256x1280xf32>
      %jit3A_868 = arith.constant 1073741824 : i32
      %broadcast_in_dim3A_869 = vector.broadcast %jit3A_868 : i32 to vector<256x1280xi32>
      %select_n3A_870 = arith.select %eq3A_867, %iota3A_658, %broadcast_in_dim3A_869 : vector<256x1280xi1>, vector<256x1280xi32>
      %reduce_min3A_871 = arith.constant dense<2147483647> : vector<256xi32>
      %reduce_min3A_872 = vector.multi_reduction <minsi>, %select_n3A_870, %reduce_min3A_871 [1] : vector<256x1280xi32> to vector<256xi32>
      %broadcast_in_dim3A_873 = vector.shape_cast %reduce_min3A_872 : vector<256xi32> to vector<256x1xi32>
      %eq3A_874 = vector.broadcast %broadcast_in_dim3A_873 : vector<256x1xi32> to vector<256x1280xi32>
      %eq3A_875 = arith.cmpi eq, %iota3A_658, %eq3A_874 : vector<256x1280xi32>
      %get3A_876 = arith.constant 0 : index
      %get3A_877 = arith.constant 0 : index
      %get3A_878 = vector.load %arg8[%get3A_876, %get3A_877] : memref<256x1280xi32, #tpu.memory_space<vmem>>, vector<256x1280xi32>
      %jit3A_879 = arith.constant 0 : i32
      %broadcast_in_dim3A_880 = vector.broadcast %jit3A_879 : i32 to vector<256x1280xi32>
      %select_n3A_881 = arith.select %eq3A_875, %get3A_878, %broadcast_in_dim3A_880 : vector<256x1280xi1>, vector<256x1280xi32>
      %reduce_sum3A_882 = arith.constant dense<0> : vector<256xi32>
      %reduce_sum3A_883 = vector.multi_reduction <add>, %select_n3A_881, %reduce_sum3A_882 [1] : vector<256x1280xi32> to vector<256xi32>
      %broadcast_in_dim3A_884 = vector.shape_cast %reduce_sum3A_883 : vector<256xi32> to vector<256x1xi32>
      %swap3A_885 = arith.constant 0 : index
      %swap3A_886 = arith.constant 6 : index
      %swap3A_887 = vector.load %arg4[%swap3A_885, %swap3A_886] : memref<256x128xi32, #tpu.memory_space<vmem>>, vector<256x1xi32>
      tpu.vector_store %arg4[%swap3A_885, %swap3A_886], %broadcast_in_dim3A_884 {strides = array<i32>} : memref<256x128xi32, #tpu.memory_space<vmem>>, vector<256x1xi32>,
      %jit3A_888 = arith.constant -3.000000e+38 : f32
      %broadcast_in_dim3A_889 = vector.broadcast %jit3A_888 : f32 to vector<256x1280xf32>
      %select_n3A_890 = arith.select %eq3A_875, %broadcast_in_dim3A_889, %get3A_862 : vector<256x1280xi1>, vector<256x1280xf32>
      %swap3A_891 = arith.constant 0 : index
      %swap3A_892 = arith.constant 0 : index
      %swap3A_893 = vector.load %arg7[%swap3A_891, %swap3A_892] : memref<256x1280xf32, #tpu.memory_space<vmem>>, vector<256x1280xf32>
      tpu.vector_store %arg7[%swap3A_891, %swap3A_892], %select_n3A_890 {strides = array<i32>} : memref<256x1280xf32, #tpu.memory_space<vmem>>, vector<256x1280xf32>,
      %get3A_894 = arith.constant 0 : index
      %get3A_895 = arith.constant 0 : index
      %get3A_896 = vector.load %arg7[%get3A_894, %get3A_895] : memref<256x1280xf32, #tpu.memory_space<vmem>>, vector<256x1280xf32>
      %reduce_max3A_897 = arith.constant dense<0xFF800000> : vector<256xf32>
      %reduce_max3A_898 = vector.multi_reduction <maximumf>, %get3A_896, %reduce_max3A_897 [1] : vector<256x1280xf32> to vector<256xf32>
      %broadcast_in_dim3A_899 = vector.shape_cast %reduce_max3A_898 : vector<256xf32> to vector<256x1xf32>
      %eq3A_900 = vector.broadcast %broadcast_in_dim3A_899 : vector<256x1xf32> to vector<256x1280xf32>
      %eq3A_901 = arith.cmpf oeq, %get3A_896, %eq3A_900 : vector<256x1280xf32>
      %jit3A_902 = arith.constant 1073741824 : i32
      %broadcast_in_dim3A_903 = vector.broadcast %jit3A_902 : i32 to vector<256x1280xi32>
      %select_n3A_904 = arith.select %eq3A_901, %iota3A_658, %broadcast_in_dim3A_903 : vector<256x1280xi1>, vector<256x1280xi32>
      %reduce_min3A_905 = arith.constant dense<2147483647> : vector<256xi32>
      %reduce_min3A_906 = vector.multi_reduction <minsi>, %select_n3A_904, %reduce_min3A_905 [1] : vector<256x1280xi32> to vector<256xi32>
      %broadcast_in_dim3A_907 = vector.shape_cast %reduce_min3A_906 : vector<256xi32> to vector<256x1xi32>
      %eq3A_908 = vector.broadcast %broadcast_in_dim3A_907 : vector<256x1xi32> to vector<256x1280xi32>
      %eq3A_909 = arith.cmpi eq, %iota3A_658, %eq3A_908 : vector<256x1280xi32>
      %get3A_910 = arith.constant 0 : index
      %get3A_911 = arith.constant 0 : index
      %get3A_912 = vector.load %arg8[%get3A_910, %get3A_911] : memref<256x1280xi32, #tpu.memory_space<vmem>>, vector<256x1280xi32>
      %jit3A_913 = arith.constant 0 : i32
      %broadcast_in_dim3A_914 = vector.broadcast %jit3A_913 : i32 to vector<256x1280xi32>
      %select_n3A_915 = arith.select %eq3A_909, %get3A_912, %broadcast_in_dim3A_914 : vector<256x1280xi1>, vector<256x1280xi32>
      %reduce_sum3A_916 = arith.constant dense<0> : vector<256xi32>
      %reduce_sum3A_917 = vector.multi_reduction <add>, %select_n3A_915, %reduce_sum3A_916 [1] : vector<256x1280xi32> to vector<256xi32>
      %broadcast_in_dim3A_918 = vector.shape_cast %reduce_sum3A_917 : vector<256xi32> to vector<256x1xi32>
      %swap3A_919 = arith.constant 0 : index
      %swap3A_920 = arith.constant 7 : index
      %swap3A_921 = vector.load %arg4[%swap3A_919, %swap3A_920] : memref<256x128xi32, #tpu.memory_space<vmem>>, vector<256x1xi32>
      tpu.vector_store %arg4[%swap3A_919, %swap3A_920], %broadcast_in_dim3A_918 {strides = array<i32>} : memref<256x128xi32, #tpu.memory_space<vmem>>, vector<256x1xi32>,
      %jit3A_922 = arith.constant -3.000000e+38 : f32
      %broadcast_in_dim3A_923 = vector.broadcast %jit3A_922 : f32 to vector<256x1280xf32>
      %select_n3A_924 = arith.select %eq3A_909, %broadcast_in_dim3A_923, %get3A_896 : vector<256x1280xi1>, vector<256x1280xf32>
      %swap3A_925 = arith.constant 0 : index
      %swap3A_926 = arith.constant 0 : index
      %swap3A_927 = vector.load %arg7[%swap3A_925, %swap3A_926] : memref<256x1280xf32, #tpu.memory_space<vmem>>, vector<256x1280xf32>
      tpu.vector_store %arg7[%swap3A_925, %swap3A_926], %select_n3A_924 {strides = array<i32>} : memref<256x1280xf32, #tpu.memory_space<vmem>>, vector<256x1280xf32>,
      %get3A_928 = arith.constant 0 : index
      %get3A_929 = arith.constant 0 : index
      %get3A_930 = vector.load %arg7[%get3A_928, %get3A_929] : memref<256x1280xf32, #tpu.memory_space<vmem>>, vector<256x1280xf32>
      %reduce_max3A_931 = arith.constant dense<0xFF800000> : vector<256xf32>
      %reduce_max3A_932 = vector.multi_reduction <maximumf>, %get3A_930, %reduce_max3A_931 [1] : vector<256x1280xf32> to vector<256xf32>
      %broadcast_in_dim3A_933 = vector.shape_cast %reduce_max3A_932 : vector<256xf32> to vector<256x1xf32>
      %eq3A_934 = vector.broadcast %broadcast_in_dim3A_933 : vector<256x1xf32> to vector<256x1280xf32>
      %eq3A_935 = arith.cmpf oeq, %get3A_930, %eq3A_934 : vector<256x1280xf32>
      %jit3A_936 = arith.constant 1073741824 : i32
      %broadcast_in_dim3A_937 = vector.broadcast %jit3A_936 : i32 to vector<256x1280xi32>
      %select_n3A_938 = arith.select %eq3A_935, %iota3A_658, %broadcast_in_dim3A_937 : vector<256x1280xi1>, vector<256x1280xi32>
      %reduce_min3A_939 = arith.constant dense<2147483647> : vector<256xi32>
      %reduce_min3A_940 = vector.multi_reduction <minsi>, %select_n3A_938, %reduce_min3A_939 [1] : vector<256x1280xi32> to vector<256xi32>
      %broadcast_in_dim3A_941 = vector.shape_cast %reduce_min3A_940 : vector<256xi32> to vector<256x1xi32>
      %eq3A_942 = vector.broadcast %broadcast_in_dim3A_941 : vector<256x1xi32> to vector<256x1280xi32>
      %eq3A_943 = arith.cmpi eq, %iota3A_658, %eq3A_942 : vector<256x1280xi32>
      %get3A_944 = arith.constant 0 : index
      %get3A_945 = arith.constant 0 : index
      %get3A_946 = vector.load %arg8[%get3A_944, %get3A_945] : memref<256x1280xi32, #tpu.memory_space<vmem>>, vector<256x1280xi32>
      %jit3A_947 = arith.constant 0 : i32
      %broadcast_in_dim3A_948 = vector.broadcast %jit3A_947 : i32 to vector<256x1280xi32>
      %select_n3A_949 = arith.select %eq3A_943, %get3A_946, %broadcast_in_dim3A_948 : vector<256x1280xi1>, vector<256x1280xi32>
      %reduce_sum3A_950 = arith.constant dense<0> : vector<256xi32>
      %reduce_sum3A_951 = vector.multi_reduction <add>, %select_n3A_949, %reduce_sum3A_950 [1] : vector<256x1280xi32> to vector<256xi32>
      %broadcast_in_dim3A_952 = vector.shape_cast %reduce_sum3A_951 : vector<256xi32> to vector<256x1xi32>
      %swap3A_953 = arith.constant 0 : index
      %swap3A_954 = arith.constant 8 : index
      %swap3A_955 = vector.load %arg4[%swap3A_953, %swap3A_954] : memref<256x128xi32, #tpu.memory_space<vmem>>, vector<256x1xi32>
      tpu.vector_store %arg4[%swap3A_953, %swap3A_954], %broadcast_in_dim3A_952 {strides = array<i32>} : memref<256x128xi32, #tpu.memory_space<vmem>>, vector<256x1xi32>,
      %jit3A_956 = arith.constant -3.000000e+38 : f32
      %broadcast_in_dim3A_957 = vector.broadcast %jit3A_956 : f32 to vector<256x1280xf32>
      %select_n3A_958 = arith.select %eq3A_943, %broadcast_in_dim3A_957, %get3A_930 : vector<256x1280xi1>, vector<256x1280xf32>
      %swap3A_959 = arith.constant 0 : index
      %swap3A_960 = arith.constant 0 : index
      %swap3A_961 = vector.load %arg7[%swap3A_959, %swap3A_960] : memref<256x1280xf32, #tpu.memory_space<vmem>>, vector<256x1280xf32>
      tpu.vector_store %arg7[%swap3A_959, %swap3A_960], %select_n3A_958 {strides = array<i32>} : memref<256x1280xf32, #tpu.memory_space<vmem>>, vector<256x1280xf32>,
      %get3A_962 = arith.constant 0 : index
      %get3A_963 = arith.constant 0 : index
      %get3A_964 = vector.load %arg7[%get3A_962, %get3A_963] : memref<256x1280xf32, #tpu.memory_space<vmem>>, vector<256x1280xf32>
      %reduce_max3A_965 = arith.constant dense<0xFF800000> : vector<256xf32>
      %reduce_max3A_966 = vector.multi_reduction <maximumf>, %get3A_964, %reduce_max3A_965 [1] : vector<256x1280xf32> to vector<256xf32>
      %broadcast_in_dim3A_967 = vector.shape_cast %reduce_max3A_966 : vector<256xf32> to vector<256x1xf32>
      %eq3A_968 = vector.broadcast %broadcast_in_dim3A_967 : vector<256x1xf32> to vector<256x1280xf32>
      %eq3A_969 = arith.cmpf oeq, %get3A_964, %eq3A_968 : vector<256x1280xf32>
      %jit3A_970 = arith.constant 1073741824 : i32
      %broadcast_in_dim3A_971 = vector.broadcast %jit3A_970 : i32 to vector<256x1280xi32>
      %select_n3A_972 = arith.select %eq3A_969, %iota3A_658, %broadcast_in_dim3A_971 : vector<256x1280xi1>, vector<256x1280xi32>
      %reduce_min3A_973 = arith.constant dense<2147483647> : vector<256xi32>
      %reduce_min3A_974 = vector.multi_reduction <minsi>, %select_n3A_972, %reduce_min3A_973 [1] : vector<256x1280xi32> to vector<256xi32>
      %broadcast_in_dim3A_975 = vector.shape_cast %reduce_min3A_974 : vector<256xi32> to vector<256x1xi32>
      %eq3A_976 = vector.broadcast %broadcast_in_dim3A_975 : vector<256x1xi32> to vector<256x1280xi32>
      %eq3A_977 = arith.cmpi eq, %iota3A_658, %eq3A_976 : vector<256x1280xi32>
      %get3A_978 = arith.constant 0 : index
      %get3A_979 = arith.constant 0 : index
      %get3A_980 = vector.load %arg8[%get3A_978, %get3A_979] : memref<256x1280xi32, #tpu.memory_space<vmem>>, vector<256x1280xi32>
      %jit3A_981 = arith.constant 0 : i32
      %broadcast_in_dim3A_982 = vector.broadcast %jit3A_981 : i32 to vector<256x1280xi32>
      %select_n3A_983 = arith.select %eq3A_977, %get3A_980, %broadcast_in_dim3A_982 : vector<256x1280xi1>, vector<256x1280xi32>
      %reduce_sum3A_984 = arith.constant dense<0> : vector<256xi32>
      %reduce_sum3A_985 = vector.multi_reduction <add>, %select_n3A_983, %reduce_sum3A_984 [1] : vector<256x1280xi32> to vector<256xi32>
      %broadcast_in_dim3A_986 = vector.shape_cast %reduce_sum3A_985 : vector<256xi32> to vector<256x1xi32>
      %swap3A_987 = arith.constant 0 : index
      %swap3A_988 = arith.constant 9 : index
      %swap3A_989 = vector.load %arg4[%swap3A_987, %swap3A_988] : memref<256x128xi32, #tpu.memory_space<vmem>>, vector<256x1xi32>
      tpu.vector_store %arg4[%swap3A_987, %swap3A_988], %broadcast_in_dim3A_986 {strides = array<i32>} : memref<256x128xi32, #tpu.memory_space<vmem>>, vector<256x1xi32>,
      %jit3A_990 = arith.constant -3.000000e+38 : f32
      %broadcast_in_dim3A_991 = vector.broadcast %jit3A_990 : f32 to vector<256x1280xf32>
      %select_n3A_992 = arith.select %eq3A_977, %broadcast_in_dim3A_991, %get3A_964 : vector<256x1280xi1>, vector<256x1280xf32>
      %swap3A_993 = arith.constant 0 : index
      %swap3A_994 = arith.constant 0 : index
      %swap3A_995 = vector.load %arg7[%swap3A_993, %swap3A_994] : memref<256x1280xf32, #tpu.memory_space<vmem>>, vector<256x1280xf32>
      tpu.vector_store %arg7[%swap3A_993, %swap3A_994], %select_n3A_992 {strides = array<i32>} : memref<256x1280xf32, #tpu.memory_space<vmem>>, vector<256x1280xf32>,
      %get3A_996 = arith.constant 0 : index
      %get3A_997 = arith.constant 0 : index
      %get3A_998 = vector.load %arg7[%get3A_996, %get3A_997] : memref<256x1280xf32, #tpu.memory_space<vmem>>, vector<256x1280xf32>
      %reduce_max3A_999 = arith.constant dense<0xFF800000> : vector<256xf32>
      %reduce_max3A_1000 = vector.multi_reduction <maximumf>, %get3A_998, %reduce_max3A_999 [1] : vector<256x1280xf32> to vector<256xf32>
      %broadcast_in_dim3A_1001 = vector.shape_cast %reduce_max3A_1000 : vector<256xf32> to vector<256x1xf32>
      %eq3A_1002 = vector.broadcast %broadcast_in_dim3A_1001 : vector<256x1xf32> to vector<256x1280xf32>
      %eq3A_1003 = arith.cmpf oeq, %get3A_998, %eq3A_1002 : vector<256x1280xf32>
      %jit3A_1004 = arith.constant 1073741824 : i32
      %broadcast_in_dim3A_1005 = vector.broadcast %jit3A_1004 : i32 to vector<256x1280xi32>
      %select_n3A_1006 = arith.select %eq3A_1003, %iota3A_658, %broadcast_in_dim3A_1005 : vector<256x1280xi1>, vector<256x1280xi32>
      %reduce_min3A_1007 = arith.constant dense<2147483647> : vector<256xi32>
      %reduce_min3A_1008 = vector.multi_reduction <minsi>, %select_n3A_1006, %reduce_min3A_1007 [1] : vector<256x1280xi32> to vector<256xi32>
      %broadcast_in_dim3A_1009 = vector.shape_cast %reduce_min3A_1008 : vector<256xi32> to vector<256x1xi32>
      %eq3A_1010 = vector.broadcast %broadcast_in_dim3A_1009 : vector<256x1xi32> to vector<256x1280xi32>
      %eq3A_1011 = arith.cmpi eq, %iota3A_658, %eq3A_1010 : vector<256x1280xi32>
      %get3A_1012 = arith.constant 0 : index
      %get3A_1013 = arith.constant 0 : index
      %get3A_1014 = vector.load %arg8[%get3A_1012, %get3A_1013] : memref<256x1280xi32, #tpu.memory_space<vmem>>, vector<256x1280xi32>
      %jit3A_1015 = arith.constant 0 : i32
      %broadcast_in_dim3A_1016 = vector.broadcast %jit3A_1015 : i32 to vector<256x1280xi32>
      %select_n3A_1017 = arith.select %eq3A_1011, %get3A_1014, %broadcast_in_dim3A_1016 : vector<256x1280xi1>, vector<256x1280xi32>
      %reduce_sum3A_1018 = arith.constant dense<0> : vector<256xi32>
      %reduce_sum3A_1019 = vector.multi_reduction <add>, %select_n3A_1017, %reduce_sum3A_1018 [1] : vector<256x1280xi32> to vector<256xi32>
      %broadcast_in_dim3A_1020 = vector.shape_cast %reduce_sum3A_1019 : vector<256xi32> to vector<256x1xi32>
      %swap3A_1021 = arith.constant 0 : index
      %swap3A_1022 = arith.constant 10 : index
      %swap3A_1023 = vector.load %arg4[%swap3A_1021, %swap3A_1022] : memref<256x128xi32, #tpu.memory_space<vmem>>, vector<256x1xi32>
      tpu.vector_store %arg4[%swap3A_1021, %swap3A_1022], %broadcast_in_dim3A_1020 {strides = array<i32>} : memref<256x128xi32, #tpu.memory_space<vmem>>, vector<256x1xi32>,
      %jit3A_1024 = arith.constant -3.000000e+38 : f32
      %broadcast_in_dim3A_1025 = vector.broadcast %jit3A_1024 : f32 to vector<256x1280xf32>
      %select_n3A_1026 = arith.select %eq3A_1011, %broadcast_in_dim3A_1025, %get3A_998 : vector<256x1280xi1>, vector<256x1280xf32>
      %swap3A_1027 = arith.constant 0 : index
      %swap3A_1028 = arith.constant 0 : index
      %swap3A_1029 = vector.load %arg7[%swap3A_1027, %swap3A_1028] : memref<256x1280xf32, #tpu.memory_space<vmem>>, vector<256x1280xf32>
      tpu.vector_store %arg7[%swap3A_1027, %swap3A_1028], %select_n3A_1026 {strides = array<i32>} : memref<256x1280xf32, #tpu.memory_space<vmem>>, vector<256x1280xf32>,
      %get3A_1030 = arith.constant 0 : index
      %get3A_1031 = arith.constant 0 : index
      %get3A_1032 = vector.load %arg7[%get3A_1030, %get3A_1031] : memref<256x1280xf32, #tpu.memory_space<vmem>>, vector<256x1280xf32>
      %reduce_max3A_1033 = arith.constant dense<0xFF800000> : vector<256xf32>
      %reduce_max3A_1034 = vector.multi_reduction <maximumf>, %get3A_1032, %reduce_max3A_1033 [1] : vector<256x1280xf32> to vector<256xf32>
      %broadcast_in_dim3A_1035 = vector.shape_cast %reduce_max3A_1034 : vector<256xf32> to vector<256x1xf32>
      %eq3A_1036 = vector.broadcast %broadcast_in_dim3A_1035 : vector<256x1xf32> to vector<256x1280xf32>
      %eq3A_1037 = arith.cmpf oeq, %get3A_1032, %eq3A_1036 : vector<256x1280xf32>
      %jit3A_1038 = arith.constant 1073741824 : i32
      %broadcast_in_dim3A_1039 = vector.broadcast %jit3A_1038 : i32 to vector<256x1280xi32>
      %select_n3A_1040 = arith.select %eq3A_1037, %iota3A_658, %broadcast_in_dim3A_1039 : vector<256x1280xi1>, vector<256x1280xi32>
      %reduce_min3A_1041 = arith.constant dense<2147483647> : vector<256xi32>
      %reduce_min3A_1042 = vector.multi_reduction <minsi>, %select_n3A_1040, %reduce_min3A_1041 [1] : vector<256x1280xi32> to vector<256xi32>
      %broadcast_in_dim3A_1043 = vector.shape_cast %reduce_min3A_1042 : vector<256xi32> to vector<256x1xi32>
      %eq3A_1044 = vector.broadcast %broadcast_in_dim3A_1043 : vector<256x1xi32> to vector<256x1280xi32>
      %eq3A_1045 = arith.cmpi eq, %iota3A_658, %eq3A_1044 : vector<256x1280xi32>
      %get3A_1046 = arith.constant 0 : index
      %get3A_1047 = arith.constant 0 : index
      %get3A_1048 = vector.load %arg8[%get3A_1046, %get3A_1047] : memref<256x1280xi32, #tpu.memory_space<vmem>>, vector<256x1280xi32>
      %jit3A_1049 = arith.constant 0 : i32
      %broadcast_in_dim3A_1050 = vector.broadcast %jit3A_1049 : i32 to vector<256x1280xi32>
      %select_n3A_1051 = arith.select %eq3A_1045, %get3A_1048, %broadcast_in_dim3A_1050 : vector<256x1280xi1>, vector<256x1280xi32>
      %reduce_sum3A_1052 = arith.constant dense<0> : vector<256xi32>
      %reduce_sum3A_1053 = vector.multi_reduction <add>, %select_n3A_1051, %reduce_sum3A_1052 [1] : vector<256x1280xi32> to vector<256xi32>
      %broadcast_in_dim3A_1054 = vector.shape_cast %reduce_sum3A_1053 : vector<256xi32> to vector<256x1xi32>
      %swap3A_1055 = arith.constant 0 : index
      %swap3A_1056 = arith.constant 11 : index
      %swap3A_1057 = vector.load %arg4[%swap3A_1055, %swap3A_1056] : memref<256x128xi32, #tpu.memory_space<vmem>>, vector<256x1xi32>
      tpu.vector_store %arg4[%swap3A_1055, %swap3A_1056], %broadcast_in_dim3A_1054 {strides = array<i32>} : memref<256x128xi32, #tpu.memory_space<vmem>>, vector<256x1xi32>,
      %jit3A_1058 = arith.constant -3.000000e+38 : f32
      %broadcast_in_dim3A_1059 = vector.broadcast %jit3A_1058 : f32 to vector<256x1280xf32>
      %select_n3A_1060 = arith.select %eq3A_1045, %broadcast_in_dim3A_1059, %get3A_1032 : vector<256x1280xi1>, vector<256x1280xf32>
      %swap3A_1061 = arith.constant 0 : index
      %swap3A_1062 = arith.constant 0 : index
      %swap3A_1063 = vector.load %arg7[%swap3A_1061, %swap3A_1062] : memref<256x1280xf32, #tpu.memory_space<vmem>>, vector<256x1280xf32>
      tpu.vector_store %arg7[%swap3A_1061, %swap3A_1062], %select_n3A_1060 {strides = array<i32>} : memref<256x1280xf32, #tpu.memory_space<vmem>>, vector<256x1280xf32>,
      %get3A_1064 = arith.constant 0 : index
      %get3A_1065 = arith.constant 0 : index
      %get3A_1066 = vector.load %arg7[%get3A_1064, %get3A_1065] : memref<256x1280xf32, #tpu.memory_space<vmem>>, vector<256x1280xf32>
      %reduce_max3A_1067 = arith.constant dense<0xFF800000> : vector<256xf32>
      %reduce_max3A_1068 = vector.multi_reduction <maximumf>, %get3A_1066, %reduce_max3A_1067 [1] : vector<256x1280xf32> to vector<256xf32>
      %broadcast_in_dim3A_1069 = vector.shape_cast %reduce_max3A_1068 : vector<256xf32> to vector<256x1xf32>
      %eq3A_1070 = vector.broadcast %broadcast_in_dim3A_1069 : vector<256x1xf32> to vector<256x1280xf32>
      %eq3A_1071 = arith.cmpf oeq, %get3A_1066, %eq3A_1070 : vector<256x1280xf32>
      %jit3A_1072 = arith.constant 1073741824 : i32
      %broadcast_in_dim3A_1073 = vector.broadcast %jit3A_1072 : i32 to vector<256x1280xi32>
      %select_n3A_1074 = arith.select %eq3A_1071, %iota3A_658, %broadcast_in_dim3A_1073 : vector<256x1280xi1>, vector<256x1280xi32>
      %reduce_min3A_1075 = arith.constant dense<2147483647> : vector<256xi32>
      %reduce_min3A_1076 = vector.multi_reduction <minsi>, %select_n3A_1074, %reduce_min3A_1075 [1] : vector<256x1280xi32> to vector<256xi32>
      %broadcast_in_dim3A_1077 = vector.shape_cast %reduce_min3A_1076 : vector<256xi32> to vector<256x1xi32>
      %eq3A_1078 = vector.broadcast %broadcast_in_dim3A_1077 : vector<256x1xi32> to vector<256x1280xi32>
      %eq3A_1079 = arith.cmpi eq, %iota3A_658, %eq3A_1078 : vector<256x1280xi32>
      %get3A_1080 = arith.constant 0 : index
      %get3A_1081 = arith.constant 0 : index
      %get3A_1082 = vector.load %arg8[%get3A_1080, %get3A_1081] : memref<256x1280xi32, #tpu.memory_space<vmem>>, vector<256x1280xi32>
      %jit3A_1083 = arith.constant 0 : i32
      %broadcast_in_dim3A_1084 = vector.broadcast %jit3A_1083 : i32 to vector<256x1280xi32>
      %select_n3A_1085 = arith.select %eq3A_1079, %get3A_1082, %broadcast_in_dim3A_1084 : vector<256x1280xi1>, vector<256x1280xi32>
      %reduce_sum3A_1086 = arith.constant dense<0> : vector<256xi32>
      %reduce_sum3A_1087 = vector.multi_reduction <add>, %select_n3A_1085, %reduce_sum3A_1086 [1] : vector<256x1280xi32> to vector<256xi32>
      %broadcast_in_dim3A_1088 = vector.shape_cast %reduce_sum3A_1087 : vector<256xi32> to vector<256x1xi32>
      %swap3A_1089 = arith.constant 0 : index
      %swap3A_1090 = arith.constant 12 : index
      %swap3A_1091 = vector.load %arg4[%swap3A_1089, %swap3A_1090] : memref<256x128xi32, #tpu.memory_space<vmem>>, vector<256x1xi32>
      tpu.vector_store %arg4[%swap3A_1089, %swap3A_1090], %broadcast_in_dim3A_1088 {strides = array<i32>} : memref<256x128xi32, #tpu.memory_space<vmem>>, vector<256x1xi32>,
      %jit3A_1092 = arith.constant -3.000000e+38 : f32
      %broadcast_in_dim3A_1093 = vector.broadcast %jit3A_1092 : f32 to vector<256x1280xf32>
      %select_n3A_1094 = arith.select %eq3A_1079, %broadcast_in_dim3A_1093, %get3A_1066 : vector<256x1280xi1>, vector<256x1280xf32>
      %swap3A_1095 = arith.constant 0 : index
      %swap3A_1096 = arith.constant 0 : index
      %swap3A_1097 = vector.load %arg7[%swap3A_1095, %swap3A_1096] : memref<256x1280xf32, #tpu.memory_space<vmem>>, vector<256x1280xf32>
      tpu.vector_store %arg7[%swap3A_1095, %swap3A_1096], %select_n3A_1094 {strides = array<i32>} : memref<256x1280xf32, #tpu.memory_space<vmem>>, vector<256x1280xf32>,
      %get3A_1098 = arith.constant 0 : index
      %get3A_1099 = arith.constant 0 : index
      %get3A_1100 = vector.load %arg7[%get3A_1098, %get3A_1099] : memref<256x1280xf32, #tpu.memory_space<vmem>>, vector<256x1280xf32>
      %reduce_max3A_1101 = arith.constant dense<0xFF800000> : vector<256xf32>
      %reduce_max3A_1102 = vector.multi_reduction <maximumf>, %get3A_1100, %reduce_max3A_1101 [1] : vector<256x1280xf32> to vector<256xf32>
      %broadcast_in_dim3A_1103 = vector.shape_cast %reduce_max3A_1102 : vector<256xf32> to vector<256x1xf32>
      %eq3A_1104 = vector.broadcast %broadcast_in_dim3A_1103 : vector<256x1xf32> to vector<256x1280xf32>
      %eq3A_1105 = arith.cmpf oeq, %get3A_1100, %eq3A_1104 : vector<256x1280xf32>
      %jit3A_1106 = arith.constant 1073741824 : i32
      %broadcast_in_dim3A_1107 = vector.broadcast %jit3A_1106 : i32 to vector<256x1280xi32>
      %select_n3A_1108 = arith.select %eq3A_1105, %iota3A_658, %broadcast_in_dim3A_1107 : vector<256x1280xi1>, vector<256x1280xi32>
      %reduce_min3A_1109 = arith.constant dense<2147483647> : vector<256xi32>
      %reduce_min3A_1110 = vector.multi_reduction <minsi>, %select_n3A_1108, %reduce_min3A_1109 [1] : vector<256x1280xi32> to vector<256xi32>
      %broadcast_in_dim3A_1111 = vector.shape_cast %reduce_min3A_1110 : vector<256xi32> to vector<256x1xi32>
      %eq3A_1112 = vector.broadcast %broadcast_in_dim3A_1111 : vector<256x1xi32> to vector<256x1280xi32>
      %eq3A_1113 = arith.cmpi eq, %iota3A_658, %eq3A_1112 : vector<256x1280xi32>
      %get3A_1114 = arith.constant 0 : index
      %get3A_1115 = arith.constant 0 : index
      %get3A_1116 = vector.load %arg8[%get3A_1114, %get3A_1115] : memref<256x1280xi32, #tpu.memory_space<vmem>>, vector<256x1280xi32>
      %jit3A_1117 = arith.constant 0 : i32
      %broadcast_in_dim3A_1118 = vector.broadcast %jit3A_1117 : i32 to vector<256x1280xi32>
      %select_n3A_1119 = arith.select %eq3A_1113, %get3A_1116, %broadcast_in_dim3A_1118 : vector<256x1280xi1>, vector<256x1280xi32>
      %reduce_sum3A_1120 = arith.constant dense<0> : vector<256xi32>
      %reduce_sum3A_1121 = vector.multi_reduction <add>, %select_n3A_1119, %reduce_sum3A_1120 [1] : vector<256x1280xi32> to vector<256xi32>
      %broadcast_in_dim3A_1122 = vector.shape_cast %reduce_sum3A_1121 : vector<256xi32> to vector<256x1xi32>
      %swap3A_1123 = arith.constant 0 : index
      %swap3A_1124 = arith.constant 13 : index
      %swap3A_1125 = vector.load %arg4[%swap3A_1123, %swap3A_1124] : memref<256x128xi32, #tpu.memory_space<vmem>>, vector<256x1xi32>
      tpu.vector_store %arg4[%swap3A_1123, %swap3A_1124], %broadcast_in_dim3A_1122 {strides = array<i32>} : memref<256x128xi32, #tpu.memory_space<vmem>>, vector<256x1xi32>,
      %jit3A_1126 = arith.constant -3.000000e+38 : f32
      %broadcast_in_dim3A_1127 = vector.broadcast %jit3A_1126 : f32 to vector<256x1280xf32>
      %select_n3A_1128 = arith.select %eq3A_1113, %broadcast_in_dim3A_1127, %get3A_1100 : vector<256x1280xi1>, vector<256x1280xf32>
      %swap3A_1129 = arith.constant 0 : index
      %swap3A_1130 = arith.constant 0 : index
      %swap3A_1131 = vector.load %arg7[%swap3A_1129, %swap3A_1130] : memref<256x1280xf32, #tpu.memory_space<vmem>>, vector<256x1280xf32>
      tpu.vector_store %arg7[%swap3A_1129, %swap3A_1130], %select_n3A_1128 {strides = array<i32>} : memref<256x1280xf32, #tpu.memory_space<vmem>>, vector<256x1280xf32>,
      %get3A_1132 = arith.constant 0 : index
      %get3A_1133 = arith.constant 0 : index
      %get3A_1134 = vector.load %arg7[%get3A_1132, %get3A_1133] : memref<256x1280xf32, #tpu.memory_space<vmem>>, vector<256x1280xf32>
      %reduce_max3A_1135 = arith.constant dense<0xFF800000> : vector<256xf32>
      %reduce_max3A_1136 = vector.multi_reduction <maximumf>, %get3A_1134, %reduce_max3A_1135 [1] : vector<256x1280xf32> to vector<256xf32>
      %broadcast_in_dim3A_1137 = vector.shape_cast %reduce_max3A_1136 : vector<256xf32> to vector<256x1xf32>
      %eq3A_1138 = vector.broadcast %broadcast_in_dim3A_1137 : vector<256x1xf32> to vector<256x1280xf32>
      %eq3A_1139 = arith.cmpf oeq, %get3A_1134, %eq3A_1138 : vector<256x1280xf32>
      %jit3A_1140 = arith.constant 1073741824 : i32
      %broadcast_in_dim3A_1141 = vector.broadcast %jit3A_1140 : i32 to vector<256x1280xi32>
      %select_n3A_1142 = arith.select %eq3A_1139, %iota3A_658, %broadcast_in_dim3A_1141 : vector<256x1280xi1>, vector<256x1280xi32>
      %reduce_min3A_1143 = arith.constant dense<2147483647> : vector<256xi32>
      %reduce_min3A_1144 = vector.multi_reduction <minsi>, %select_n3A_1142, %reduce_min3A_1143 [1] : vector<256x1280xi32> to vector<256xi32>
      %broadcast_in_dim3A_1145 = vector.shape_cast %reduce_min3A_1144 : vector<256xi32> to vector<256x1xi32>
      %eq3A_1146 = vector.broadcast %broadcast_in_dim3A_1145 : vector<256x1xi32> to vector<256x1280xi32>
      %eq3A_1147 = arith.cmpi eq, %iota3A_658, %eq3A_1146 : vector<256x1280xi32>
      %get3A_1148 = arith.constant 0 : index
      %get3A_1149 = arith.constant 0 : index
      %get3A_1150 = vector.load %arg8[%get3A_1148, %get3A_1149] : memref<256x1280xi32, #tpu.memory_space<vmem>>, vector<256x1280xi32>
      %jit3A_1151 = arith.constant 0 : i32
      %broadcast_in_dim3A_1152 = vector.broadcast %jit3A_1151 : i32 to vector<256x1280xi32>
      %select_n3A_1153 = arith.select %eq3A_1147, %get3A_1150, %broadcast_in_dim3A_1152 : vector<256x1280xi1>, vector<256x1280xi32>
      %reduce_sum3A_1154 = arith.constant dense<0> : vector<256xi32>
      %reduce_sum3A_1155 = vector.multi_reduction <add>, %select_n3A_1153, %reduce_sum3A_1154 [1] : vector<256x1280xi32> to vector<256xi32>
      %broadcast_in_dim3A_1156 = vector.shape_cast %reduce_sum3A_1155 : vector<256xi32> to vector<256x1xi32>
      %swap3A_1157 = arith.constant 0 : index
      %swap3A_1158 = arith.constant 14 : index
      %swap3A_1159 = vector.load %arg4[%swap3A_1157, %swap3A_1158] : memref<256x128xi32, #tpu.memory_space<vmem>>, vector<256x1xi32>
      tpu.vector_store %arg4[%swap3A_1157, %swap3A_1158], %broadcast_in_dim3A_1156 {strides = array<i32>} : memref<256x128xi32, #tpu.memory_space<vmem>>, vector<256x1xi32>,
      %jit3A_1160 = arith.constant -3.000000e+38 : f32
      %broadcast_in_dim3A_1161 = vector.broadcast %jit3A_1160 : f32 to vector<256x1280xf32>
      %select_n3A_1162 = arith.select %eq3A_1147, %broadcast_in_dim3A_1161, %get3A_1134 : vector<256x1280xi1>, vector<256x1280xf32>
      %swap3A_1163 = arith.constant 0 : index
      %swap3A_1164 = arith.constant 0 : index
      %swap3A_1165 = vector.load %arg7[%swap3A_1163, %swap3A_1164] : memref<256x1280xf32, #tpu.memory_space<vmem>>, vector<256x1280xf32>
      tpu.vector_store %arg7[%swap3A_1163, %swap3A_1164], %select_n3A_1162 {strides = array<i32>} : memref<256x1280xf32, #tpu.memory_space<vmem>>, vector<256x1280xf32>,
      %get3A_1166 = arith.constant 0 : index
      %get3A_1167 = arith.constant 0 : index
      %get3A_1168 = vector.load %arg7[%get3A_1166, %get3A_1167] : memref<256x1280xf32, #tpu.memory_space<vmem>>, vector<256x1280xf32>
      %reduce_max3A_1169 = arith.constant dense<0xFF800000> : vector<256xf32>
      %reduce_max3A_1170 = vector.multi_reduction <maximumf>, %get3A_1168, %reduce_max3A_1169 [1] : vector<256x1280xf32> to vector<256xf32>
      %broadcast_in_dim3A_1171 = vector.shape_cast %reduce_max3A_1170 : vector<256xf32> to vector<256x1xf32>
      %eq3A_1172 = vector.broadcast %broadcast_in_dim3A_1171 : vector<256x1xf32> to vector<256x1280xf32>
      %eq3A_1173 = arith.cmpf oeq, %get3A_1168, %eq3A_1172 : vector<256x1280xf32>
      %jit3A_1174 = arith.constant 1073741824 : i32
      %broadcast_in_dim3A_1175 = vector.broadcast %jit3A_1174 : i32 to vector<256x1280xi32>
      %select_n3A_1176 = arith.select %eq3A_1173, %iota3A_658, %broadcast_in_dim3A_1175 : vector<256x1280xi1>, vector<256x1280xi32>
      %reduce_min3A_1177 = arith.constant dense<2147483647> : vector<256xi32>
      %reduce_min3A_1178 = vector.multi_reduction <minsi>, %select_n3A_1176, %reduce_min3A_1177 [1] : vector<256x1280xi32> to vector<256xi32>
      %broadcast_in_dim3A_1179 = vector.shape_cast %reduce_min3A_1178 : vector<256xi32> to vector<256x1xi32>
      %eq3A_1180 = vector.broadcast %broadcast_in_dim3A_1179 : vector<256x1xi32> to vector<256x1280xi32>
      %eq3A_1181 = arith.cmpi eq, %iota3A_658, %eq3A_1180 : vector<256x1280xi32>
      %get3A_1182 = arith.constant 0 : index
      %get3A_1183 = arith.constant 0 : index
      %get3A_1184 = vector.load %arg8[%get3A_1182, %get3A_1183] : memref<256x1280xi32, #tpu.memory_space<vmem>>, vector<256x1280xi32>
      %jit3A_1185 = arith.constant 0 : i32
      %broadcast_in_dim3A_1186 = vector.broadcast %jit3A_1185 : i32 to vector<256x1280xi32>
      %select_n3A_1187 = arith.select %eq3A_1181, %get3A_1184, %broadcast_in_dim3A_1186 : vector<256x1280xi1>, vector<256x1280xi32>
      %reduce_sum3A_1188 = arith.constant dense<0> : vector<256xi32>
      %reduce_sum3A_1189 = vector.multi_reduction <add>, %select_n3A_1187, %reduce_sum3A_1188 [1] : vector<256x1280xi32> to vector<256xi32>
      %broadcast_in_dim3A_1190 = vector.shape_cast %reduce_sum3A_1189 : vector<256xi32> to vector<256x1xi32>
      %swap3A_1191 = arith.constant 0 : index
      %swap3A_1192 = arith.constant 15 : index
      %swap3A_1193 = vector.load %arg4[%swap3A_1191, %swap3A_1192] : memref<256x128xi32, #tpu.memory_space<vmem>>, vector<256x1xi32>
      tpu.vector_store %arg4[%swap3A_1191, %swap3A_1192], %broadcast_in_dim3A_1190 {strides = array<i32>} : memref<256x128xi32, #tpu.memory_space<vmem>>, vector<256x1xi32>,
      %jit3A_1194 = arith.constant -3.000000e+38 : f32
      %broadcast_in_dim3A_1195 = vector.broadcast %jit3A_1194 : f32 to vector<256x1280xf32>
      %select_n3A_1196 = arith.select %eq3A_1181, %broadcast_in_dim3A_1195, %get3A_1168 : vector<256x1280xi1>, vector<256x1280xf32>
      %swap3A_1197 = arith.constant 0 : index
      %swap3A_1198 = arith.constant 0 : index
      %swap3A_1199 = vector.load %arg7[%swap3A_1197, %swap3A_1198] : memref<256x1280xf32, #tpu.memory_space<vmem>>, vector<256x1280xf32>
      tpu.vector_store %arg7[%swap3A_1197, %swap3A_1198], %select_n3A_1196 {strides = array<i32>} : memref<256x1280xf32, #tpu.memory_space<vmem>>, vector<256x1280xf32>,
    } else {
    }
    return
  }
  func.func @transform_0(%arg0: i32, %arg1: i32) -> (i32, i32) {
    %c0_i32 = arith.constant 0 : i32
    %c0_i32_0 = arith.constant 0 : i32
    return %arg0, %c0_i32 : i32, i32
  }
  func.func @transform_1(%arg0: i32, %arg1: i32) -> (i32, i32) {
    %c0_i32 = arith.constant 0 : i32
    %c0_i32_0 = arith.constant 0 : i32
    return %arg1, %c0_i32 : i32, i32
  }
  func.func @transform_2(%arg0: i32, %arg1: i32) -> (i32, i32) {
    %c0_i32 = arith.constant 0 : i32
    %c0_i32_0 = arith.constant 0 : i32
    return %arg0, %c0_i32 : i32, i32
  }
}

module attributes {stable_mosaic.version = 14 : i64} {
  func.func @_rescore_body(%arg0: i32, %arg1: memref<16x64xf32, #tpu.memory_space<vmem>>, %arg2: memref<4096x64xf32, #tpu.memory_space<vmem>>, %arg3: memref<16x256xi32, #tpu.memory_space<vmem>>, %arg4: memref<16x128xf32, #tpu.memory_space<vmem>>, %arg5: memref<16x128xi32, #tpu.memory_space<vmem>>) attributes {dimension_semantics = [#tpu.dimension_semantics<arbitrary>], iteration_bounds = array<i64: 64>, scalar_prefetch = 0 : i64, scratch_operands = 0 : i64, tpu.core_type = #tpu.core_type<tc>, window_params = [{transform_indices = @transform_0, window_bounds = array<i64: 16, 64>}, {transform_indices = @transform_1, window_bounds = array<i64: 4096, 64>}, {transform_indices = @transform_2, window_bounds = array<i64: 16, 256>}, {transform_indices = @transform_3, window_bounds = array<i64: 16, 128>}, {transform_indices = @transform_4, window_bounds = array<i64: 16, 128>}]} {
    %get3A = arith.constant 0 : index
    %get3A_0 = arith.constant 0 : index
    %get3A_1 = vector.load %arg1[%get3A, %get3A_0] : memref<16x64xf32, #tpu.memory_space<vmem>>, vector<16x64xf32>
    %get3A_2 = arith.constant 0 : index
    %get3A_3 = arith.constant 0 : index
    %get3A_4 = vector.load %arg2[%get3A_2, %get3A_3] : memref<4096x64xf32, #tpu.memory_space<vmem>>, vector<4096x64xf32>
    %dot_general3A = arith.constant dense<0.000000e+00> : vector<16x4096xf32>
    %dot_general3A_5 = tpu.matmul %get3A_1, %get3A_4, %dot_general3A {dimension_numbers = #tpu.dot_dimension_numbers<[1], [1], [0], [0], [0, 0, 1, 0], [], []>, transpose_lhs_hint = false} : vector<16x64xf32>, vector<4096x64xf32>, vector<16x4096xf32> -> vector<16x4096xf32>
    %slice3A = vector.extract_strided_slice %dot_general3A_5 {offsets = [0, 0], sizes = [1, 256], strides = [1, 1]} : vector<16x4096xf32> to vector<1x256xf32>
    %slice3A_6 = vector.extract_strided_slice %dot_general3A_5 {offsets = [1, 256], sizes = [1, 256], strides = [1, 1]} : vector<16x4096xf32> to vector<1x256xf32>
    %slice3A_7 = vector.extract_strided_slice %dot_general3A_5 {offsets = [2, 512], sizes = [1, 256], strides = [1, 1]} : vector<16x4096xf32> to vector<1x256xf32>
    %slice3A_8 = vector.extract_strided_slice %dot_general3A_5 {offsets = [3, 768], sizes = [1, 256], strides = [1, 1]} : vector<16x4096xf32> to vector<1x256xf32>
    %slice3A_9 = vector.extract_strided_slice %dot_general3A_5 {offsets = [4, 1024], sizes = [1, 256], strides = [1, 1]} : vector<16x4096xf32> to vector<1x256xf32>
    %slice3A_10 = vector.extract_strided_slice %dot_general3A_5 {offsets = [5, 1280], sizes = [1, 256], strides = [1, 1]} : vector<16x4096xf32> to vector<1x256xf32>
    %slice3A_11 = vector.extract_strided_slice %dot_general3A_5 {offsets = [6, 1536], sizes = [1, 256], strides = [1, 1]} : vector<16x4096xf32> to vector<1x256xf32>
    %slice3A_12 = vector.extract_strided_slice %dot_general3A_5 {offsets = [7, 1792], sizes = [1, 256], strides = [1, 1]} : vector<16x4096xf32> to vector<1x256xf32>
    %slice3A_13 = vector.extract_strided_slice %dot_general3A_5 {offsets = [8, 2048], sizes = [1, 256], strides = [1, 1]} : vector<16x4096xf32> to vector<1x256xf32>
    %slice3A_14 = vector.extract_strided_slice %dot_general3A_5 {offsets = [9, 2304], sizes = [1, 256], strides = [1, 1]} : vector<16x4096xf32> to vector<1x256xf32>
    %slice3A_15 = vector.extract_strided_slice %dot_general3A_5 {offsets = [10, 2560], sizes = [1, 256], strides = [1, 1]} : vector<16x4096xf32> to vector<1x256xf32>
    %slice3A_16 = vector.extract_strided_slice %dot_general3A_5 {offsets = [11, 2816], sizes = [1, 256], strides = [1, 1]} : vector<16x4096xf32> to vector<1x256xf32>
    %slice3A_17 = vector.extract_strided_slice %dot_general3A_5 {offsets = [12, 3072], sizes = [1, 256], strides = [1, 1]} : vector<16x4096xf32> to vector<1x256xf32>
    %slice3A_18 = vector.extract_strided_slice %dot_general3A_5 {offsets = [13, 3328], sizes = [1, 256], strides = [1, 1]} : vector<16x4096xf32> to vector<1x256xf32>
    %slice3A_19 = vector.extract_strided_slice %dot_general3A_5 {offsets = [14, 3584], sizes = [1, 256], strides = [1, 1]} : vector<16x4096xf32> to vector<1x256xf32>
    %slice3A_20 = vector.extract_strided_slice %dot_general3A_5 {offsets = [15, 3840], sizes = [1, 256], strides = [1, 1]} : vector<16x4096xf32> to vector<1x256xf32>
    %concatenate3A = tpu.concatenate %slice3A, %slice3A_6, %slice3A_7, %slice3A_8, %slice3A_9, %slice3A_10, %slice3A_11, %slice3A_12, %slice3A_13, %slice3A_14, %slice3A_15, %slice3A_16, %slice3A_17, %slice3A_18, %slice3A_19, %slice3A_20 in 0 : vector<1x256xf32>, vector<1x256xf32>, vector<1x256xf32>, vector<1x256xf32>, vector<1x256xf32>, vector<1x256xf32>, vector<1x256xf32>, vector<1x256xf32>, vector<1x256xf32>, vector<1x256xf32>, vector<1x256xf32>, vector<1x256xf32>, vector<1x256xf32>, vector<1x256xf32>, vector<1x256xf32>, vector<1x256xf32> -> vector<16x256xf32>
    %get3A_21 = arith.constant 0 : index
    %get3A_22 = arith.constant 0 : index
    %get3A_23 = vector.load %arg3[%get3A_21, %get3A_22] : memref<16x256xi32, #tpu.memory_space<vmem>>, vector<16x256xi32>
    %lt3A = arith.constant 100000 : i32
    %lt3A_24 = vector.broadcast %lt3A : i32 to vector<16x256xi32>
    %lt3A_25 = arith.cmpi slt, %get3A_23, %lt3A_24 : vector<16x256xi32>
    %jit3A = arith.constant -3.000000e+38 : f32
    %broadcast_in_dim3A = vector.broadcast %jit3A : f32 to vector<16x256xf32>
    %select_n3A = arith.select %lt3A_25, %concatenate3A, %broadcast_in_dim3A : vector<16x256xi1>, vector<16x256xf32>
    %iota3A = tpu.iota {dimensions = array<i32: 1>} : vector<16x256xi32>
    %reduce_max3A = arith.constant dense<0xFF800000> : vector<16xf32>
    %reduce_max3A_26 = vector.multi_reduction <maximumf>, %select_n3A, %reduce_max3A [1] : vector<16x256xf32> to vector<16xf32>
    %broadcast_in_dim3A_27 = vector.shape_cast %reduce_max3A_26 : vector<16xf32> to vector<16x1xf32>
    %eq3A = vector.broadcast %broadcast_in_dim3A_27 : vector<16x1xf32> to vector<16x256xf32>
    %eq3A_28 = arith.cmpf oeq, %select_n3A, %eq3A : vector<16x256xf32>
    %jit3A_29 = arith.constant 1073741824 : i32
    %broadcast_in_dim3A_30 = vector.broadcast %jit3A_29 : i32 to vector<16x256xi32>
    %select_n3A_31 = arith.select %eq3A_28, %iota3A, %broadcast_in_dim3A_30 : vector<16x256xi1>, vector<16x256xi32>
    %reduce_min3A = arith.constant dense<2147483647> : vector<16xi32>
    %reduce_min3A_32 = vector.multi_reduction <minsi>, %select_n3A_31, %reduce_min3A [1] : vector<16x256xi32> to vector<16xi32>
    %broadcast_in_dim3A_33 = vector.shape_cast %reduce_min3A_32 : vector<16xi32> to vector<16x1xi32>
    %eq3A_34 = vector.broadcast %broadcast_in_dim3A_33 : vector<16x1xi32> to vector<16x256xi32>
    %eq3A_35 = arith.cmpi eq, %iota3A, %eq3A_34 : vector<16x256xi32>
    %jit3A_36 = arith.constant 0 : i32
    %broadcast_in_dim3A_37 = vector.broadcast %jit3A_36 : i32 to vector<16x256xi32>
    %select_n3A_38 = arith.select %eq3A_35, %get3A_23, %broadcast_in_dim3A_37 : vector<16x256xi1>, vector<16x256xi32>
    %reduce_sum3A = arith.constant dense<0> : vector<16xi32>
    %reduce_sum3A_39 = vector.multi_reduction <add>, %select_n3A_38, %reduce_sum3A [1] : vector<16x256xi32> to vector<16xi32>
    %broadcast_in_dim3A_40 = vector.shape_cast %reduce_sum3A_39 : vector<16xi32> to vector<16x1xi32>
    %swap3A = arith.constant 0 : index
    %swap3A_41 = arith.constant 0 : index
    %swap3A_42 = vector.load %arg4[%swap3A, %swap3A_41] : memref<16x128xf32, #tpu.memory_space<vmem>>, vector<16x1xf32>
    tpu.vector_store %arg4[%swap3A, %swap3A_41], %broadcast_in_dim3A_27 {strides = array<i32>} : memref<16x128xf32, #tpu.memory_space<vmem>>, vector<16x1xf32>,
    %swap3A_43 = arith.constant 0 : index
    %swap3A_44 = arith.constant 0 : index
    %swap3A_45 = vector.load %arg5[%swap3A_43, %swap3A_44] : memref<16x128xi32, #tpu.memory_space<vmem>>, vector<16x1xi32>
    tpu.vector_store %arg5[%swap3A_43, %swap3A_44], %broadcast_in_dim3A_40 {strides = array<i32>} : memref<16x128xi32, #tpu.memory_space<vmem>>, vector<16x1xi32>,
    %jit3A_46 = arith.constant -3.000000e+38 : f32
    %broadcast_in_dim3A_47 = vector.broadcast %jit3A_46 : f32 to vector<16x256xf32>
    %select_n3A_48 = arith.select %eq3A_35, %broadcast_in_dim3A_47, %select_n3A : vector<16x256xi1>, vector<16x256xf32>
    %reduce_max3A_49 = arith.constant dense<0xFF800000> : vector<16xf32>
    %reduce_max3A_50 = vector.multi_reduction <maximumf>, %select_n3A_48, %reduce_max3A_49 [1] : vector<16x256xf32> to vector<16xf32>
    %broadcast_in_dim3A_51 = vector.shape_cast %reduce_max3A_50 : vector<16xf32> to vector<16x1xf32>
    %eq3A_52 = vector.broadcast %broadcast_in_dim3A_51 : vector<16x1xf32> to vector<16x256xf32>
    %eq3A_53 = arith.cmpf oeq, %select_n3A_48, %eq3A_52 : vector<16x256xf32>
    %jit3A_54 = arith.constant 1073741824 : i32
    %broadcast_in_dim3A_55 = vector.broadcast %jit3A_54 : i32 to vector<16x256xi32>
    %select_n3A_56 = arith.select %eq3A_53, %iota3A, %broadcast_in_dim3A_55 : vector<16x256xi1>, vector<16x256xi32>
    %reduce_min3A_57 = arith.constant dense<2147483647> : vector<16xi32>
    %reduce_min3A_58 = vector.multi_reduction <minsi>, %select_n3A_56, %reduce_min3A_57 [1] : vector<16x256xi32> to vector<16xi32>
    %broadcast_in_dim3A_59 = vector.shape_cast %reduce_min3A_58 : vector<16xi32> to vector<16x1xi32>
    %eq3A_60 = vector.broadcast %broadcast_in_dim3A_59 : vector<16x1xi32> to vector<16x256xi32>
    %eq3A_61 = arith.cmpi eq, %iota3A, %eq3A_60 : vector<16x256xi32>
    %jit3A_62 = arith.constant 0 : i32
    %broadcast_in_dim3A_63 = vector.broadcast %jit3A_62 : i32 to vector<16x256xi32>
    %select_n3A_64 = arith.select %eq3A_61, %get3A_23, %broadcast_in_dim3A_63 : vector<16x256xi1>, vector<16x256xi32>
    %reduce_sum3A_65 = arith.constant dense<0> : vector<16xi32>
    %reduce_sum3A_66 = vector.multi_reduction <add>, %select_n3A_64, %reduce_sum3A_65 [1] : vector<16x256xi32> to vector<16xi32>
    %broadcast_in_dim3A_67 = vector.shape_cast %reduce_sum3A_66 : vector<16xi32> to vector<16x1xi32>
    %swap3A_68 = arith.constant 0 : index
    %swap3A_69 = arith.constant 1 : index
    %swap3A_70 = vector.load %arg4[%swap3A_68, %swap3A_69] : memref<16x128xf32, #tpu.memory_space<vmem>>, vector<16x1xf32>
    tpu.vector_store %arg4[%swap3A_68, %swap3A_69], %broadcast_in_dim3A_51 {strides = array<i32>} : memref<16x128xf32, #tpu.memory_space<vmem>>, vector<16x1xf32>,
    %swap3A_71 = arith.constant 0 : index
    %swap3A_72 = arith.constant 1 : index
    %swap3A_73 = vector.load %arg5[%swap3A_71, %swap3A_72] : memref<16x128xi32, #tpu.memory_space<vmem>>, vector<16x1xi32>
    tpu.vector_store %arg5[%swap3A_71, %swap3A_72], %broadcast_in_dim3A_67 {strides = array<i32>} : memref<16x128xi32, #tpu.memory_space<vmem>>, vector<16x1xi32>,
    %jit3A_74 = arith.constant -3.000000e+38 : f32
    %broadcast_in_dim3A_75 = vector.broadcast %jit3A_74 : f32 to vector<16x256xf32>
    %select_n3A_76 = arith.select %eq3A_61, %broadcast_in_dim3A_75, %select_n3A_48 : vector<16x256xi1>, vector<16x256xf32>
    %reduce_max3A_77 = arith.constant dense<0xFF800000> : vector<16xf32>
    %reduce_max3A_78 = vector.multi_reduction <maximumf>, %select_n3A_76, %reduce_max3A_77 [1] : vector<16x256xf32> to vector<16xf32>
    %broadcast_in_dim3A_79 = vector.shape_cast %reduce_max3A_78 : vector<16xf32> to vector<16x1xf32>
    %eq3A_80 = vector.broadcast %broadcast_in_dim3A_79 : vector<16x1xf32> to vector<16x256xf32>
    %eq3A_81 = arith.cmpf oeq, %select_n3A_76, %eq3A_80 : vector<16x256xf32>
    %jit3A_82 = arith.constant 1073741824 : i32
    %broadcast_in_dim3A_83 = vector.broadcast %jit3A_82 : i32 to vector<16x256xi32>
    %select_n3A_84 = arith.select %eq3A_81, %iota3A, %broadcast_in_dim3A_83 : vector<16x256xi1>, vector<16x256xi32>
    %reduce_min3A_85 = arith.constant dense<2147483647> : vector<16xi32>
    %reduce_min3A_86 = vector.multi_reduction <minsi>, %select_n3A_84, %reduce_min3A_85 [1] : vector<16x256xi32> to vector<16xi32>
    %broadcast_in_dim3A_87 = vector.shape_cast %reduce_min3A_86 : vector<16xi32> to vector<16x1xi32>
    %eq3A_88 = vector.broadcast %broadcast_in_dim3A_87 : vector<16x1xi32> to vector<16x256xi32>
    %eq3A_89 = arith.cmpi eq, %iota3A, %eq3A_88 : vector<16x256xi32>
    %jit3A_90 = arith.constant 0 : i32
    %broadcast_in_dim3A_91 = vector.broadcast %jit3A_90 : i32 to vector<16x256xi32>
    %select_n3A_92 = arith.select %eq3A_89, %get3A_23, %broadcast_in_dim3A_91 : vector<16x256xi1>, vector<16x256xi32>
    %reduce_sum3A_93 = arith.constant dense<0> : vector<16xi32>
    %reduce_sum3A_94 = vector.multi_reduction <add>, %select_n3A_92, %reduce_sum3A_93 [1] : vector<16x256xi32> to vector<16xi32>
    %broadcast_in_dim3A_95 = vector.shape_cast %reduce_sum3A_94 : vector<16xi32> to vector<16x1xi32>
    %swap3A_96 = arith.constant 0 : index
    %swap3A_97 = arith.constant 2 : index
    %swap3A_98 = vector.load %arg4[%swap3A_96, %swap3A_97] : memref<16x128xf32, #tpu.memory_space<vmem>>, vector<16x1xf32>
    tpu.vector_store %arg4[%swap3A_96, %swap3A_97], %broadcast_in_dim3A_79 {strides = array<i32>} : memref<16x128xf32, #tpu.memory_space<vmem>>, vector<16x1xf32>,
    %swap3A_99 = arith.constant 0 : index
    %swap3A_100 = arith.constant 2 : index
    %swap3A_101 = vector.load %arg5[%swap3A_99, %swap3A_100] : memref<16x128xi32, #tpu.memory_space<vmem>>, vector<16x1xi32>
    tpu.vector_store %arg5[%swap3A_99, %swap3A_100], %broadcast_in_dim3A_95 {strides = array<i32>} : memref<16x128xi32, #tpu.memory_space<vmem>>, vector<16x1xi32>,
    %jit3A_102 = arith.constant -3.000000e+38 : f32
    %broadcast_in_dim3A_103 = vector.broadcast %jit3A_102 : f32 to vector<16x256xf32>
    %select_n3A_104 = arith.select %eq3A_89, %broadcast_in_dim3A_103, %select_n3A_76 : vector<16x256xi1>, vector<16x256xf32>
    %reduce_max3A_105 = arith.constant dense<0xFF800000> : vector<16xf32>
    %reduce_max3A_106 = vector.multi_reduction <maximumf>, %select_n3A_104, %reduce_max3A_105 [1] : vector<16x256xf32> to vector<16xf32>
    %broadcast_in_dim3A_107 = vector.shape_cast %reduce_max3A_106 : vector<16xf32> to vector<16x1xf32>
    %eq3A_108 = vector.broadcast %broadcast_in_dim3A_107 : vector<16x1xf32> to vector<16x256xf32>
    %eq3A_109 = arith.cmpf oeq, %select_n3A_104, %eq3A_108 : vector<16x256xf32>
    %jit3A_110 = arith.constant 1073741824 : i32
    %broadcast_in_dim3A_111 = vector.broadcast %jit3A_110 : i32 to vector<16x256xi32>
    %select_n3A_112 = arith.select %eq3A_109, %iota3A, %broadcast_in_dim3A_111 : vector<16x256xi1>, vector<16x256xi32>
    %reduce_min3A_113 = arith.constant dense<2147483647> : vector<16xi32>
    %reduce_min3A_114 = vector.multi_reduction <minsi>, %select_n3A_112, %reduce_min3A_113 [1] : vector<16x256xi32> to vector<16xi32>
    %broadcast_in_dim3A_115 = vector.shape_cast %reduce_min3A_114 : vector<16xi32> to vector<16x1xi32>
    %eq3A_116 = vector.broadcast %broadcast_in_dim3A_115 : vector<16x1xi32> to vector<16x256xi32>
    %eq3A_117 = arith.cmpi eq, %iota3A, %eq3A_116 : vector<16x256xi32>
    %jit3A_118 = arith.constant 0 : i32
    %broadcast_in_dim3A_119 = vector.broadcast %jit3A_118 : i32 to vector<16x256xi32>
    %select_n3A_120 = arith.select %eq3A_117, %get3A_23, %broadcast_in_dim3A_119 : vector<16x256xi1>, vector<16x256xi32>
    %reduce_sum3A_121 = arith.constant dense<0> : vector<16xi32>
    %reduce_sum3A_122 = vector.multi_reduction <add>, %select_n3A_120, %reduce_sum3A_121 [1] : vector<16x256xi32> to vector<16xi32>
    %broadcast_in_dim3A_123 = vector.shape_cast %reduce_sum3A_122 : vector<16xi32> to vector<16x1xi32>
    %swap3A_124 = arith.constant 0 : index
    %swap3A_125 = arith.constant 3 : index
    %swap3A_126 = vector.load %arg4[%swap3A_124, %swap3A_125] : memref<16x128xf32, #tpu.memory_space<vmem>>, vector<16x1xf32>
    tpu.vector_store %arg4[%swap3A_124, %swap3A_125], %broadcast_in_dim3A_107 {strides = array<i32>} : memref<16x128xf32, #tpu.memory_space<vmem>>, vector<16x1xf32>,
    %swap3A_127 = arith.constant 0 : index
    %swap3A_128 = arith.constant 3 : index
    %swap3A_129 = vector.load %arg5[%swap3A_127, %swap3A_128] : memref<16x128xi32, #tpu.memory_space<vmem>>, vector<16x1xi32>
    tpu.vector_store %arg5[%swap3A_127, %swap3A_128], %broadcast_in_dim3A_123 {strides = array<i32>} : memref<16x128xi32, #tpu.memory_space<vmem>>, vector<16x1xi32>,
    %jit3A_130 = arith.constant -3.000000e+38 : f32
    %broadcast_in_dim3A_131 = vector.broadcast %jit3A_130 : f32 to vector<16x256xf32>
    %select_n3A_132 = arith.select %eq3A_117, %broadcast_in_dim3A_131, %select_n3A_104 : vector<16x256xi1>, vector<16x256xf32>
    %reduce_max3A_133 = arith.constant dense<0xFF800000> : vector<16xf32>
    %reduce_max3A_134 = vector.multi_reduction <maximumf>, %select_n3A_132, %reduce_max3A_133 [1] : vector<16x256xf32> to vector<16xf32>
    %broadcast_in_dim3A_135 = vector.shape_cast %reduce_max3A_134 : vector<16xf32> to vector<16x1xf32>
    %eq3A_136 = vector.broadcast %broadcast_in_dim3A_135 : vector<16x1xf32> to vector<16x256xf32>
    %eq3A_137 = arith.cmpf oeq, %select_n3A_132, %eq3A_136 : vector<16x256xf32>
    %jit3A_138 = arith.constant 1073741824 : i32
    %broadcast_in_dim3A_139 = vector.broadcast %jit3A_138 : i32 to vector<16x256xi32>
    %select_n3A_140 = arith.select %eq3A_137, %iota3A, %broadcast_in_dim3A_139 : vector<16x256xi1>, vector<16x256xi32>
    %reduce_min3A_141 = arith.constant dense<2147483647> : vector<16xi32>
    %reduce_min3A_142 = vector.multi_reduction <minsi>, %select_n3A_140, %reduce_min3A_141 [1] : vector<16x256xi32> to vector<16xi32>
    %broadcast_in_dim3A_143 = vector.shape_cast %reduce_min3A_142 : vector<16xi32> to vector<16x1xi32>
    %eq3A_144 = vector.broadcast %broadcast_in_dim3A_143 : vector<16x1xi32> to vector<16x256xi32>
    %eq3A_145 = arith.cmpi eq, %iota3A, %eq3A_144 : vector<16x256xi32>
    %jit3A_146 = arith.constant 0 : i32
    %broadcast_in_dim3A_147 = vector.broadcast %jit3A_146 : i32 to vector<16x256xi32>
    %select_n3A_148 = arith.select %eq3A_145, %get3A_23, %broadcast_in_dim3A_147 : vector<16x256xi1>, vector<16x256xi32>
    %reduce_sum3A_149 = arith.constant dense<0> : vector<16xi32>
    %reduce_sum3A_150 = vector.multi_reduction <add>, %select_n3A_148, %reduce_sum3A_149 [1] : vector<16x256xi32> to vector<16xi32>
    %broadcast_in_dim3A_151 = vector.shape_cast %reduce_sum3A_150 : vector<16xi32> to vector<16x1xi32>
    %swap3A_152 = arith.constant 0 : index
    %swap3A_153 = arith.constant 4 : index
    %swap3A_154 = vector.load %arg4[%swap3A_152, %swap3A_153] : memref<16x128xf32, #tpu.memory_space<vmem>>, vector<16x1xf32>
    tpu.vector_store %arg4[%swap3A_152, %swap3A_153], %broadcast_in_dim3A_135 {strides = array<i32>} : memref<16x128xf32, #tpu.memory_space<vmem>>, vector<16x1xf32>,
    %swap3A_155 = arith.constant 0 : index
    %swap3A_156 = arith.constant 4 : index
    %swap3A_157 = vector.load %arg5[%swap3A_155, %swap3A_156] : memref<16x128xi32, #tpu.memory_space<vmem>>, vector<16x1xi32>
    tpu.vector_store %arg5[%swap3A_155, %swap3A_156], %broadcast_in_dim3A_151 {strides = array<i32>} : memref<16x128xi32, #tpu.memory_space<vmem>>, vector<16x1xi32>,
    %jit3A_158 = arith.constant -3.000000e+38 : f32
    %broadcast_in_dim3A_159 = vector.broadcast %jit3A_158 : f32 to vector<16x256xf32>
    %select_n3A_160 = arith.select %eq3A_145, %broadcast_in_dim3A_159, %select_n3A_132 : vector<16x256xi1>, vector<16x256xf32>
    %reduce_max3A_161 = arith.constant dense<0xFF800000> : vector<16xf32>
    %reduce_max3A_162 = vector.multi_reduction <maximumf>, %select_n3A_160, %reduce_max3A_161 [1] : vector<16x256xf32> to vector<16xf32>
    %broadcast_in_dim3A_163 = vector.shape_cast %reduce_max3A_162 : vector<16xf32> to vector<16x1xf32>
    %eq3A_164 = vector.broadcast %broadcast_in_dim3A_163 : vector<16x1xf32> to vector<16x256xf32>
    %eq3A_165 = arith.cmpf oeq, %select_n3A_160, %eq3A_164 : vector<16x256xf32>
    %jit3A_166 = arith.constant 1073741824 : i32
    %broadcast_in_dim3A_167 = vector.broadcast %jit3A_166 : i32 to vector<16x256xi32>
    %select_n3A_168 = arith.select %eq3A_165, %iota3A, %broadcast_in_dim3A_167 : vector<16x256xi1>, vector<16x256xi32>
    %reduce_min3A_169 = arith.constant dense<2147483647> : vector<16xi32>
    %reduce_min3A_170 = vector.multi_reduction <minsi>, %select_n3A_168, %reduce_min3A_169 [1] : vector<16x256xi32> to vector<16xi32>
    %broadcast_in_dim3A_171 = vector.shape_cast %reduce_min3A_170 : vector<16xi32> to vector<16x1xi32>
    %eq3A_172 = vector.broadcast %broadcast_in_dim3A_171 : vector<16x1xi32> to vector<16x256xi32>
    %eq3A_173 = arith.cmpi eq, %iota3A, %eq3A_172 : vector<16x256xi32>
    %jit3A_174 = arith.constant 0 : i32
    %broadcast_in_dim3A_175 = vector.broadcast %jit3A_174 : i32 to vector<16x256xi32>
    %select_n3A_176 = arith.select %eq3A_173, %get3A_23, %broadcast_in_dim3A_175 : vector<16x256xi1>, vector<16x256xi32>
    %reduce_sum3A_177 = arith.constant dense<0> : vector<16xi32>
    %reduce_sum3A_178 = vector.multi_reduction <add>, %select_n3A_176, %reduce_sum3A_177 [1] : vector<16x256xi32> to vector<16xi32>
    %broadcast_in_dim3A_179 = vector.shape_cast %reduce_sum3A_178 : vector<16xi32> to vector<16x1xi32>
    %swap3A_180 = arith.constant 0 : index
    %swap3A_181 = arith.constant 5 : index
    %swap3A_182 = vector.load %arg4[%swap3A_180, %swap3A_181] : memref<16x128xf32, #tpu.memory_space<vmem>>, vector<16x1xf32>
    tpu.vector_store %arg4[%swap3A_180, %swap3A_181], %broadcast_in_dim3A_163 {strides = array<i32>} : memref<16x128xf32, #tpu.memory_space<vmem>>, vector<16x1xf32>,
    %swap3A_183 = arith.constant 0 : index
    %swap3A_184 = arith.constant 5 : index
    %swap3A_185 = vector.load %arg5[%swap3A_183, %swap3A_184] : memref<16x128xi32, #tpu.memory_space<vmem>>, vector<16x1xi32>
    tpu.vector_store %arg5[%swap3A_183, %swap3A_184], %broadcast_in_dim3A_179 {strides = array<i32>} : memref<16x128xi32, #tpu.memory_space<vmem>>, vector<16x1xi32>,
    %jit3A_186 = arith.constant -3.000000e+38 : f32
    %broadcast_in_dim3A_187 = vector.broadcast %jit3A_186 : f32 to vector<16x256xf32>
    %select_n3A_188 = arith.select %eq3A_173, %broadcast_in_dim3A_187, %select_n3A_160 : vector<16x256xi1>, vector<16x256xf32>
    %reduce_max3A_189 = arith.constant dense<0xFF800000> : vector<16xf32>
    %reduce_max3A_190 = vector.multi_reduction <maximumf>, %select_n3A_188, %reduce_max3A_189 [1] : vector<16x256xf32> to vector<16xf32>
    %broadcast_in_dim3A_191 = vector.shape_cast %reduce_max3A_190 : vector<16xf32> to vector<16x1xf32>
    %eq3A_192 = vector.broadcast %broadcast_in_dim3A_191 : vector<16x1xf32> to vector<16x256xf32>
    %eq3A_193 = arith.cmpf oeq, %select_n3A_188, %eq3A_192 : vector<16x256xf32>
    %jit3A_194 = arith.constant 1073741824 : i32
    %broadcast_in_dim3A_195 = vector.broadcast %jit3A_194 : i32 to vector<16x256xi32>
    %select_n3A_196 = arith.select %eq3A_193, %iota3A, %broadcast_in_dim3A_195 : vector<16x256xi1>, vector<16x256xi32>
    %reduce_min3A_197 = arith.constant dense<2147483647> : vector<16xi32>
    %reduce_min3A_198 = vector.multi_reduction <minsi>, %select_n3A_196, %reduce_min3A_197 [1] : vector<16x256xi32> to vector<16xi32>
    %broadcast_in_dim3A_199 = vector.shape_cast %reduce_min3A_198 : vector<16xi32> to vector<16x1xi32>
    %eq3A_200 = vector.broadcast %broadcast_in_dim3A_199 : vector<16x1xi32> to vector<16x256xi32>
    %eq3A_201 = arith.cmpi eq, %iota3A, %eq3A_200 : vector<16x256xi32>
    %jit3A_202 = arith.constant 0 : i32
    %broadcast_in_dim3A_203 = vector.broadcast %jit3A_202 : i32 to vector<16x256xi32>
    %select_n3A_204 = arith.select %eq3A_201, %get3A_23, %broadcast_in_dim3A_203 : vector<16x256xi1>, vector<16x256xi32>
    %reduce_sum3A_205 = arith.constant dense<0> : vector<16xi32>
    %reduce_sum3A_206 = vector.multi_reduction <add>, %select_n3A_204, %reduce_sum3A_205 [1] : vector<16x256xi32> to vector<16xi32>
    %broadcast_in_dim3A_207 = vector.shape_cast %reduce_sum3A_206 : vector<16xi32> to vector<16x1xi32>
    %swap3A_208 = arith.constant 0 : index
    %swap3A_209 = arith.constant 6 : index
    %swap3A_210 = vector.load %arg4[%swap3A_208, %swap3A_209] : memref<16x128xf32, #tpu.memory_space<vmem>>, vector<16x1xf32>
    tpu.vector_store %arg4[%swap3A_208, %swap3A_209], %broadcast_in_dim3A_191 {strides = array<i32>} : memref<16x128xf32, #tpu.memory_space<vmem>>, vector<16x1xf32>,
    %swap3A_211 = arith.constant 0 : index
    %swap3A_212 = arith.constant 6 : index
    %swap3A_213 = vector.load %arg5[%swap3A_211, %swap3A_212] : memref<16x128xi32, #tpu.memory_space<vmem>>, vector<16x1xi32>
    tpu.vector_store %arg5[%swap3A_211, %swap3A_212], %broadcast_in_dim3A_207 {strides = array<i32>} : memref<16x128xi32, #tpu.memory_space<vmem>>, vector<16x1xi32>,
    %jit3A_214 = arith.constant -3.000000e+38 : f32
    %broadcast_in_dim3A_215 = vector.broadcast %jit3A_214 : f32 to vector<16x256xf32>
    %select_n3A_216 = arith.select %eq3A_201, %broadcast_in_dim3A_215, %select_n3A_188 : vector<16x256xi1>, vector<16x256xf32>
    %reduce_max3A_217 = arith.constant dense<0xFF800000> : vector<16xf32>
    %reduce_max3A_218 = vector.multi_reduction <maximumf>, %select_n3A_216, %reduce_max3A_217 [1] : vector<16x256xf32> to vector<16xf32>
    %broadcast_in_dim3A_219 = vector.shape_cast %reduce_max3A_218 : vector<16xf32> to vector<16x1xf32>
    %eq3A_220 = vector.broadcast %broadcast_in_dim3A_219 : vector<16x1xf32> to vector<16x256xf32>
    %eq3A_221 = arith.cmpf oeq, %select_n3A_216, %eq3A_220 : vector<16x256xf32>
    %jit3A_222 = arith.constant 1073741824 : i32
    %broadcast_in_dim3A_223 = vector.broadcast %jit3A_222 : i32 to vector<16x256xi32>
    %select_n3A_224 = arith.select %eq3A_221, %iota3A, %broadcast_in_dim3A_223 : vector<16x256xi1>, vector<16x256xi32>
    %reduce_min3A_225 = arith.constant dense<2147483647> : vector<16xi32>
    %reduce_min3A_226 = vector.multi_reduction <minsi>, %select_n3A_224, %reduce_min3A_225 [1] : vector<16x256xi32> to vector<16xi32>
    %broadcast_in_dim3A_227 = vector.shape_cast %reduce_min3A_226 : vector<16xi32> to vector<16x1xi32>
    %eq3A_228 = vector.broadcast %broadcast_in_dim3A_227 : vector<16x1xi32> to vector<16x256xi32>
    %eq3A_229 = arith.cmpi eq, %iota3A, %eq3A_228 : vector<16x256xi32>
    %jit3A_230 = arith.constant 0 : i32
    %broadcast_in_dim3A_231 = vector.broadcast %jit3A_230 : i32 to vector<16x256xi32>
    %select_n3A_232 = arith.select %eq3A_229, %get3A_23, %broadcast_in_dim3A_231 : vector<16x256xi1>, vector<16x256xi32>
    %reduce_sum3A_233 = arith.constant dense<0> : vector<16xi32>
    %reduce_sum3A_234 = vector.multi_reduction <add>, %select_n3A_232, %reduce_sum3A_233 [1] : vector<16x256xi32> to vector<16xi32>
    %broadcast_in_dim3A_235 = vector.shape_cast %reduce_sum3A_234 : vector<16xi32> to vector<16x1xi32>
    %swap3A_236 = arith.constant 0 : index
    %swap3A_237 = arith.constant 7 : index
    %swap3A_238 = vector.load %arg4[%swap3A_236, %swap3A_237] : memref<16x128xf32, #tpu.memory_space<vmem>>, vector<16x1xf32>
    tpu.vector_store %arg4[%swap3A_236, %swap3A_237], %broadcast_in_dim3A_219 {strides = array<i32>} : memref<16x128xf32, #tpu.memory_space<vmem>>, vector<16x1xf32>,
    %swap3A_239 = arith.constant 0 : index
    %swap3A_240 = arith.constant 7 : index
    %swap3A_241 = vector.load %arg5[%swap3A_239, %swap3A_240] : memref<16x128xi32, #tpu.memory_space<vmem>>, vector<16x1xi32>
    tpu.vector_store %arg5[%swap3A_239, %swap3A_240], %broadcast_in_dim3A_235 {strides = array<i32>} : memref<16x128xi32, #tpu.memory_space<vmem>>, vector<16x1xi32>,
    %jit3A_242 = arith.constant -3.000000e+38 : f32
    %broadcast_in_dim3A_243 = vector.broadcast %jit3A_242 : f32 to vector<16x256xf32>
    %select_n3A_244 = arith.select %eq3A_229, %broadcast_in_dim3A_243, %select_n3A_216 : vector<16x256xi1>, vector<16x256xf32>
    %reduce_max3A_245 = arith.constant dense<0xFF800000> : vector<16xf32>
    %reduce_max3A_246 = vector.multi_reduction <maximumf>, %select_n3A_244, %reduce_max3A_245 [1] : vector<16x256xf32> to vector<16xf32>
    %broadcast_in_dim3A_247 = vector.shape_cast %reduce_max3A_246 : vector<16xf32> to vector<16x1xf32>
    %eq3A_248 = vector.broadcast %broadcast_in_dim3A_247 : vector<16x1xf32> to vector<16x256xf32>
    %eq3A_249 = arith.cmpf oeq, %select_n3A_244, %eq3A_248 : vector<16x256xf32>
    %jit3A_250 = arith.constant 1073741824 : i32
    %broadcast_in_dim3A_251 = vector.broadcast %jit3A_250 : i32 to vector<16x256xi32>
    %select_n3A_252 = arith.select %eq3A_249, %iota3A, %broadcast_in_dim3A_251 : vector<16x256xi1>, vector<16x256xi32>
    %reduce_min3A_253 = arith.constant dense<2147483647> : vector<16xi32>
    %reduce_min3A_254 = vector.multi_reduction <minsi>, %select_n3A_252, %reduce_min3A_253 [1] : vector<16x256xi32> to vector<16xi32>
    %broadcast_in_dim3A_255 = vector.shape_cast %reduce_min3A_254 : vector<16xi32> to vector<16x1xi32>
    %eq3A_256 = vector.broadcast %broadcast_in_dim3A_255 : vector<16x1xi32> to vector<16x256xi32>
    %eq3A_257 = arith.cmpi eq, %iota3A, %eq3A_256 : vector<16x256xi32>
    %jit3A_258 = arith.constant 0 : i32
    %broadcast_in_dim3A_259 = vector.broadcast %jit3A_258 : i32 to vector<16x256xi32>
    %select_n3A_260 = arith.select %eq3A_257, %get3A_23, %broadcast_in_dim3A_259 : vector<16x256xi1>, vector<16x256xi32>
    %reduce_sum3A_261 = arith.constant dense<0> : vector<16xi32>
    %reduce_sum3A_262 = vector.multi_reduction <add>, %select_n3A_260, %reduce_sum3A_261 [1] : vector<16x256xi32> to vector<16xi32>
    %broadcast_in_dim3A_263 = vector.shape_cast %reduce_sum3A_262 : vector<16xi32> to vector<16x1xi32>
    %swap3A_264 = arith.constant 0 : index
    %swap3A_265 = arith.constant 8 : index
    %swap3A_266 = vector.load %arg4[%swap3A_264, %swap3A_265] : memref<16x128xf32, #tpu.memory_space<vmem>>, vector<16x1xf32>
    tpu.vector_store %arg4[%swap3A_264, %swap3A_265], %broadcast_in_dim3A_247 {strides = array<i32>} : memref<16x128xf32, #tpu.memory_space<vmem>>, vector<16x1xf32>,
    %swap3A_267 = arith.constant 0 : index
    %swap3A_268 = arith.constant 8 : index
    %swap3A_269 = vector.load %arg5[%swap3A_267, %swap3A_268] : memref<16x128xi32, #tpu.memory_space<vmem>>, vector<16x1xi32>
    tpu.vector_store %arg5[%swap3A_267, %swap3A_268], %broadcast_in_dim3A_263 {strides = array<i32>} : memref<16x128xi32, #tpu.memory_space<vmem>>, vector<16x1xi32>,
    %jit3A_270 = arith.constant -3.000000e+38 : f32
    %broadcast_in_dim3A_271 = vector.broadcast %jit3A_270 : f32 to vector<16x256xf32>
    %select_n3A_272 = arith.select %eq3A_257, %broadcast_in_dim3A_271, %select_n3A_244 : vector<16x256xi1>, vector<16x256xf32>
    %reduce_max3A_273 = arith.constant dense<0xFF800000> : vector<16xf32>
    %reduce_max3A_274 = vector.multi_reduction <maximumf>, %select_n3A_272, %reduce_max3A_273 [1] : vector<16x256xf32> to vector<16xf32>
    %broadcast_in_dim3A_275 = vector.shape_cast %reduce_max3A_274 : vector<16xf32> to vector<16x1xf32>
    %eq3A_276 = vector.broadcast %broadcast_in_dim3A_275 : vector<16x1xf32> to vector<16x256xf32>
    %eq3A_277 = arith.cmpf oeq, %select_n3A_272, %eq3A_276 : vector<16x256xf32>
    %jit3A_278 = arith.constant 1073741824 : i32
    %broadcast_in_dim3A_279 = vector.broadcast %jit3A_278 : i32 to vector<16x256xi32>
    %select_n3A_280 = arith.select %eq3A_277, %iota3A, %broadcast_in_dim3A_279 : vector<16x256xi1>, vector<16x256xi32>
    %reduce_min3A_281 = arith.constant dense<2147483647> : vector<16xi32>
    %reduce_min3A_282 = vector.multi_reduction <minsi>, %select_n3A_280, %reduce_min3A_281 [1] : vector<16x256xi32> to vector<16xi32>
    %broadcast_in_dim3A_283 = vector.shape_cast %reduce_min3A_282 : vector<16xi32> to vector<16x1xi32>
    %eq3A_284 = vector.broadcast %broadcast_in_dim3A_283 : vector<16x1xi32> to vector<16x256xi32>
    %eq3A_285 = arith.cmpi eq, %iota3A, %eq3A_284 : vector<16x256xi32>
    %jit3A_286 = arith.constant 0 : i32
    %broadcast_in_dim3A_287 = vector.broadcast %jit3A_286 : i32 to vector<16x256xi32>
    %select_n3A_288 = arith.select %eq3A_285, %get3A_23, %broadcast_in_dim3A_287 : vector<16x256xi1>, vector<16x256xi32>
    %reduce_sum3A_289 = arith.constant dense<0> : vector<16xi32>
    %reduce_sum3A_290 = vector.multi_reduction <add>, %select_n3A_288, %reduce_sum3A_289 [1] : vector<16x256xi32> to vector<16xi32>
    %broadcast_in_dim3A_291 = vector.shape_cast %reduce_sum3A_290 : vector<16xi32> to vector<16x1xi32>
    %swap3A_292 = arith.constant 0 : index
    %swap3A_293 = arith.constant 9 : index
    %swap3A_294 = vector.load %arg4[%swap3A_292, %swap3A_293] : memref<16x128xf32, #tpu.memory_space<vmem>>, vector<16x1xf32>
    tpu.vector_store %arg4[%swap3A_292, %swap3A_293], %broadcast_in_dim3A_275 {strides = array<i32>} : memref<16x128xf32, #tpu.memory_space<vmem>>, vector<16x1xf32>,
    %swap3A_295 = arith.constant 0 : index
    %swap3A_296 = arith.constant 9 : index
    %swap3A_297 = vector.load %arg5[%swap3A_295, %swap3A_296] : memref<16x128xi32, #tpu.memory_space<vmem>>, vector<16x1xi32>
    tpu.vector_store %arg5[%swap3A_295, %swap3A_296], %broadcast_in_dim3A_291 {strides = array<i32>} : memref<16x128xi32, #tpu.memory_space<vmem>>, vector<16x1xi32>,
    return
  }
  func.func @transform_0(%arg0: i32) -> (i32, i32) {
    %c0_i32 = arith.constant 0 : i32
    %c0_i32_0 = arith.constant 0 : i32
    return %arg0, %c0_i32 : i32, i32
  }
  func.func @transform_1(%arg0: i32) -> (i32, i32) {
    %c0_i32 = arith.constant 0 : i32
    %c0_i32_0 = arith.constant 0 : i32
    return %arg0, %c0_i32 : i32, i32
  }
  func.func @transform_2(%arg0: i32) -> (i32, i32) {
    %c0_i32 = arith.constant 0 : i32
    %c0_i32_0 = arith.constant 0 : i32
    return %arg0, %c0_i32 : i32, i32
  }
  func.func @transform_3(%arg0: i32) -> (i32, i32) {
    %c0_i32 = arith.constant 0 : i32
    %c0_i32_0 = arith.constant 0 : i32
    return %arg0, %c0_i32 : i32, i32
  }
  func.func @transform_4(%arg0: i32) -> (i32, i32) {
    %c0_i32 = arith.constant 0 : i32
    %c0_i32_0 = arith.constant 0 : i32
    return %arg0, %c0_i32 : i32, i32
  }
}

</mosaic_0001>

<sc_bundles>
// kernel: kernel.6.cloned.1.call-start
scs
__scs_entry_jumppad:
0x0: {  	(pc) =	sbr.rel $0x88, $3  }
0x1: {  	(tag) =	ssettag $0x0;
	lr =	simm.s32 $0x1  }
0x2: {  	[smem:$0x3F9D] =	sst lr;
	_ =	strace $0xD0000000  }
0x3: {  	_ = 	snop  }
0x4: {  	_ = 	snop  }
0x5: {  	_ = 	snop  }
0x6: {  	_ = 	snop  }
0x7: {  	_ = 	snop  }
__scs_overlays_trampoline_lowered:
0x8: {  	[smem:$0x3FAC] =	sst s0  }
0x9: {  	[smem:$0x3FAD] =	sst s1  }
0xa: {  	[smem:$0x3FAE] =	sst s2  }
0xb: {  	[smem:$0x3FAF] =	sst s3  }
0xc: {  	[smem:$0x3FB0] =	sst s4  }
0xd: {  	[smem:$0x3FB1] =	sst s5  }
0xe: {  	[smem:$0x3FB2] =	sst s6  }
0xf: {  	[smem:$0x3FB3] =	sst s7  }
0x10: {  	[smem:$0x3FB4] =	sst s8  }
0x11: {  	[smem:$0x3FB5] =	sst s9;
	s0 =	simm.s32 @!p0 $0x0  }
0x12: {  	s1 =	sld [smem:$0x3F9B];
	s0 =	simm.s32 @p0 $0x1  }
0x13: {  	[smem:$0x3FB6] =	sst s0;
	s0 =	simm.s32 @!p1 $0x0  }
0x14: {  	s2 =	sld [smem:$0x3F9A];
	s0 =	simm.s32 @p1 $0x1  }
0x15: {  	[smem:$0x3FB7] =	sst s0;
	s0 =	simm.s32 @!p2 $0x0  }
0x16: {  	s3 =	sld [smem:$0x3FDB];
	s0 =	simm.s32 @p2 $0x1  }
0x17: {  	s4 =	simm.s32 $0x1BF5;
	[smem:$0x3FB9] =	sst s0  }
0x18: {  	s0 =	sld [smem:$0x3F9C];
	_ =	swait.ge [sflag:s4], $0x0  }
0x19: {  	s7 =	sld [smem:$0x3F9D]  }
0x1a: {  	s8 =	sadd.s32 $0xFFFFE003, lr  }
0x1b: {  	s9 =	sadd.s32 $0xFFFFFEF7, lr;
	s5 =	simm.s32 $0xFFFFFFFF;
	p2 =	slt.u32 s8, $0xFFFFF086  }
0x1c: {  	p1 =	slt.u32 s9, $0xF7A;
	s5 =	simm.s32 @!p2 $0x0  }
0x1d: {  	s5 =	simm.s32 @p1 $0x1;
	p0 =	seq.s32 s7, s2  }
0x1e: {  	s7 =	smul.u32 @!p0 $0xF7A, s2;
	p2 =	seq.s32 @!p0 s5, $0x0  }
0x1f: {  	s9 =	smul.u32 $0xF7A, s1;
	s8 =	simm.s32 @!p0 $0x1BF5;
	p2 =	por !p2, p0  }
0x20: {  	[sflag:s8] =	ssyncset.s32 @!p0 $0xFFFFF086;
	s6 =	sadd.s32 @!p0 s3, s7;
	s7 =	simm.s32 @!p0 $0x108  }
0x21: {  	s3 =	sadd.s32 s3, s9;
	s6 =	sadd.s32 @!p0 $0x88, s6;
	s7 =	simm.s32 @p2 $0x1082  }
0x22: {  	[simem:s7], [sflag:s8] =	dma.local @!p0 [hbm:s6], $0xF7A  }
0x23: {  	s9 =	sor.u32 $0xD0000000, s2;
	s6 =	simm.s32 $0x108;
	_ =	swait.ge @!p0 [sflag:s8], $0x0  }
0x24: {  	s3 =	sadd.s32 $0x88, s3;
	s6 =	simm.s32 @!p1 $0x1082;
	[sflag:s4] =	ssyncset.s32 $0xFFFFF086  }
0x25: {  	[simem:s6], [sflag:s4] =	dma.local [hbm:s3], $0xF7A  }
0x26: {  	[smem:$0x3F9D] =	sst s1;
	(tag) =	ssettag s2;
	_ =	strace s9  }
0x27: {  	s1 =	sld [smem:$0x3FAD]  }
0x28: {  	s2 =	sld [smem:$0x3FAE]  }
0x29: {  	s4 =	sld [smem:$0x3FB0]  }
0x2a: {  	p0 =	seq.s32 s5, $0x0;
	s5 =	sld [smem:$0x3FB1]  }
0x2b: {  	s6 =	sld [smem:$0x3FB2]  }
0x2c: {  	s7 =	sld [smem:$0x3FB3]  }
0x2d: {  	s3 =	simm.s32 $0x108;
	s8 =	sld [smem:$0x3FB4]  }
0x2e: {  	s3 =	simm.s32 @!p0 $0x1082;
	s9 =	sld [smem:$0x3FB5]  }
0x2f: {  	lr =	sadd.s32 s0, s3;
	s0 =	sld [smem:$0x3FAC]  }
0x30: {  	s3 =	sld [smem:$0x3FAF]  }
0x31: {  	[smem:$0x3FB8] =	sst s10  }
0x32: {  	s10 =	sld [smem:$0x3FB6];
	_ =	sdelay $0x3  }
0x33: {  	p0 =	seq.s32 s10, $0x1;
	s10 =	sld [smem:$0x3FB8];
	_ =	sdelay $0x3  }
0x34: {  	[smem:$0x3FB8] =	sst s10  }
0x35: {  	s10 =	sld [smem:$0x3FB7];
	_ =	sdelay $0x3  }
0x36: {  	p1 =	seq.s32 s10, $0x1;
	s10 =	sld [smem:$0x3FB8];
	_ =	sdelay $0x3  }
0x37: {  	[smem:$0x3FB8] =	sst s10  }
0x38: {  	s10 =	sld [smem:$0x3FB9]  }
0x39: {  	_ = 	snop;
	(pc) =	sbr.ind lr, $3  }
0x3a: {  	_ = 	snop  }
0x3b: {  	_ = 	snop  }
0x3c: {  	p2 =	seq.s32 s10, $0x1;
	s10 =	sld [smem:$0x3FB8]  }
0x3d: {  	_ =	shalt  }
0x3e: {  	_ =	shalt  }
0x3f: {  	_ =	shalt  }
0x40: {  	_ =	shalt  }
0x41: {  	_ =	shalt  }
0x42: {  	_ =	shalt  }
0x43: {  	_ =	shalt  }
0x44: {  	_ =	shalt  }
0x45: {  	_ =	shalt  }
0x46: {  	_ =	shalt  }
0x47: {  	_ =	shalt  }
0x48: {  	_ =	shalt  }
0x49: {  	_ =	shalt  }
0x4a: {  	_ =	shalt  }
0x4b: {  	_ =	shalt  }
0x4c: {  	_ =	shalt  }
0x4d: {  	_ =	shalt  }
0x4e: {  	_ =	shalt  }
0x4f: {  	_ =	shalt  }
0x50: {  	_ =	shalt  }
0x51: {  	_ =	shalt  }
0x52: {  	_ =	shalt  }
0x53: {  	_ =	shalt  }
0x54: {  	_ =	shalt  }
0x55: {  	_ =	shalt  }
0x56: {  	_ =	shalt  }
0x57: {  	_ =	shalt  }
0x58: {  	_ =	shalt  }
0x59: {  	_ =	shalt  }
0x5a: {  	_ =	shalt  }
0x5b: {  	_ =	shalt  }
0x5c: {  	_ =	shalt  }
0x5d: {  	_ =	shalt  }
0x5e: {  	_ =	shalt  }
0x5f: {  	_ =	shalt  }
0x60: {  	_ =	shalt  }
0x61: {  	_ =	shalt  }
0x62: {  	_ =	shalt  }
0x63: {  	_ =	shalt  }
0x64: {  	_ =	shalt  }
0x65: {  	_ =	shalt  }
0x66: {  	_ =	shalt  }
0x67: {  	_ =	shalt  }
0x68: {  	_ =	shalt  }
0x69: {  	_ =	shalt  }
0x6a: {  	_ =	shalt  }
0x6b: {  	_ =	shalt  }
0x6c: {  	_ =	shalt  }
0x6d: {  	_ =	shalt  }
0x6e: {  	_ =	shalt  }
0x6f: {  	_ =	shalt  }
0x70: {  	_ =	shalt  }
0x71: {  	_ =	shalt  }
0x72: {  	_ =	shalt  }
0x73: {  	_ =	shalt  }
0x74: {  	_ =	shalt  }
0x75: {  	_ =	shalt  }
0x76: {  	_ =	shalt  }
0x77: {  	_ =	shalt  }
0x78: {  	_ =	shalt  }
0x79: {  	_ =	shalt  }
0x7a: {  	_ =	shalt  }
0x7b: {  	_ =	shalt  }
0x7c: {  	_ =	shalt  }
0x7d: {  	_ =	shalt  }
0x7e: {  	_ =	shalt  }
0x7f: {  	_ =	shalt  }
0x80: {  	_ =	shalt  }
0x81: {  	_ =	shalt  }
0x82: {  	_ =	shalt  }
0x83: {  	_ =	shalt  }
0x84: {  	_ =	shalt  }
0x85: {  	_ =	shalt  }
0x86: {  	_ =	shalt  }
0x87: {  	_ =	shalt  }
.Lfunc_end0:
.L_simem_size_0:
called_computation_lowered:
.L_overlay_start_0:
0x88: {  	s2 =	sld [smem:$0x3FD9]  }
0x89: {  	s3 =	sld [smem:$0x3FFE];
	_ =	sdelay $0x1  }
0x8a: {  	s1 =	srdreg.scid  }
0x8b: {  	s0 =	sand.u32 $0x1, s1  }
0x8c: {  	s17 =	sshll.u32 s0, $0xA;
	s2 =	sadd.s32 s3, s2  }
0x8d: {  	s2 =	sadd.s32 s2, s17  }
0x8e: {  	[smem:$0x3FC4] =	sst s2  }
0x8f: {  	_ = 	snop  }
0x90: {  	s2 =	sld [smem:$0x3FC9]  }
0x91: {  	s18 =	sld [smem:$0x3FC8];
	(tm) =	ssettm $0x1  }
0x92: {  	s4 =	sld [smem:$0x3FFB];
	_ =	sdelay $0x3  }
0x93: {  	_ =	strace s4  }
0x94: {  	s4 =	sld [smem:$0x3FFC];
	_ =	sdelay $0x3  }
0x95: {  	_ =	strace s4  }
0x96: {  	s4 =	sld [smem:$0x3FFD];
	_ =	sdelay $0x3  }
0x97: {  	_ =	strace s4  }
0x98: {  	_ =	strace $0x8FFFFFFF  }
0x99: {  	s19 =	sld [smem:$0x3FDB];
	_ =	sdelay $0x1  }
0x9a: {  	s5 =	simm.s32 $_scs_section_size  }
0x9b: {  	s6 =	simm.s32 $_size__tile_overlayer_lowered;
	s7 =	simm.s32 $_tile_overlayer_lowered  }
0x9c: {  	s22 =	simm.s32 $0x1BFF;
	s21 =	sshll.u32 s7, $0x1;
	s4 =	sadd.s32 s5, s19  }
0x9d: {  	s8 =	simm.s32 $0x0;
	s20 =	sshll.u32 s6, $0x1;
	s6 =	sadd.s32 s21, s4  }
0x9e: {  	[timem:s8], [sflag:s22] =	dma.local [hbm:s6], s20  }
0x9f: {  	_ =	swait.ge [sflag:s22], s20  }
0xa0: {  	s5 =	ssub.s32 $0x0, s20;
	[sflag:s22] =	ssyncset.done $0x0  }
0xa1: {  	[sflag:s22] =	ssyncadd.s32 s5;
	_ =	sdelay $0x1  }
0xa2: {  	s23 =	simm.s32 $0x1B8B  }
0xa3: {  	_ =	swait.ge [sflag:s23], $0x1  }
0xa4: {  	[sflag:s23] =	ssyncset.done $0x0  }
0xa5: {  	s25 =	simm.s32 $0x1B8E;
	s24 =	sld [smem:$0x3FFE];
	[sflag:s23] =	ssyncadd.s32 $0xFFFFFFFF  }
0xa6: {  	s26 =	simm.s32 $execute0_lowered;
	[smem:$0x3FD2] =	sst s25  }
0xa7: {  	s6 =	sshll.u32 s26, $0x1;
	_ =	strace $0x80000046;
	[dreg:$0x1] =	wrdreg $0xFFFFFFFF  }
0xa8: {  	s28 =	simm.s32 $_size_execute0_lowered;
	s4 =	sadd.s32 s4, s6;
	[dreg:$0x0] =	wrdreg $0x0  }
0xa9: {  	s6 =	sshll.u32 s28, $0x1;
	[dreg:$0x2] =	wrdreg s4  }
0xaa: {  	[dreg:$0x3] =	wrdreg s6  }
0xab: {  	[dreg:$0x4] =	wrdreg $0xC0  }
0xac: {  	_ =	task [dreg:s8], $0x5FFFF  }
0xad: {  	[dreg:$0x1] =	wrdreg $0xFFFFFFFF  }
0xae: {  	[dreg:$0x0] =	wrdreg $0x60  }
0xaf: {  	[dreg:$0x2] =	wrdreg s18  }
0xb0: {  	[dreg:$0x3] =	wrdreg s2  }
0xb1: {  	[dreg:$0x4] =	wrdreg s24  }
0xb2: {  	[dreg:$0x5] =	wrdreg $0x9  }
0xb3: {  	_ =	task.clear_ibuf [dreg:s8], $0x6FFFF;
	_ =	strace $0x90000046  }
0xb4: {  	s29 =	simm.s32 $0x9;
	_ =	strace $0x80000048  }
0xb5: {  	_ =	swait.ge [sflag:s29], $0x1  }
0xb6: {  	[sflag:s29] =	ssyncadd.s32 $0xFFFFFFFF  }
0xb7: {  	_ =	strace $0x90000048  }
0xb8: {  	_ =	sfence  }
0xb9: {  	s30 =	sld [smem:$0x0];
	_ =	sdelay $0x2  }
0xba: {  	s31 =	sshll.u32 s1, $0xD;
	s1 =	sshrl.u32 s1, $0x2  }
0xbb: {  	s3 =	sand.u32 $0x4000, s31;
	s1 =	sadd.s32 s1, s30  }
0xbc: {  	s0 =	sor.u32 s3, s0;
	s1 =	sshll.u32 s1, $0x11  }
0xbd: {  	s0 =	sor.u32 s1, s0  }
0xbe: {  	s0 =	sadd.s32 $0x8F2B, s0  }
0xbf: {  	[sflag:s0] =	ssyncadd.remote.s32 $0x1  }
0xc0: {  	_ =	sfence.sel $0xFFFF  }
0xc1: {  	[dreg:$0x0] =	wrdreg $0xFFFFFFFF;
	(pc) =	sbr.abs _section_cstart, $3  }
0xc2: {  	[dreg:$0x1] =	wrdreg $0xFFFFFFFF  }
0xc3: {  	_ =	task.clear_ibuf [dreg:s8], $0x2FFFF;
	_ =	strace $0x9FFFFFFF  }
0xc4: {  	(tm) =	ssettm $0x7FFFFFFF  }
0xc5: {  	_ =	shalt  }
tec
execute0_lowered:
.L_overlay_start_1:
0x0: {  	(tag) =	ssettag $0x1  }
0x1: {  	s5 =	rddreg [dreg:$0x0]  }
0x2: {  	s6 =	rddreg [dreg:$0x1]  }
0x3: {  	s7 =	rddreg [dreg:$0x2]  }
0x4: {  	s0 =	rddreg [dreg:$0x3];
	s2 =	simm.s32 $0x0;
	s3 =	srdreg.scid  }
0x5: {  	s1 =	stileid.u32;
	s12 =	simm.s32 $0x1;
	s13 =	simm.s32 $0x840  }
0x6: {  	[smem:$0x7FF] =	sst s2;
	s4 =	sand.u32 $0x1, s3;
	s8 =	sshll.u32 s1, $0x6  }
0x7: {  	s3 =	sadd.s32 $0x189A00, s7;
	s9 =	sshll.u32 s4, $0x5;
	s31 =	ssub.s32 $0x2, s4  }
0x8: {  	_ =	strace $0x80000047;
	s8 =	sor.u32 s9, s8;
	s11 =	sshrl.u32 s31, $0x1  }
0x9: {  	s4 =	sadd.s32 $0x1000, s7;
	s10 =	sshll.u32 s8, $0x3;
	s9 =	ssub.s32 s31, s11  }
0xa: {  	s8 =	sshrl.u32 s8, $0x3;
	s11 =	simm.s32 $0x40;
	s7 =	sadd.s32 s10, s7  }
0xb: {  	s5 =	sadd.s32 s5, s8;
	s6 =	sadd.s32 s6, s8;
	s8 =	smax.u32 s9, $0x1  }
0xc: {  	s9 =	simm.s32 $0x2;
	s10 =	simm.s32 $0x20;
	s7 =	sadd.s32 $0x24D000, s7  }
.LBB2_1:
0xd: {  	[tilespmem:s2], [sflag:$0x2] =	stream.linear.gather [hbm4b:s5+s2], $0x20, $0x38;
	[tilespmem:$0x1040] =	vst v63  }
0xe: {  	_ =	swait.ge [sflag:s9], $0x20  }
0xf: {  	[sflag:s9] =	ssyncset.done $0x0  }
0x10: {  	[sflag:s9] =	ssyncadd.s32 $0xFFFFFFE0  }
0x11: {  	[tilespmem:s10], [sflag:$0x2] =	stream.linear.gather [hbm4b:s6+s2], $0x20, $0x38;
	[tilespmem:$0x1040] =	vst v63  }
0x12: {  	_ =	swait.ge [sflag:s9], $0x20  }
0x13: {  	[sflag:s9] =	ssyncset.done $0x0  }
0x14: {  	[sflag:s9] =	ssyncadd.s32 $0xFFFFFFE0  }
0x15: {  	[tilespmem:s11], [sflag:$0x1] =	stream.indirect.gather [hbm4b:s3+s10], $0x40, s2, s10, $0xb8;
	[tilespmem:$0x1040] =	vst v63  }
0x16: {  	_ =	swait.ge [sflag:s12], $0x800  }
0x17: {  	[sflag:s12] =	ssyncset.done $0x0  }
0x18: {  	[sflag:s12] =	ssyncadd.s32 $0xFFFFF800  }
0x19: {  	[tilespmem:s13], [sflag:$0x1] =	stream.indirect.gather [hbm4b:s4+s10], $0x40, s10, s10, $0xb8;
	[tilespmem:$0x1040] =	vst v63  }
0x1a: {  	_ =	swait.ge [sflag:s12], $0x800  }
0x1b: {  	[sflag:s12] =	ssyncset.done $0x0  }
0x1c: {  	[sflag:s12] =	ssyncadd.s32 $0xFFFFF800  }
0x1d: {  	v3 =	vld [tilespmem:$0x40]  }
0x1e: {  	v0 =	vld [tilespmem:$0x840]  }
0x1f: {  	v4 =	vld [tilespmem:$0x50]  }
0x20: {  	v1 =	vld [tilespmem:$0x850]  }
0x21: {  	v6 =	vld [tilespmem:$0x60]  }
0x22: {  	v2 =	vld [tilespmem:$0x860]  }
0x23: {  	v8 =	vld [tilespmem:$0x70]  }
0x24: {  	v5 =	vld [tilespmem:$0x870]  }
0x25: {  	v10 =	vld [tilespmem:$0x80]  }
0x26: {  	v7 =	vld [tilespmem:$0x880]  }
0x27: {  	v12 =	vld [tilespmem:$0x90]  }
0x28: {  	v9 =	vld [tilespmem:$0x890]  }
0x29: {  	v14 =	vld [tilespmem:$0xA0]  }
0x2a: {  	v11 =	vld [tilespmem:$0x8A0]  }
0x2b: {  	v16 =	vld [tilespmem:$0xB0]  }
0x2c: {  	v13 =	vld [tilespmem:$0x8B0]  }
0x2d: {  	v18 =	vld [tilespmem:$0xC0]  }
0x2e: {  	v15 =	vld [tilespmem:$0x8C0]  }
0x2f: {  	v20 =	vld [tilespmem:$0xD0]  }
0x30: {  	v17 =	vld [tilespmem:$0x8D0]  }
0x31: {  	v22 =	vld [tilespmem:$0xE0]  }
0x32: {  	v19 =	vld [tilespmem:$0x8E0]  }
0x33: {  	v24 =	vld [tilespmem:$0xF0]  }
0x34: {  	v21 =	vld [tilespmem:$0x8F0]  }
0x35: {  	v26 =	vld [tilespmem:$0x100]  }
0x36: {  	v23 =	vld [tilespmem:$0x900]  }
0x37: {  	v28 =	vld [tilespmem:$0x110]  }
0x38: {  	v25 =	vld [tilespmem:$0x910]  }
0x39: {  	v58 =	vld [tilespmem:$0x120]  }
0x3a: {  	v27 =	vld [tilespmem:$0x920]  }
0x3b: {  	v59 =	vld [tilespmem:$0x130]  }
0x3c: {  	v29 =	vld [tilespmem:$0x930]  }
0x3d: {  	v50 =	vld [tilespmem:$0x140]  }
0x3e: {  	v30 =	vld [tilespmem:$0x940]  }
0x3f: {  	v47 =	vld [tilespmem:$0x150]  }
0x40: {  	v31 =	vld [tilespmem:$0x950]  }
0x41: {  	v38 =	vld [tilespmem:$0x160]  }
0x42: {  	v32 =	vld [tilespmem:$0x960]  }
0x43: {  	v39 =	vld [tilespmem:$0x170]  }
0x44: {  	v33 =	vld [tilespmem:$0x970]  }
0x45: {  	v36 =	vld [tilespmem:$0x180]  }
0x46: {  	v34 =	vld [tilespmem:$0x980]  }
0x47: {  	v40 =	vld [tilespmem:$0x190]  }
0x48: {  	v35 =	vld [tilespmem:$0x990]  }
0x49: {  	v42 =	vld [tilespmem:$0x1A0]  }
0x4a: {  	v37 =	vld [tilespmem:$0x9A0]  }
0x4b: {  	v43 =	vld [tilespmem:$0x1B0]  }
0x4c: {  	v41 =	vld [tilespmem:$0x9B0]  }
0x4d: {  	v46 =	vld [tilespmem:$0x1C0]  }
0x4e: {  	v44 =	vld [tilespmem:$0x9C0]  }
0x4f: {  	v49 =	vld [tilespmem:$0x1D0]  }
0x50: {  	v45 =	vld [tilespmem:$0x9D0]  }
0x51: {  	v52 =	vld [tilespmem:$0x1E0]  }
0x52: {  	v48 =	vld [tilespmem:$0x9E0]  }
0x53: {  	v63 =	vld [tilespmem:$0x240];
	_ =	sdelay $0x4  }
0x54: {  	[tilespmem:$0x1FAE0] =	vst v63;
	v63 =	vld [tilespmem:$0xA40];
	_ =	sdelay $0x4  }
0x55: {  	[tilespmem:$0x1FAF0] =	vst v63;
	v63 =	vld [tilespmem:$0x250];
	_ =	sdelay $0x4  }
0x56: {  	[tilespmem:$0x1FB00] =	vst v63;
	v63 =	vld [tilespmem:$0xA50];
	_ =	sdelay $0x4  }
0x57: {  	[tilespmem:$0x1FB10] =	vst v63;
	v63 =	vld [tilespmem:$0x260];
	_ =	sdelay $0x4  }
0x58: {  	[tilespmem:$0x1FB20] =	vst v63;
	v63 =	vld [tilespmem:$0xA60];
	_ =	sdelay $0x4  }
0x59: {  	[tilespmem:$0x1FB30] =	vst v63;
	v63 =	vld [tilespmem:$0x270];
	_ =	sdelay $0x4  }
0x5a: {  	[tilespmem:$0x1FB40] =	vst v63;
	v63 =	vld [tilespmem:$0xA70];
	_ =	sdelay $0x4  }
0x5b: {  	[tilespmem:$0x1FB50] =	vst v63;
	v63 =	vld [tilespmem:$0x280];
	_ =	sdelay $0x4  }
0x5c: {  	[tilespmem:$0x1FB60] =	vst v63;
	v63 =	vld [tilespmem:$0xA80];
	_ =	sdelay $0x4  }
0x5d: {  	[tilespmem:$0x1FB70] =	vst v63;
	v63 =	vld [tilespmem:$0x290];
	_ =	sdelay $0x4  }
0x5e: {  	[tilespmem:$0x1FB80] =	vst v63;
	v63 =	vld [tilespmem:$0xA90];
	_ =	sdelay $0x4  }
0x5f: {  	[tilespmem:$0x1FB90] =	vst v63;
	v63 =	vld [tilespmem:$0x2A0];
	_ =	sdelay $0x4  }
0x60: {  	[tilespmem:$0x1FBA0] =	vst v63;
	v63 =	vld [tilespmem:$0xAA0];
	_ =	sdelay $0x4  }
0x61: {  	[tilespmem:$0x1FBB0] =	vst v63;
	v63 =	vld [tilespmem:$0x2B0];
	_ =	sdelay $0x4  }
0x62: {  	[tilespmem:$0x1FBC0] =	vst v63;
	v63 =	vld [tilespmem:$0xAB0];
	_ =	sdelay $0x4  }
0x63: {  	[tilespmem:$0x1FBD0] =	vst v63;
	v63 =	vld [tilespmem:$0x2C0];
	_ =	sdelay $0x4  }
0x64: {  	[tilespmem:$0x1FBE0] =	vst v63;
	v63 =	vld [tilespmem:$0xAC0];
	_ =	sdelay $0x4  }
0x65: {  	[tilespmem:$0x1FBF0] =	vst v63;
	v63 =	vld [tilespmem:$0x2D0];
	_ =	sdelay $0x4  }
0x66: {  	[tilespmem:$0x1FC00] =	vst v63;
	v63 =	vld [tilespmem:$0xAD0];
	_ =	sdelay $0x4  }
0x67: {  	[tilespmem:$0x1FC10] =	vst v63;
	v63 =	vld [tilespmem:$0x2E0];
	_ =	sdelay $0x4  }
0x68: {  	[tilespmem:$0x1FC20] =	vst v63;
	v63 =	vld [tilespmem:$0xAE0];
	_ =	sdelay $0x4  }
0x69: {  	[tilespmem:$0x1FC30] =	vst v63;
	v63 =	vld [tilespmem:$0x2F0];
	_ =	sdelay $0x4  }
0x6a: {  	[tilespmem:$0x1FC40] =	vst v63;
	v63 =	vld [tilespmem:$0xAF0];
	_ =	sdelay $0x4  }
0x6b: {  	[tilespmem:$0x1FC50] =	vst v63;
	v63 =	vld [tilespmem:$0x300];
	_ =	sdelay $0x4  }
0x6c: {  	[tilespmem:$0x1FC60] =	vst v63;
	v63 =	vld [tilespmem:$0xB00];
	_ =	sdelay $0x4  }
0x6d: {  	[tilespmem:$0x1FC70] =	vst v63;
	v63 =	vld [tilespmem:$0x310];
	_ =	sdelay $0x4  }
0x6e: {  	[tilespmem:$0x1FC80] =	vst v63;
	v63 =	vld [tilespmem:$0xB10];
	_ =	sdelay $0x4  }
0x6f: {  	[tilespmem:$0x1FC90] =	vst v63;
	v63 =	vld [tilespmem:$0x320];
	_ =	sdelay $0x2  }
0x70: {  	v54 =	vld [tilespmem:$0x1F0]  }
0x71: {  	v51 =	vld [tilespmem:$0x9F0]  }
0x72: {  	[tilespmem:$0x1FCA0] =	vst v63;
	v63 =	vld [tilespmem:$0xB20]  }
0x73: {  	v56 =	vld [tilespmem:$0x200]  }
0x74: {  	v53 =	vld [tilespmem:$0xA00]  }
0x75: {  	v57 =	vld [tilespmem:$0x210]  }
0x76: {  	v61 =	vld [tilespmem:$0x230]  }
0x77: {  	[tilespmem:$0x1FCB0] =	vst v63;
	v63 =	vld [tilespmem:$0x330]  }
0x78: {  	v55 =	vld [tilespmem:$0xA10]  }
0x79: {  	v62 =	vld [tilespmem:$0x220]  }
0x7a: {  	v60 =	vld [tilespmem:$0xA20]  }
0x7b: {  	[tilespmem:$0x1FAD0] =	vst v61;
	v61 =	vld [tilespmem:$0xA30]  }
0x7c: {  	[tilespmem:$0x1FCC0] =	vst v63;
	v63 =	vld [tilespmem:$0xB30]  }
0x7d: {  	v1 =	vmul.f32 v1, v4;
	v4 =	vld [tilespmem:$0xC70]  }
0x7e: {  	v5 =	vmul.f32 v5, v8;
	v8 =	vld [tilespmem:$0xC80]  }
0x7f: {  	v7 =	vmul.f32 v7, v10;
	v10 =	vld [tilespmem:$0x490]  }
0x80: {  	v9 =	vmul.f32 v9, v12;
	v12 =	vld [tilespmem:$0xC90]  }
0x81: {  	[tilespmem:$0x1FCD0] =	vst v63;
	v63 =	vld [tilespmem:$0x340]  }
0x82: {  	v11 =	vmul.f32 v11, v14;
	v14 =	vld [tilespmem:$0x4A0]  }
0x83: {  	v13 =	vmul.f32 v13, v16;
	v16 =	vld [tilespmem:$0xCA0]  }
0x84: {  	v15 =	vmul.f32 v15, v18;
	v18 =	vld [tilespmem:$0x4B0]  }
0x85: {  	v17 =	vmul.f32 v17, v20;
	v20 =	vld [tilespmem:$0xCB0]  }
0x86: {  	[tilespmem:$0x1FCE0] =	vst v63;
	v63 =	vld [tilespmem:$0xB40]  }
0x87: {  	v19 =	vmul.f32 v19, v22;
	v22 =	vld [tilespmem:$0x4C0]  }
0x88: {  	v21 =	vmul.f32 v21, v24;
	v24 =	vld [tilespmem:$0xCC0]  }
0x89: {  	v23 =	vmul.f32 v23, v26;
	v26 =	vld [tilespmem:$0x4D0]  }
0x8a: {  	v25 =	vmul.f32 v25, v28;
	v28 =	vmul.f32 v27, v58;
	v58 =	vld [tilespmem:$0xCD0]  }
0x8b: {  	[tilespmem:$0x1FCF0] =	vst v63;
	v63 =	vld [tilespmem:$0x350]  }
0x8c: {  	v29 =	vmul.f32 v29, v59;
	v59 =	vld [tilespmem:$0x4E0]  }
0x8d: {  	v30 =	vmul.f32 v30, v50;
	v50 =	vld [tilespmem:$0xCE0]  }
0x8e: {  	v31 =	vmul.f32 v31, v47;
	v47 =	vld [tilespmem:$0x4F0]  }
0x8f: {  	v32 =	vmul.f32 v32, v38;
	v38 =	vld [tilespmem:$0xCF0]  }
0x90: {  	[tilespmem:$0x1FD00] =	vst v63;
	v63 =	vld [tilespmem:$0xB50]  }
0x91: {  	v33 =	vmul.f32 v33, v39;
	v39 =	vld [tilespmem:$0x500]  }
0x92: {  	v27 =	vld [tilespmem:$0x510]  }
0x93: {  	v0 =	vmul.f32 v0, v3;
	v44 =	vmul.f32 v44, v46;
	v3 =	vld [tilespmem:$0x550]  }
0x94: {  	v46 =	vmul.f32 v45, v49;
	v49 =	vmul.f32 v51, v54;
	v54 =	vld [tilespmem:$0x1FAD0]  }
0x95: {  	[tilespmem:$0x1FD10] =	vst v63;
	v63 =	vld [tilespmem:$0x360]  }
0x96: {  	v51 =	vmul.f32 v53, v56;
	v56 =	vld [tilespmem:$0x1FAE0]  }
0x97: {  	[tilespmem:$0x40] =	vst v0;
	v0 =	vmul.f32 v2, v6;
	v6 =	vld [tilespmem:$0x480]  }
0x98: {  	[tilespmem:$0x140] =	vst v30;
	v30 =	vld [tilespmem:$0xD00]  }
0x99: {  	[tilespmem:$0xE0] =	vst v19;
	v19 =	vld [tilespmem:$0x520]  }
0x9a: {  	[tilespmem:$0x1FD20] =	vst v63;
	v63 =	vld [tilespmem:$0xB60]  }
0x9b: {  	[tilespmem:$0x80] =	vst v7;
	v7 =	vld [tilespmem:$0x530]  }
0x9c: {  	[tilespmem:$0x50] =	vst v1;
	v1 =	vld [tilespmem:$0x540]  }
0x9d: {  	v2 =	vld [tilespmem:$0xD40]  }
0x9e: {  	[tilespmem:$0x70] =	vst v5;
	v5 =	vld [tilespmem:$0x560]  }
0x9f: {  	[tilespmem:$0x1FD30] =	vst v63;
	v63 =	vld [tilespmem:$0x370]  }
0xa0: {  	[tilespmem:$0x60] =	vst v0;
	v0 =	vld [tilespmem:$0xD30]  }
0xa1: {  	[tilespmem:$0x1FFB0] =	vst v18;
	v18 =	vld [tilespmem:$0xD10]  }
0xa2: {  	[tilespmem:$0x1FF70] =	vst v10;
	v10 =	vld [tilespmem:$0xD20]  }
0xa3: {  	v48 =	vmul.f32 v48, v52;
	v52 =	vmul.f32 v55, v57;
	v57 =	vld [tilespmem:$0x1FAF0]  }
0xa4: {  	[tilespmem:$0x1FD40] =	vst v63;
	v63 =	vld [tilespmem:$0xB70]  }
0xa5: {  	[tilespmem:$0x1FF40] =	vst v4;
	v4 =	vld [tilespmem:$0xD50]  }
0xa6: {  	[tilespmem:$0x1FF60] =	vst v8;
	v8 =	vld [tilespmem:$0x570]  }
0xa7: {  	[tilespmem:$0x1FF50] =	vst v6;
	v6 =	vld [tilespmem:$0xD60]  }
0xa8: {  	[tilespmem:$0x90] =	vst v9;
	v1 =	vmul.f32 v2, v1;
	v2 =	vld [tilespmem:$0xEE0];
	v9 =	vmul.f32 v57, v56  }
0xa9: {  	[tilespmem:$0x1FD50] =	vst v63;
	v63 =	vld [tilespmem:$0x380]  }
0xaa: {  	[tilespmem:$0x240] =	vst v9;
	v9 =	vld [tilespmem:$0xD70]  }
0xab: {  	v0 =	vmul.f32 v0, v7;
	v7 =	vld [tilespmem:$0x6E0]  }
0xac: {  	v53 =	vmul.f32 v60, v62;
	[tilespmem:$0xA0] =	vst v11;
	v60 =	vld [tilespmem:$0x1FB00]  }
0xad: {  	[tilespmem:$0xB0] =	vst v13;
	v55 =	vmul.f32 v61, v54;
	v10 =	vmul.f32 v10, v19;
	v61 =	vld [tilespmem:$0x1FB10]  }
0xae: {  	[tilespmem:$0x1FD60] =	vst v63;
	v63 =	vld [tilespmem:$0xB80]  }
0xaf: {  	[tilespmem:$0x520] =	vst v10;
	v10 =	vmul.f32 v9, v8;
	v8 =	vld [tilespmem:$0x710]  }
0xb0: {  	[tilespmem:$0xD0] =	vst v17;
	v9 =	vld [tilespmem:$0xF10]  }
0xb1: {  	[tilespmem:$0xF0] =	vst v21;
	v62 =	vld [tilespmem:$0x1FB20]  }
0xb2: {  	[tilespmem:$0x1FFA0] =	vst v16;
	v16 =	vld [tilespmem:$0x1FB30]  }
0xb3: {  	[tilespmem:$0x1FD70] =	vst v63;
	v63 =	vld [tilespmem:$0x390]  }
0xb4: {  	[tilespmem:$0x1FF80] =	vst v12;
	v17 =	vld [tilespmem:$0x1FB40]  }
0xb5: {  	[tilespmem:$0x1FFC0] =	vst v20;
	v20 =	vld [tilespmem:$0x1FB50]  }
0xb6: {  	[tilespmem:$0x1FF90] =	vst v14;
	v21 =	vld [tilespmem:$0x1FB60]  }
0xb7: {  	[tilespmem:$0x1FFD0] =	vst v22;
	v22 =	vld [tilespmem:$0x1FB70]  }
0xb8: {  	v11 =	vmul.f32 v61, v60;
	[tilespmem:$0x1FD80] =	vst v63;
	v63 =	vld [tilespmem:$0xB90]  }
0xb9: {  	[tilespmem:$0x570] =	vst v10;
	v10 =	vld [tilespmem:$0x720];
	v12 =	vmul.f32 v16, v62  }
0xba: {  	[tilespmem:$0x250] =	vst v11;
	v11 =	vld [tilespmem:$0x580];
	v13 =	vmul.f32 v20, v17  }
0xbb: {  	[tilespmem:$0x260] =	vst v12;
	v12 =	vld [tilespmem:$0xD80]  }
0xbc: {  	[tilespmem:$0x270] =	vst v13;
	v13 =	vld [tilespmem:$0x590]  }
0xbd: {  	v14 =	vmul.f32 v22, v21;
	[tilespmem:$0x1FD90] =	vst v63;
	v63 =	vld [tilespmem:$0x3A0]  }
0xbe: {  	[tilespmem:$0x100] =	vst v23;
	v23 =	vld [tilespmem:$0x1FB80]  }
0xbf: {  	[tilespmem:$0x280] =	vst v14;
	v14 =	vld [tilespmem:$0xD90]  }
0xc0: {  	[tilespmem:$0x1FFE0] =	vst v24;
	v24 =	vld [tilespmem:$0x1FB90]  }
0xc1: {  	[tilespmem:$0x110] =	vst v25;
	v25 =	vld [tilespmem:$0x1FBA0]  }
0xc2: {  	[tilespmem:$0x1FDA0] =	vst v63;
	v63 =	vld [tilespmem:$0xBA0]  }
0xc3: {  	[tilespmem:$0x1FFF0] =	vst v26;
	v12 =	vmul.f32 v12, v11;
	v26 =	vld [tilespmem:$0x1FBB0]  }
0xc4: {  	v11 =	vld [tilespmem:$0xF20]  }
0xc5: {  	[tilespmem:$0x580] =	vst v12;
	v12 =	vld [tilespmem:$0x730]  }
0xc6: {  	[tilespmem:$0xC0] =	vst v15;
	v14 =	vmul.f32 v14, v13;
	v13 =	vld [tilespmem:$0xF30]  }
0xc7: {  	v15 =	vmul.f32 v24, v23;
	[tilespmem:$0x1FDB0] =	vst v63;
	v63 =	vld [tilespmem:$0x3B0]  }
0xc8: {  	[tilespmem:$0x590] =	vst v14;
	v14 =	vld [tilespmem:$0x740];
	v16 =	vmul.f32 v26, v25  }
0xc9: {  	[tilespmem:$0x290] =	vst v15;
	v15 =	vld [tilespmem:$0x5A0]  }
0xca: {  	[tilespmem:$0x2A0] =	vst v16;
	v16 =	vld [tilespmem:$0xDA0]  }
0xcb: {  	[tilespmem:$0x120] =	vst v28;
	v28 =	vld [tilespmem:$0x1FBC0]  }
0xcc: {  	[tilespmem:$0x1FDC0] =	vst v63;
	v63 =	vld [tilespmem:$0xBB0]  }
0xcd: {  	v18 =	vmul.f32 v18, v27;
	v26 =	vld [tilespmem:$0xDD0]  }
0xce: {  	[tilespmem:$0x130] =	vst v29;
	v29 =	vld [tilespmem:$0x1FBD0]  }
0xcf: {  	[tilespmem:$0x510] =	vst v18;
	v18 =	vmul.f32 v16, v15;
	v15 =	vld [tilespmem:$0xF40]  }
0xd0: {  	v16 =	vld [tilespmem:$0x750]  }
0xd1: {  	[tilespmem:$0x1FDD0] =	vst v63;
	v63 =	vld [tilespmem:$0x3C0]  }
0xd2: {  	[tilespmem:$0x150] =	vst v31;
	v31 =	vld [tilespmem:$0x1FBE0]  }
0xd3: {  	[tilespmem:$0x160] =	vst v32;
	v32 =	vld [tilespmem:$0x1FBF0]  }
0xd4: {  	[tilespmem:$0x5A0] =	vst v18;
	v18 =	vld [tilespmem:$0x760]  }
0xd5: {  	v17 =	vmul.f32 v29, v28;
	v28 =	vld [tilespmem:$0x5E0]  }
0xd6: {  	[tilespmem:$0x1FDE0] =	vst v63;
	v63 =	vld [tilespmem:$0xBC0]  }
0xd7: {  	[tilespmem:$0x2B0] =	vst v17;
	v17 =	vld [tilespmem:$0x5B0]  }
0xd8: {  	v20 =	vmul.f32 v32, v31;
	v31 =	vld [tilespmem:$0x5F0]  }
0xd9: {  	v32 =	vld [tilespmem:$0xDF0]  }
0xda: {  	[tilespmem:$0x2C0] =	vst v20;
	v20 =	vld [tilespmem:$0xDB0]  }
0xdb: {  	[tilespmem:$0x1FDF0] =	vst v63;
	v63 =	vld [tilespmem:$0x3D0]  }
0xdc: {  	v29 =	vld [tilespmem:$0xDE0]  }
0xdd: {  	[tilespmem:$0x170] =	vst v33;
	v33 =	vld [tilespmem:$0x1FC00]  }
0xde: {  	v36 =	vmul.f32 v34, v36;
	v34 =	vld [tilespmem:$0x1FC10]  }
0xdf: {  	v32 =	vmul.f32 v32, v31;
	v20 =	vmul.f32 v20, v17;
	v17 =	vld [tilespmem:$0xF50]  }
0xe0: {  	[tilespmem:$0x1FE00] =	vst v63;
	v63 =	vld [tilespmem:$0xBD0]  }
0xe1: {  	[tilespmem:$0x5F0] =	vst v32;
	v32 =	vld [tilespmem:$0x7D0]  }
0xe2: {  	v40 =	vmul.f32 v35, v40;
	v35 =	vld [tilespmem:$0x1FC20]  }
0xe3: {  	v21 =	vmul.f32 v34, v33;
	v33 =	vld [tilespmem:$0x600]  }
0xe4: {  	v34 =	vld [tilespmem:$0xE00]  }
0xe5: {  	[tilespmem:$0x1FE10] =	vst v63;
	v63 =	vld [tilespmem:$0x3E0]  }
0xe6: {  	[tilespmem:$0x180] =	vst v36;
	v36 =	vld [tilespmem:$0x1FC30]  }
0xe7: {  	[tilespmem:$0x2D0] =	vst v21;
	v21 =	vld [tilespmem:$0x5C0]  }
0xe8: {  	v42 =	vmul.f32 v37, v42;
	v37 =	vld [tilespmem:$0x1FC40]  }
0xe9: {  	[tilespmem:$0x190] =	vst v40;
	v34 =	vmul.f32 v34, v33;
	v40 =	vld [tilespmem:$0x1FC50]  }
0xea: {  	[tilespmem:$0x1FE20] =	vst v63;
	v63 =	vld [tilespmem:$0xBE0]  }
0xeb: {  	[tilespmem:$0x600] =	vst v34;
	v34 =	vld [tilespmem:$0xFD0];
	v22 =	vmul.f32 v36, v35  }
0xec: {  	v35 =	vld [tilespmem:$0x610]  }
0xed: {  	[tilespmem:$0x2E0] =	vst v22;
	v22 =	vld [tilespmem:$0xDC0]  }
0xee: {  	v43 =	vmul.f32 v41, v43;
	v23 =	vmul.f32 v40, v37;
	v41 =	vld [tilespmem:$0x1FC60]  }
0xef: {  	[tilespmem:$0x1FE30] =	vst v63;
	v63 =	vld [tilespmem:$0x3F0]  }
0xf0: {  	[tilespmem:$0x2F0] =	vst v23;
	v23 =	vld [tilespmem:$0x5D0]  }
0xf1: {  	[tilespmem:$0x1A0] =	vst v42;
	v42 =	vld [tilespmem:$0x1FC70]  }
0xf2: {  	[tilespmem:$0x1B0] =	vst v43;
	v43 =	vld [tilespmem:$0x1FC80]  }
0xf3: {  	[tilespmem:$0x1C0] =	vst v44;
	v44 =	vld [tilespmem:$0x1FC90]  }
0xf4: {  	[tilespmem:$0x1FE40] =	vst v63;
	v63 =	vld [tilespmem:$0xBF0]  }
0xf5: {  	v45 =	vld [tilespmem:$0x1FCA0]  }
0xf6: {  	[tilespmem:$0x1D0] =	vst v46;
	v46 =	vld [tilespmem:$0x1FCB0]  }
0xf7: {  	[tilespmem:$0x1E0] =	vst v48;
	v48 =	vld [tilespmem:$0x1FCC0]  }
0xf8: {  	[tilespmem:$0x1F0] =	vst v49;
	v49 =	vld [tilespmem:$0x1FCD0]  }
0xf9: {  	[tilespmem:$0x1FE50] =	vst v63;
	v63 =	vld [tilespmem:$0x400]  }
0xfa: {  	[tilespmem:$0x200] =	vst v51;
	v51 =	vld [tilespmem:$0x1FCE0]  }
0xfb: {  	[tilespmem:$0x210] =	vst v52;
	v52 =	vld [tilespmem:$0x1FCF0]  }
0xfc: {  	[tilespmem:$0x220] =	vst v53;
	v53 =	vld [tilespmem:$0x1FD00]  }
0xfd: {  	v54 =	vld [tilespmem:$0x1FD10]  }
0xfe: {  	v25 =	vmul.f32 v44, v43;
	[tilespmem:$0x1FE60] =	vst v63;
	v63 =	vld [tilespmem:$0xC00]  }
0xff: {  	v57 =	vld [tilespmem:$0x1FD40]  }
0x100: {  	[tilespmem:$0x310] =	vst v25;
	v25 =	vmul.f32 v49, v48;
	v60 =	vld [tilespmem:$0x1FD50]  }
0x101: {  	v36 =	vld [tilespmem:$0x1FD80]  }
0x102: {  	[tilespmem:$0x330] =	vst v25;
	v37 =	vld [tilespmem:$0x1FD90]  }
0x103: {  	v25 =	vmul.f32 v54, v53;
	[tilespmem:$0x1FE70] =	vst v63;
	v63 =	vld [tilespmem:$0x410]  }
0x104: {  	[tilespmem:$0x230] =	vst v55;
	v55 =	vld [tilespmem:$0x1FD20]  }
0x105: {  	[tilespmem:$0x350] =	vst v25;
	v56 =	vld [tilespmem:$0x1FD30];
	v25 =	vmul.f32 v60, v57  }
0x106: {  	v61 =	vld [tilespmem:$0x1FD60]  }
0x107: {  	[tilespmem:$0x370] =	vst v25;
	v25 =	vmul.f32 v37, v36;
	v36 =	vld [tilespmem:$0xE10]  }
0x108: {  	v24 =	vmul.f32 v42, v41;
	[tilespmem:$0x1FE80] =	vst v63;
	v63 =	vld [tilespmem:$0xC10]  }
0x109: {  	v62 =	vld [tilespmem:$0x1FD70]  }
0x10a: {  	[tilespmem:$0x300] =	vst v24;
	v24 =	vmul.f32 v46, v45;
	v40 =	vld [tilespmem:$0x1FDA0]  }
0x10b: {  	v37 =	vld [tilespmem:$0x620]  }
0x10c: {  	[tilespmem:$0x320] =	vst v24;
	v41 =	vld [tilespmem:$0x1FDB0];
	v36 =	vmul.f32 v36, v35  }
0x10d: {  	v24 =	vmul.f32 v52, v51;
	[tilespmem:$0x1FE90] =	vst v63;
	v63 =	vld [tilespmem:$0x420]  }
0x10e: {  	[tilespmem:$0x610] =	vst v36;
	v36 =	vld [tilespmem:$0x7E0]  }
0x10f: {  	[tilespmem:$0x340] =	vst v24;
	v24 =	vmul.f32 v56, v55;
	v42 =	vld [tilespmem:$0x1FDC0]  }
0x110: {  	v43 =	vld [tilespmem:$0x1FDD0]  }
0x111: {  	[tilespmem:$0x360] =	vst v24;
	v44 =	vld [tilespmem:$0x1FDE0]  }
0x112: {  	v24 =	vmul.f32 v62, v61;
	[tilespmem:$0x1FEA0] =	vst v63;
	v63 =	vld [tilespmem:$0xC20]  }
0x113: {  	v45 =	vld [tilespmem:$0x1FDF0]  }
0x114: {  	[tilespmem:$0x380] =	vst v24;
	v24 =	vmul.f32 v41, v40;
	v40 =	vld [tilespmem:$0xE20]  }
0x115: {  	v41 =	vld [tilespmem:$0x630]  }
0x116: {  	[tilespmem:$0x390] =	vst v25;
	v25 =	vmul.f32 v43, v42;
	v43 =	vld [tilespmem:$0x640]  }
0x117: {  	[tilespmem:$0x1FEB0] =	vst v63;
	v63 =	vld [tilespmem:$0x430]  }
0x118: {  	[tilespmem:$0x3A0] =	vst v24;
	v24 =	vmul.f32 v45, v44;
	v44 =	vld [tilespmem:$0xE40]  }
0x119: {  	v42 =	vld [tilespmem:$0xE30]  }
0x11a: {  	v46 =	vld [tilespmem:$0x1FE00]  }
0x11b: {  	v45 =	vld [tilespmem:$0x650]  }
0x11c: {  	[tilespmem:$0x1FEC0] =	vst v63;
	v63 =	vld [tilespmem:$0xC30]  }
0x11d: {  	v37 =	vmul.f32 v40, v37;
	v48 =	vld [tilespmem:$0x1FE10];
	v40 =	vmul.f32 v44, v43  }
0x11e: {  	v44 =	vld [tilespmem:$0xF70]  }
0x11f: {  	[tilespmem:$0x640] =	vst v40;
	v40 =	vld [tilespmem:$0x7F0]  }
0x120: {  	v49 =	vld [tilespmem:$0x1FE20]  }
0x121: {  	[tilespmem:$0x1FED0] =	vst v63;
	v63 =	vld [tilespmem:$0x440]  }
0x122: {  	v51 =	vld [tilespmem:$0x1FE30]  }
0x123: {  	[tilespmem:$0x3B0] =	vst v25;
	v25 =	vmul.f32 v48, v46;
	v46 =	vld [tilespmem:$0xE50]  }
0x124: {  	v48 =	vld [tilespmem:$0x660]  }
0x125: {  	v52 =	vld [tilespmem:$0x1FE40]  }
0x126: {  	[tilespmem:$0x1FEE0] =	vst v63;
	v63 =	vld [tilespmem:$0xC40]  }
0x127: {  	[tilespmem:$0x3C0] =	vst v24;
	v24 =	vmul.f32 v51, v49;
	v49 =	vld [tilespmem:$0xE60]  }
0x128: {  	v51 =	vld [tilespmem:$0x670]  }
0x129: {  	v53 =	vld [tilespmem:$0x1FE50]  }
0x12a: {  	v54 =	vld [tilespmem:$0x1FE60]  }
0x12b: {  	[tilespmem:$0x1FEF0] =	vst v63;
	v63 =	vld [tilespmem:$0x450]  }
0x12c: {  	v55 =	vld [tilespmem:$0x1FE70]  }
0x12d: {  	v56 =	vld [tilespmem:$0x1FE80]  }
0x12e: {  	v57 =	vld [tilespmem:$0x1FE90]  }
0x12f: {  	v60 =	vld [tilespmem:$0x1FEA0]  }
0x130: {  	[tilespmem:$0x1FF00] =	vst v63;
	v63 =	vld [tilespmem:$0xC50]  }
0x131: {  	v61 =	vld [tilespmem:$0x1FEB0]  }
0x132: {  	[tilespmem:$0x3D0] =	vst v25;
	v25 =	vmul.f32 v53, v52;
	v62 =	vld [tilespmem:$0x1FEC0]  }
0x133: {  	[tilespmem:$0x3E0] =	vst v24;
	v52 =	vld [tilespmem:$0x1FED0]  }
0x134: {  	v43 =	vmul.f32 v49, v48;
	v48 =	vld [tilespmem:$0xF80];
	[tilespmem:$0x3F0] =	vst v25;
	v24 =	vmul.f32 v55, v54  }
0x135: {  	[tilespmem:$0x1FF10] =	vst v63;
	v63 =	vld [tilespmem:$0x460]  }
0x136: {  	[tilespmem:$0x400] =	vst v24;
	v25 =	vmul.f32 v57, v56;
	v24 =	vmul.f32 v61, v60;
	v61 =	vld [tilespmem:$0x1FF40]  }
0x137: {  	v53 =	vld [tilespmem:$0x1FEE0]  }
0x138: {  	[tilespmem:$0x410] =	vst v25;
	v25 =	vmul.f32 v52, v62;
	v52 =	vld [tilespmem:$0xE70]  }
0x139: {  	v54 =	vld [tilespmem:$0x1FEF0]  }
0x13a: {  	[tilespmem:$0x1FF20] =	vst v63;
	v63 =	vld [tilespmem:$0xC60]  }
0x13b: {  	v62 =	vld [tilespmem:$0x1FF50]  }
0x13c: {  	v55 =	vld [tilespmem:$0x1FF00]  }
0x13d: {  	v56 =	vld [tilespmem:$0x1FF10]  }
0x13e: {  	[tilespmem:$0x420] =	vst v24;
	v24 =	vmul.f32 v54, v53;
	v53 =	vld [tilespmem:$0x680]  }
0x13f: {  	[tilespmem:$0x1FF30] =	vst v63;
	v63 =	vld [tilespmem:$0x470]  }
0x140: {  	[tilespmem:$0x540] =	vst v1;
	v57 =	vld [tilespmem:$0x1FF20]  }
0x141: {  	[tilespmem:$0x530] =	vst v0;
	v29 =	vmul.f32 v29, v28;
	v60 =	vld [tilespmem:$0x1FF30]  }
0x142: {  	[tilespmem:$0x430] =	vst v25;
	v54 =	vld [tilespmem:$0xE80];
	v25 =	vmul.f32 v56, v55  }
0x143: {  	[tilespmem:$0x5E0] =	vst v29;
	v31 =	vmul.f32 v9, v8;
	v55 =	vld [tilespmem:$0x690]  }
0x144: {  	[tilespmem:$0x450] =	vst v25;
	v25 =	vmul.f32 v61, v63;
	v63 =	vld [tilespmem:$0x1FF60]  }
0x145: {  	[tilespmem:$0x710] =	vst v31;
	v56 =	vld [tilespmem:$0xE90]  }
0x146: {  	v33 =	vmul.f32 v11, v10;
	[tilespmem:$0x440] =	vst v24;
	v24 =	vmul.f32 v60, v57;
	v57 =	vld [tilespmem:$0x1FF70]  }
0x147: {  	[tilespmem:$0x5B0] =	vst v20;
	v60 =	vld [tilespmem:$0x1FF80]  }
0x148: {  	[tilespmem:$0x720] =	vst v33;
	v27 =	vmul.f32 v26, v23;
	v61 =	vld [tilespmem:$0x1FF90]  }
0x149: {  	v35 =	vmul.f32 v13, v12;
	[tilespmem:$0x460] =	vst v24;
	v24 =	vmul.f32 v63, v62;
	v62 =	vld [tilespmem:$0x1FFA0]  }
0x14a: {  	[tilespmem:$0x5D0] =	vst v27;
	v49 =	vmul.f32 v56, v55;
	v55 =	vld [tilespmem:$0x7A0]  }
0x14b: {  	[tilespmem:$0x730] =	vst v35;
	v63 =	vld [tilespmem:$0x1FFB0]  }
0x14c: {  	[tilespmem:$0x470] =	vst v25;
	v25 =	vmul.f32 v60, v57;
	v60 =	vld [tilespmem:$0x1FFC0]  }
0x14d: {  	[tilespmem:$0x620] =	vst v37;
	v37 =	vmul.f32 v15, v14;
	v57 =	vld [tilespmem:$0x6A0]  }
0x14e: {  	[tilespmem:$0x480] =	vst v24;
	v24 =	vmul.f32 v62, v61;
	v61 =	vld [tilespmem:$0x1FFF0]  }
0x14f: {  	[tilespmem:$0x740] =	vst v37;
	v62 =	vmul.f32 v50, v59;
	v50 =	vld [tilespmem:$0xEB0]  }
0x150: {  	[tilespmem:$0x660] =	vst v43;
	v59 =	vld [tilespmem:$0xED0]  }
0x151: {  	[tilespmem:$0x490] =	vst v25;
	v25 =	vmul.f32 v60, v63;
	v60 =	vld [tilespmem:$0x1FFE0]  }
0x152: {  	[tilespmem:$0x690] =	vst v49;
	v63 =	vmul.f32 v38, v47;
	v38 =	vld [tilespmem:$0x6C0]  }
0x153: {  	v47 =	vmul.f32 v30, v39;
	v30 =	vld [tilespmem:$0xEC0];
	[tilespmem:$0x4A0] =	vst v24  }
0x154: {  	v39 =	vmul.f32 v42, v41;
	v41 =	vld [tilespmem:$0xF60];
	[tilespmem:$0x4E0] =	vst v62  }
0x155: {  	v42 =	vmul.f32 v46, v45;
	v46 =	vld [tilespmem:$0x780];
	[tilespmem:$0x4B0] =	vst v25  }
0x156: {  	v45 =	vmul.f32 v52, v51;
	v51 =	vld [tilespmem:$0x790];
	[tilespmem:$0x4F0] =	vst v63  }
0x157: {  	v24 =	vld [tilespmem:$0x1FFD0];
	[tilespmem:$0x500] =	vst v47  }
0x158: {  	v62 =	vmul.f32 v6, v5;
	v5 =	vld [tilespmem:$0x700];
	[tilespmem:$0x630] =	vst v39  }
0x159: {  	v6 =	vld [tilespmem:$0xF00];
	[tilespmem:$0x650] =	vst v42  }
0x15a: {  	v63 =	vld [tilespmem:$0xEF0];
	v47 =	vmul.f32 v54, v53;
	[tilespmem:$0x670] =	vst v45  }
0x15b: {  	v53 =	vld [tilespmem:$0xF90];
	v39 =	vmul.f32 v17, v16;
	[tilespmem:$0x560] =	vst v62  }
0x15c: {  	v42 =	vld [tilespmem:$0xFF0];
	v25 =	vmul.f32 v58, v61;
	[tilespmem:$0x680] =	vst v47  }
0x15d: {  	v58 =	vld [tilespmem:$0x6B0];
	v61 =	vmul.f32 v4, v3;
	[tilespmem:$0x750] =	vst v39  }
0x15e: {  	v3 =	vld [tilespmem:$0x6F0];
	v56 =	vmul.f32 v30, v38;
	[tilespmem:$0x4D0] =	vst v25  }
0x15f: {  	v30 =	vld [tilespmem:$0xFC0];
	v41 =	vmul.f32 v41, v18;
	[tilespmem:$0x550] =	vst v61  }
0x160: {  	v38 =	vld [tilespmem:$0xFE0];
	v45 =	vmul.f32 v48, v46;
	[tilespmem:$0x6C0] =	vst v56  }
0x161: {  	v24 =	vmul.f32 v60, v24;
	v60 =	vld [tilespmem:$0xEA0];
	[tilespmem:$0x760] =	vst v41  }
0x162: {  	v25 =	vld [tilespmem:$0x6D0];
	v47 =	vmul.f32 v53, v51;
	[tilespmem:$0x780] =	vst v45  }
0x163: {  	v46 =	vld [tilespmem:$0x1000];
	[tilespmem:$0x4C0] =	vst v24;
	v24 =	vmul.f32 v22, v21  }
0x164: {  	v61 =	vld [tilespmem:$0xFB0];
	v54 =	vmul.f32 v50, v58;
	[tilespmem:$0x790] =	vst v47  }
0x165: {  	v21 =	vld [tilespmem:$0x770];
	v62 =	vmul.f32 v63, v3;
	[tilespmem:$0x5C0] =	vst v24  }
0x166: {  	v63 =	vld [tilespmem:$0x7C0];
	v52 =	vmul.f32 v60, v57;
	[tilespmem:$0x6B0] =	vst v54  }
0x167: {  	v57 =	vld [tilespmem:$0xFA0];
	v58 =	vmul.f32 v59, v25;
	[tilespmem:$0x6F0] =	vst v62  }
0x168: {  	v59 =	vld [tilespmem:$0x7B0];
	v60 =	vmul.f32 v2, v7;
	[tilespmem:$0x6A0] =	vst v52  }
0x169: {  	v48 =	vld [tilespmem:$0x810];
	v25 =	vmul.f32 v6, v5;
	[tilespmem:$0x6D0] =	vst v58  }
0x16a: {  	v56 =	vld [tilespmem:$0x830];
	[tilespmem:$0x6E0] =	vst v60;
	v43 =	vmul.f32 v44, v21  }
0x16b: {  	v50 =	vld [tilespmem:$0x1010];
	[tilespmem:$0x700] =	vst v25;
	v53 =	vmul.f32 v30, v63  }
0x16c: {  	v54 =	vld [tilespmem:$0x1020];
	[tilespmem:$0x770] =	vst v43;
	v49 =	vmul.f32 v57, v55  }
0x16d: {  	v44 =	vld [tilespmem:$0x800];
	v51 =	vmul.f32 v61, v59;
	[tilespmem:$0x7C0] =	vst v53  }
0x16e: {  	v52 =	vld [tilespmem:$0x820];
	v55 =	vmul.f32 v34, v32;
	[tilespmem:$0x7A0] =	vst v49  }
0x16f: {  	v58 =	vld [tilespmem:$0x1030];
	v57 =	vmul.f32 v38, v36;
	[tilespmem:$0x7B0] =	vst v51  }
0x170: {  	v59 =	vmul.f32 v42, v40;
	[tilespmem:$0x7D0] =	vst v55  }
0x171: {  	v61 =	vmul.f32 v50, v48;
	[tilespmem:$0x7E0] =	vst v57  }
0x172: {  	v60 =	vmul.f32 v46, v44;
	[tilespmem:$0x7F0] =	vst v59  }
0x173: {  	v62 =	vmul.f32 v54, v52;
	[tilespmem:$0x810] =	vst v61  }
0x174: {  	v63 =	vmul.f32 v58, v56;
	[tilespmem:$0x800] =	vst v60  }
0x175: {  	p0 =	sne.s32 s8, $0x1;
	[tilespmem:$0x820] =	vst v62  }
.Ltmp0:
0x176: {  	[tilespmem:$0x830] =	vst v63;
	(pc) =	sbr.rel @p0 .LBB2_1-.Ltmp0, $4  }
0x177: {  	[hbm4b:s7+s2] =	stream.linear.scatter [tilespmem:s11], [sflag:$0x2], $0x800, $0x38;
	[tilespmem:$0x1040] =	vst v63  }
0x178: {  	_ =	swait.ge [sflag:s9], $0x800  }
0x179: {  	[sflag:s9] =	ssyncset.done $0x0  }
0x17a: {  	s8 =	sadd.s32 $0xFFFFFFFF, s8;
	[sflag:s9] =	ssyncadd.s32 $0xFFFFF800  }
0x17b: {  	_ =	sfence.sel $0x180000  }
0x17c: {  	[bflag:$0x0] =	sbarrier.arrive $0xFFFF  }
0x17d: {  	p0 =	sne.s32 s1, $0x0;
	_ =	strace $0x90000047  }
0x17e: {  	s0 =	sadd.s32 @!p0 $0x100000, s0;
	[bflag:$0x2] =	sbarrier.arrive $0xFFFF  }
0x17f: {  	[sflag:s0] =	ssyncadd.tile.s32 @!p0 $0x1;
	_ =	shalt  }
.Lfunc_end2:
_tile_overlayer_lowered:
.L_overlay_start_2:
0x180: {  	(tag) =	ssettag $0x2  }
0x181: {  	s0 =	rddreg [dreg:$0x0];
	s2 =	stileid.u32  }
0x182: {  	s1 =	rddreg [dreg:$0x1];
	p0 =	sne.s32 s2, $0x0  }
0x183: {  	s3 =	rddreg [dreg:$0x2];
	[bflag:$0x3] =	sbarrier.arrive $0xFFFF;
	s2 =	simm.s32 @!p0 $0x1C02  }
0x184: {  	[timem:s3], [sflag:s2] =	dma.local @!p0 [hbm:s0], s1  }
0x185: {  	s0 =	simm.s32 @!p0 $0x2  }
0x186: {  	_ =	swait.ge @!p0 [sflag:s0], s1  }
0x187: {  	s1 =	ssub.s32 @!p0 $0x0, s1;
	[sflag:s0] =	ssyncset.done @!p0 $0x0  }
0x188: {  	[sflag:s0] =	ssyncadd.s32 @!p0 s1  }
0x189: {  	[bflag:$0x3] =	sbarrier.arrive $0xFFFF  }
0x18a: {  	_ =	shalt  }

// kernel: kernel.9.cloned.1.call-start
scs
__scs_entry_jumppad:
0x0: {  	(pc) =	sbr.rel $0x88, $3  }
0x1: {  	(tag) =	ssettag $0x0;
	lr =	simm.s32 $0x1  }
0x2: {  	[smem:$0x3F9D] =	sst lr;
	_ =	strace $0xD0000000  }
0x3: {  	_ = 	snop  }
0x4: {  	_ = 	snop  }
0x5: {  	_ = 	snop  }
0x6: {  	_ = 	snop  }
0x7: {  	_ = 	snop  }
__scs_overlays_trampoline_lowered:
0x8: {  	[smem:$0x3FAC] =	sst s0  }
0x9: {  	[smem:$0x3FAD] =	sst s1  }
0xa: {  	[smem:$0x3FAE] =	sst s2  }
0xb: {  	[smem:$0x3FAF] =	sst s3  }
0xc: {  	[smem:$0x3FB0] =	sst s4  }
0xd: {  	[smem:$0x3FB1] =	sst s5  }
0xe: {  	[smem:$0x3FB2] =	sst s6  }
0xf: {  	[smem:$0x3FB3] =	sst s7  }
0x10: {  	[smem:$0x3FB4] =	sst s8  }
0x11: {  	[smem:$0x3FB5] =	sst s9;
	s0 =	simm.s32 @!p0 $0x0  }
0x12: {  	s1 =	sld [smem:$0x3F9B];
	s0 =	simm.s32 @p0 $0x1  }
0x13: {  	[smem:$0x3FB6] =	sst s0;
	s0 =	simm.s32 @!p1 $0x0  }
0x14: {  	s2 =	sld [smem:$0x3F9A];
	s0 =	simm.s32 @p1 $0x1  }
0x15: {  	[smem:$0x3FB7] =	sst s0;
	s0 =	simm.s32 @!p2 $0x0  }
0x16: {  	s3 =	sld [smem:$0x3FDB];
	s0 =	simm.s32 @p2 $0x1  }
0x17: {  	s4 =	simm.s32 $0x1BF5;
	[smem:$0x3FB9] =	sst s0  }
0x18: {  	s0 =	sld [smem:$0x3F9C];
	_ =	swait.ge [sflag:s4], $0x0  }
0x19: {  	s7 =	sld [smem:$0x3F9D]  }
0x1a: {  	s8 =	sadd.s32 $0xFFFFE003, lr  }
0x1b: {  	s9 =	sadd.s32 $0xFFFFFEF7, lr;
	s5 =	simm.s32 $0xFFFFFFFF;
	p2 =	slt.u32 s8, $0xFFFFF086  }
0x1c: {  	p1 =	slt.u32 s9, $0xF7A;
	s5 =	simm.s32 @!p2 $0x0  }
0x1d: {  	s5 =	simm.s32 @p1 $0x1;
	p0 =	seq.s32 s7, s2  }
0x1e: {  	s7 =	smul.u32 @!p0 $0xF7A, s2;
	p2 =	seq.s32 @!p0 s5, $0x0  }
0x1f: {  	s9 =	smul.u32 $0xF7A, s1;
	s8 =	simm.s32 @!p0 $0x1BF5;
	p2 =	por !p2, p0  }
0x20: {  	[sflag:s8] =	ssyncset.s32 @!p0 $0xFFFFF086;
	s6 =	sadd.s32 @!p0 s3, s7;
	s7 =	simm.s32 @!p0 $0x108  }
0x21: {  	s3 =	sadd.s32 s3, s9;
	s6 =	sadd.s32 @!p0 $0x88, s6;
	s7 =	simm.s32 @p2 $0x1082  }
0x22: {  	[simem:s7], [sflag:s8] =	dma.local @!p0 [hbm:s6], $0xF7A  }
0x23: {  	s9 =	sor.u32 $0xD0000000, s2;
	s6 =	simm.s32 $0x108;
	_ =	swait.ge @!p0 [sflag:s8], $0x0  }
0x24: {  	s3 =	sadd.s32 $0x88, s3;
	s6 =	simm.s32 @!p1 $0x1082;
	[sflag:s4] =	ssyncset.s32 $0xFFFFF086  }
0x25: {  	[simem:s6], [sflag:s4] =	dma.local [hbm:s3], $0xF7A  }
0x26: {  	[smem:$0x3F9D] =	sst s1;
	(tag) =	ssettag s2;
	_ =	strace s9  }
0x27: {  	s1 =	sld [smem:$0x3FAD]  }
0x28: {  	s2 =	sld [smem:$0x3FAE]  }
0x29: {  	s4 =	sld [smem:$0x3FB0]  }
0x2a: {  	p0 =	seq.s32 s5, $0x0;
	s5 =	sld [smem:$0x3FB1]  }
0x2b: {  	s6 =	sld [smem:$0x3FB2]  }
0x2c: {  	s7 =	sld [smem:$0x3FB3]  }
0x2d: {  	s3 =	simm.s32 $0x108;
	s8 =	sld [smem:$0x3FB4]  }
0x2e: {  	s3 =	simm.s32 @!p0 $0x1082;
	s9 =	sld [smem:$0x3FB5]  }
0x2f: {  	lr =	sadd.s32 s0, s3;
	s0 =	sld [smem:$0x3FAC]  }
0x30: {  	s3 =	sld [smem:$0x3FAF]  }
0x31: {  	[smem:$0x3FB8] =	sst s10  }
0x32: {  	s10 =	sld [smem:$0x3FB6];
	_ =	sdelay $0x3  }
0x33: {  	p0 =	seq.s32 s10, $0x1;
	s10 =	sld [smem:$0x3FB8];
	_ =	sdelay $0x3  }
0x34: {  	[smem:$0x3FB8] =	sst s10  }
0x35: {  	s10 =	sld [smem:$0x3FB7];
	_ =	sdelay $0x3  }
0x36: {  	p1 =	seq.s32 s10, $0x1;
	s10 =	sld [smem:$0x3FB8];
	_ =	sdelay $0x3  }
0x37: {  	[smem:$0x3FB8] =	sst s10  }
0x38: {  	s10 =	sld [smem:$0x3FB9]  }
0x39: {  	_ = 	snop;
	(pc) =	sbr.ind lr, $3  }
0x3a: {  	_ = 	snop  }
0x3b: {  	_ = 	snop  }
0x3c: {  	p2 =	seq.s32 s10, $0x1;
	s10 =	sld [smem:$0x3FB8]  }
0x3d: {  	_ =	shalt  }
0x3e: {  	_ =	shalt  }
0x3f: {  	_ =	shalt  }
0x40: {  	_ =	shalt  }
0x41: {  	_ =	shalt  }
0x42: {  	_ =	shalt  }
0x43: {  	_ =	shalt  }
0x44: {  	_ =	shalt  }
0x45: {  	_ =	shalt  }
0x46: {  	_ =	shalt  }
0x47: {  	_ =	shalt  }
0x48: {  	_ =	shalt  }
0x49: {  	_ =	shalt  }
0x4a: {  	_ =	shalt  }
0x4b: {  	_ =	shalt  }
0x4c: {  	_ =	shalt  }
0x4d: {  	_ =	shalt  }
0x4e: {  	_ =	shalt  }
0x4f: {  	_ =	shalt  }
0x50: {  	_ =	shalt  }
0x51: {  	_ =	shalt  }
0x52: {  	_ =	shalt  }
0x53: {  	_ =	shalt  }
0x54: {  	_ =	shalt  }
0x55: {  	_ =	shalt  }
0x56: {  	_ =	shalt  }
0x57: {  	_ =	shalt  }
0x58: {  	_ =	shalt  }
0x59: {  	_ =	shalt  }
0x5a: {  	_ =	shalt  }
0x5b: {  	_ =	shalt  }
0x5c: {  	_ =	shalt  }
0x5d: {  	_ =	shalt  }
0x5e: {  	_ =	shalt  }
0x5f: {  	_ =	shalt  }
0x60: {  	_ =	shalt  }
0x61: {  	_ =	shalt  }
0x62: {  	_ =	shalt  }
0x63: {  	_ =	shalt  }
0x64: {  	_ =	shalt  }
0x65: {  	_ =	shalt  }
0x66: {  	_ =	shalt  }
0x67: {  	_ =	shalt  }
0x68: {  	_ =	shalt  }
0x69: {  	_ =	shalt  }
0x6a: {  	_ =	shalt  }
0x6b: {  	_ =	shalt  }
0x6c: {  	_ =	shalt  }
0x6d: {  	_ =	shalt  }
0x6e: {  	_ =	shalt  }
0x6f: {  	_ =	shalt  }
0x70: {  	_ =	shalt  }
0x71: {  	_ =	shalt  }
0x72: {  	_ =	shalt  }
0x73: {  	_ =	shalt  }
0x74: {  	_ =	shalt  }
0x75: {  	_ =	shalt  }
0x76: {  	_ =	shalt  }
0x77: {  	_ =	shalt  }
0x78: {  	_ =	shalt  }
0x79: {  	_ =	shalt  }
0x7a: {  	_ =	shalt  }
0x7b: {  	_ =	shalt  }
0x7c: {  	_ =	shalt  }
0x7d: {  	_ =	shalt  }
0x7e: {  	_ =	shalt  }
0x7f: {  	_ =	shalt  }
0x80: {  	_ =	shalt  }
0x81: {  	_ =	shalt  }
0x82: {  	_ =	shalt  }
0x83: {  	_ =	shalt  }
0x84: {  	_ =	shalt  }
0x85: {  	_ =	shalt  }
0x86: {  	_ =	shalt  }
0x87: {  	_ =	shalt  }
.Lfunc_end0:
.L_simem_size_0:
called_computation.1_lowered:
.L_overlay_start_0:
0x88: {  	s2 =	sld [smem:$0x3FD9]  }
0x89: {  	s3 =	sld [smem:$0x3FFE];
	_ =	sdelay $0x1  }
0x8a: {  	s1 =	srdreg.scid  }
0x8b: {  	s0 =	sand.u32 $0x1, s1  }
0x8c: {  	s16 =	sshll.u32 s0, $0xA;
	s2 =	sadd.s32 s3, s2  }
0x8d: {  	s2 =	sadd.s32 s2, s16  }
0x8e: {  	[smem:$0x3FC4] =	sst s2  }
0x8f: {  	_ = 	snop  }
0x90: {  	(tm) =	ssettm $0x1  }
0x91: {  	s17 =	sld [smem:$0x3FFB];
	_ =	sdelay $0x3  }
0x92: {  	_ =	strace s17  }
0x93: {  	s2 =	sld [smem:$0x3FFC];
	_ =	sdelay $0x3  }
0x94: {  	_ =	strace s2  }
0x95: {  	s2 =	sld [smem:$0x3FFD];
	_ =	sdelay $0x3  }
0x96: {  	_ =	strace s2  }
0x97: {  	_ =	strace $0x8FFFFFFF  }
0x98: {  	s18 =	sld [smem:$0x3FDB];
	_ =	sdelay $0x1  }
0x99: {  	s19 =	simm.s32 $_scs_section_size  }
0x9a: {  	s4 =	simm.s32 $_size__tile_overlayer_lowered;
	s5 =	simm.s32 $_tile_overlayer_lowered  }
0x9b: {  	s22 =	simm.s32 $0x1BFF;
	s21 =	sshll.u32 s5, $0x1;
	s2 =	sadd.s32 s19, s18  }
0x9c: {  	s6 =	simm.s32 $0x0;
	s20 =	sshll.u32 s4, $0x1;
	s4 =	sadd.s32 s21, s2  }
0x9d: {  	[timem:s6], [sflag:s22] =	dma.local [hbm:s4], s20  }
0x9e: {  	_ =	swait.ge [sflag:s22], s20  }
0x9f: {  	s3 =	ssub.s32 $0x0, s20;
	[sflag:s22] =	ssyncset.done $0x0  }
0xa0: {  	[sflag:s22] =	ssyncadd.s32 s3;
	_ =	sdelay $0x1  }
0xa1: {  	s23 =	simm.s32 $0x1B8B  }
0xa2: {  	_ =	swait.ge [sflag:s23], $0x1  }
0xa3: {  	[sflag:s23] =	ssyncset.done $0x0  }
0xa4: {  	s25 =	simm.s32 $0x1B8E;
	s24 =	sld [smem:$0x3FFE];
	[sflag:s23] =	ssyncadd.s32 $0xFFFFFFFF  }
0xa5: {  	s26 =	simm.s32 $execute0_lowered;
	[smem:$0x3FD2] =	sst s25  }
0xa6: {  	s4 =	sshll.u32 s26, $0x1;
	_ =	strace $0x80000049;
	[dreg:$0x1] =	wrdreg $0xFFFFFFFF  }
0xa7: {  	s28 =	simm.s32 $_size_execute0_lowered;
	s2 =	sadd.s32 s2, s4;
	[dreg:$0x0] =	wrdreg $0x0  }
0xa8: {  	s4 =	sshll.u32 s28, $0x1;
	[dreg:$0x2] =	wrdreg s2  }
0xa9: {  	[dreg:$0x3] =	wrdreg s4  }
0xaa: {  	[dreg:$0x4] =	wrdreg $0xC0  }
0xab: {  	_ =	task [dreg:s6], $0x5FFFF  }
0xac: {  	[dreg:$0x1] =	wrdreg $0xFFFFFFFF  }
0xad: {  	[dreg:$0x0] =	wrdreg $0x60  }
0xae: {  	[dreg:$0x2] =	wrdreg s24  }
0xaf: {  	[dreg:$0x3] =	wrdreg $0x9  }
0xb0: {  	_ =	task.clear_ibuf [dreg:s6], $0x4FFFF;
	_ =	strace $0x90000049  }
0xb1: {  	s29 =	simm.s32 $0x9;
	_ =	strace $0x8000004B  }
0xb2: {  	_ =	swait.ge [sflag:s29], $0x1  }
0xb3: {  	[sflag:s29] =	ssyncadd.s32 $0xFFFFFFFF  }
0xb4: {  	_ =	strace $0x9000004B  }
0xb5: {  	_ =	sfence  }
0xb6: {  	s30 =	sld [smem:$0x0];
	_ =	sdelay $0x2  }
0xb7: {  	s31 =	sshll.u32 s1, $0xD;
	s1 =	sshrl.u32 s1, $0x2  }
0xb8: {  	s3 =	sand.u32 $0x4000, s31;
	s1 =	sadd.s32 s1, s30  }
0xb9: {  	s0 =	sor.u32 s3, s0;
	s1 =	sshll.u32 s1, $0x11  }
0xba: {  	s0 =	sor.u32 s1, s0  }
0xbb: {  	s0 =	sadd.s32 $0x8F2B, s0  }
0xbc: {  	[sflag:s0] =	ssyncadd.remote.s32 $0x1  }
0xbd: {  	_ =	sfence.sel $0xFFFF  }
0xbe: {  	[dreg:$0x0] =	wrdreg $0xFFFFFFFF;
	(pc) =	sbr.abs _section_cstart, $3  }
0xbf: {  	[dreg:$0x1] =	wrdreg $0xFFFFFFFF  }
0xc0: {  	_ =	task.clear_ibuf [dreg:s6], $0x2FFFF;
	_ =	strace $0x9FFFFFFF  }
0xc1: {  	(tm) =	ssettm $0x7FFFFFFF  }
tec
execute0_lowered:
.L_overlay_start_1:
0x0: {  	(tag) =	ssettag $0x1  }
0x1: {  	s1 =	srdreg.scid  }
0x2: {  	s0 =	stileid.u32;
	s4 =	rddreg [dreg:$0x0];
	s2 =	simm.s32 $0x0  }
0x3: {  	s10 =	simm.s32 $0x1000;
	s11 =	simm.s32 $0x3080;
	s12 =	simm.s32 $0x1  }
0x4: {  	s13 =	simm.s32 $0x5080;
	s14 =	simm.s32 $0x1080;
	s15 =	simm.s32 $0x0  }
0x5: {  	s5 =	sand.u32 $0x1, s1;
	s3 =	sshll.u32 s0, $0x1;
	s1 =	rddreg [dreg:$0x1]  }
0x6: {  	[smem:$0x7FF] =	sst s2;
	s8 =	sshll.u32 s0, $0x11;
	s6 =	sor.u32 s5, s3  }
0x7: {  	_ =	strace $0x8000004A;
	s9 =	ssub.s32 $0x2, s5;
	s8 =	sadd.s32 s8, s4  }
0x8: {  	s31 =	sshll.u32 s5, $0x10;
	s3 =	sshll.u32 s6, $0x9;
	s6 =	sshll.u32 s6, $0xA  }
0x9: {  	s30 =	sshrl.u32 s9, $0x1;
	s7 =	sadd.s32 s3, s4;
	s3 =	sadd.s32 $0x189A00, s4  }
0xa: {  	s6 =	sadd.s32 s6, s4;
	s9 =	ssub.s32 s9, s30;
	s4 =	sadd.s32 $0x1000, s7  }
0xb: {  	s5 =	sadd.s32 $0x5000, s6;
	s6 =	smax.u32 s9, $0x1;
	s7 =	sadd.s32 s31, s8  }
0xc: {  	s8 =	simm.s32 $0x2;
	s9 =	simm.s32 $0x80;
	s7 =	sadd.s32 $0x24D000, s7  }
.LBB2_1:
0xd: {  	[tilespmem:s2], [sflag:$0x2] =	stream.linear.gather [hbm4b:s4+s2], $0x1000, $0x38;
	[tilespmem:$0x7080] =	vst v63  }
0xe: {  	_ =	swait.ge [sflag:s8], $0x1000  }
0xf: {  	[sflag:s8] =	ssyncset.done $0x0  }
0x10: {  	s16 =	simm.s32 $0x0;
	[sflag:s8] =	ssyncadd.s32 $0xFFFFF000  }
0x11: {  	v0 =	vld [tilespmem:s16+$0x0];
	_ =	sdelay $0x4  }
0x12: {  	v1 =	vshll.u32 v0, $0x4  }
0x13: {  	v0 =	vand.u32 $0x7F, v0;
	v1 =	vand.u32 $0xFFFFF800, v1  }
0x14: {  	v0 =	vor.u32 v0, v1  }
0x15: {  	s31 =	simm.s32 $0x1100;
	vm0 =	vlt.s32 v0, $0x1869F  }
0x16: {  	[tilespmem:s31+$0xFFFFFF80] =	vst v0;
	v2 =	vor.u32 $0x80, v0;
	v1 =	vnsel vm0, $0x1869F, v0  }
0x17: {  	vm13 =	vlt.s32 v2, $0x1869F;
	[tilespmem:$0x1000] =	vst v1  }
0x18: {  	v39 =	vor.u32 $0x100, v0;
	v38 =	vnsel vm13, $0x1869F, v2;
	[tilespmem:s31+$0xFFFFFF90] =	vst v2  }
0x19: {  	vm14 =	vlt.s32 v39, $0x1869F;
	[tilespmem:$0x1010] =	vst v38  }
0x1a: {  	v41 =	vor.u32 $0x180, v0;
	v40 =	vnsel vm14, $0x1869F, v39;
	[tilespmem:s31+$0xFFFFFFA0] =	vst v39  }
0x1b: {  	vm15 =	vlt.s32 v41, $0x1869F;
	[tilespmem:$0x1020] =	vst v40  }
0x1c: {  	v43 =	vor.u32 $0x200, v0;
	v42 =	vnsel vm15, $0x1869F, v41;
	[tilespmem:s31+$0xFFFFFFB0] =	vst v41  }
0x1d: {  	vm4 =	vlt.s32 v43, $0x1869F;
	[tilespmem:$0x1030] =	vst v42  }
0x1e: {  	v45 =	vor.u32 $0x280, v0;
	v44 =	vnsel vm4, $0x1869F, v43;
	[tilespmem:s31+$0xFFFFFFC0] =	vst v43  }
0x1f: {  	vm5 =	vlt.s32 v45, $0x1869F;
	[tilespmem:$0x1040] =	vst v44  }
0x20: {  	v47 =	vor.u32 $0x300, v0;
	v46 =	vnsel vm5, $0x1869F, v45;
	[tilespmem:s31+$0xFFFFFFD0] =	vst v45  }
0x21: {  	vm6 =	vlt.s32 v47, $0x1869F;
	[tilespmem:$0x1050] =	vst v46  }
0x22: {  	v49 =	vor.u32 $0x380, v0;
	v48 =	vnsel vm6, $0x1869F, v47;
	[tilespmem:s31+$0xFFFFFFE0] =	vst v47  }
0x23: {  	vm7 =	vlt.s32 v49, $0x1869F;
	[tilespmem:$0x1060] =	vst v48  }
0x24: {  	v50 =	vnsel vm7, $0x1869F, v49;
	[tilespmem:s31+$0xFFFFFFF0] =	vst v49  }
0x25: {  	[tilespmem:$0x1070] =	vst v50  }
0x26: {  	[tilespmem:s11], [sflag:$0x1] =	stream.indirect.gather [hbm4b:s3+s9], $0x40, s10, s9, $0xb8;
	[tilespmem:$0x7080] =	vst v63  }
0x27: {  	_ =	swait.ge [sflag:s12], $0x2000  }
0x28: {  	v51 =	vor.u32 $0x400, v0;
	[sflag:s12] =	ssyncset.done $0x0  }
0x29: {  	vm8 =	vlt.s32 v51, $0x1869F;
	[sflag:s12] =	ssyncadd.s32 $0xFFFFE000  }
0x2a: {  	v52 =	vor.u32 $0x480, v0;
	v1 =	vnsel vm8, $0x1869F, v51;
	[tilespmem:s31+$0x0] =	vst v51  }
0x2b: {  	vm9 =	vlt.s32 v52, $0x1869F;
	[tilespmem:$0x1000] =	vst v1  }
0x2c: {  	v54 =	vor.u32 $0x500, v0;
	v53 =	vnsel vm9, $0x1869F, v52;
	[tilespmem:s31+$0x10] =	vst v52  }
0x2d: {  	vm10 =	vlt.s32 v54, $0x1869F;
	[tilespmem:$0x1010] =	vst v53  }
0x2e: {  	v56 =	vor.u32 $0x580, v0;
	v55 =	vnsel vm10, $0x1869F, v54;
	[tilespmem:s31+$0x20] =	vst v54  }
0x2f: {  	vm11 =	vlt.s32 v56, $0x1869F;
	[tilespmem:$0x1020] =	vst v55  }
0x30: {  	v58 =	vor.u32 $0x600, v0;
	v57 =	vnsel vm11, $0x1869F, v56;
	[tilespmem:s31+$0x30] =	vst v56  }
0x31: {  	vm12 =	vlt.s32 v58, $0x1869F;
	[tilespmem:$0x1030] =	vst v57  }
0x32: {  	v60 =	vor.u32 $0x680, v0;
	v59 =	vnsel vm12, $0x1869F, v58;
	[tilespmem:s31+$0x40] =	vst v58  }
0x33: {  	vm13 =	vlt.s32 v60, $0x1869F;
	[tilespmem:$0x1040] =	vst v59  }
0x34: {  	v62 =	vor.u32 $0x700, v0;
	v61 =	vnsel vm13, $0x1869F, v60;
	[tilespmem:s31+$0x50] =	vst v60  }
0x35: {  	vm14 =	vlt.s32 v62, $0x1869F;
	[tilespmem:$0x1050] =	vst v61  }
0x36: {  	v0 =	vor.u32 $0x780, v0;
	v63 =	vnsel vm14, $0x1869F, v62;
	[tilespmem:s31+$0x60] =	vst v62  }
0x37: {  	vm15 =	vlt.s32 v0, $0x1869F;
	[tilespmem:$0x1060] =	vst v63  }
0x38: {  	[tilespmem:s31+$0x70] =	vst v0;
	v0 =	vnsel vm15, $0x1869F, v0  }
0x39: {  	[tilespmem:$0x1070] =	vst v0  }
0x3a: {  	[tilespmem:s13], [sflag:$0x1] =	stream.indirect.gather [hbm4b:s3+s9], $0x40, s10, s9, $0xb8;
	[tilespmem:$0x7080] =	vst v63  }
0x3b: {  	_ =	swait.ge [sflag:s12], $0x2000  }
0x3c: {  	[sflag:s12] =	ssyncset.done $0x0  }
0x3d: {  	[sflag:s12] =	ssyncadd.s32 $0xFFFFE000  }
0x3e: {  	[hbm4b:s7+s2] =	stream.linear.scatter [tilespmem:s11], [sflag:$0x2], $0x4000, $0x38;
	[tilespmem:$0x7080] =	vst v63  }
0x3f: {  	s18 =	simm.s32 $0x200;
	s20 =	simm.s32 $0x400;
	_ =	swait.ge [sflag:s8], $0x4000  }
0x40: {  	s17 =	simm.s32 $0x1200;
	s16 =	sadd.s32 $0x800, s7;
	[sflag:s8] =	ssyncset.done $0x0  }
.LBB2_2:
0x41: {  	s21 =	sshra.s32 s18, $0x2  }
0x42: {  	[sflag:s8] =	ssyncadd.s32 $0xFFFFC000;
	s18 =	smov.u32 s20;
	s19 =	sadd.s32 $0x200, s20  }
0x43: {  	p0 =	sne.s32 s20, $0x3E00;
	v0 =	vld [tilespmem:s21+$0x0];
	_ =	sdelay $0x4  }
0x44: {  	v1 =	vshll.u32 v0, $0x4  }
0x45: {  	v0 =	vand.u32 $0x7F, v0;
	v1 =	vand.u32 $0xFFFFF800, v1  }
0x46: {  	v0 =	vor.u32 v0, v1  }
0x47: {  	vm0 =	vlt.s32 v0, $0x1869F  }
0x48: {  	v2 =	vor.u32 $0x80, v0;
	[tilespmem:s17+$0xFFFFFF80] =	vst v0;
	v1 =	vnsel vm0, $0x1869F, v0  }
0x49: {  	vm0 =	vlt.s32 v2, $0x1869F;
	[tilespmem:$0x1000] =	vst v1  }
0x4a: {  	v1 =	vnsel vm0, $0x1869F, v2;
	[tilespmem:s17+$0xFFFFFF90] =	vst v2;
	v2 =	vor.u32 $0x100, v0  }
0x4b: {  	[tilespmem:$0x1010] =	vst v1;
	vm0 =	vlt.s32 v2, $0x1869F  }
0x4c: {  	[tilespmem:s17+$0xFFFFFFA0] =	vst v2;
	v1 =	vnsel vm0, $0x1869F, v2;
	v2 =	vor.u32 $0x180, v0  }
0x4d: {  	[tilespmem:$0x1020] =	vst v1;
	vm0 =	vlt.s32 v2, $0x1869F  }
0x4e: {  	[tilespmem:s17+$0xFFFFFFB0] =	vst v2;
	v1 =	vnsel vm0, $0x1869F, v2;
	v2 =	vor.u32 $0x200, v0  }
0x4f: {  	[tilespmem:$0x1030] =	vst v1;
	vm0 =	vlt.s32 v2, $0x1869F  }
0x50: {  	[tilespmem:s17+$0xFFFFFFC0] =	vst v2;
	v1 =	vnsel vm0, $0x1869F, v2;
	v2 =	vor.u32 $0x280, v0  }
0x51: {  	[tilespmem:$0x1040] =	vst v1;
	vm0 =	vlt.s32 v2, $0x1869F  }
0x52: {  	[tilespmem:s17+$0xFFFFFFD0] =	vst v2;
	v1 =	vnsel vm0, $0x1869F, v2;
	v2 =	vor.u32 $0x300, v0  }
0x53: {  	[tilespmem:$0x1050] =	vst v1;
	vm0 =	vlt.s32 v2, $0x1869F  }
0x54: {  	[tilespmem:s17+$0xFFFFFFE0] =	vst v2;
	v1 =	vnsel vm0, $0x1869F, v2;
	v2 =	vor.u32 $0x380, v0  }
0x55: {  	[tilespmem:$0x1060] =	vst v1;
	vm0 =	vlt.s32 v2, $0x1869F  }
0x56: {  	[tilespmem:s17+$0xFFFFFFF0] =	vst v2;
	v1 =	vnsel vm0, $0x1869F, v2  }
0x57: {  	[tilespmem:$0x1070] =	vst v1  }
0x58: {  	[tilespmem:s11], [sflag:$0x1] =	stream.indirect.gather [hbm4b:s3+s9], $0x40, s10, s9, $0xb8;
	[tilespmem:$0x7080] =	vst v63  }
0x59: {  	_ =	swait.ge [sflag:s12], $0x2000  }
0x5a: {  	v1 =	vor.u32 $0x400, v0;
	[sflag:s12] =	ssyncset.done $0x0  }
0x5b: {  	vm0 =	vlt.s32 v1, $0x1869F;
	[sflag:s12] =	ssyncadd.s32 $0xFFFFE000  }
0x5c: {  	v2 =	vor.u32 $0x480, v0;
	[tilespmem:s17+$0x0] =	vst v1;
	v1 =	vnsel vm0, $0x1869F, v1  }
0x5d: {  	vm0 =	vlt.s32 v2, $0x1869F;
	[tilespmem:$0x1000] =	vst v1  }
0x5e: {  	v1 =	vnsel vm0, $0x1869F, v2;
	[tilespmem:s17+$0x10] =	vst v2;
	v2 =	vor.u32 $0x500, v0  }
0x5f: {  	[tilespmem:$0x1010] =	vst v1;
	vm0 =	vlt.s32 v2, $0x1869F  }
0x60: {  	[tilespmem:s17+$0x20] =	vst v2;
	v1 =	vnsel vm0, $0x1869F, v2;
	v2 =	vor.u32 $0x580, v0  }
0x61: {  	[tilespmem:$0x1020] =	vst v1;
	vm0 =	vlt.s32 v2, $0x1869F  }
0x62: {  	[tilespmem:s17+$0x30] =	vst v2;
	v1 =	vnsel vm0, $0x1869F, v2;
	v2 =	vor.u32 $0x600, v0  }
0x63: {  	[tilespmem:$0x1030] =	vst v1;
	vm0 =	vlt.s32 v2, $0x1869F  }
0x64: {  	[tilespmem:s17+$0x40] =	vst v2;
	v1 =	vnsel vm0, $0x1869F, v2;
	v2 =	vor.u32 $0x680, v0  }
0x65: {  	[tilespmem:$0x1040] =	vst v1;
	vm0 =	vlt.s32 v2, $0x1869F  }
0x66: {  	[tilespmem:s17+$0x50] =	vst v2;
	v1 =	vnsel vm0, $0x1869F, v2;
	v2 =	vor.u32 $0x700, v0  }
0x67: {  	[tilespmem:$0x1050] =	vst v1;
	vm0 =	vlt.s32 v2, $0x1869F  }
0x68: {  	v0 =	vor.u32 $0x780, v0;
	[tilespmem:s17+$0x60] =	vst v2;
	v1 =	vnsel vm0, $0x1869F, v2  }
0x69: {  	vm0 =	vlt.s32 v0, $0x1869F;
	[tilespmem:$0x1060] =	vst v1  }
0x6a: {  	[tilespmem:s17+$0x70] =	vst v0;
	v0 =	vnsel vm0, $0x1869F, v0  }
0x6b: {  	[tilespmem:$0x1070] =	vst v0  }
0x6c: {  	[tilespmem:s13], [sflag:$0x1] =	stream.indirect.gather [hbm4b:s3+s9], $0x40, s10, s9, $0xb8;
	[tilespmem:$0x7080] =	vst v63  }
0x6d: {  	_ =	swait.ge [sflag:s12], $0x2000  }
.Ltmp0:
0x6e: {  	[sflag:s12] =	ssyncset.done $0x0;
	(pc) =	sbr.rel @p0 .LBB2_2-.Ltmp0, $4  }
0x6f: {  	[sflag:s12] =	ssyncadd.s32 $0xFFFFE000  }
0x70: {  	[hbm4b:s16+s2] =	stream.linear.scatter [tilespmem:s11], [sflag:$0x2], $0x4000, $0x38;
	[tilespmem:$0x7080] =	vst v63  }
0x71: {  	s20 =	smov.u32 s19;
	_ =	swait.ge [sflag:s8], $0x4000  }
0x72: {  	s17 =	sadd.s32 $0x100, s17;
	s16 =	sadd.s32 $0x800, s16;
	[sflag:s8] =	ssyncset.done $0x0  }
0x73: {  	s18 =	sshra.s32 s18, $0x2;
	[sflag:s8] =	ssyncadd.s32 $0xFFFFC000  }
0x74: {  	v0 =	vld [tilespmem:s18+$0x0];
	_ =	sdelay $0x4  }
0x75: {  	v1 =	vshll.u32 v0, $0x4  }
0x76: {  	v0 =	vand.u32 $0x7F, v0;
	v1 =	vand.u32 $0xFFFFF800, v1  }
0x77: {  	v0 =	vor.u32 v0, v1  }
0x78: {  	vm0 =	vlt.s32 v0, $0x1869F  }
0x79: {  	[tilespmem:s17+$0xFFFFFF80] =	vst v0;
	v2 =	vor.u32 $0x80, v0;
	v1 =	vnsel vm0, $0x1869F, v0  }
0x7a: {  	vm13 =	vlt.s32 v2, $0x1869F;
	[tilespmem:$0x1000] =	vst v1  }
0x7b: {  	v39 =	vor.u32 $0x100, v0;
	v38 =	vnsel vm13, $0x1869F, v2;
	[tilespmem:s17+$0xFFFFFF90] =	vst v2  }
0x7c: {  	vm14 =	vlt.s32 v39, $0x1869F;
	[tilespmem:$0x1010] =	vst v38  }
0x7d: {  	v41 =	vor.u32 $0x180, v0;
	v40 =	vnsel vm14, $0x1869F, v39;
	[tilespmem:s17+$0xFFFFFFA0] =	vst v39  }
0x7e: {  	vm15 =	vlt.s32 v41, $0x1869F;
	[tilespmem:$0x1020] =	vst v40  }
0x7f: {  	v43 =	vor.u32 $0x200, v0;
	v42 =	vnsel vm15, $0x1869F, v41;
	[tilespmem:s17+$0xFFFFFFB0] =	vst v41  }
0x80: {  	vm4 =	vlt.s32 v43, $0x1869F;
	[tilespmem:$0x1030] =	vst v42  }
0x81: {  	v45 =	vor.u32 $0x280, v0;
	v44 =	vnsel vm4, $0x1869F, v43;
	[tilespmem:s17+$0xFFFFFFC0] =	vst v43  }
0x82: {  	vm5 =	vlt.s32 v45, $0x1869F;
	[tilespmem:$0x1040] =	vst v44  }
0x83: {  	v47 =	vor.u32 $0x300, v0;
	v46 =	vnsel vm5, $0x1869F, v45;
	[tilespmem:s17+$0xFFFFFFD0] =	vst v45  }
0x84: {  	vm6 =	vlt.s32 v47, $0x1869F;
	[tilespmem:$0x1050] =	vst v46  }
0x85: {  	v49 =	vor.u32 $0x380, v0;
	v48 =	vnsel vm6, $0x1869F, v47;
	[tilespmem:s17+$0xFFFFFFE0] =	vst v47  }
0x86: {  	vm7 =	vlt.s32 v49, $0x1869F;
	[tilespmem:$0x1060] =	vst v48  }
0x87: {  	v50 =	vnsel vm7, $0x1869F, v49;
	[tilespmem:s17+$0xFFFFFFF0] =	vst v49  }
0x88: {  	[tilespmem:$0x1070] =	vst v50  }
0x89: {  	[tilespmem:s11], [sflag:$0x1] =	stream.indirect.gather [hbm4b:s3+s9], $0x40, s10, s9, $0xb8;
	[tilespmem:$0x7080] =	vst v63  }
0x8a: {  	_ =	swait.ge [sflag:s12], $0x2000  }
0x8b: {  	v51 =	vor.u32 $0x400, v0;
	[sflag:s12] =	ssyncset.done $0x0  }
0x8c: {  	vm8 =	vlt.s32 v51, $0x1869F;
	[sflag:s12] =	ssyncadd.s32 $0xFFFFE000  }
0x8d: {  	v52 =	vor.u32 $0x480, v0;
	v1 =	vnsel vm8, $0x1869F, v51;
	[tilespmem:s17+$0x0] =	vst v51  }
0x8e: {  	vm9 =	vlt.s32 v52, $0x1869F;
	[tilespmem:$0x1000] =	vst v1  }
0x8f: {  	v54 =	vor.u32 $0x500, v0;
	v53 =	vnsel vm9, $0x1869F, v52;
	[tilespmem:s17+$0x10] =	vst v52  }
0x90: {  	vm10 =	vlt.s32 v54, $0x1869F;
	[tilespmem:$0x1010] =	vst v53  }
0x91: {  	v56 =	vor.u32 $0x580, v0;
	v55 =	vnsel vm10, $0x1869F, v54;
	[tilespmem:s17+$0x20] =	vst v54  }
0x92: {  	vm11 =	vlt.s32 v56, $0x1869F;
	[tilespmem:$0x1020] =	vst v55  }
0x93: {  	v58 =	vor.u32 $0x600, v0;
	v57 =	vnsel vm11, $0x1869F, v56;
	[tilespmem:s17+$0x30] =	vst v56  }
0x94: {  	vm12 =	vlt.s32 v58, $0x1869F;
	[tilespmem:$0x1030] =	vst v57  }
0x95: {  	v60 =	vor.u32 $0x680, v0;
	v59 =	vnsel vm12, $0x1869F, v58;
	[tilespmem:s17+$0x40] =	vst v58  }
0x96: {  	vm13 =	vlt.s32 v60, $0x1869F;
	[tilespmem:$0x1040] =	vst v59  }
0x97: {  	v62 =	vor.u32 $0x700, v0;
	v61 =	vnsel vm13, $0x1869F, v60;
	[tilespmem:s17+$0x50] =	vst v60  }
0x98: {  	vm14 =	vlt.s32 v62, $0x1869F;
	[tilespmem:$0x1050] =	vst v61  }
0x99: {  	v0 =	vor.u32 $0x780, v0;
	v63 =	vnsel vm14, $0x1869F, v62;
	[tilespmem:s17+$0x60] =	vst v62  }
0x9a: {  	vm15 =	vlt.s32 v0, $0x1869F;
	[tilespmem:$0x1060] =	vst v63  }
0x9b: {  	[tilespmem:s17+$0x70] =	vst v0;
	v0 =	vnsel vm15, $0x1869F, v0  }
0x9c: {  	[tilespmem:$0x1070] =	vst v0  }
0x9d: {  	[tilespmem:s13], [sflag:$0x1] =	stream.indirect.gather [hbm4b:s3+s9], $0x40, s10, s9, $0xb8;
	[tilespmem:$0x7080] =	vst v63  }
0x9e: {  	_ =	swait.ge [sflag:s12], $0x2000  }
0x9f: {  	[sflag:s12] =	ssyncset.done $0x0  }
0xa0: {  	[sflag:s12] =	ssyncadd.s32 $0xFFFFE000  }
0xa1: {  	[hbm4b:s16+s2] =	stream.linear.scatter [tilespmem:s11], [sflag:$0x2], $0x4000, $0x38;
	[tilespmem:$0x7080] =	vst v63  }
0xa2: {  	s15 =	sadd.s32 $0x1, s15;
	_ =	swait.ge [sflag:s8], $0x4000  }
0xa3: {  	p0 =	sne.s32 s15, s6;
	[sflag:s8] =	ssyncset.done $0x0  }
.Ltmp1:
0xa4: {  	[sflag:s8] =	ssyncadd.s32 $0xFFFFC000;
	(pc) =	sbr.rel @p0 .LBB2_1-.Ltmp1, $4  }
0xa5: {  	[hbm4b:s5+s2] =	stream.linear.scatter [tilespmem:s14], [sflag:$0x2], $0x2000, $0x38;
	[tilespmem:$0x7080] =	vst v63  }
0xa6: {  	_ =	swait.ge [sflag:s8], $0x2000  }
0xa7: {  	[sflag:s8] =	ssyncset.done $0x0  }
0xa8: {  	[sflag:s8] =	ssyncadd.s32 $0xFFFFE000  }
0xa9: {  	_ =	sfence.sel $0x180000  }
0xaa: {  	[bflag:$0x0] =	sbarrier.arrive $0xFFFF  }
0xab: {  	p0 =	sne.s32 s0, $0x0;
	_ =	strace $0x9000004A  }
0xac: {  	s0 =	sadd.s32 @!p0 $0x100000, s1;
	[bflag:$0x2] =	sbarrier.arrive $0xFFFF  }
0xad: {  	[sflag:s0] =	ssyncadd.tile.s32 @!p0 $0x1;
	_ =	shalt  }
.Lfunc_end2:
_tile_overlayer_lowered:
.L_overlay_start_2:
0xae: {  	(tag) =	ssettag $0x2  }
0xaf: {  	s0 =	rddreg [dreg:$0x0];
	s2 =	stileid.u32  }
0xb0: {  	s1 =	rddreg [dreg:$0x1];
	p0 =	sne.s32 s2, $0x0  }
0xb1: {  	s3 =	rddreg [dreg:$0x2];
	[bflag:$0x3] =	sbarrier.arrive $0xFFFF;
	s2 =	simm.s32 @!p0 $0x1C02  }
0xb2: {  	[timem:s3], [sflag:s2] =	dma.local @!p0 [hbm:s0], s1  }
0xb3: {  	s0 =	simm.s32 @!p0 $0x2  }
0xb4: {  	_ =	swait.ge @!p0 [sflag:s0], s1  }
0xb5: {  	s1 =	ssub.s32 @!p0 $0x0, s1;
	[sflag:s0] =	ssyncset.done @!p0 $0x0  }
0xb6: {  	[sflag:s0] =	ssyncadd.s32 @!p0 s1  }
0xb7: {  	[bflag:$0x3] =	sbarrier.arrive $0xFFFF  }
0xb8: {  	_ =	shalt  }

</sc_bundles>
